<compile_context>
chip_gen: v7x
topology: tpu7x:2x2x1
jax: 0.10.2.dev20260603
libtpu: 0.0.44.dev20260713+nightly
codegen_flags: <defaults>
</compile_context>

<pallas_src>
import jax
import jax.numpy as jnp
from jax import lax
from jax.experimental import pallas as pl
from jax.experimental.pallas import tpu as pltpu
from jax.experimental.pallas import tpu_sc as plsc

_N_NODES = 10000
_D = 128
_DH = _D // 2
_M = 320000
_S = 5000
_NC, _NS = 2, 16
_S_PAD = 5120
_ROWS_PER_TILE = _S_PAD // _NS
_PER_T = _M // _NS
_C = 80
_NCHUNK = _PER_T // _C
_K = 5
_NGRP = _NCHUNK // _K
_L = 16


def _sc_body(tbl2, node_ids, seg_ids3, out, *scratch):
    idx_n, idx_s, cnt_loc, cvm, ivm = scratch[:5]
    rows = scratch[5:5 + 2 * _K]
    sums_sp, counts_sp = scratch[5 + 2 * _K:7 + 2 * _K]
    gsem = scratch[7 + 2 * _K:9 + 2 * _K]
    ssem = scratch[9 + 2 * _K:11 + 2 * _K]

    cid = lax.axis_index("c")
    sid = lax.axis_index("s")
    base = sid * _PER_T
    r0 = sid * _ROWS_PER_TILE
    dz = tbl2.at[pl.ds(0, _C)]

    a = pltpu.async_copy(node_ids.at[pl.ds(base, _PER_T)], idx_n, gsem[0])
    b = pltpu.async_copy(seg_ids3.at[sid], idx_s, gsem[1])
    zvec = jnp.zeros((_L,), jnp.float32)

    def zero_cnt(k, carry):
        cnt_loc[pl.ds(k * _L, _L)] = zvec
        return carry

    lax.fori_loop(0, _S_PAD // _L, zero_cnt, 0)

    def zero_row(r, carry):
        for m in range(_DH // _L):
            rows[0][r, pl.ds(m * _L, _L)] = zvec
        return carry

    lax.fori_loop(0, _C, zero_row, 0)
    a.wait()
    b.wait()

    def xform(k, carry):
        v = idx_n[pl.ds(k * _L, _L)]
        idx_n[pl.ds(k * _L, _L)] = v + v + cid
        return carry

    lax.fori_loop(0, _K * _C // _L, xform, 0)

    for j in range(_ROWS_PER_TILE // _C):
        pltpu.sync_copy(rows[0], sums_sp.at[pl.ds(r0 + j * _C, _C)])

    def issue_gather(i, buf, sem):
        pltpu.async_copy(tbl2.at[idx_n.at[pl.ds(i * _C, _C)]], buf, sem)

    for j in range(_K):
        issue_gather(j, rows[j], gsem[0])

    lax.fori_loop(_K * _C // _L, _PER_T // _L, xform, 0)
    plsc.subcore_barrier()

    ones_vec = jnp.ones((_L,), jnp.float32)

    def super_body(u, carry):
        for p in (0, 1):
            t = 2 * u + p
            bb = p * _K
            nbb = (1 - p) * _K
            for j in range(_K):
                pltpu.make_async_copy(dz, rows[bb + j], gsem[p]).wait()
            for j in range(_K):
                i = t * _K + j
                pltpu.async_copy(rows[bb + j], sums_sp.at[idx_s.at[i]],
                                 ssem[p], add=True)
                for m in range(_C // _L):
                    v = idx_s[i, pl.ds(m * _L, _L)]
                    plsc.addupdate_scatter(cnt_loc, [v], ones_vec)
            def drain_prev():
                for j in range(_K):
                    pltpu.make_async_copy(dz, rows[nbb + j],
                                          ssem[1 - p]).wait()

            def issue_next():
                for j in range(_K):
                    issue_gather((t + 1) * _K + j, rows[nbb + j],
                                 gsem[1 - p])

            if p == 1:
                drain_prev()
                pl.when(u < (_NGRP // 2) - 1)(issue_next)
            else:
                pl.when(u >= 1)(drain_prev)
                issue_next()
        return carry

    lax.fori_loop(0, _NGRP // 2, super_body, 0)

    hist_pub = pltpu.async_copy(cnt_loc, counts_sp.at[sid], gsem[0])
    for j in range(_K):
        pltpu.make_async_copy(dz, rows[_K + j], ssem[1]).wait()
    hist_pub.wait()
    plsc.subcore_barrier()

    cv = pltpu.async_copy(counts_sp.at[:, pl.ds(r0, _ROWS_PER_TILE)], cvm,
                          gsem[1])
    for j in range(_ROWS_PER_TILE // _C):
        pltpu.async_copy(sums_sp.at[pl.ds(r0 + j * _C, _C)], rows[j],
                         gsem[0])
    cv.wait()
    for g in range(_ROWS_PER_TILE // _L):
        acc = cvm[0, pl.ds(g * _L, _L)]
        for r in range(1, _NS):
            acc = acc + cvm[r, pl.ds(g * _L, _L)]
        ivm[pl.ds(g * _L, _L)] = 1.0 / jnp.maximum(acc, 1.0)

    for j in range(_ROWS_PER_TILE // _C):
        pltpu.make_async_copy(sums_sp.at[pl.ds(r0 + j * _C, _C)], rows[j],
                              gsem[0]).wait()

        def scale_row(r, carry):
            inv = plsc.load_gather(
                ivm, [jnp.full((_L,), j * _C, jnp.int32) + r])
            for m in range(_DH // _L):
                rows[j][r, pl.ds(m * _L, _L)] = (
                    rows[j][r, pl.ds(m * _L, _L)] * inv)
            return carry

        lax.fori_loop(0, _C, scale_row, 0)

    def full_writes():
        for j in range(_ROWS_PER_TILE // _C):
            pltpu.async_copy(
                rows[j],
                out.at[pl.ds(r0 + j * _C, _C), pl.ds(cid * _DH, _DH)],
                ssem[0])
        for j in range(_ROWS_PER_TILE // _C):
            pltpu.make_async_copy(
                rows[j],
                out.at[pl.ds(r0 + j * _C, _C), pl.ds(cid * _DH, _DH)],
                ssem[0]).wait()

    def last_tile_writes():
        last = _S - (_NS - 1) * _ROWS_PER_TILE
        nfull = last // _C
        rem = last - nfull * _C
        for j in range(nfull):
            pltpu.async_copy(
                rows[j],
                out.at[pl.ds(r0 + j * _C, _C), pl.ds(cid * _DH, _DH)],
                ssem[0])
        pltpu.async_copy(
            rows[nfull].at[pl.ds(0, rem)],
            out.at[pl.ds(r0 + nfull * _C, rem), pl.ds(cid * _DH, _DH)],
            ssem[0])
        for j in range(nfull):
            pltpu.make_async_copy(
                rows[j],
                out.at[pl.ds(r0 + j * _C, _C), pl.ds(cid * _DH, _DH)],
                ssem[0]).wait()
        pltpu.make_async_copy(
            rows[nfull].at[pl.ds(0, rem)],
            out.at[pl.ds(r0 + nfull * _C, rem), pl.ds(cid * _DH, _DH)],
            ssem[0]).wait()

    pl.when(sid < _NS - 1)(full_writes)
    pl.when(sid == _NS - 1)(last_tile_writes)


@jax.jit
def _impl(node_feature, batch_node_ids, batch_macro_node_ids):
    tbl2 = node_feature.reshape(_N_NODES * _NC, _DH)
    seg_ids3 = batch_macro_node_ids.reshape(_NS, _NCHUNK, _C)

    mesh = plsc.VectorSubcoreMesh(core_axis_name="c", subcore_axis_name="s")
    out = pl.kernel(
        _sc_body,
        out_type=jax.ShapeDtypeStruct((_S, _D), jnp.float32),
        mesh=mesh,
        compiler_params=pltpu.CompilerParams(
            use_tc_tiling_on_sc=False, needs_layout_passes=False),
        scratch_types=[
            pltpu.VMEM((_PER_T,), jnp.int32),
            pltpu.VMEM((_NCHUNK, _C), jnp.int32),
            pltpu.VMEM((_S_PAD,), jnp.float32),
            pltpu.VMEM((_NS, _ROWS_PER_TILE), jnp.float32),
            pltpu.VMEM((_ROWS_PER_TILE,), jnp.float32),
        ] + [pltpu.VMEM((_C, _DH), jnp.float32) for _ in range(2 * _K)] + [
            pltpu.VMEM_SHARED((_S_PAD, _DH), jnp.float32),
            pltpu.VMEM_SHARED((_NS, _S_PAD), jnp.float32),
            pltpu.SemaphoreType.DMA,
            pltpu.SemaphoreType.DMA,
            pltpu.SemaphoreType.DMA,
            pltpu.SemaphoreType.DMA,
        ],
    )(tbl2, batch_node_ids, seg_ids3)

    return out


def kernel(node_feature, batch_node_ids, batch_macro_node_ids):
    return _impl(node_feature, batch_node_ids, batch_macro_node_ids)

# --- scband reference (transcript-rebuilt; emitter-appended) ---
"""Pipeline reference for scband-subgraph-pooling-80633716015124 (READ-ONLY COPY).

The authoritative reference and input builder live on the scoring server;
editing this copy changes nothing except your own understanding.
"""

import jax, jax.numpy as jnp
import numpy as np

N_NODES = 10000
D_FEAT = 128
M = 320000
NUM_SEGMENTS = 5000


def setup_inputs(seed: int = 0) -> dict:
    key = jax.random.key(seed)
    k1, k2, k3 = jax.random.split(key, 3)
    node_feature = jax.random.normal(k1, (N_NODES, D_FEAT), dtype=jnp.float32)
    batch_node_ids = jax.random.randint(k2, (M,), 0, N_NODES, dtype=jnp.int32)
    batch_macro_node_ids = jnp.sort(jax.random.randint(k3, (M,), 0, NUM_SEGMENTS, dtype=jnp.int32))
    return {
        "node_feature": node_feature,
        "batch_node_ids": batch_node_ids,
        "batch_macro_node_ids": batch_macro_node_ids,
    }


def reference(node_feature, batch_node_ids, batch_macro_node_ids):
    # gather node features for the subgraph membership list
    gathered = jnp.take(node_feature, batch_node_ids, axis=0)
    # scatter-mean over macro node ids (torch_scatter.scatter reduce='mean')
    sums = jax.ops.segment_sum(gathered, batch_macro_node_ids, num_segments=NUM_SEGMENTS)
    counts = jax.ops.segment_sum(
        jnp.ones((gathered.shape[0],), dtype=node_feature.dtype),
        batch_macro_node_ids,
        num_segments=NUM_SEGMENTS,
    )
    subgraph_embedding = sums / jnp.clip(counts, 1.0)[:, None]
    return subgraph_embedding

if __name__ == "__main__":
    import jax
    _d = setup_inputs()
    print(jax.jit(kernel)(*tuple(_d.values())))

</pallas_src>

<mosaic_0001>
#map = affine_map<(d0, d1) -> (0, 0)>
#map1 = affine_map<(d0, d1) -> (0)>
#map2 = affine_map<(d0, d1) -> (0, 0, 0)>
module attributes {stable_mosaic.version = 14 : i64} {
  func.func @_sc_body(%arg0: i32, %arg1: i32, %arg2: memref<20000x64xf32, #tpu.memory_space<hbm>>, %arg3: memref<320000xi32, #tpu.memory_space<hbm>>, %arg4: memref<16x250x80xi32, #tpu.memory_space<hbm>>, %arg5: memref<5000x128xf32, #tpu.memory_space<hbm>>, %arg6: memref<20000xi32, #tpu.memory_space<vmem>>, %arg7: memref<250x80xi32, #tpu.memory_space<vmem>>, %arg8: memref<5120xf32, #tpu.memory_space<vmem>>, %arg9: memref<16x320xf32, #tpu.memory_space<vmem>>, %arg10: memref<320xf32, #tpu.memory_space<vmem>>, %arg11: memref<80x64xf32, #tpu.memory_space<vmem>>, %arg12: memref<80x64xf32, #tpu.memory_space<vmem>>, %arg13: memref<80x64xf32, #tpu.memory_space<vmem>>, %arg14: memref<80x64xf32, #tpu.memory_space<vmem>>, %arg15: memref<80x64xf32, #tpu.memory_space<vmem>>, %arg16: memref<80x64xf32, #tpu.memory_space<vmem>>, %arg17: memref<80x64xf32, #tpu.memory_space<vmem>>, %arg18: memref<80x64xf32, #tpu.memory_space<vmem>>, %arg19: memref<80x64xf32, #tpu.memory_space<vmem>>, %arg20: memref<80x64xf32, #tpu.memory_space<vmem>>, %arg21: memref<5120x64xf32, #tpu.memory_space<vmem_shared>>, %arg22: memref<16x5120xf32, #tpu.memory_space<vmem_shared>>, %arg23: memref<!tpu.dma_semaphore, #tpu.memory_space<semaphore_mem>>, %arg24: memref<!tpu.dma_semaphore, #tpu.memory_space<semaphore_mem>>, %arg25: memref<!tpu.dma_semaphore, #tpu.memory_space<semaphore_mem>>, %arg26: memref<!tpu.dma_semaphore, #tpu.memory_space<semaphore_mem>>) attributes {dimension_semantics = [#tpu.dimension_semantics<core_parallel>, #tpu.dimension_semantics<subcore_parallel>], iteration_bounds = array<i64: 2, 16>, scalar_prefetch = 0 : i64, scratch_operands = 21 : i64, tpu.core_type = #tpu.core_type<sc_vector_subcore>, window_params = [{transform_indices = #map}, {transform_indices = #map1}, {transform_indices = #map2}, {transform_indices = #map}]} {
    %mul3A = arith.constant 20000 : i32
    %mul3A_0 = arith.muli %arg1, %mul3A : i32
    %mul3A_1 = arith.constant 320 : i32
    %mul3A_2 = arith.muli %arg1, %mul3A_1 : i32
    %dma_start3A = tpu.memref_slice %arg3[%mul3A_0] : memref<320000xi32, #tpu.memory_space<hbm>> -> memref<20000xi32, #tpu.memory_space<hbm>>
    %dma_start3A_3 = tpu.memref_slice %arg3[%mul3A_0] : memref<320000xi32, #tpu.memory_space<hbm>> -> memref<20000xi32, #tpu.memory_space<hbm>>
    tpu.enqueue_dma source(%dma_start3A_3 : memref<20000xi32, #tpu.memory_space<hbm>>) target(%arg6 : memref<20000xi32, #tpu.memory_space<vmem>>) target_semaphore(%arg23 : memref<!tpu.dma_semaphore, #tpu.memory_space<semaphore_mem>>)
    %dma_start3A_4 = arith.constant 0 : i32
    %dma_start3A_5 = arith.constant 0 : i32
    %dma_start3A_6 = tpu.memref_slice %arg4[%arg1, %dma_start3A_4, %dma_start3A_5] : memref<16x250x80xi32, #tpu.memory_space<hbm>> -> memref<1x250x80xi32, #tpu.memory_space<hbm>>
    %dma_start3A_7 = tpu.memref_squeeze %dma_start3A_6 : memref<1x250x80xi32, #tpu.memory_space<hbm>> -> memref<250x80xi32, #tpu.memory_space<hbm>>
    %dma_start3A_8 = arith.constant 0 : i32
    %dma_start3A_9 = arith.constant 0 : i32
    %dma_start3A_10 = tpu.memref_slice %arg4[%arg1, %dma_start3A_8, %dma_start3A_9] : memref<16x250x80xi32, #tpu.memory_space<hbm>> -> memref<1x250x80xi32, #tpu.memory_space<hbm>>
    %dma_start3A_11 = tpu.memref_squeeze %dma_start3A_10 : memref<1x250x80xi32, #tpu.memory_space<hbm>> -> memref<250x80xi32, #tpu.memory_space<hbm>>
    tpu.enqueue_dma source(%dma_start3A_11 : memref<250x80xi32, #tpu.memory_space<hbm>>) target(%arg7 : memref<250x80xi32, #tpu.memory_space<vmem>>) target_semaphore(%arg24 : memref<!tpu.dma_semaphore, #tpu.memory_space<semaphore_mem>>)
    %broadcast_in_dim3A = arith.constant 0.000000e+00 : f32
    %broadcast_in_dim3A_12 = vector.broadcast %broadcast_in_dim3A : f32 to vector<16xf32>
    %scan3A = arith.constant 0 : i32
    %scan3A_13 = arith.constant 0 : i32
    %scan3A_14 = arith.constant 320 : i32
    %scan3A_15 = arith.addi %scan3A_13, %scan3A_14 : i32
    %scan3A_16 = arith.constant 1 : i32
    scf.for %scan3A_1950 = %scan3A_13 to %scan3A_15 step %scan3A_16  : i32 {
      %mul3A_1951 = arith.constant 16 : i32
      %mul3A_1952 = arith.muli %scan3A_1950, %mul3A_1951 : i32
      %swap3A_1953 = arith.index_cast %mul3A_1952 : i32 to index
      %swap3A_1954 = tpu.vector_load %arg8[%swap3A_1953] {strides = array<i32>} : memref<5120xf32, #tpu.memory_space<vmem>>, vector<16xf32>,
      tpu.vector_store %arg8[%swap3A_1953], %broadcast_in_dim3A_12 {strides = array<i32>} : memref<5120xf32, #tpu.memory_space<vmem>>, vector<16xf32>,
    }
    %scan3A_17 = arith.constant 320 : i32
    %scan3A_18 = arith.constant 0 : i32
    %scan3A_19 = arith.constant 0 : i32
    %scan3A_20 = arith.constant 80 : i32
    %scan3A_21 = arith.addi %scan3A_19, %scan3A_20 : i32
    %scan3A_22 = arith.constant 1 : i32
    scf.for %scan3A_1950 = %scan3A_19 to %scan3A_21 step %scan3A_22  : i32 {
      %swap3A_1951 = arith.index_cast %scan3A_1950 : i32 to index
      %swap3A_1952 = arith.constant 0 : index
      %swap3A_1953 = tpu.vector_load %arg11[%swap3A_1951, %swap3A_1952] {strides = array<i32>} : memref<80x64xf32, #tpu.memory_space<vmem>>, vector<16xf32>,
      tpu.vector_store %arg11[%swap3A_1951, %swap3A_1952], %broadcast_in_dim3A_12 {strides = array<i32>} : memref<80x64xf32, #tpu.memory_space<vmem>>, vector<16xf32>,
      %swap3A_1954 = arith.index_cast %scan3A_1950 : i32 to index
      %swap3A_1955 = arith.constant 16 : index
      %swap3A_1956 = tpu.vector_load %arg11[%swap3A_1954, %swap3A_1955] {strides = array<i32>} : memref<80x64xf32, #tpu.memory_space<vmem>>, vector<16xf32>,
      tpu.vector_store %arg11[%swap3A_1954, %swap3A_1955], %broadcast_in_dim3A_12 {strides = array<i32>} : memref<80x64xf32, #tpu.memory_space<vmem>>, vector<16xf32>,
      %swap3A_1957 = arith.index_cast %scan3A_1950 : i32 to index
      %swap3A_1958 = arith.constant 32 : index
      %swap3A_1959 = tpu.vector_load %arg11[%swap3A_1957, %swap3A_1958] {strides = array<i32>} : memref<80x64xf32, #tpu.memory_space<vmem>>, vector<16xf32>,
      tpu.vector_store %arg11[%swap3A_1957, %swap3A_1958], %broadcast_in_dim3A_12 {strides = array<i32>} : memref<80x64xf32, #tpu.memory_space<vmem>>, vector<16xf32>,
      %swap3A_1960 = arith.index_cast %scan3A_1950 : i32 to index
      %swap3A_1961 = arith.constant 48 : index
      %swap3A_1962 = tpu.vector_load %arg11[%swap3A_1960, %swap3A_1961] {strides = array<i32>} : memref<80x64xf32, #tpu.memory_space<vmem>>, vector<16xf32>,
      tpu.vector_store %arg11[%swap3A_1960, %swap3A_1961], %broadcast_in_dim3A_12 {strides = array<i32>} : memref<80x64xf32, #tpu.memory_space<vmem>>, vector<16xf32>,
    }
    %scan3A_23 = arith.constant 80 : i32
    %dma_wait3A = tpu.memref_slice %arg3[%mul3A_0] : memref<320000xi32, #tpu.memory_space<hbm>> -> memref<20000xi32, #tpu.memory_space<hbm>>
    %dma_wait3A_24 = tpu.memref_slice %arg3[%mul3A_0] : memref<320000xi32, #tpu.memory_space<hbm>> -> memref<20000xi32, #tpu.memory_space<hbm>>
    tpu.wait_dma2 semaphore(%arg23 : memref<!tpu.dma_semaphore, #tpu.memory_space<semaphore_mem>>) src(%dma_wait3A_24 : memref<20000xi32, #tpu.memory_space<hbm>>) dst(%arg6 : memref<20000xi32, #tpu.memory_space<vmem>>)
    %dma_wait3A_25 = arith.constant 0 : i32
    %dma_wait3A_26 = arith.constant 0 : i32
    %dma_wait3A_27 = tpu.memref_slice %arg4[%arg1, %dma_wait3A_25, %dma_wait3A_26] : memref<16x250x80xi32, #tpu.memory_space<hbm>> -> memref<1x250x80xi32, #tpu.memory_space<hbm>>
    %dma_wait3A_28 = tpu.memref_squeeze %dma_wait3A_27 : memref<1x250x80xi32, #tpu.memory_space<hbm>> -> memref<250x80xi32, #tpu.memory_space<hbm>>
    %dma_wait3A_29 = arith.constant 0 : i32
    %dma_wait3A_30 = arith.constant 0 : i32
    %dma_wait3A_31 = tpu.memref_slice %arg4[%arg1, %dma_wait3A_29, %dma_wait3A_30] : memref<16x250x80xi32, #tpu.memory_space<hbm>> -> memref<1x250x80xi32, #tpu.memory_space<hbm>>
    %dma_wait3A_32 = tpu.memref_squeeze %dma_wait3A_31 : memref<1x250x80xi32, #tpu.memory_space<hbm>> -> memref<250x80xi32, #tpu.memory_space<hbm>>
    tpu.wait_dma2 semaphore(%arg24 : memref<!tpu.dma_semaphore, #tpu.memory_space<semaphore_mem>>) src(%dma_wait3A_32 : memref<250x80xi32, #tpu.memory_space<hbm>>) dst(%arg7 : memref<250x80xi32, #tpu.memory_space<vmem>>)
    %scan3A_33 = arith.constant 0 : i32
    %scan3A_34 = arith.constant 0 : i32
    %scan3A_35 = arith.constant 25 : i32
    %scan3A_36 = arith.addi %scan3A_34, %scan3A_35 : i32
    %scan3A_37 = arith.constant 1 : i32
    scf.for %scan3A_1950 = %scan3A_34 to %scan3A_36 step %scan3A_37  : i32 {
      %mul3A_1951 = arith.constant 16 : i32
      %mul3A_1952 = arith.muli %scan3A_1950, %mul3A_1951 : i32
      %get3A_1953 = arith.index_cast %mul3A_1952 : i32 to index
      %get3A_1954 = tpu.vector_load %arg6[%get3A_1953] {strides = array<i32>} : memref<20000xi32, #tpu.memory_space<vmem>>, vector<16xi32>,
      %add3A_1955 = arith.addi %get3A_1954, %get3A_1954 : vector<16xi32>
      %add3A_1956 = vector.broadcast %arg0 : i32 to vector<16xi32>
      %add3A_1957 = arith.addi %add3A_1955, %add3A_1956 : vector<16xi32>
      %mul3A_1958 = arith.constant 16 : i32
      %mul3A_1959 = arith.muli %scan3A_1950, %mul3A_1958 : i32
      %swap3A_1960 = arith.index_cast %mul3A_1959 : i32 to index
      %swap3A_1961 = tpu.vector_load %arg6[%swap3A_1960] {strides = array<i32>} : memref<20000xi32, #tpu.memory_space<vmem>>, vector<16xi32>,
      tpu.vector_store %arg6[%swap3A_1960], %add3A_1957 {strides = array<i32>} : memref<20000xi32, #tpu.memory_space<vmem>>, vector<16xi32>,
    }
    %scan3A_38 = arith.constant 25 : i32
    %add3A = arith.constant 0 : i32
    %add3A_39 = arith.addi %mul3A_2, %add3A : i32
    "tpu.region"() ({
      %run_scoped3A = tpu.sem_alloc : memref<!tpu.dma_semaphore, #tpu.memory_space<semaphore_mem>>
      %dma_start3A_1950 = arith.constant 0 : i32
      %dma_start3A_1951 = tpu.memref_slice %arg21[%add3A_39, %dma_start3A_1950] : memref<5120x64xf32, #tpu.memory_space<vmem_shared>> -> memref<80x64xf32, #tpu.memory_space<vmem_shared>>
      %dma_start3A_1952 = arith.constant 0 : i32
      %dma_start3A_1953 = tpu.memref_slice %arg21[%add3A_39, %dma_start3A_1952] : memref<5120x64xf32, #tpu.memory_space<vmem_shared>> -> memref<80x64xf32, #tpu.memory_space<vmem_shared>>
      tpu.enqueue_dma source(%arg11 : memref<80x64xf32, #tpu.memory_space<vmem>>) target(%dma_start3A_1953 : memref<80x64xf32, #tpu.memory_space<vmem_shared>>) target_semaphore(%run_scoped3A : memref<!tpu.dma_semaphore, #tpu.memory_space<semaphore_mem>>)
      %dma_wait3A_1954 = arith.constant 0 : i32
      %dma_wait3A_1955 = tpu.memref_slice %arg21[%add3A_39, %dma_wait3A_1954] : memref<5120x64xf32, #tpu.memory_space<vmem_shared>> -> memref<80x64xf32, #tpu.memory_space<vmem_shared>>
      %dma_wait3A_1956 = arith.constant 0 : i32
      %dma_wait3A_1957 = tpu.memref_slice %arg21[%add3A_39, %dma_wait3A_1956] : memref<5120x64xf32, #tpu.memory_space<vmem_shared>> -> memref<80x64xf32, #tpu.memory_space<vmem_shared>>
      tpu.wait_dma2 semaphore(%run_scoped3A : memref<!tpu.dma_semaphore, #tpu.memory_space<semaphore_mem>>) src(%arg11 : memref<80x64xf32, #tpu.memory_space<vmem>>) dst(%dma_wait3A_1957 : memref<80x64xf32, #tpu.memory_space<vmem_shared>>)
      tpu.yield
    }) : () -> ()
    %add3A_40 = arith.constant 80 : i32
    %add3A_41 = arith.addi %mul3A_2, %add3A_40 : i32
    "tpu.region"() ({
      %run_scoped3A = tpu.sem_alloc : memref<!tpu.dma_semaphore, #tpu.memory_space<semaphore_mem>>
      %dma_start3A_1950 = arith.constant 0 : i32
      %dma_start3A_1951 = tpu.memref_slice %arg21[%add3A_41, %dma_start3A_1950] : memref<5120x64xf32, #tpu.memory_space<vmem_shared>> -> memref<80x64xf32, #tpu.memory_space<vmem_shared>>
      %dma_start3A_1952 = arith.constant 0 : i32
      %dma_start3A_1953 = tpu.memref_slice %arg21[%add3A_41, %dma_start3A_1952] : memref<5120x64xf32, #tpu.memory_space<vmem_shared>> -> memref<80x64xf32, #tpu.memory_space<vmem_shared>>
      tpu.enqueue_dma source(%arg11 : memref<80x64xf32, #tpu.memory_space<vmem>>) target(%dma_start3A_1953 : memref<80x64xf32, #tpu.memory_space<vmem_shared>>) target_semaphore(%run_scoped3A : memref<!tpu.dma_semaphore, #tpu.memory_space<semaphore_mem>>)
      %dma_wait3A_1954 = arith.constant 0 : i32
      %dma_wait3A_1955 = tpu.memref_slice %arg21[%add3A_41, %dma_wait3A_1954] : memref<5120x64xf32, #tpu.memory_space<vmem_shared>> -> memref<80x64xf32, #tpu.memory_space<vmem_shared>>
      %dma_wait3A_1956 = arith.constant 0 : i32
      %dma_wait3A_1957 = tpu.memref_slice %arg21[%add3A_41, %dma_wait3A_1956] : memref<5120x64xf32, #tpu.memory_space<vmem_shared>> -> memref<80x64xf32, #tpu.memory_space<vmem_shared>>
      tpu.wait_dma2 semaphore(%run_scoped3A : memref<!tpu.dma_semaphore, #tpu.memory_space<semaphore_mem>>) src(%arg11 : memref<80x64xf32, #tpu.memory_space<vmem>>) dst(%dma_wait3A_1957 : memref<80x64xf32, #tpu.memory_space<vmem_shared>>)
      tpu.yield
    }) : () -> ()
    %add3A_42 = arith.constant 160 : i32
    %add3A_43 = arith.addi %mul3A_2, %add3A_42 : i32
    "tpu.region"() ({
      %run_scoped3A = tpu.sem_alloc : memref<!tpu.dma_semaphore, #tpu.memory_space<semaphore_mem>>
      %dma_start3A_1950 = arith.constant 0 : i32
      %dma_start3A_1951 = tpu.memref_slice %arg21[%add3A_43, %dma_start3A_1950] : memref<5120x64xf32, #tpu.memory_space<vmem_shared>> -> memref<80x64xf32, #tpu.memory_space<vmem_shared>>
      %dma_start3A_1952 = arith.constant 0 : i32
      %dma_start3A_1953 = tpu.memref_slice %arg21[%add3A_43, %dma_start3A_1952] : memref<5120x64xf32, #tpu.memory_space<vmem_shared>> -> memref<80x64xf32, #tpu.memory_space<vmem_shared>>
      tpu.enqueue_dma source(%arg11 : memref<80x64xf32, #tpu.memory_space<vmem>>) target(%dma_start3A_1953 : memref<80x64xf32, #tpu.memory_space<vmem_shared>>) target_semaphore(%run_scoped3A : memref<!tpu.dma_semaphore, #tpu.memory_space<semaphore_mem>>)
      %dma_wait3A_1954 = arith.constant 0 : i32
      %dma_wait3A_1955 = tpu.memref_slice %arg21[%add3A_43, %dma_wait3A_1954] : memref<5120x64xf32, #tpu.memory_space<vmem_shared>> -> memref<80x64xf32, #tpu.memory_space<vmem_shared>>
      %dma_wait3A_1956 = arith.constant 0 : i32
      %dma_wait3A_1957 = tpu.memref_slice %arg21[%add3A_43, %dma_wait3A_1956] : memref<5120x64xf32, #tpu.memory_space<vmem_shared>> -> memref<80x64xf32, #tpu.memory_space<vmem_shared>>
      tpu.wait_dma2 semaphore(%run_scoped3A : memref<!tpu.dma_semaphore, #tpu.memory_space<semaphore_mem>>) src(%arg11 : memref<80x64xf32, #tpu.memory_space<vmem>>) dst(%dma_wait3A_1957 : memref<80x64xf32, #tpu.memory_space<vmem_shared>>)
      tpu.yield
    }) : () -> ()
    %add3A_44 = arith.constant 240 : i32
    %add3A_45 = arith.addi %mul3A_2, %add3A_44 : i32
    "tpu.region"() ({
      %run_scoped3A = tpu.sem_alloc : memref<!tpu.dma_semaphore, #tpu.memory_space<semaphore_mem>>
      %dma_start3A_1950 = arith.constant 0 : i32
      %dma_start3A_1951 = tpu.memref_slice %arg21[%add3A_45, %dma_start3A_1950] : memref<5120x64xf32, #tpu.memory_space<vmem_shared>> -> memref<80x64xf32, #tpu.memory_space<vmem_shared>>
      %dma_start3A_1952 = arith.constant 0 : i32
      %dma_start3A_1953 = tpu.memref_slice %arg21[%add3A_45, %dma_start3A_1952] : memref<5120x64xf32, #tpu.memory_space<vmem_shared>> -> memref<80x64xf32, #tpu.memory_space<vmem_shared>>
      tpu.enqueue_dma source(%arg11 : memref<80x64xf32, #tpu.memory_space<vmem>>) target(%dma_start3A_1953 : memref<80x64xf32, #tpu.memory_space<vmem_shared>>) target_semaphore(%run_scoped3A : memref<!tpu.dma_semaphore, #tpu.memory_space<semaphore_mem>>)
      %dma_wait3A_1954 = arith.constant 0 : i32
      %dma_wait3A_1955 = tpu.memref_slice %arg21[%add3A_45, %dma_wait3A_1954] : memref<5120x64xf32, #tpu.memory_space<vmem_shared>> -> memref<80x64xf32, #tpu.memory_space<vmem_shared>>
      %dma_wait3A_1956 = arith.constant 0 : i32
      %dma_wait3A_1957 = tpu.memref_slice %arg21[%add3A_45, %dma_wait3A_1956] : memref<5120x64xf32, #tpu.memory_space<vmem_shared>> -> memref<80x64xf32, #tpu.memory_space<vmem_shared>>
      tpu.wait_dma2 semaphore(%run_scoped3A : memref<!tpu.dma_semaphore, #tpu.memory_space<semaphore_mem>>) src(%arg11 : memref<80x64xf32, #tpu.memory_space<vmem>>) dst(%dma_wait3A_1957 : memref<80x64xf32, #tpu.memory_space<vmem_shared>>)
      tpu.yield
    }) : () -> ()
    %dma_start3A_46 = arith.constant 0 : i32
    %dma_start3A_47 = tpu.memref_slice %arg6[%dma_start3A_46] : memref<20000xi32, #tpu.memory_space<vmem>> -> memref<80xi32, #tpu.memory_space<vmem>>
    %dma_start3A_48 = arith.constant 0 : i32
    %dma_start3A_49 = arith.constant 0 : i32
    %dma_start3A_50 = tpu.memref_slice %arg2[%dma_start3A_48, %dma_start3A_49] : memref<20000x64xf32, #tpu.memory_space<hbm>> -> memref<20000x64xf32, #tpu.memory_space<hbm>>
    tpu.enqueue_indirect_dma source(%dma_start3A_50 : memref<20000x64xf32, #tpu.memory_space<hbm>>) target(%arg11 : memref<80x64xf32, #tpu.memory_space<vmem>>) offsets(%dma_start3A_47 : memref<80xi32, #tpu.memory_space<vmem>>) semaphore(%arg23 : memref<!tpu.dma_semaphore, #tpu.memory_space<semaphore_mem>>)
    %dma_start3A_51 = arith.constant 80 : i32
    %dma_start3A_52 = tpu.memref_slice %arg6[%dma_start3A_51] : memref<20000xi32, #tpu.memory_space<vmem>> -> memref<80xi32, #tpu.memory_space<vmem>>
    %dma_start3A_53 = arith.constant 0 : i32
    %dma_start3A_54 = arith.constant 0 : i32
    %dma_start3A_55 = tpu.memref_slice %arg2[%dma_start3A_53, %dma_start3A_54] : memref<20000x64xf32, #tpu.memory_space<hbm>> -> memref<20000x64xf32, #tpu.memory_space<hbm>>
    tpu.enqueue_indirect_dma source(%dma_start3A_55 : memref<20000x64xf32, #tpu.memory_space<hbm>>) target(%arg12 : memref<80x64xf32, #tpu.memory_space<vmem>>) offsets(%dma_start3A_52 : memref<80xi32, #tpu.memory_space<vmem>>) semaphore(%arg23 : memref<!tpu.dma_semaphore, #tpu.memory_space<semaphore_mem>>)
    %dma_start3A_56 = arith.constant 160 : i32
    %dma_start3A_57 = tpu.memref_slice %arg6[%dma_start3A_56] : memref<20000xi32, #tpu.memory_space<vmem>> -> memref<80xi32, #tpu.memory_space<vmem>>
    %dma_start3A_58 = arith.constant 0 : i32
    %dma_start3A_59 = arith.constant 0 : i32
    %dma_start3A_60 = tpu.memref_slice %arg2[%dma_start3A_58, %dma_start3A_59] : memref<20000x64xf32, #tpu.memory_space<hbm>> -> memref<20000x64xf32, #tpu.memory_space<hbm>>
    tpu.enqueue_indirect_dma source(%dma_start3A_60 : memref<20000x64xf32, #tpu.memory_space<hbm>>) target(%arg13 : memref<80x64xf32, #tpu.memory_space<vmem>>) offsets(%dma_start3A_57 : memref<80xi32, #tpu.memory_space<vmem>>) semaphore(%arg23 : memref<!tpu.dma_semaphore, #tpu.memory_space<semaphore_mem>>)
    %dma_start3A_61 = arith.constant 240 : i32
    %dma_start3A_62 = tpu.memref_slice %arg6[%dma_start3A_61] : memref<20000xi32, #tpu.memory_space<vmem>> -> memref<80xi32, #tpu.memory_space<vmem>>
    %dma_start3A_63 = arith.constant 0 : i32
    %dma_start3A_64 = arith.constant 0 : i32
    %dma_start3A_65 = tpu.memref_slice %arg2[%dma_start3A_63, %dma_start3A_64] : memref<20000x64xf32, #tpu.memory_space<hbm>> -> memref<20000x64xf32, #tpu.memory_space<hbm>>
    tpu.enqueue_indirect_dma source(%dma_start3A_65 : memref<20000x64xf32, #tpu.memory_space<hbm>>) target(%arg14 : memref<80x64xf32, #tpu.memory_space<vmem>>) offsets(%dma_start3A_62 : memref<80xi32, #tpu.memory_space<vmem>>) semaphore(%arg23 : memref<!tpu.dma_semaphore, #tpu.memory_space<semaphore_mem>>)
    %dma_start3A_66 = arith.constant 320 : i32
    %dma_start3A_67 = tpu.memref_slice %arg6[%dma_start3A_66] : memref<20000xi32, #tpu.memory_space<vmem>> -> memref<80xi32, #tpu.memory_space<vmem>>
    %dma_start3A_68 = arith.constant 0 : i32
    %dma_start3A_69 = arith.constant 0 : i32
    %dma_start3A_70 = tpu.memref_slice %arg2[%dma_start3A_68, %dma_start3A_69] : memref<20000x64xf32, #tpu.memory_space<hbm>> -> memref<20000x64xf32, #tpu.memory_space<hbm>>
    tpu.enqueue_indirect_dma source(%dma_start3A_70 : memref<20000x64xf32, #tpu.memory_space<hbm>>) target(%arg15 : memref<80x64xf32, #tpu.memory_space<vmem>>) offsets(%dma_start3A_67 : memref<80xi32, #tpu.memory_space<vmem>>) semaphore(%arg23 : memref<!tpu.dma_semaphore, #tpu.memory_space<semaphore_mem>>)
    %scan3A_71 = arith.constant 0 : i32
    %scan3A_72 = arith.constant 25 : i32
    %scan3A_73 = arith.constant 1225 : i32
    %scan3A_74 = arith.addi %scan3A_72, %scan3A_73 : i32
    %scan3A_75 = arith.constant 1 : i32
    scf.for %scan3A_1950 = %scan3A_72 to %scan3A_74 step %scan3A_75  : i32 {
      %mul3A_1951 = arith.constant 16 : i32
      %mul3A_1952 = arith.muli %scan3A_1950, %mul3A_1951 : i32
      %get3A_1953 = arith.index_cast %mul3A_1952 : i32 to index
      %get3A_1954 = tpu.vector_load %arg6[%get3A_1953] {strides = array<i32>} : memref<20000xi32, #tpu.memory_space<vmem>>, vector<16xi32>,
      %add3A_1955 = arith.addi %get3A_1954, %get3A_1954 : vector<16xi32>
      %add3A_1956 = vector.broadcast %arg0 : i32 to vector<16xi32>
      %add3A_1957 = arith.addi %add3A_1955, %add3A_1956 : vector<16xi32>
      %mul3A_1958 = arith.constant 16 : i32
      %mul3A_1959 = arith.muli %scan3A_1950, %mul3A_1958 : i32
      %swap3A_1960 = arith.index_cast %mul3A_1959 : i32 to index
      %swap3A_1961 = tpu.vector_load %arg6[%swap3A_1960] {strides = array<i32>} : memref<20000xi32, #tpu.memory_space<vmem>>, vector<16xi32>,
      tpu.vector_store %arg6[%swap3A_1960], %add3A_1957 {strides = array<i32>} : memref<20000xi32, #tpu.memory_space<vmem>>, vector<16xi32>,
    }
    %scan3A_76 = arith.constant 1225 : i32
    %barrier3A = arith.constant 0 : index
    tpu.barrier barrier_id(%barrier3A)
    %broadcast_in_dim3A_77 = arith.constant 1.000000e+00 : f32
    %broadcast_in_dim3A_78 = vector.broadcast %broadcast_in_dim3A_77 : f32 to vector<16xf32>
    %scan3A_79 = arith.constant 0 : i32
    %scan3A_80 = arith.constant 0 : i32
    %scan3A_81 = arith.constant 25 : i32
    %scan3A_82 = arith.addi %scan3A_80, %scan3A_81 : i32
    %scan3A_83 = arith.constant 1 : i32
    scf.for %scan3A_1950 = %scan3A_80 to %scan3A_82 step %scan3A_83  : i32 {
      %mul3A_1951 = arith.constant 2 : i32
      %mul3A_1952 = arith.muli %mul3A_1951, %scan3A_1950 : i32
      %add3A_1953 = arith.constant 0 : i32
      %add3A_1954 = arith.addi %mul3A_1952, %add3A_1953 : i32
      %dma_wait3A_1955 = arith.constant 0 : i32
      %dma_wait3A_1956 = arith.constant 0 : i32
      %dma_wait3A_1957 = tpu.memref_slice %arg2[%dma_wait3A_1955, %dma_wait3A_1956] : memref<20000x64xf32, #tpu.memory_space<hbm>> -> memref<80x64xf32, #tpu.memory_space<hbm>>
      %dma_wait3A_1958 = arith.constant 0 : i32
      %dma_wait3A_1959 = arith.constant 0 : i32
      %dma_wait3A_1960 = tpu.memref_slice %arg2[%dma_wait3A_1958, %dma_wait3A_1959] : memref<20000x64xf32, #tpu.memory_space<hbm>> -> memref<80x64xf32, #tpu.memory_space<hbm>>
      tpu.wait_dma2 semaphore(%arg23 : memref<!tpu.dma_semaphore, #tpu.memory_space<semaphore_mem>>) src(%dma_wait3A_1960 : memref<80x64xf32, #tpu.memory_space<hbm>>) dst(%arg11 : memref<80x64xf32, #tpu.memory_space<vmem>>)
      %dma_wait3A_1961 = arith.constant 0 : i32
      %dma_wait3A_1962 = arith.constant 0 : i32
      %dma_wait3A_1963 = tpu.memref_slice %arg2[%dma_wait3A_1961, %dma_wait3A_1962] : memref<20000x64xf32, #tpu.memory_space<hbm>> -> memref<80x64xf32, #tpu.memory_space<hbm>>
      %dma_wait3A_1964 = arith.constant 0 : i32
      %dma_wait3A_1965 = arith.constant 0 : i32
      %dma_wait3A_1966 = tpu.memref_slice %arg2[%dma_wait3A_1964, %dma_wait3A_1965] : memref<20000x64xf32, #tpu.memory_space<hbm>> -> memref<80x64xf32, #tpu.memory_space<hbm>>
      tpu.wait_dma2 semaphore(%arg23 : memref<!tpu.dma_semaphore, #tpu.memory_space<semaphore_mem>>) src(%dma_wait3A_1966 : memref<80x64xf32, #tpu.memory_space<hbm>>) dst(%arg12 : memref<80x64xf32, #tpu.memory_space<vmem>>)
      %dma_wait3A_1967 = arith.constant 0 : i32
      %dma_wait3A_1968 = arith.constant 0 : i32
      %dma_wait3A_1969 = tpu.memref_slice %arg2[%dma_wait3A_1967, %dma_wait3A_1968] : memref<20000x64xf32, #tpu.memory_space<hbm>> -> memref<80x64xf32, #tpu.memory_space<hbm>>
      %dma_wait3A_1970 = arith.constant 0 : i32
      %dma_wait3A_1971 = arith.constant 0 : i32
      %dma_wait3A_1972 = tpu.memref_slice %arg2[%dma_wait3A_1970, %dma_wait3A_1971] : memref<20000x64xf32, #tpu.memory_space<hbm>> -> memref<80x64xf32, #tpu.memory_space<hbm>>
      tpu.wait_dma2 semaphore(%arg23 : memref<!tpu.dma_semaphore, #tpu.memory_space<semaphore_mem>>) src(%dma_wait3A_1972 : memref<80x64xf32, #tpu.memory_space<hbm>>) dst(%arg13 : memref<80x64xf32, #tpu.memory_space<vmem>>)
      %dma_wait3A_1973 = arith.constant 0 : i32
      %dma_wait3A_1974 = arith.constant 0 : i32
      %dma_wait3A_1975 = tpu.memref_slice %arg2[%dma_wait3A_1973, %dma_wait3A_1974] : memref<20000x64xf32, #tpu.memory_space<hbm>> -> memref<80x64xf32, #tpu.memory_space<hbm>>
      %dma_wait3A_1976 = arith.constant 0 : i32
      %dma_wait3A_1977 = arith.constant 0 : i32
      %dma_wait3A_1978 = tpu.memref_slice %arg2[%dma_wait3A_1976, %dma_wait3A_1977] : memref<20000x64xf32, #tpu.memory_space<hbm>> -> memref<80x64xf32, #tpu.memory_space<hbm>>
      tpu.wait_dma2 semaphore(%arg23 : memref<!tpu.dma_semaphore, #tpu.memory_space<semaphore_mem>>) src(%dma_wait3A_1978 : memref<80x64xf32, #tpu.memory_space<hbm>>) dst(%arg14 : memref<80x64xf32, #tpu.memory_space<vmem>>)
      %dma_wait3A_1979 = arith.constant 0 : i32
      %dma_wait3A_1980 = arith.constant 0 : i32
      %dma_wait3A_1981 = tpu.memref_slice %arg2[%dma_wait3A_1979, %dma_wait3A_1980] : memref<20000x64xf32, #tpu.memory_space<hbm>> -> memref<80x64xf32, #tpu.memory_space<hbm>>
      %dma_wait3A_1982 = arith.constant 0 : i32
      %dma_wait3A_1983 = arith.constant 0 : i32
      %dma_wait3A_1984 = tpu.memref_slice %arg2[%dma_wait3A_1982, %dma_wait3A_1983] : memref<20000x64xf32, #tpu.memory_space<hbm>> -> memref<80x64xf32, #tpu.memory_space<hbm>>
      tpu.wait_dma2 semaphore(%arg23 : memref<!tpu.dma_semaphore, #tpu.memory_space<semaphore_mem>>) src(%dma_wait3A_1984 : memref<80x64xf32, #tpu.memory_space<hbm>>) dst(%arg15 : memref<80x64xf32, #tpu.memory_space<vmem>>)
      %mul3A_1985 = arith.constant 5 : i32
      %mul3A_1986 = arith.muli %add3A_1954, %mul3A_1985 : i32
      %add3A_1987 = arith.constant 0 : i32
      %add3A_1988 = arith.addi %mul3A_1986, %add3A_1987 : i32
      %dma_start3A_1989 = arith.constant 0 : i32
      %dma_start3A_1990 = tpu.memref_slice %arg7[%add3A_1988, %dma_start3A_1989] : memref<250x80xi32, #tpu.memory_space<vmem>> -> memref<1x80xi32, #tpu.memory_space<vmem>>
      %dma_start3A_1991 = tpu.memref_squeeze %dma_start3A_1990 : memref<1x80xi32, #tpu.memory_space<vmem>> -> memref<80xi32, #tpu.memory_space<vmem>>
      %dma_start3A_1992 = arith.constant 0 : i32
      %dma_start3A_1993 = arith.constant 0 : i32
      %dma_start3A_1994 = tpu.memref_slice %arg21[%dma_start3A_1992, %dma_start3A_1993] : memref<5120x64xf32, #tpu.memory_space<vmem_shared>> -> memref<5120x64xf32, #tpu.memory_space<vmem_shared>>
      tpu.enqueue_indirect_dma source(%arg11 : memref<80x64xf32, #tpu.memory_space<vmem>>) target(%dma_start3A_1994 : memref<5120x64xf32, #tpu.memory_space<vmem_shared>>) offsets(%dma_start3A_1991 : memref<80xi32, #tpu.memory_space<vmem>>) semaphore(%arg25 : memref<!tpu.dma_semaphore, #tpu.memory_space<semaphore_mem>>) {add = true}
      %get3A_1995 = arith.index_cast %add3A_1988 : i32 to index
      %get3A_1996 = arith.constant 0 : index
      %get3A_1997 = tpu.vector_load %arg7[%get3A_1995, %get3A_1996] {strides = array<i32>} : memref<250x80xi32, #tpu.memory_space<vmem>>, vector<16xi32>,
      tpu.vector_store_idx %arg8[%get3A_1997], %broadcast_in_dim3A_78 {add = true} : memref<5120xf32, #tpu.memory_space<vmem>>[vector<16xi32>], vector<16xf32>,
      %get3A_1998 = arith.index_cast %add3A_1988 : i32 to index
      %get3A_1999 = arith.constant 16 : index
      %get3A_2000 = tpu.vector_load %arg7[%get3A_1998, %get3A_1999] {strides = array<i32>} : memref<250x80xi32, #tpu.memory_space<vmem>>, vector<16xi32>,
      tpu.vector_store_idx %arg8[%get3A_2000], %broadcast_in_dim3A_78 {add = true} : memref<5120xf32, #tpu.memory_space<vmem>>[vector<16xi32>], vector<16xf32>,
      %get3A_2001 = arith.index_cast %add3A_1988 : i32 to index
      %get3A_2002 = arith.constant 32 : index
      %get3A_2003 = tpu.vector_load %arg7[%get3A_2001, %get3A_2002] {strides = array<i32>} : memref<250x80xi32, #tpu.memory_space<vmem>>, vector<16xi32>,
      tpu.vector_store_idx %arg8[%get3A_2003], %broadcast_in_dim3A_78 {add = true} : memref<5120xf32, #tpu.memory_space<vmem>>[vector<16xi32>], vector<16xf32>,
      %get3A_2004 = arith.index_cast %add3A_1988 : i32 to index
      %get3A_2005 = arith.constant 48 : index
      %get3A_2006 = tpu.vector_load %arg7[%get3A_2004, %get3A_2005] {strides = array<i32>} : memref<250x80xi32, #tpu.memory_space<vmem>>, vector<16xi32>,
      tpu.vector_store_idx %arg8[%get3A_2006], %broadcast_in_dim3A_78 {add = true} : memref<5120xf32, #tpu.memory_space<vmem>>[vector<16xi32>], vector<16xf32>,
      %get3A_2007 = arith.index_cast %add3A_1988 : i32 to index
      %get3A_2008 = arith.constant 64 : index
      %get3A_2009 = tpu.vector_load %arg7[%get3A_2007, %get3A_2008] {strides = array<i32>} : memref<250x80xi32, #tpu.memory_space<vmem>>, vector<16xi32>,
      tpu.vector_store_idx %arg8[%get3A_2009], %broadcast_in_dim3A_78 {add = true} : memref<5120xf32, #tpu.memory_space<vmem>>[vector<16xi32>], vector<16xf32>,
      %mul3A_2010 = arith.constant 5 : i32
      %mul3A_2011 = arith.muli %add3A_1954, %mul3A_2010 : i32
      %add3A_2012 = arith.constant 1 : i32
      %add3A_2013 = arith.addi %mul3A_2011, %add3A_2012 : i32
      %dma_start3A_2014 = arith.constant 0 : i32
      %dma_start3A_2015 = tpu.memref_slice %arg7[%add3A_2013, %dma_start3A_2014] : memref<250x80xi32, #tpu.memory_space<vmem>> -> memref<1x80xi32, #tpu.memory_space<vmem>>
      %dma_start3A_2016 = tpu.memref_squeeze %dma_start3A_2015 : memref<1x80xi32, #tpu.memory_space<vmem>> -> memref<80xi32, #tpu.memory_space<vmem>>
      %dma_start3A_2017 = arith.constant 0 : i32
      %dma_start3A_2018 = arith.constant 0 : i32
      %dma_start3A_2019 = tpu.memref_slice %arg21[%dma_start3A_2017, %dma_start3A_2018] : memref<5120x64xf32, #tpu.memory_space<vmem_shared>> -> memref<5120x64xf32, #tpu.memory_space<vmem_shared>>
      tpu.enqueue_indirect_dma source(%arg12 : memref<80x64xf32, #tpu.memory_space<vmem>>) target(%dma_start3A_2019 : memref<5120x64xf32, #tpu.memory_space<vmem_shared>>) offsets(%dma_start3A_2016 : memref<80xi32, #tpu.memory_space<vmem>>) semaphore(%arg25 : memref<!tpu.dma_semaphore, #tpu.memory_space<semaphore_mem>>) {add = true}
      %get3A_2020 = arith.index_cast %add3A_2013 : i32 to index
      %get3A_2021 = arith.constant 0 : index
      %get3A_2022 = tpu.vector_load %arg7[%get3A_2020, %get3A_2021] {strides = array<i32>} : memref<250x80xi32, #tpu.memory_space<vmem>>, vector<16xi32>,
      tpu.vector_store_idx %arg8[%get3A_2022], %broadcast_in_dim3A_78 {add = true} : memref<5120xf32, #tpu.memory_space<vmem>>[vector<16xi32>], vector<16xf32>,
      %get3A_2023 = arith.index_cast %add3A_2013 : i32 to index
      %get3A_2024 = arith.constant 16 : index
      %get3A_2025 = tpu.vector_load %arg7[%get3A_2023, %get3A_2024] {strides = array<i32>} : memref<250x80xi32, #tpu.memory_space<vmem>>, vector<16xi32>,
      tpu.vector_store_idx %arg8[%get3A_2025], %broadcast_in_dim3A_78 {add = true} : memref<5120xf32, #tpu.memory_space<vmem>>[vector<16xi32>], vector<16xf32>,
      %get3A_2026 = arith.index_cast %add3A_2013 : i32 to index
      %get3A_2027 = arith.constant 32 : index
      %get3A_2028 = tpu.vector_load %arg7[%get3A_2026, %get3A_2027] {strides = array<i32>} : memref<250x80xi32, #tpu.memory_space<vmem>>, vector<16xi32>,
      tpu.vector_store_idx %arg8[%get3A_2028], %broadcast_in_dim3A_78 {add = true} : memref<5120xf32, #tpu.memory_space<vmem>>[vector<16xi32>], vector<16xf32>,
      %get3A_2029 = arith.index_cast %add3A_2013 : i32 to index
      %get3A_2030 = arith.constant 48 : index
      %get3A_2031 = tpu.vector_load %arg7[%get3A_2029, %get3A_2030] {strides = array<i32>} : memref<250x80xi32, #tpu.memory_space<vmem>>, vector<16xi32>,
      tpu.vector_store_idx %arg8[%get3A_2031], %broadcast_in_dim3A_78 {add = true} : memref<5120xf32, #tpu.memory_space<vmem>>[vector<16xi32>], vector<16xf32>,
      %get3A_2032 = arith.index_cast %add3A_2013 : i32 to index
      %get3A_2033 = arith.constant 64 : index
      %get3A_2034 = tpu.vector_load %arg7[%get3A_2032, %get3A_2033] {strides = array<i32>} : memref<250x80xi32, #tpu.memory_space<vmem>>, vector<16xi32>,
      tpu.vector_store_idx %arg8[%get3A_2034], %broadcast_in_dim3A_78 {add = true} : memref<5120xf32, #tpu.memory_space<vmem>>[vector<16xi32>], vector<16xf32>,
      %mul3A_2035 = arith.constant 5 : i32
      %mul3A_2036 = arith.muli %add3A_1954, %mul3A_2035 : i32
      %add3A_2037 = arith.constant 2 : i32
      %add3A_2038 = arith.addi %mul3A_2036, %add3A_2037 : i32
      %dma_start3A_2039 = arith.constant 0 : i32
      %dma_start3A_2040 = tpu.memref_slice %arg7[%add3A_2038, %dma_start3A_2039] : memref<250x80xi32, #tpu.memory_space<vmem>> -> memref<1x80xi32, #tpu.memory_space<vmem>>
      %dma_start3A_2041 = tpu.memref_squeeze %dma_start3A_2040 : memref<1x80xi32, #tpu.memory_space<vmem>> -> memref<80xi32, #tpu.memory_space<vmem>>
      %dma_start3A_2042 = arith.constant 0 : i32
      %dma_start3A_2043 = arith.constant 0 : i32
      %dma_start3A_2044 = tpu.memref_slice %arg21[%dma_start3A_2042, %dma_start3A_2043] : memref<5120x64xf32, #tpu.memory_space<vmem_shared>> -> memref<5120x64xf32, #tpu.memory_space<vmem_shared>>
      tpu.enqueue_indirect_dma source(%arg13 : memref<80x64xf32, #tpu.memory_space<vmem>>) target(%dma_start3A_2044 : memref<5120x64xf32, #tpu.memory_space<vmem_shared>>) offsets(%dma_start3A_2041 : memref<80xi32, #tpu.memory_space<vmem>>) semaphore(%arg25 : memref<!tpu.dma_semaphore, #tpu.memory_space<semaphore_mem>>) {add = true}
      %get3A_2045 = arith.index_cast %add3A_2038 : i32 to index
      %get3A_2046 = arith.constant 0 : index
      %get3A_2047 = tpu.vector_load %arg7[%get3A_2045, %get3A_2046] {strides = array<i32>} : memref<250x80xi32, #tpu.memory_space<vmem>>, vector<16xi32>,
      tpu.vector_store_idx %arg8[%get3A_2047], %broadcast_in_dim3A_78 {add = true} : memref<5120xf32, #tpu.memory_space<vmem>>[vector<16xi32>], vector<16xf32>,
      %get3A_2048 = arith.index_cast %add3A_2038 : i32 to index
      %get3A_2049 = arith.constant 16 : index
      %get3A_2050 = tpu.vector_load %arg7[%get3A_2048, %get3A_2049] {strides = array<i32>} : memref<250x80xi32, #tpu.memory_space<vmem>>, vector<16xi32>,
      tpu.vector_store_idx %arg8[%get3A_2050], %broadcast_in_dim3A_78 {add = true} : memref<5120xf32, #tpu.memory_space<vmem>>[vector<16xi32>], vector<16xf32>,
      %get3A_2051 = arith.index_cast %add3A_2038 : i32 to index
      %get3A_2052 = arith.constant 32 : index
      %get3A_2053 = tpu.vector_load %arg7[%get3A_2051, %get3A_2052] {strides = array<i32>} : memref<250x80xi32, #tpu.memory_space<vmem>>, vector<16xi32>,
      tpu.vector_store_idx %arg8[%get3A_2053], %broadcast_in_dim3A_78 {add = true} : memref<5120xf32, #tpu.memory_space<vmem>>[vector<16xi32>], vector<16xf32>,
      %get3A_2054 = arith.index_cast %add3A_2038 : i32 to index
      %get3A_2055 = arith.constant 48 : index
      %get3A_2056 = tpu.vector_load %arg7[%get3A_2054, %get3A_2055] {strides = array<i32>} : memref<250x80xi32, #tpu.memory_space<vmem>>, vector<16xi32>,
      tpu.vector_store_idx %arg8[%get3A_2056], %broadcast_in_dim3A_78 {add = true} : memref<5120xf32, #tpu.memory_space<vmem>>[vector<16xi32>], vector<16xf32>,
      %get3A_2057 = arith.index_cast %add3A_2038 : i32 to index
      %get3A_2058 = arith.constant 64 : index
      %get3A_2059 = tpu.vector_load %arg7[%get3A_2057, %get3A_2058] {strides = array<i32>} : memref<250x80xi32, #tpu.memory_space<vmem>>, vector<16xi32>,
      tpu.vector_store_idx %arg8[%get3A_2059], %broadcast_in_dim3A_78 {add = true} : memref<5120xf32, #tpu.memory_space<vmem>>[vector<16xi32>], vector<16xf32>,
      %mul3A_2060 = arith.constant 5 : i32
      %mul3A_2061 = arith.muli %add3A_1954, %mul3A_2060 : i32
      %add3A_2062 = arith.constant 3 : i32
      %add3A_2063 = arith.addi %mul3A_2061, %add3A_2062 : i32
      %dma_start3A_2064 = arith.constant 0 : i32
      %dma_start3A_2065 = tpu.memref_slice %arg7[%add3A_2063, %dma_start3A_2064] : memref<250x80xi32, #tpu.memory_space<vmem>> -> memref<1x80xi32, #tpu.memory_space<vmem>>
      %dma_start3A_2066 = tpu.memref_squeeze %dma_start3A_2065 : memref<1x80xi32, #tpu.memory_space<vmem>> -> memref<80xi32, #tpu.memory_space<vmem>>
      %dma_start3A_2067 = arith.constant 0 : i32
      %dma_start3A_2068 = arith.constant 0 : i32
      %dma_start3A_2069 = tpu.memref_slice %arg21[%dma_start3A_2067, %dma_start3A_2068] : memref<5120x64xf32, #tpu.memory_space<vmem_shared>> -> memref<5120x64xf32, #tpu.memory_space<vmem_shared>>
      tpu.enqueue_indirect_dma source(%arg14 : memref<80x64xf32, #tpu.memory_space<vmem>>) target(%dma_start3A_2069 : memref<5120x64xf32, #tpu.memory_space<vmem_shared>>) offsets(%dma_start3A_2066 : memref<80xi32, #tpu.memory_space<vmem>>) semaphore(%arg25 : memref<!tpu.dma_semaphore, #tpu.memory_space<semaphore_mem>>) {add = true}
      %get3A_2070 = arith.index_cast %add3A_2063 : i32 to index
      %get3A_2071 = arith.constant 0 : index
      %get3A_2072 = tpu.vector_load %arg7[%get3A_2070, %get3A_2071] {strides = array<i32>} : memref<250x80xi32, #tpu.memory_space<vmem>>, vector<16xi32>,
      tpu.vector_store_idx %arg8[%get3A_2072], %broadcast_in_dim3A_78 {add = true} : memref<5120xf32, #tpu.memory_space<vmem>>[vector<16xi32>], vector<16xf32>,
      %get3A_2073 = arith.index_cast %add3A_2063 : i32 to index
      %get3A_2074 = arith.constant 16 : index
      %get3A_2075 = tpu.vector_load %arg7[%get3A_2073, %get3A_2074] {strides = array<i32>} : memref<250x80xi32, #tpu.memory_space<vmem>>, vector<16xi32>,
      tpu.vector_store_idx %arg8[%get3A_2075], %broadcast_in_dim3A_78 {add = true} : memref<5120xf32, #tpu.memory_space<vmem>>[vector<16xi32>], vector<16xf32>,
      %get3A_2076 = arith.index_cast %add3A_2063 : i32 to index
      %get3A_2077 = arith.constant 32 : index
      %get3A_2078 = tpu.vector_load %arg7[%get3A_2076, %get3A_2077] {strides = array<i32>} : memref<250x80xi32, #tpu.memory_space<vmem>>, vector<16xi32>,
      tpu.vector_store_idx %arg8[%get3A_2078], %broadcast_in_dim3A_78 {add = true} : memref<5120xf32, #tpu.memory_space<vmem>>[vector<16xi32>], vector<16xf32>,
      %get3A_2079 = arith.index_cast %add3A_2063 : i32 to index
      %get3A_2080 = arith.constant 48 : index
      %get3A_2081 = tpu.vector_load %arg7[%get3A_2079, %get3A_2080] {strides = array<i32>} : memref<250x80xi32, #tpu.memory_space<vmem>>, vector<16xi32>,
      tpu.vector_store_idx %arg8[%get3A_2081], %broadcast_in_dim3A_78 {add = true} : memref<5120xf32, #tpu.memory_space<vmem>>[vector<16xi32>], vector<16xf32>,
      %get3A_2082 = arith.index_cast %add3A_2063 : i32 to index
      %get3A_2083 = arith.constant 64 : index
      %get3A_2084 = tpu.vector_load %arg7[%get3A_2082, %get3A_2083] {strides = array<i32>} : memref<250x80xi32, #tpu.memory_space<vmem>>, vector<16xi32>,
      tpu.vector_store_idx %arg8[%get3A_2084], %broadcast_in_dim3A_78 {add = true} : memref<5120xf32, #tpu.memory_space<vmem>>[vector<16xi32>], vector<16xf32>,
      %mul3A_2085 = arith.constant 5 : i32
      %mul3A_2086 = arith.muli %add3A_1954, %mul3A_2085 : i32
      %add3A_2087 = arith.constant 4 : i32
      %add3A_2088 = arith.addi %mul3A_2086, %add3A_2087 : i32
      %dma_start3A_2089 = arith.constant 0 : i32
      %dma_start3A_2090 = tpu.memref_slice %arg7[%add3A_2088, %dma_start3A_2089] : memref<250x80xi32, #tpu.memory_space<vmem>> -> memref<1x80xi32, #tpu.memory_space<vmem>>
      %dma_start3A_2091 = tpu.memref_squeeze %dma_start3A_2090 : memref<1x80xi32, #tpu.memory_space<vmem>> -> memref<80xi32, #tpu.memory_space<vmem>>
      %dma_start3A_2092 = arith.constant 0 : i32
      %dma_start3A_2093 = arith.constant 0 : i32
      %dma_start3A_2094 = tpu.memref_slice %arg21[%dma_start3A_2092, %dma_start3A_2093] : memref<5120x64xf32, #tpu.memory_space<vmem_shared>> -> memref<5120x64xf32, #tpu.memory_space<vmem_shared>>
      tpu.enqueue_indirect_dma source(%arg15 : memref<80x64xf32, #tpu.memory_space<vmem>>) target(%dma_start3A_2094 : memref<5120x64xf32, #tpu.memory_space<vmem_shared>>) offsets(%dma_start3A_2091 : memref<80xi32, #tpu.memory_space<vmem>>) semaphore(%arg25 : memref<!tpu.dma_semaphore, #tpu.memory_space<semaphore_mem>>) {add = true}
      %get3A_2095 = arith.index_cast %add3A_2088 : i32 to index
      %get3A_2096 = arith.constant 0 : index
      %get3A_2097 = tpu.vector_load %arg7[%get3A_2095, %get3A_2096] {strides = array<i32>} : memref<250x80xi32, #tpu.memory_space<vmem>>, vector<16xi32>,
      tpu.vector_store_idx %arg8[%get3A_2097], %broadcast_in_dim3A_78 {add = true} : memref<5120xf32, #tpu.memory_space<vmem>>[vector<16xi32>], vector<16xf32>,
      %get3A_2098 = arith.index_cast %add3A_2088 : i32 to index
      %get3A_2099 = arith.constant 16 : index
      %get3A_2100 = tpu.vector_load %arg7[%get3A_2098, %get3A_2099] {strides = array<i32>} : memref<250x80xi32, #tpu.memory_space<vmem>>, vector<16xi32>,
      tpu.vector_store_idx %arg8[%get3A_2100], %broadcast_in_dim3A_78 {add = true} : memref<5120xf32, #tpu.memory_space<vmem>>[vector<16xi32>], vector<16xf32>,
      %get3A_2101 = arith.index_cast %add3A_2088 : i32 to index
      %get3A_2102 = arith.constant 32 : index
      %get3A_2103 = tpu.vector_load %arg7[%get3A_2101, %get3A_2102] {strides = array<i32>} : memref<250x80xi32, #tpu.memory_space<vmem>>, vector<16xi32>,
      tpu.vector_store_idx %arg8[%get3A_2103], %broadcast_in_dim3A_78 {add = true} : memref<5120xf32, #tpu.memory_space<vmem>>[vector<16xi32>], vector<16xf32>,
      %get3A_2104 = arith.index_cast %add3A_2088 : i32 to index
      %get3A_2105 = arith.constant 48 : index
      %get3A_2106 = tpu.vector_load %arg7[%get3A_2104, %get3A_2105] {strides = array<i32>} : memref<250x80xi32, #tpu.memory_space<vmem>>, vector<16xi32>,
      tpu.vector_store_idx %arg8[%get3A_2106], %broadcast_in_dim3A_78 {add = true} : memref<5120xf32, #tpu.memory_space<vmem>>[vector<16xi32>], vector<16xf32>,
      %get3A_2107 = arith.index_cast %add3A_2088 : i32 to index
      %get3A_2108 = arith.constant 64 : index
      %get3A_2109 = tpu.vector_load %arg7[%get3A_2107, %get3A_2108] {strides = array<i32>} : memref<250x80xi32, #tpu.memory_space<vmem>>, vector<16xi32>,
      tpu.vector_store_idx %arg8[%get3A_2109], %broadcast_in_dim3A_78 {add = true} : memref<5120xf32, #tpu.memory_space<vmem>>[vector<16xi32>], vector<16xf32>,
      %ge3A = arith.constant 1 : i32
      %ge3A_2110 = arith.cmpi sge, %scan3A_1950, %ge3A : i32
      %convert_element_type3A_2111 = arith.extui %ge3A_2110 : i1 to i32
      %cond3A_2112 = arith.constant 0 : i32
      %cond3A_2113 = arith.cmpi ne, %convert_element_type3A_2111, %cond3A_2112 : i32
      scf.if %cond3A_2113 {
        %dma_wait3A_2368 = arith.constant 0 : i32
        %dma_wait3A_2369 = arith.constant 0 : i32
        %dma_wait3A_2370 = tpu.memref_slice %arg2[%dma_wait3A_2368, %dma_wait3A_2369] : memref<20000x64xf32, #tpu.memory_space<hbm>> -> memref<80x64xf32, #tpu.memory_space<hbm>>
        %dma_wait3A_2371 = arith.constant 0 : i32
        %dma_wait3A_2372 = arith.constant 0 : i32
        %dma_wait3A_2373 = tpu.memref_slice %arg2[%dma_wait3A_2371, %dma_wait3A_2372] : memref<20000x64xf32, #tpu.memory_space<hbm>> -> memref<80x64xf32, #tpu.memory_space<hbm>>
        tpu.wait_dma2 semaphore(%arg26 : memref<!tpu.dma_semaphore, #tpu.memory_space<semaphore_mem>>) src(%dma_wait3A_2373 : memref<80x64xf32, #tpu.memory_space<hbm>>) dst(%arg16 : memref<80x64xf32, #tpu.memory_space<vmem>>)
        %dma_wait3A_2374 = arith.constant 0 : i32
        %dma_wait3A_2375 = arith.constant 0 : i32
        %dma_wait3A_2376 = tpu.memref_slice %arg2[%dma_wait3A_2374, %dma_wait3A_2375] : memref<20000x64xf32, #tpu.memory_space<hbm>> -> memref<80x64xf32, #tpu.memory_space<hbm>>
        %dma_wait3A_2377 = arith.constant 0 : i32
        %dma_wait3A_2378 = arith.constant 0 : i32
        %dma_wait3A_2379 = tpu.memref_slice %arg2[%dma_wait3A_2377, %dma_wait3A_2378] : memref<20000x64xf32, #tpu.memory_space<hbm>> -> memref<80x64xf32, #tpu.memory_space<hbm>>
        tpu.wait_dma2 semaphore(%arg26 : memref<!tpu.dma_semaphore, #tpu.memory_space<semaphore_mem>>) src(%dma_wait3A_2379 : memref<80x64xf32, #tpu.memory_space<hbm>>) dst(%arg17 : memref<80x64xf32, #tpu.memory_space<vmem>>)
        %dma_wait3A_2380 = arith.constant 0 : i32
        %dma_wait3A_2381 = arith.constant 0 : i32
        %dma_wait3A_2382 = tpu.memref_slice %arg2[%dma_wait3A_2380, %dma_wait3A_2381] : memref<20000x64xf32, #tpu.memory_space<hbm>> -> memref<80x64xf32, #tpu.memory_space<hbm>>
        %dma_wait3A_2383 = arith.constant 0 : i32
        %dma_wait3A_2384 = arith.constant 0 : i32
        %dma_wait3A_2385 = tpu.memref_slice %arg2[%dma_wait3A_2383, %dma_wait3A_2384] : memref<20000x64xf32, #tpu.memory_space<hbm>> -> memref<80x64xf32, #tpu.memory_space<hbm>>
        tpu.wait_dma2 semaphore(%arg26 : memref<!tpu.dma_semaphore, #tpu.memory_space<semaphore_mem>>) src(%dma_wait3A_2385 : memref<80x64xf32, #tpu.memory_space<hbm>>) dst(%arg18 : memref<80x64xf32, #tpu.memory_space<vmem>>)
        %dma_wait3A_2386 = arith.constant 0 : i32
        %dma_wait3A_2387 = arith.constant 0 : i32
        %dma_wait3A_2388 = tpu.memref_slice %arg2[%dma_wait3A_2386, %dma_wait3A_2387] : memref<20000x64xf32, #tpu.memory_space<hbm>> -> memref<80x64xf32, #tpu.memory_space<hbm>>
        %dma_wait3A_2389 = arith.constant 0 : i32
        %dma_wait3A_2390 = arith.constant 0 : i32
        %dma_wait3A_2391 = tpu.memref_slice %arg2[%dma_wait3A_2389, %dma_wait3A_2390] : memref<20000x64xf32, #tpu.memory_space<hbm>> -> memref<80x64xf32, #tpu.memory_space<hbm>>
        tpu.wait_dma2 semaphore(%arg26 : memref<!tpu.dma_semaphore, #tpu.memory_space<semaphore_mem>>) src(%dma_wait3A_2391 : memref<80x64xf32, #tpu.memory_space<hbm>>) dst(%arg19 : memref<80x64xf32, #tpu.memory_space<vmem>>)
        %dma_wait3A_2392 = arith.constant 0 : i32
        %dma_wait3A_2393 = arith.constant 0 : i32
        %dma_wait3A_2394 = tpu.memref_slice %arg2[%dma_wait3A_2392, %dma_wait3A_2393] : memref<20000x64xf32, #tpu.memory_space<hbm>> -> memref<80x64xf32, #tpu.memory_space<hbm>>
        %dma_wait3A_2395 = arith.constant 0 : i32
        %dma_wait3A_2396 = arith.constant 0 : i32
        %dma_wait3A_2397 = tpu.memref_slice %arg2[%dma_wait3A_2395, %dma_wait3A_2396] : memref<20000x64xf32, #tpu.memory_space<hbm>> -> memref<80x64xf32, #tpu.memory_space<hbm>>
        tpu.wait_dma2 semaphore(%arg26 : memref<!tpu.dma_semaphore, #tpu.memory_space<semaphore_mem>>) src(%dma_wait3A_2397 : memref<80x64xf32, #tpu.memory_space<hbm>>) dst(%arg20 : memref<80x64xf32, #tpu.memory_space<vmem>>)
      } else {
      }
      %add3A_2114 = arith.constant 1 : i32
      %add3A_2115 = arith.addi %add3A_1954, %add3A_2114 : i32
      %mul3A_2116 = arith.constant 5 : i32
      %mul3A_2117 = arith.muli %add3A_2115, %mul3A_2116 : i32
      %add3A_2118 = arith.constant 0 : i32
      %add3A_2119 = arith.addi %mul3A_2117, %add3A_2118 : i32
      %mul3A_2120 = arith.constant 80 : i32
      %mul3A_2121 = arith.muli %add3A_2119, %mul3A_2120 : i32
      %dma_start3A_2122 = tpu.memref_slice %arg6[%mul3A_2121] : memref<20000xi32, #tpu.memory_space<vmem>> -> memref<80xi32, #tpu.memory_space<vmem>>
      %dma_start3A_2123 = arith.constant 0 : i32
      %dma_start3A_2124 = arith.constant 0 : i32
      %dma_start3A_2125 = tpu.memref_slice %arg2[%dma_start3A_2123, %dma_start3A_2124] : memref<20000x64xf32, #tpu.memory_space<hbm>> -> memref<20000x64xf32, #tpu.memory_space<hbm>>
      tpu.enqueue_indirect_dma source(%dma_start3A_2125 : memref<20000x64xf32, #tpu.memory_space<hbm>>) target(%arg16 : memref<80x64xf32, #tpu.memory_space<vmem>>) offsets(%dma_start3A_2122 : memref<80xi32, #tpu.memory_space<vmem>>) semaphore(%arg24 : memref<!tpu.dma_semaphore, #tpu.memory_space<semaphore_mem>>)
      %add3A_2126 = arith.constant 1 : i32
      %add3A_2127 = arith.addi %add3A_1954, %add3A_2126 : i32
      %mul3A_2128 = arith.constant 5 : i32
      %mul3A_2129 = arith.muli %add3A_2127, %mul3A_2128 : i32
      %add3A_2130 = arith.constant 1 : i32
      %add3A_2131 = arith.addi %mul3A_2129, %add3A_2130 : i32
      %mul3A_2132 = arith.constant 80 : i32
      %mul3A_2133 = arith.muli %add3A_2131, %mul3A_2132 : i32
      %dma_start3A_2134 = tpu.memref_slice %arg6[%mul3A_2133] : memref<20000xi32, #tpu.memory_space<vmem>> -> memref<80xi32, #tpu.memory_space<vmem>>
      %dma_start3A_2135 = arith.constant 0 : i32
      %dma_start3A_2136 = arith.constant 0 : i32
      %dma_start3A_2137 = tpu.memref_slice %arg2[%dma_start3A_2135, %dma_start3A_2136] : memref<20000x64xf32, #tpu.memory_space<hbm>> -> memref<20000x64xf32, #tpu.memory_space<hbm>>
      tpu.enqueue_indirect_dma source(%dma_start3A_2137 : memref<20000x64xf32, #tpu.memory_space<hbm>>) target(%arg17 : memref<80x64xf32, #tpu.memory_space<vmem>>) offsets(%dma_start3A_2134 : memref<80xi32, #tpu.memory_space<vmem>>) semaphore(%arg24 : memref<!tpu.dma_semaphore, #tpu.memory_space<semaphore_mem>>)
      %add3A_2138 = arith.constant 1 : i32
      %add3A_2139 = arith.addi %add3A_1954, %add3A_2138 : i32
      %mul3A_2140 = arith.constant 5 : i32
      %mul3A_2141 = arith.muli %add3A_2139, %mul3A_2140 : i32
      %add3A_2142 = arith.constant 2 : i32
      %add3A_2143 = arith.addi %mul3A_2141, %add3A_2142 : i32
      %mul3A_2144 = arith.constant 80 : i32
      %mul3A_2145 = arith.muli %add3A_2143, %mul3A_2144 : i32
      %dma_start3A_2146 = tpu.memref_slice %arg6[%mul3A_2145] : memref<20000xi32, #tpu.memory_space<vmem>> -> memref<80xi32, #tpu.memory_space<vmem>>
      %dma_start3A_2147 = arith.constant 0 : i32
      %dma_start3A_2148 = arith.constant 0 : i32
      %dma_start3A_2149 = tpu.memref_slice %arg2[%dma_start3A_2147, %dma_start3A_2148] : memref<20000x64xf32, #tpu.memory_space<hbm>> -> memref<20000x64xf32, #tpu.memory_space<hbm>>
      tpu.enqueue_indirect_dma source(%dma_start3A_2149 : memref<20000x64xf32, #tpu.memory_space<hbm>>) target(%arg18 : memref<80x64xf32, #tpu.memory_space<vmem>>) offsets(%dma_start3A_2146 : memref<80xi32, #tpu.memory_space<vmem>>) semaphore(%arg24 : memref<!tpu.dma_semaphore, #tpu.memory_space<semaphore_mem>>)
      %add3A_2150 = arith.constant 1 : i32
      %add3A_2151 = arith.addi %add3A_1954, %add3A_2150 : i32
      %mul3A_2152 = arith.constant 5 : i32
      %mul3A_2153 = arith.muli %add3A_2151, %mul3A_2152 : i32
      %add3A_2154 = arith.constant 3 : i32
      %add3A_2155 = arith.addi %mul3A_2153, %add3A_2154 : i32
      %mul3A_2156 = arith.constant 80 : i32
      %mul3A_2157 = arith.muli %add3A_2155, %mul3A_2156 : i32
      %dma_start3A_2158 = tpu.memref_slice %arg6[%mul3A_2157] : memref<20000xi32, #tpu.memory_space<vmem>> -> memref<80xi32, #tpu.memory_space<vmem>>
      %dma_start3A_2159 = arith.constant 0 : i32
      %dma_start3A_2160 = arith.constant 0 : i32
      %dma_start3A_2161 = tpu.memref_slice %arg2[%dma_start3A_2159, %dma_start3A_2160] : memref<20000x64xf32, #tpu.memory_space<hbm>> -> memref<20000x64xf32, #tpu.memory_space<hbm>>
      tpu.enqueue_indirect_dma source(%dma_start3A_2161 : memref<20000x64xf32, #tpu.memory_space<hbm>>) target(%arg19 : memref<80x64xf32, #tpu.memory_space<vmem>>) offsets(%dma_start3A_2158 : memref<80xi32, #tpu.memory_space<vmem>>) semaphore(%arg24 : memref<!tpu.dma_semaphore, #tpu.memory_space<semaphore_mem>>)
      %add3A_2162 = arith.constant 1 : i32
      %add3A_2163 = arith.addi %add3A_1954, %add3A_2162 : i32
      %mul3A_2164 = arith.constant 5 : i32
      %mul3A_2165 = arith.muli %add3A_2163, %mul3A_2164 : i32
      %add3A_2166 = arith.constant 4 : i32
      %add3A_2167 = arith.addi %mul3A_2165, %add3A_2166 : i32
      %mul3A_2168 = arith.constant 80 : i32
      %mul3A_2169 = arith.muli %add3A_2167, %mul3A_2168 : i32
      %dma_start3A_2170 = tpu.memref_slice %arg6[%mul3A_2169] : memref<20000xi32, #tpu.memory_space<vmem>> -> memref<80xi32, #tpu.memory_space<vmem>>
      %dma_start3A_2171 = arith.constant 0 : i32
      %dma_start3A_2172 = arith.constant 0 : i32
      %dma_start3A_2173 = tpu.memref_slice %arg2[%dma_start3A_2171, %dma_start3A_2172] : memref<20000x64xf32, #tpu.memory_space<hbm>> -> memref<20000x64xf32, #tpu.memory_space<hbm>>
      tpu.enqueue_indirect_dma source(%dma_start3A_2173 : memref<20000x64xf32, #tpu.memory_space<hbm>>) target(%arg20 : memref<80x64xf32, #tpu.memory_space<vmem>>) offsets(%dma_start3A_2170 : memref<80xi32, #tpu.memory_space<vmem>>) semaphore(%arg24 : memref<!tpu.dma_semaphore, #tpu.memory_space<semaphore_mem>>)
      %mul3A_2174 = arith.constant 2 : i32
      %mul3A_2175 = arith.muli %mul3A_2174, %scan3A_1950 : i32
      %add3A_2176 = arith.constant 1 : i32
      %add3A_2177 = arith.addi %mul3A_2175, %add3A_2176 : i32
      %dma_wait3A_2178 = arith.constant 0 : i32
      %dma_wait3A_2179 = arith.constant 0 : i32
      %dma_wait3A_2180 = tpu.memref_slice %arg2[%dma_wait3A_2178, %dma_wait3A_2179] : memref<20000x64xf32, #tpu.memory_space<hbm>> -> memref<80x64xf32, #tpu.memory_space<hbm>>
      %dma_wait3A_2181 = arith.constant 0 : i32
      %dma_wait3A_2182 = arith.constant 0 : i32
      %dma_wait3A_2183 = tpu.memref_slice %arg2[%dma_wait3A_2181, %dma_wait3A_2182] : memref<20000x64xf32, #tpu.memory_space<hbm>> -> memref<80x64xf32, #tpu.memory_space<hbm>>
      tpu.wait_dma2 semaphore(%arg24 : memref<!tpu.dma_semaphore, #tpu.memory_space<semaphore_mem>>) src(%dma_wait3A_2183 : memref<80x64xf32, #tpu.memory_space<hbm>>) dst(%arg16 : memref<80x64xf32, #tpu.memory_space<vmem>>)
      %dma_wait3A_2184 = arith.constant 0 : i32
      %dma_wait3A_2185 = arith.constant 0 : i32
      %dma_wait3A_2186 = tpu.memref_slice %arg2[%dma_wait3A_2184, %dma_wait3A_2185] : memref<20000x64xf32, #tpu.memory_space<hbm>> -> memref<80x64xf32, #tpu.memory_space<hbm>>
      %dma_wait3A_2187 = arith.constant 0 : i32
      %dma_wait3A_2188 = arith.constant 0 : i32
      %dma_wait3A_2189 = tpu.memref_slice %arg2[%dma_wait3A_2187, %dma_wait3A_2188] : memref<20000x64xf32, #tpu.memory_space<hbm>> -> memref<80x64xf32, #tpu.memory_space<hbm>>
      tpu.wait_dma2 semaphore(%arg24 : memref<!tpu.dma_semaphore, #tpu.memory_space<semaphore_mem>>) src(%dma_wait3A_2189 : memref<80x64xf32, #tpu.memory_space<hbm>>) dst(%arg17 : memref<80x64xf32, #tpu.memory_space<vmem>>)
      %dma_wait3A_2190 = arith.constant 0 : i32
      %dma_wait3A_2191 = arith.constant 0 : i32
      %dma_wait3A_2192 = tpu.memref_slice %arg2[%dma_wait3A_2190, %dma_wait3A_2191] : memref<20000x64xf32, #tpu.memory_space<hbm>> -> memref<80x64xf32, #tpu.memory_space<hbm>>
      %dma_wait3A_2193 = arith.constant 0 : i32
      %dma_wait3A_2194 = arith.constant 0 : i32
      %dma_wait3A_2195 = tpu.memref_slice %arg2[%dma_wait3A_2193, %dma_wait3A_2194] : memref<20000x64xf32, #tpu.memory_space<hbm>> -> memref<80x64xf32, #tpu.memory_space<hbm>>
      tpu.wait_dma2 semaphore(%arg24 : memref<!tpu.dma_semaphore, #tpu.memory_space<semaphore_mem>>) src(%dma_wait3A_2195 : memref<80x64xf32, #tpu.memory_space<hbm>>) dst(%arg18 : memref<80x64xf32, #tpu.memory_space<vmem>>)
      %dma_wait3A_2196 = arith.constant 0 : i32
      %dma_wait3A_2197 = arith.constant 0 : i32
      %dma_wait3A_2198 = tpu.memref_slice %arg2[%dma_wait3A_2196, %dma_wait3A_2197] : memref<20000x64xf32, #tpu.memory_space<hbm>> -> memref<80x64xf32, #tpu.memory_space<hbm>>
      %dma_wait3A_2199 = arith.constant 0 : i32
      %dma_wait3A_2200 = arith.constant 0 : i32
      %dma_wait3A_2201 = tpu.memref_slice %arg2[%dma_wait3A_2199, %dma_wait3A_2200] : memref<20000x64xf32, #tpu.memory_space<hbm>> -> memref<80x64xf32, #tpu.memory_space<hbm>>
      tpu.wait_dma2 semaphore(%arg24 : memref<!tpu.dma_semaphore, #tpu.memory_space<semaphore_mem>>) src(%dma_wait3A_2201 : memref<80x64xf32, #tpu.memory_space<hbm>>) dst(%arg19 : memref<80x64xf32, #tpu.memory_space<vmem>>)
      %dma_wait3A_2202 = arith.constant 0 : i32
      %dma_wait3A_2203 = arith.constant 0 : i32
      %dma_wait3A_2204 = tpu.memref_slice %arg2[%dma_wait3A_2202, %dma_wait3A_2203] : memref<20000x64xf32, #tpu.memory_space<hbm>> -> memref<80x64xf32, #tpu.memory_space<hbm>>
      %dma_wait3A_2205 = arith.constant 0 : i32
      %dma_wait3A_2206 = arith.constant 0 : i32
      %dma_wait3A_2207 = tpu.memref_slice %arg2[%dma_wait3A_2205, %dma_wait3A_2206] : memref<20000x64xf32, #tpu.memory_space<hbm>> -> memref<80x64xf32, #tpu.memory_space<hbm>>
      tpu.wait_dma2 semaphore(%arg24 : memref<!tpu.dma_semaphore, #tpu.memory_space<semaphore_mem>>) src(%dma_wait3A_2207 : memref<80x64xf32, #tpu.memory_space<hbm>>) dst(%arg20 : memref<80x64xf32, #tpu.memory_space<vmem>>)
      %mul3A_2208 = arith.constant 5 : i32
      %mul3A_2209 = arith.muli %add3A_2177, %mul3A_2208 : i32
      %add3A_2210 = arith.constant 0 : i32
      %add3A_2211 = arith.addi %mul3A_2209, %add3A_2210 : i32
      %dma_start3A_2212 = arith.constant 0 : i32
      %dma_start3A_2213 = tpu.memref_slice %arg7[%add3A_2211, %dma_start3A_2212] : memref<250x80xi32, #tpu.memory_space<vmem>> -> memref<1x80xi32, #tpu.memory_space<vmem>>
      %dma_start3A_2214 = tpu.memref_squeeze %dma_start3A_2213 : memref<1x80xi32, #tpu.memory_space<vmem>> -> memref<80xi32, #tpu.memory_space<vmem>>
      %dma_start3A_2215 = arith.constant 0 : i32
      %dma_start3A_2216 = arith.constant 0 : i32
      %dma_start3A_2217 = tpu.memref_slice %arg21[%dma_start3A_2215, %dma_start3A_2216] : memref<5120x64xf32, #tpu.memory_space<vmem_shared>> -> memref<5120x64xf32, #tpu.memory_space<vmem_shared>>
      tpu.enqueue_indirect_dma source(%arg16 : memref<80x64xf32, #tpu.memory_space<vmem>>) target(%dma_start3A_2217 : memref<5120x64xf32, #tpu.memory_space<vmem_shared>>) offsets(%dma_start3A_2214 : memref<80xi32, #tpu.memory_space<vmem>>) semaphore(%arg26 : memref<!tpu.dma_semaphore, #tpu.memory_space<semaphore_mem>>) {add = true}
      %get3A_2218 = arith.index_cast %add3A_2211 : i32 to index
      %get3A_2219 = arith.constant 0 : index
      %get3A_2220 = tpu.vector_load %arg7[%get3A_2218, %get3A_2219] {strides = array<i32>} : memref<250x80xi32, #tpu.memory_space<vmem>>, vector<16xi32>,
      tpu.vector_store_idx %arg8[%get3A_2220], %broadcast_in_dim3A_78 {add = true} : memref<5120xf32, #tpu.memory_space<vmem>>[vector<16xi32>], vector<16xf32>,
      %get3A_2221 = arith.index_cast %add3A_2211 : i32 to index
      %get3A_2222 = arith.constant 16 : index
      %get3A_2223 = tpu.vector_load %arg7[%get3A_2221, %get3A_2222] {strides = array<i32>} : memref<250x80xi32, #tpu.memory_space<vmem>>, vector<16xi32>,
      tpu.vector_store_idx %arg8[%get3A_2223], %broadcast_in_dim3A_78 {add = true} : memref<5120xf32, #tpu.memory_space<vmem>>[vector<16xi32>], vector<16xf32>,
      %get3A_2224 = arith.index_cast %add3A_2211 : i32 to index
      %get3A_2225 = arith.constant 32 : index
      %get3A_2226 = tpu.vector_load %arg7[%get3A_2224, %get3A_2225] {strides = array<i32>} : memref<250x80xi32, #tpu.memory_space<vmem>>, vector<16xi32>,
      tpu.vector_store_idx %arg8[%get3A_2226], %broadcast_in_dim3A_78 {add = true} : memref<5120xf32, #tpu.memory_space<vmem>>[vector<16xi32>], vector<16xf32>,
      %get3A_2227 = arith.index_cast %add3A_2211 : i32 to index
      %get3A_2228 = arith.constant 48 : index
      %get3A_2229 = tpu.vector_load %arg7[%get3A_2227, %get3A_2228] {strides = array<i32>} : memref<250x80xi32, #tpu.memory_space<vmem>>, vector<16xi32>,
      tpu.vector_store_idx %arg8[%get3A_2229], %broadcast_in_dim3A_78 {add = true} : memref<5120xf32, #tpu.memory_space<vmem>>[vector<16xi32>], vector<16xf32>,
      %get3A_2230 = arith.index_cast %add3A_2211 : i32 to index
      %get3A_2231 = arith.constant 64 : index
      %get3A_2232 = tpu.vector_load %arg7[%get3A_2230, %get3A_2231] {strides = array<i32>} : memref<250x80xi32, #tpu.memory_space<vmem>>, vector<16xi32>,
      tpu.vector_store_idx %arg8[%get3A_2232], %broadcast_in_dim3A_78 {add = true} : memref<5120xf32, #tpu.memory_space<vmem>>[vector<16xi32>], vector<16xf32>,
      %mul3A_2233 = arith.constant 5 : i32
      %mul3A_2234 = arith.muli %add3A_2177, %mul3A_2233 : i32
      %add3A_2235 = arith.constant 1 : i32
      %add3A_2236 = arith.addi %mul3A_2234, %add3A_2235 : i32
      %dma_start3A_2237 = arith.constant 0 : i32
      %dma_start3A_2238 = tpu.memref_slice %arg7[%add3A_2236, %dma_start3A_2237] : memref<250x80xi32, #tpu.memory_space<vmem>> -> memref<1x80xi32, #tpu.memory_space<vmem>>
      %dma_start3A_2239 = tpu.memref_squeeze %dma_start3A_2238 : memref<1x80xi32, #tpu.memory_space<vmem>> -> memref<80xi32, #tpu.memory_space<vmem>>
      %dma_start3A_2240 = arith.constant 0 : i32
      %dma_start3A_2241 = arith.constant 0 : i32
      %dma_start3A_2242 = tpu.memref_slice %arg21[%dma_start3A_2240, %dma_start3A_2241] : memref<5120x64xf32, #tpu.memory_space<vmem_shared>> -> memref<5120x64xf32, #tpu.memory_space<vmem_shared>>
      tpu.enqueue_indirect_dma source(%arg17 : memref<80x64xf32, #tpu.memory_space<vmem>>) target(%dma_start3A_2242 : memref<5120x64xf32, #tpu.memory_space<vmem_shared>>) offsets(%dma_start3A_2239 : memref<80xi32, #tpu.memory_space<vmem>>) semaphore(%arg26 : memref<!tpu.dma_semaphore, #tpu.memory_space<semaphore_mem>>) {add = true}
      %get3A_2243 = arith.index_cast %add3A_2236 : i32 to index
      %get3A_2244 = arith.constant 0 : index
      %get3A_2245 = tpu.vector_load %arg7[%get3A_2243, %get3A_2244] {strides = array<i32>} : memref<250x80xi32, #tpu.memory_space<vmem>>, vector<16xi32>,
      tpu.vector_store_idx %arg8[%get3A_2245], %broadcast_in_dim3A_78 {add = true} : memref<5120xf32, #tpu.memory_space<vmem>>[vector<16xi32>], vector<16xf32>,
      %get3A_2246 = arith.index_cast %add3A_2236 : i32 to index
      %get3A_2247 = arith.constant 16 : index
      %get3A_2248 = tpu.vector_load %arg7[%get3A_2246, %get3A_2247] {strides = array<i32>} : memref<250x80xi32, #tpu.memory_space<vmem>>, vector<16xi32>,
      tpu.vector_store_idx %arg8[%get3A_2248], %broadcast_in_dim3A_78 {add = true} : memref<5120xf32, #tpu.memory_space<vmem>>[vector<16xi32>], vector<16xf32>,
      %get3A_2249 = arith.index_cast %add3A_2236 : i32 to index
      %get3A_2250 = arith.constant 32 : index
      %get3A_2251 = tpu.vector_load %arg7[%get3A_2249, %get3A_2250] {strides = array<i32>} : memref<250x80xi32, #tpu.memory_space<vmem>>, vector<16xi32>,
      tpu.vector_store_idx %arg8[%get3A_2251], %broadcast_in_dim3A_78 {add = true} : memref<5120xf32, #tpu.memory_space<vmem>>[vector<16xi32>], vector<16xf32>,
      %get3A_2252 = arith.index_cast %add3A_2236 : i32 to index
      %get3A_2253 = arith.constant 48 : index
      %get3A_2254 = tpu.vector_load %arg7[%get3A_2252, %get3A_2253] {strides = array<i32>} : memref<250x80xi32, #tpu.memory_space<vmem>>, vector<16xi32>,
      tpu.vector_store_idx %arg8[%get3A_2254], %broadcast_in_dim3A_78 {add = true} : memref<5120xf32, #tpu.memory_space<vmem>>[vector<16xi32>], vector<16xf32>,
      %get3A_2255 = arith.index_cast %add3A_2236 : i32 to index
      %get3A_2256 = arith.constant 64 : index
      %get3A_2257 = tpu.vector_load %arg7[%get3A_2255, %get3A_2256] {strides = array<i32>} : memref<250x80xi32, #tpu.memory_space<vmem>>, vector<16xi32>,
      tpu.vector_store_idx %arg8[%get3A_2257], %broadcast_in_dim3A_78 {add = true} : memref<5120xf32, #tpu.memory_space<vmem>>[vector<16xi32>], vector<16xf32>,
      %mul3A_2258 = arith.constant 5 : i32
      %mul3A_2259 = arith.muli %add3A_2177, %mul3A_2258 : i32
      %add3A_2260 = arith.constant 2 : i32
      %add3A_2261 = arith.addi %mul3A_2259, %add3A_2260 : i32
      %dma_start3A_2262 = arith.constant 0 : i32
      %dma_start3A_2263 = tpu.memref_slice %arg7[%add3A_2261, %dma_start3A_2262] : memref<250x80xi32, #tpu.memory_space<vmem>> -> memref<1x80xi32, #tpu.memory_space<vmem>>
      %dma_start3A_2264 = tpu.memref_squeeze %dma_start3A_2263 : memref<1x80xi32, #tpu.memory_space<vmem>> -> memref<80xi32, #tpu.memory_space<vmem>>
      %dma_start3A_2265 = arith.constant 0 : i32
      %dma_start3A_2266 = arith.constant 0 : i32
      %dma_start3A_2267 = tpu.memref_slice %arg21[%dma_start3A_2265, %dma_start3A_2266] : memref<5120x64xf32, #tpu.memory_space<vmem_shared>> -> memref<5120x64xf32, #tpu.memory_space<vmem_shared>>
      tpu.enqueue_indirect_dma source(%arg18 : memref<80x64xf32, #tpu.memory_space<vmem>>) target(%dma_start3A_2267 : memref<5120x64xf32, #tpu.memory_space<vmem_shared>>) offsets(%dma_start3A_2264 : memref<80xi32, #tpu.memory_space<vmem>>) semaphore(%arg26 : memref<!tpu.dma_semaphore, #tpu.memory_space<semaphore_mem>>) {add = true}
      %get3A_2268 = arith.index_cast %add3A_2261 : i32 to index
      %get3A_2269 = arith.constant 0 : index
      %get3A_2270 = tpu.vector_load %arg7[%get3A_2268, %get3A_2269] {strides = array<i32>} : memref<250x80xi32, #tpu.memory_space<vmem>>, vector<16xi32>,
      tpu.vector_store_idx %arg8[%get3A_2270], %broadcast_in_dim3A_78 {add = true} : memref<5120xf32, #tpu.memory_space<vmem>>[vector<16xi32>], vector<16xf32>,
      %get3A_2271 = arith.index_cast %add3A_2261 : i32 to index
      %get3A_2272 = arith.constant 16 : index
      %get3A_2273 = tpu.vector_load %arg7[%get3A_2271, %get3A_2272] {strides = array<i32>} : memref<250x80xi32, #tpu.memory_space<vmem>>, vector<16xi32>,
      tpu.vector_store_idx %arg8[%get3A_2273], %broadcast_in_dim3A_78 {add = true} : memref<5120xf32, #tpu.memory_space<vmem>>[vector<16xi32>], vector<16xf32>,
      %get3A_2274 = arith.index_cast %add3A_2261 : i32 to index
      %get3A_2275 = arith.constant 32 : index
      %get3A_2276 = tpu.vector_load %arg7[%get3A_2274, %get3A_2275] {strides = array<i32>} : memref<250x80xi32, #tpu.memory_space<vmem>>, vector<16xi32>,
      tpu.vector_store_idx %arg8[%get3A_2276], %broadcast_in_dim3A_78 {add = true} : memref<5120xf32, #tpu.memory_space<vmem>>[vector<16xi32>], vector<16xf32>,
      %get3A_2277 = arith.index_cast %add3A_2261 : i32 to index
      %get3A_2278 = arith.constant 48 : index
      %get3A_2279 = tpu.vector_load %arg7[%get3A_2277, %get3A_2278] {strides = array<i32>} : memref<250x80xi32, #tpu.memory_space<vmem>>, vector<16xi32>,
      tpu.vector_store_idx %arg8[%get3A_2279], %broadcast_in_dim3A_78 {add = true} : memref<5120xf32, #tpu.memory_space<vmem>>[vector<16xi32>], vector<16xf32>,
      %get3A_2280 = arith.index_cast %add3A_2261 : i32 to index
      %get3A_2281 = arith.constant 64 : index
      %get3A_2282 = tpu.vector_load %arg7[%get3A_2280, %get3A_2281] {strides = array<i32>} : memref<250x80xi32, #tpu.memory_space<vmem>>, vector<16xi32>,
      tpu.vector_store_idx %arg8[%get3A_2282], %broadcast_in_dim3A_78 {add = true} : memref<5120xf32, #tpu.memory_space<vmem>>[vector<16xi32>], vector<16xf32>,
      %mul3A_2283 = arith.constant 5 : i32
      %mul3A_2284 = arith.muli %add3A_2177, %mul3A_2283 : i32
      %add3A_2285 = arith.constant 3 : i32
      %add3A_2286 = arith.addi %mul3A_2284, %add3A_2285 : i32
      %dma_start3A_2287 = arith.constant 0 : i32
      %dma_start3A_2288 = tpu.memref_slice %arg7[%add3A_2286, %dma_start3A_2287] : memref<250x80xi32, #tpu.memory_space<vmem>> -> memref<1x80xi32, #tpu.memory_space<vmem>>
      %dma_start3A_2289 = tpu.memref_squeeze %dma_start3A_2288 : memref<1x80xi32, #tpu.memory_space<vmem>> -> memref<80xi32, #tpu.memory_space<vmem>>
      %dma_start3A_2290 = arith.constant 0 : i32
      %dma_start3A_2291 = arith.constant 0 : i32
      %dma_start3A_2292 = tpu.memref_slice %arg21[%dma_start3A_2290, %dma_start3A_2291] : memref<5120x64xf32, #tpu.memory_space<vmem_shared>> -> memref<5120x64xf32, #tpu.memory_space<vmem_shared>>
      tpu.enqueue_indirect_dma source(%arg19 : memref<80x64xf32, #tpu.memory_space<vmem>>) target(%dma_start3A_2292 : memref<5120x64xf32, #tpu.memory_space<vmem_shared>>) offsets(%dma_start3A_2289 : memref<80xi32, #tpu.memory_space<vmem>>) semaphore(%arg26 : memref<!tpu.dma_semaphore, #tpu.memory_space<semaphore_mem>>) {add = true}
      %get3A_2293 = arith.index_cast %add3A_2286 : i32 to index
      %get3A_2294 = arith.constant 0 : index
      %get3A_2295 = tpu.vector_load %arg7[%get3A_2293, %get3A_2294] {strides = array<i32>} : memref<250x80xi32, #tpu.memory_space<vmem>>, vector<16xi32>,
      tpu.vector_store_idx %arg8[%get3A_2295], %broadcast_in_dim3A_78 {add = true} : memref<5120xf32, #tpu.memory_space<vmem>>[vector<16xi32>], vector<16xf32>,
      %get3A_2296 = arith.index_cast %add3A_2286 : i32 to index
      %get3A_2297 = arith.constant 16 : index
      %get3A_2298 = tpu.vector_load %arg7[%get3A_2296, %get3A_2297] {strides = array<i32>} : memref<250x80xi32, #tpu.memory_space<vmem>>, vector<16xi32>,
      tpu.vector_store_idx %arg8[%get3A_2298], %broadcast_in_dim3A_78 {add = true} : memref<5120xf32, #tpu.memory_space<vmem>>[vector<16xi32>], vector<16xf32>,
      %get3A_2299 = arith.index_cast %add3A_2286 : i32 to index
      %get3A_2300 = arith.constant 32 : index
      %get3A_2301 = tpu.vector_load %arg7[%get3A_2299, %get3A_2300] {strides = array<i32>} : memref<250x80xi32, #tpu.memory_space<vmem>>, vector<16xi32>,
      tpu.vector_store_idx %arg8[%get3A_2301], %broadcast_in_dim3A_78 {add = true} : memref<5120xf32, #tpu.memory_space<vmem>>[vector<16xi32>], vector<16xf32>,
      %get3A_2302 = arith.index_cast %add3A_2286 : i32 to index
      %get3A_2303 = arith.constant 48 : index
      %get3A_2304 = tpu.vector_load %arg7[%get3A_2302, %get3A_2303] {strides = array<i32>} : memref<250x80xi32, #tpu.memory_space<vmem>>, vector<16xi32>,
      tpu.vector_store_idx %arg8[%get3A_2304], %broadcast_in_dim3A_78 {add = true} : memref<5120xf32, #tpu.memory_space<vmem>>[vector<16xi32>], vector<16xf32>,
      %get3A_2305 = arith.index_cast %add3A_2286 : i32 to index
      %get3A_2306 = arith.constant 64 : index
      %get3A_2307 = tpu.vector_load %arg7[%get3A_2305, %get3A_2306] {strides = array<i32>} : memref<250x80xi32, #tpu.memory_space<vmem>>, vector<16xi32>,
      tpu.vector_store_idx %arg8[%get3A_2307], %broadcast_in_dim3A_78 {add = true} : memref<5120xf32, #tpu.memory_space<vmem>>[vector<16xi32>], vector<16xf32>,
      %mul3A_2308 = arith.constant 5 : i32
      %mul3A_2309 = arith.muli %add3A_2177, %mul3A_2308 : i32
      %add3A_2310 = arith.constant 4 : i32
      %add3A_2311 = arith.addi %mul3A_2309, %add3A_2310 : i32
      %dma_start3A_2312 = arith.constant 0 : i32
      %dma_start3A_2313 = tpu.memref_slice %arg7[%add3A_2311, %dma_start3A_2312] : memref<250x80xi32, #tpu.memory_space<vmem>> -> memref<1x80xi32, #tpu.memory_space<vmem>>
      %dma_start3A_2314 = tpu.memref_squeeze %dma_start3A_2313 : memref<1x80xi32, #tpu.memory_space<vmem>> -> memref<80xi32, #tpu.memory_space<vmem>>
      %dma_start3A_2315 = arith.constant 0 : i32
      %dma_start3A_2316 = arith.constant 0 : i32
      %dma_start3A_2317 = tpu.memref_slice %arg21[%dma_start3A_2315, %dma_start3A_2316] : memref<5120x64xf32, #tpu.memory_space<vmem_shared>> -> memref<5120x64xf32, #tpu.memory_space<vmem_shared>>
      tpu.enqueue_indirect_dma source(%arg20 : memref<80x64xf32, #tpu.memory_space<vmem>>) target(%dma_start3A_2317 : memref<5120x64xf32, #tpu.memory_space<vmem_shared>>) offsets(%dma_start3A_2314 : memref<80xi32, #tpu.memory_space<vmem>>) semaphore(%arg26 : memref<!tpu.dma_semaphore, #tpu.memory_space<semaphore_mem>>) {add = true}
      %get3A_2318 = arith.index_cast %add3A_2311 : i32 to index
      %get3A_2319 = arith.constant 0 : index
      %get3A_2320 = tpu.vector_load %arg7[%get3A_2318, %get3A_2319] {strides = array<i32>} : memref<250x80xi32, #tpu.memory_space<vmem>>, vector<16xi32>,
      tpu.vector_store_idx %arg8[%get3A_2320], %broadcast_in_dim3A_78 {add = true} : memref<5120xf32, #tpu.memory_space<vmem>>[vector<16xi32>], vector<16xf32>,
      %get3A_2321 = arith.index_cast %add3A_2311 : i32 to index
      %get3A_2322 = arith.constant 16 : index
      %get3A_2323 = tpu.vector_load %arg7[%get3A_2321, %get3A_2322] {strides = array<i32>} : memref<250x80xi32, #tpu.memory_space<vmem>>, vector<16xi32>,
      tpu.vector_store_idx %arg8[%get3A_2323], %broadcast_in_dim3A_78 {add = true} : memref<5120xf32, #tpu.memory_space<vmem>>[vector<16xi32>], vector<16xf32>,
      %get3A_2324 = arith.index_cast %add3A_2311 : i32 to index
      %get3A_2325 = arith.constant 32 : index
      %get3A_2326 = tpu.vector_load %arg7[%get3A_2324, %get3A_2325] {strides = array<i32>} : memref<250x80xi32, #tpu.memory_space<vmem>>, vector<16xi32>,
      tpu.vector_store_idx %arg8[%get3A_2326], %broadcast_in_dim3A_78 {add = true} : memref<5120xf32, #tpu.memory_space<vmem>>[vector<16xi32>], vector<16xf32>,
      %get3A_2327 = arith.index_cast %add3A_2311 : i32 to index
      %get3A_2328 = arith.constant 48 : index
      %get3A_2329 = tpu.vector_load %arg7[%get3A_2327, %get3A_2328] {strides = array<i32>} : memref<250x80xi32, #tpu.memory_space<vmem>>, vector<16xi32>,
      tpu.vector_store_idx %arg8[%get3A_2329], %broadcast_in_dim3A_78 {add = true} : memref<5120xf32, #tpu.memory_space<vmem>>[vector<16xi32>], vector<16xf32>,
      %get3A_2330 = arith.index_cast %add3A_2311 : i32 to index
      %get3A_2331 = arith.constant 64 : index
      %get3A_2332 = tpu.vector_load %arg7[%get3A_2330, %get3A_2331] {strides = array<i32>} : memref<250x80xi32, #tpu.memory_space<vmem>>, vector<16xi32>,
      tpu.vector_store_idx %arg8[%get3A_2332], %broadcast_in_dim3A_78 {add = true} : memref<5120xf32, #tpu.memory_space<vmem>>[vector<16xi32>], vector<16xf32>,
      %dma_wait3A_2333 = arith.constant 0 : i32
      %dma_wait3A_2334 = arith.constant 0 : i32
      %dma_wait3A_2335 = tpu.memref_slice %arg2[%dma_wait3A_2333, %dma_wait3A_2334] : memref<20000x64xf32, #tpu.memory_space<hbm>> -> memref<80x64xf32, #tpu.memory_space<hbm>>
      %dma_wait3A_2336 = arith.constant 0 : i32
      %dma_wait3A_2337 = arith.constant 0 : i32
      %dma_wait3A_2338 = tpu.memref_slice %arg2[%dma_wait3A_2336, %dma_wait3A_2337] : memref<20000x64xf32, #tpu.memory_space<hbm>> -> memref<80x64xf32, #tpu.memory_space<hbm>>
      tpu.wait_dma2 semaphore(%arg25 : memref<!tpu.dma_semaphore, #tpu.memory_space<semaphore_mem>>) src(%dma_wait3A_2338 : memref<80x64xf32, #tpu.memory_space<hbm>>) dst(%arg11 : memref<80x64xf32, #tpu.memory_space<vmem>>)
      %dma_wait3A_2339 = arith.constant 0 : i32
      %dma_wait3A_2340 = arith.constant 0 : i32
      %dma_wait3A_2341 = tpu.memref_slice %arg2[%dma_wait3A_2339, %dma_wait3A_2340] : memref<20000x64xf32, #tpu.memory_space<hbm>> -> memref<80x64xf32, #tpu.memory_space<hbm>>
      %dma_wait3A_2342 = arith.constant 0 : i32
      %dma_wait3A_2343 = arith.constant 0 : i32
      %dma_wait3A_2344 = tpu.memref_slice %arg2[%dma_wait3A_2342, %dma_wait3A_2343] : memref<20000x64xf32, #tpu.memory_space<hbm>> -> memref<80x64xf32, #tpu.memory_space<hbm>>
      tpu.wait_dma2 semaphore(%arg25 : memref<!tpu.dma_semaphore, #tpu.memory_space<semaphore_mem>>) src(%dma_wait3A_2344 : memref<80x64xf32, #tpu.memory_space<hbm>>) dst(%arg12 : memref<80x64xf32, #tpu.memory_space<vmem>>)
      %dma_wait3A_2345 = arith.constant 0 : i32
      %dma_wait3A_2346 = arith.constant 0 : i32
      %dma_wait3A_2347 = tpu.memref_slice %arg2[%dma_wait3A_2345, %dma_wait3A_2346] : memref<20000x64xf32, #tpu.memory_space<hbm>> -> memref<80x64xf32, #tpu.memory_space<hbm>>
      %dma_wait3A_2348 = arith.constant 0 : i32
      %dma_wait3A_2349 = arith.constant 0 : i32
      %dma_wait3A_2350 = tpu.memref_slice %arg2[%dma_wait3A_2348, %dma_wait3A_2349] : memref<20000x64xf32, #tpu.memory_space<hbm>> -> memref<80x64xf32, #tpu.memory_space<hbm>>
      tpu.wait_dma2 semaphore(%arg25 : memref<!tpu.dma_semaphore, #tpu.memory_space<semaphore_mem>>) src(%dma_wait3A_2350 : memref<80x64xf32, #tpu.memory_space<hbm>>) dst(%arg13 : memref<80x64xf32, #tpu.memory_space<vmem>>)
      %dma_wait3A_2351 = arith.constant 0 : i32
      %dma_wait3A_2352 = arith.constant 0 : i32
      %dma_wait3A_2353 = tpu.memref_slice %arg2[%dma_wait3A_2351, %dma_wait3A_2352] : memref<20000x64xf32, #tpu.memory_space<hbm>> -> memref<80x64xf32, #tpu.memory_space<hbm>>
      %dma_wait3A_2354 = arith.constant 0 : i32
      %dma_wait3A_2355 = arith.constant 0 : i32
      %dma_wait3A_2356 = tpu.memref_slice %arg2[%dma_wait3A_2354, %dma_wait3A_2355] : memref<20000x64xf32, #tpu.memory_space<hbm>> -> memref<80x64xf32, #tpu.memory_space<hbm>>
      tpu.wait_dma2 semaphore(%arg25 : memref<!tpu.dma_semaphore, #tpu.memory_space<semaphore_mem>>) src(%dma_wait3A_2356 : memref<80x64xf32, #tpu.memory_space<hbm>>) dst(%arg14 : memref<80x64xf32, #tpu.memory_space<vmem>>)
      %dma_wait3A_2357 = arith.constant 0 : i32
      %dma_wait3A_2358 = arith.constant 0 : i32
      %dma_wait3A_2359 = tpu.memref_slice %arg2[%dma_wait3A_2357, %dma_wait3A_2358] : memref<20000x64xf32, #tpu.memory_space<hbm>> -> memref<80x64xf32, #tpu.memory_space<hbm>>
      %dma_wait3A_2360 = arith.constant 0 : i32
      %dma_wait3A_2361 = arith.constant 0 : i32
      %dma_wait3A_2362 = tpu.memref_slice %arg2[%dma_wait3A_2360, %dma_wait3A_2361] : memref<20000x64xf32, #tpu.memory_space<hbm>> -> memref<80x64xf32, #tpu.memory_space<hbm>>
      tpu.wait_dma2 semaphore(%arg25 : memref<!tpu.dma_semaphore, #tpu.memory_space<semaphore_mem>>) src(%dma_wait3A_2362 : memref<80x64xf32, #tpu.memory_space<hbm>>) dst(%arg15 : memref<80x64xf32, #tpu.memory_space<vmem>>)
      %lt3A_2363 = arith.constant 24 : i32
      %lt3A_2364 = arith.cmpi slt, %scan3A_1950, %lt3A_2363 : i32
      %convert_element_type3A_2365 = arith.extui %lt3A_2364 : i1 to i32
      %cond3A_2366 = arith.constant 0 : i32
      %cond3A_2367 = arith.cmpi ne, %convert_element_type3A_2365, %cond3A_2366 : i32
      scf.if %cond3A_2367 {
        %add3A_2368 = arith.constant 1 : i32
        %add3A_2369 = arith.addi %add3A_2177, %add3A_2368 : i32
        %mul3A_2370 = arith.constant 5 : i32
        %mul3A_2371 = arith.muli %add3A_2369, %mul3A_2370 : i32
        %add3A_2372 = arith.constant 0 : i32
        %add3A_2373 = arith.addi %mul3A_2371, %add3A_2372 : i32
        %mul3A_2374 = arith.constant 80 : i32
        %mul3A_2375 = arith.muli %add3A_2373, %mul3A_2374 : i32
        %dma_start3A_2376 = tpu.memref_slice %arg6[%mul3A_2375] : memref<20000xi32, #tpu.memory_space<vmem>> -> memref<80xi32, #tpu.memory_space<vmem>>
        %dma_start3A_2377 = arith.constant 0 : i32
        %dma_start3A_2378 = arith.constant 0 : i32
        %dma_start3A_2379 = tpu.memref_slice %arg2[%dma_start3A_2377, %dma_start3A_2378] : memref<20000x64xf32, #tpu.memory_space<hbm>> -> memref<20000x64xf32, #tpu.memory_space<hbm>>
        tpu.enqueue_indirect_dma source(%dma_start3A_2379 : memref<20000x64xf32, #tpu.memory_space<hbm>>) target(%arg11 : memref<80x64xf32, #tpu.memory_space<vmem>>) offsets(%dma_start3A_2376 : memref<80xi32, #tpu.memory_space<vmem>>) semaphore(%arg23 : memref<!tpu.dma_semaphore, #tpu.memory_space<semaphore_mem>>)
        %add3A_2380 = arith.constant 1 : i32
        %add3A_2381 = arith.addi %add3A_2177, %add3A_2380 : i32
        %mul3A_2382 = arith.constant 5 : i32
        %mul3A_2383 = arith.muli %add3A_2381, %mul3A_2382 : i32
        %add3A_2384 = arith.constant 1 : i32
        %add3A_2385 = arith.addi %mul3A_2383, %add3A_2384 : i32
        %mul3A_2386 = arith.constant 80 : i32
        %mul3A_2387 = arith.muli %add3A_2385, %mul3A_2386 : i32
        %dma_start3A_2388 = tpu.memref_slice %arg6[%mul3A_2387] : memref<20000xi32, #tpu.memory_space<vmem>> -> memref<80xi32, #tpu.memory_space<vmem>>
        %dma_start3A_2389 = arith.constant 0 : i32
        %dma_start3A_2390 = arith.constant 0 : i32
        %dma_start3A_2391 = tpu.memref_slice %arg2[%dma_start3A_2389, %dma_start3A_2390] : memref<20000x64xf32, #tpu.memory_space<hbm>> -> memref<20000x64xf32, #tpu.memory_space<hbm>>
        tpu.enqueue_indirect_dma source(%dma_start3A_2391 : memref<20000x64xf32, #tpu.memory_space<hbm>>) target(%arg12 : memref<80x64xf32, #tpu.memory_space<vmem>>) offsets(%dma_start3A_2388 : memref<80xi32, #tpu.memory_space<vmem>>) semaphore(%arg23 : memref<!tpu.dma_semaphore, #tpu.memory_space<semaphore_mem>>)
        %add3A_2392 = arith.constant 1 : i32
        %add3A_2393 = arith.addi %add3A_2177, %add3A_2392 : i32
        %mul3A_2394 = arith.constant 5 : i32
        %mul3A_2395 = arith.muli %add3A_2393, %mul3A_2394 : i32
        %add3A_2396 = arith.constant 2 : i32
        %add3A_2397 = arith.addi %mul3A_2395, %add3A_2396 : i32
        %mul3A_2398 = arith.constant 80 : i32
        %mul3A_2399 = arith.muli %add3A_2397, %mul3A_2398 : i32
        %dma_start3A_2400 = tpu.memref_slice %arg6[%mul3A_2399] : memref<20000xi32, #tpu.memory_space<vmem>> -> memref<80xi32, #tpu.memory_space<vmem>>
        %dma_start3A_2401 = arith.constant 0 : i32
        %dma_start3A_2402 = arith.constant 0 : i32
        %dma_start3A_2403 = tpu.memref_slice %arg2[%dma_start3A_2401, %dma_start3A_2402] : memref<20000x64xf32, #tpu.memory_space<hbm>> -> memref<20000x64xf32, #tpu.memory_space<hbm>>
        tpu.enqueue_indirect_dma source(%dma_start3A_2403 : memref<20000x64xf32, #tpu.memory_space<hbm>>) target(%arg13 : memref<80x64xf32, #tpu.memory_space<vmem>>) offsets(%dma_start3A_2400 : memref<80xi32, #tpu.memory_space<vmem>>) semaphore(%arg23 : memref<!tpu.dma_semaphore, #tpu.memory_space<semaphore_mem>>)
        %add3A_2404 = arith.constant 1 : i32
        %add3A_2405 = arith.addi %add3A_2177, %add3A_2404 : i32
        %mul3A_2406 = arith.constant 5 : i32
        %mul3A_2407 = arith.muli %add3A_2405, %mul3A_2406 : i32
        %add3A_2408 = arith.constant 3 : i32
        %add3A_2409 = arith.addi %mul3A_2407, %add3A_2408 : i32
        %mul3A_2410 = arith.constant 80 : i32
        %mul3A_2411 = arith.muli %add3A_2409, %mul3A_2410 : i32
        %dma_start3A_2412 = tpu.memref_slice %arg6[%mul3A_2411] : memref<20000xi32, #tpu.memory_space<vmem>> -> memref<80xi32, #tpu.memory_space<vmem>>
        %dma_start3A_2413 = arith.constant 0 : i32
        %dma_start3A_2414 = arith.constant 0 : i32
        %dma_start3A_2415 = tpu.memref_slice %arg2[%dma_start3A_2413, %dma_start3A_2414] : memref<20000x64xf32, #tpu.memory_space<hbm>> -> memref<20000x64xf32, #tpu.memory_space<hbm>>
        tpu.enqueue_indirect_dma source(%dma_start3A_2415 : memref<20000x64xf32, #tpu.memory_space<hbm>>) target(%arg14 : memref<80x64xf32, #tpu.memory_space<vmem>>) offsets(%dma_start3A_2412 : memref<80xi32, #tpu.memory_space<vmem>>) semaphore(%arg23 : memref<!tpu.dma_semaphore, #tpu.memory_space<semaphore_mem>>)
        %add3A_2416 = arith.constant 1 : i32
        %add3A_2417 = arith.addi %add3A_2177, %add3A_2416 : i32
        %mul3A_2418 = arith.constant 5 : i32
        %mul3A_2419 = arith.muli %add3A_2417, %mul3A_2418 : i32
        %add3A_2420 = arith.constant 4 : i32
        %add3A_2421 = arith.addi %mul3A_2419, %add3A_2420 : i32
        %mul3A_2422 = arith.constant 80 : i32
        %mul3A_2423 = arith.muli %add3A_2421, %mul3A_2422 : i32
        %dma_start3A_2424 = tpu.memref_slice %arg6[%mul3A_2423] : memref<20000xi32, #tpu.memory_space<vmem>> -> memref<80xi32, #tpu.memory_space<vmem>>
        %dma_start3A_2425 = arith.constant 0 : i32
        %dma_start3A_2426 = arith.constant 0 : i32
        %dma_start3A_2427 = tpu.memref_slice %arg2[%dma_start3A_2425, %dma_start3A_2426] : memref<20000x64xf32, #tpu.memory_space<hbm>> -> memref<20000x64xf32, #tpu.memory_space<hbm>>
        tpu.enqueue_indirect_dma source(%dma_start3A_2427 : memref<20000x64xf32, #tpu.memory_space<hbm>>) target(%arg15 : memref<80x64xf32, #tpu.memory_space<vmem>>) offsets(%dma_start3A_2424 : memref<80xi32, #tpu.memory_space<vmem>>) semaphore(%arg23 : memref<!tpu.dma_semaphore, #tpu.memory_space<semaphore_mem>>)
      } else {
      }
    }
    %scan3A_84 = arith.constant 25 : i32
    %dma_start3A_85 = arith.constant 0 : i32
    %dma_start3A_86 = tpu.memref_slice %arg22[%arg1, %dma_start3A_85] : memref<16x5120xf32, #tpu.memory_space<vmem_shared>> -> memref<1x5120xf32, #tpu.memory_space<vmem_shared>>
    %dma_start3A_87 = tpu.memref_squeeze %dma_start3A_86 : memref<1x5120xf32, #tpu.memory_space<vmem_shared>> -> memref<5120xf32, #tpu.memory_space<vmem_shared>>
    %dma_start3A_88 = arith.constant 0 : i32
    %dma_start3A_89 = tpu.memref_slice %arg22[%arg1, %dma_start3A_88] : memref<16x5120xf32, #tpu.memory_space<vmem_shared>> -> memref<1x5120xf32, #tpu.memory_space<vmem_shared>>
    %dma_start3A_90 = tpu.memref_squeeze %dma_start3A_89 : memref<1x5120xf32, #tpu.memory_space<vmem_shared>> -> memref<5120xf32, #tpu.memory_space<vmem_shared>>
    tpu.enqueue_dma source(%arg8 : memref<5120xf32, #tpu.memory_space<vmem>>) target(%dma_start3A_90 : memref<5120xf32, #tpu.memory_space<vmem_shared>>) target_semaphore(%arg23 : memref<!tpu.dma_semaphore, #tpu.memory_space<semaphore_mem>>)
    %dma_wait3A_91 = arith.constant 0 : i32
    %dma_wait3A_92 = arith.constant 0 : i32
    %dma_wait3A_93 = tpu.memref_slice %arg2[%dma_wait3A_91, %dma_wait3A_92] : memref<20000x64xf32, #tpu.memory_space<hbm>> -> memref<80x64xf32, #tpu.memory_space<hbm>>
    %dma_wait3A_94 = arith.constant 0 : i32
    %dma_wait3A_95 = arith.constant 0 : i32
    %dma_wait3A_96 = tpu.memref_slice %arg2[%dma_wait3A_94, %dma_wait3A_95] : memref<20000x64xf32, #tpu.memory_space<hbm>> -> memref<80x64xf32, #tpu.memory_space<hbm>>
    tpu.wait_dma2 semaphore(%arg26 : memref<!tpu.dma_semaphore, #tpu.memory_space<semaphore_mem>>) src(%dma_wait3A_96 : memref<80x64xf32, #tpu.memory_space<hbm>>) dst(%arg16 : memref<80x64xf32, #tpu.memory_space<vmem>>)
    %dma_wait3A_97 = arith.constant 0 : i32
    %dma_wait3A_98 = arith.constant 0 : i32
    %dma_wait3A_99 = tpu.memref_slice %arg2[%dma_wait3A_97, %dma_wait3A_98] : memref<20000x64xf32, #tpu.memory_space<hbm>> -> memref<80x64xf32, #tpu.memory_space<hbm>>
    %dma_wait3A_100 = arith.constant 0 : i32
    %dma_wait3A_101 = arith.constant 0 : i32
    %dma_wait3A_102 = tpu.memref_slice %arg2[%dma_wait3A_100, %dma_wait3A_101] : memref<20000x64xf32, #tpu.memory_space<hbm>> -> memref<80x64xf32, #tpu.memory_space<hbm>>
    tpu.wait_dma2 semaphore(%arg26 : memref<!tpu.dma_semaphore, #tpu.memory_space<semaphore_mem>>) src(%dma_wait3A_102 : memref<80x64xf32, #tpu.memory_space<hbm>>) dst(%arg17 : memref<80x64xf32, #tpu.memory_space<vmem>>)
    %dma_wait3A_103 = arith.constant 0 : i32
    %dma_wait3A_104 = arith.constant 0 : i32
    %dma_wait3A_105 = tpu.memref_slice %arg2[%dma_wait3A_103, %dma_wait3A_104] : memref<20000x64xf32, #tpu.memory_space<hbm>> -> memref<80x64xf32, #tpu.memory_space<hbm>>
    %dma_wait3A_106 = arith.constant 0 : i32
    %dma_wait3A_107 = arith.constant 0 : i32
    %dma_wait3A_108 = tpu.memref_slice %arg2[%dma_wait3A_106, %dma_wait3A_107] : memref<20000x64xf32, #tpu.memory_space<hbm>> -> memref<80x64xf32, #tpu.memory_space<hbm>>
    tpu.wait_dma2 semaphore(%arg26 : memref<!tpu.dma_semaphore, #tpu.memory_space<semaphore_mem>>) src(%dma_wait3A_108 : memref<80x64xf32, #tpu.memory_space<hbm>>) dst(%arg18 : memref<80x64xf32, #tpu.memory_space<vmem>>)
    %dma_wait3A_109 = arith.constant 0 : i32
    %dma_wait3A_110 = arith.constant 0 : i32
    %dma_wait3A_111 = tpu.memref_slice %arg2[%dma_wait3A_109, %dma_wait3A_110] : memref<20000x64xf32, #tpu.memory_space<hbm>> -> memref<80x64xf32, #tpu.memory_space<hbm>>
    %dma_wait3A_112 = arith.constant 0 : i32
    %dma_wait3A_113 = arith.constant 0 : i32
    %dma_wait3A_114 = tpu.memref_slice %arg2[%dma_wait3A_112, %dma_wait3A_113] : memref<20000x64xf32, #tpu.memory_space<hbm>> -> memref<80x64xf32, #tpu.memory_space<hbm>>
    tpu.wait_dma2 semaphore(%arg26 : memref<!tpu.dma_semaphore, #tpu.memory_space<semaphore_mem>>) src(%dma_wait3A_114 : memref<80x64xf32, #tpu.memory_space<hbm>>) dst(%arg19 : memref<80x64xf32, #tpu.memory_space<vmem>>)
    %dma_wait3A_115 = arith.constant 0 : i32
    %dma_wait3A_116 = arith.constant 0 : i32
    %dma_wait3A_117 = tpu.memref_slice %arg2[%dma_wait3A_115, %dma_wait3A_116] : memref<20000x64xf32, #tpu.memory_space<hbm>> -> memref<80x64xf32, #tpu.memory_space<hbm>>
    %dma_wait3A_118 = arith.constant 0 : i32
    %dma_wait3A_119 = arith.constant 0 : i32
    %dma_wait3A_120 = tpu.memref_slice %arg2[%dma_wait3A_118, %dma_wait3A_119] : memref<20000x64xf32, #tpu.memory_space<hbm>> -> memref<80x64xf32, #tpu.memory_space<hbm>>
    tpu.wait_dma2 semaphore(%arg26 : memref<!tpu.dma_semaphore, #tpu.memory_space<semaphore_mem>>) src(%dma_wait3A_120 : memref<80x64xf32, #tpu.memory_space<hbm>>) dst(%arg20 : memref<80x64xf32, #tpu.memory_space<vmem>>)
    %dma_wait3A_121 = arith.constant 0 : i32
    %dma_wait3A_122 = tpu.memref_slice %arg22[%arg1, %dma_wait3A_121] : memref<16x5120xf32, #tpu.memory_space<vmem_shared>> -> memref<1x5120xf32, #tpu.memory_space<vmem_shared>>
    %dma_wait3A_123 = tpu.memref_squeeze %dma_wait3A_122 : memref<1x5120xf32, #tpu.memory_space<vmem_shared>> -> memref<5120xf32, #tpu.memory_space<vmem_shared>>
    %dma_wait3A_124 = arith.constant 0 : i32
    %dma_wait3A_125 = tpu.memref_slice %arg22[%arg1, %dma_wait3A_124] : memref<16x5120xf32, #tpu.memory_space<vmem_shared>> -> memref<1x5120xf32, #tpu.memory_space<vmem_shared>>
    %dma_wait3A_126 = tpu.memref_squeeze %dma_wait3A_125 : memref<1x5120xf32, #tpu.memory_space<vmem_shared>> -> memref<5120xf32, #tpu.memory_space<vmem_shared>>
    tpu.wait_dma2 semaphore(%arg23 : memref<!tpu.dma_semaphore, #tpu.memory_space<semaphore_mem>>) src(%arg8 : memref<5120xf32, #tpu.memory_space<vmem>>) dst(%dma_wait3A_126 : memref<5120xf32, #tpu.memory_space<vmem_shared>>)
    %barrier3A_127 = arith.constant 0 : index
    tpu.barrier barrier_id(%barrier3A_127)
    %dma_start3A_128 = arith.constant 0 : i32
    %dma_start3A_129 = tpu.memref_slice %arg22[%dma_start3A_128, %mul3A_2] : memref<16x5120xf32, #tpu.memory_space<vmem_shared>> -> memref<16x320xf32, #tpu.memory_space<vmem_shared>>
    %dma_start3A_130 = arith.constant 0 : i32
    %dma_start3A_131 = tpu.memref_slice %arg22[%dma_start3A_130, %mul3A_2] : memref<16x5120xf32, #tpu.memory_space<vmem_shared>> -> memref<16x320xf32, #tpu.memory_space<vmem_shared>>
    tpu.enqueue_dma source(%dma_start3A_131 : memref<16x320xf32, #tpu.memory_space<vmem_shared>>) target(%arg9 : memref<16x320xf32, #tpu.memory_space<vmem>>) target_semaphore(%arg24 : memref<!tpu.dma_semaphore, #tpu.memory_space<semaphore_mem>>)
    %add3A_132 = arith.constant 0 : i32
    %add3A_133 = arith.addi %mul3A_2, %add3A_132 : i32
    %dma_start3A_134 = arith.constant 0 : i32
    %dma_start3A_135 = tpu.memref_slice %arg21[%add3A_133, %dma_start3A_134] : memref<5120x64xf32, #tpu.memory_space<vmem_shared>> -> memref<80x64xf32, #tpu.memory_space<vmem_shared>>
    %dma_start3A_136 = arith.constant 0 : i32
    %dma_start3A_137 = tpu.memref_slice %arg21[%add3A_133, %dma_start3A_136] : memref<5120x64xf32, #tpu.memory_space<vmem_shared>> -> memref<80x64xf32, #tpu.memory_space<vmem_shared>>
    tpu.enqueue_dma source(%dma_start3A_137 : memref<80x64xf32, #tpu.memory_space<vmem_shared>>) target(%arg11 : memref<80x64xf32, #tpu.memory_space<vmem>>) target_semaphore(%arg23 : memref<!tpu.dma_semaphore, #tpu.memory_space<semaphore_mem>>)
    %add3A_138 = arith.constant 80 : i32
    %add3A_139 = arith.addi %mul3A_2, %add3A_138 : i32
    %dma_start3A_140 = arith.constant 0 : i32
    %dma_start3A_141 = tpu.memref_slice %arg21[%add3A_139, %dma_start3A_140] : memref<5120x64xf32, #tpu.memory_space<vmem_shared>> -> memref<80x64xf32, #tpu.memory_space<vmem_shared>>
    %dma_start3A_142 = arith.constant 0 : i32
    %dma_start3A_143 = tpu.memref_slice %arg21[%add3A_139, %dma_start3A_142] : memref<5120x64xf32, #tpu.memory_space<vmem_shared>> -> memref<80x64xf32, #tpu.memory_space<vmem_shared>>
    tpu.enqueue_dma source(%dma_start3A_143 : memref<80x64xf32, #tpu.memory_space<vmem_shared>>) target(%arg12 : memref<80x64xf32, #tpu.memory_space<vmem>>) target_semaphore(%arg23 : memref<!tpu.dma_semaphore, #tpu.memory_space<semaphore_mem>>)
    %add3A_144 = arith.constant 160 : i32
    %add3A_145 = arith.addi %mul3A_2, %add3A_144 : i32
    %dma_start3A_146 = arith.constant 0 : i32
    %dma_start3A_147 = tpu.memref_slice %arg21[%add3A_145, %dma_start3A_146] : memref<5120x64xf32, #tpu.memory_space<vmem_shared>> -> memref<80x64xf32, #tpu.memory_space<vmem_shared>>
    %dma_start3A_148 = arith.constant 0 : i32
    %dma_start3A_149 = tpu.memref_slice %arg21[%add3A_145, %dma_start3A_148] : memref<5120x64xf32, #tpu.memory_space<vmem_shared>> -> memref<80x64xf32, #tpu.memory_space<vmem_shared>>
    tpu.enqueue_dma source(%dma_start3A_149 : memref<80x64xf32, #tpu.memory_space<vmem_shared>>) target(%arg13 : memref<80x64xf32, #tpu.memory_space<vmem>>) target_semaphore(%arg23 : memref<!tpu.dma_semaphore, #tpu.memory_space<semaphore_mem>>)
    %add3A_150 = arith.constant 240 : i32
    %add3A_151 = arith.addi %mul3A_2, %add3A_150 : i32
    %dma_start3A_152 = arith.constant 0 : i32
    %dma_start3A_153 = tpu.memref_slice %arg21[%add3A_151, %dma_start3A_152] : memref<5120x64xf32, #tpu.memory_space<vmem_shared>> -> memref<80x64xf32, #tpu.memory_space<vmem_shared>>
    %dma_start3A_154 = arith.constant 0 : i32
    %dma_start3A_155 = tpu.memref_slice %arg21[%add3A_151, %dma_start3A_154] : memref<5120x64xf32, #tpu.memory_space<vmem_shared>> -> memref<80x64xf32, #tpu.memory_space<vmem_shared>>
    tpu.enqueue_dma source(%dma_start3A_155 : memref<80x64xf32, #tpu.memory_space<vmem_shared>>) target(%arg14 : memref<80x64xf32, #tpu.memory_space<vmem>>) target_semaphore(%arg23 : memref<!tpu.dma_semaphore, #tpu.memory_space<semaphore_mem>>)
    %dma_wait3A_156 = arith.constant 0 : i32
    %dma_wait3A_157 = tpu.memref_slice %arg22[%dma_wait3A_156, %mul3A_2] : memref<16x5120xf32, #tpu.memory_space<vmem_shared>> -> memref<16x320xf32, #tpu.memory_space<vmem_shared>>
    %dma_wait3A_158 = arith.constant 0 : i32
    %dma_wait3A_159 = tpu.memref_slice %arg22[%dma_wait3A_158, %mul3A_2] : memref<16x5120xf32, #tpu.memory_space<vmem_shared>> -> memref<16x320xf32, #tpu.memory_space<vmem_shared>>
    tpu.wait_dma2 semaphore(%arg24 : memref<!tpu.dma_semaphore, #tpu.memory_space<semaphore_mem>>) src(%dma_wait3A_159 : memref<16x320xf32, #tpu.memory_space<vmem_shared>>) dst(%arg9 : memref<16x320xf32, #tpu.memory_space<vmem>>)
    %get3A = arith.constant 0 : i32
    %get3A_160 = arith.index_cast %get3A : i32 to index
    %get3A_161 = arith.constant 0 : index
    %get3A_162 = tpu.vector_load %arg9[%get3A_160, %get3A_161] {strides = array<i32>} : memref<16x320xf32, #tpu.memory_space<vmem>>, vector<16xf32>,
    %get3A_163 = arith.constant 1 : i32
    %get3A_164 = arith.index_cast %get3A_163 : i32 to index
    %get3A_165 = arith.constant 0 : index
    %get3A_166 = tpu.vector_load %arg9[%get3A_164, %get3A_165] {strides = array<i32>} : memref<16x320xf32, #tpu.memory_space<vmem>>, vector<16xf32>,
    %add3A_167 = arith.addf %get3A_162, %get3A_166 : vector<16xf32>
    %get3A_168 = arith.constant 2 : i32
    %get3A_169 = arith.index_cast %get3A_168 : i32 to index
    %get3A_170 = arith.constant 0 : index
    %get3A_171 = tpu.vector_load %arg9[%get3A_169, %get3A_170] {strides = array<i32>} : memref<16x320xf32, #tpu.memory_space<vmem>>, vector<16xf32>,
    %add3A_172 = arith.addf %add3A_167, %get3A_171 : vector<16xf32>
    %get3A_173 = arith.constant 3 : i32
    %get3A_174 = arith.index_cast %get3A_173 : i32 to index
    %get3A_175 = arith.constant 0 : index
    %get3A_176 = tpu.vector_load %arg9[%get3A_174, %get3A_175] {strides = array<i32>} : memref<16x320xf32, #tpu.memory_space<vmem>>, vector<16xf32>,
    %add3A_177 = arith.addf %add3A_172, %get3A_176 : vector<16xf32>
    %get3A_178 = arith.constant 4 : i32
    %get3A_179 = arith.index_cast %get3A_178 : i32 to index
    %get3A_180 = arith.constant 0 : index
    %get3A_181 = tpu.vector_load %arg9[%get3A_179, %get3A_180] {strides = array<i32>} : memref<16x320xf32, #tpu.memory_space<vmem>>, vector<16xf32>,
    %add3A_182 = arith.addf %add3A_177, %get3A_181 : vector<16xf32>
    %get3A_183 = arith.constant 5 : i32
    %get3A_184 = arith.index_cast %get3A_183 : i32 to index
    %get3A_185 = arith.constant 0 : index
    %get3A_186 = tpu.vector_load %arg9[%get3A_184, %get3A_185] {strides = array<i32>} : memref<16x320xf32, #tpu.memory_space<vmem>>, vector<16xf32>,
    %add3A_187 = arith.addf %add3A_182, %get3A_186 : vector<16xf32>
    %get3A_188 = arith.constant 6 : i32
    %get3A_189 = arith.index_cast %get3A_188 : i32 to index
    %get3A_190 = arith.constant 0 : index
    %get3A_191 = tpu.vector_load %arg9[%get3A_189, %get3A_190] {strides = array<i32>} : memref<16x320xf32, #tpu.memory_space<vmem>>, vector<16xf32>,
    %add3A_192 = arith.addf %add3A_187, %get3A_191 : vector<16xf32>
    %get3A_193 = arith.constant 7 : i32
    %get3A_194 = arith.index_cast %get3A_193 : i32 to index
    %get3A_195 = arith.constant 0 : index
    %get3A_196 = tpu.vector_load %arg9[%get3A_194, %get3A_195] {strides = array<i32>} : memref<16x320xf32, #tpu.memory_space<vmem>>, vector<16xf32>,
    %add3A_197 = arith.addf %add3A_192, %get3A_196 : vector<16xf32>
    %get3A_198 = arith.constant 8 : i32
    %get3A_199 = arith.index_cast %get3A_198 : i32 to index
    %get3A_200 = arith.constant 0 : index
    %get3A_201 = tpu.vector_load %arg9[%get3A_199, %get3A_200] {strides = array<i32>} : memref<16x320xf32, #tpu.memory_space<vmem>>, vector<16xf32>,
    %add3A_202 = arith.addf %add3A_197, %get3A_201 : vector<16xf32>
    %get3A_203 = arith.constant 9 : i32
    %get3A_204 = arith.index_cast %get3A_203 : i32 to index
    %get3A_205 = arith.constant 0 : index
    %get3A_206 = tpu.vector_load %arg9[%get3A_204, %get3A_205] {strides = array<i32>} : memref<16x320xf32, #tpu.memory_space<vmem>>, vector<16xf32>,
    %add3A_207 = arith.addf %add3A_202, %get3A_206 : vector<16xf32>
    %get3A_208 = arith.constant 10 : i32
    %get3A_209 = arith.index_cast %get3A_208 : i32 to index
    %get3A_210 = arith.constant 0 : index
    %get3A_211 = tpu.vector_load %arg9[%get3A_209, %get3A_210] {strides = array<i32>} : memref<16x320xf32, #tpu.memory_space<vmem>>, vector<16xf32>,
    %add3A_212 = arith.addf %add3A_207, %get3A_211 : vector<16xf32>
    %get3A_213 = arith.constant 11 : i32
    %get3A_214 = arith.index_cast %get3A_213 : i32 to index
    %get3A_215 = arith.constant 0 : index
    %get3A_216 = tpu.vector_load %arg9[%get3A_214, %get3A_215] {strides = array<i32>} : memref<16x320xf32, #tpu.memory_space<vmem>>, vector<16xf32>,
    %add3A_217 = arith.addf %add3A_212, %get3A_216 : vector<16xf32>
    %get3A_218 = arith.constant 12 : i32
    %get3A_219 = arith.index_cast %get3A_218 : i32 to index
    %get3A_220 = arith.constant 0 : index
    %get3A_221 = tpu.vector_load %arg9[%get3A_219, %get3A_220] {strides = array<i32>} : memref<16x320xf32, #tpu.memory_space<vmem>>, vector<16xf32>,
    %add3A_222 = arith.addf %add3A_217, %get3A_221 : vector<16xf32>
    %get3A_223 = arith.constant 13 : i32
    %get3A_224 = arith.index_cast %get3A_223 : i32 to index
    %get3A_225 = arith.constant 0 : index
    %get3A_226 = tpu.vector_load %arg9[%get3A_224, %get3A_225] {strides = array<i32>} : memref<16x320xf32, #tpu.memory_space<vmem>>, vector<16xf32>,
    %add3A_227 = arith.addf %add3A_222, %get3A_226 : vector<16xf32>
    %get3A_228 = arith.constant 14 : i32
    %get3A_229 = arith.index_cast %get3A_228 : i32 to index
    %get3A_230 = arith.constant 0 : index
    %get3A_231 = tpu.vector_load %arg9[%get3A_229, %get3A_230] {strides = array<i32>} : memref<16x320xf32, #tpu.memory_space<vmem>>, vector<16xf32>,
    %add3A_232 = arith.addf %add3A_227, %get3A_231 : vector<16xf32>
    %get3A_233 = arith.constant 15 : i32
    %get3A_234 = arith.index_cast %get3A_233 : i32 to index
    %get3A_235 = arith.constant 0 : index
    %get3A_236 = tpu.vector_load %arg9[%get3A_234, %get3A_235] {strides = array<i32>} : memref<16x320xf32, #tpu.memory_space<vmem>>, vector<16xf32>,
    %add3A_237 = arith.addf %add3A_232, %get3A_236 : vector<16xf32>
    %max3A = arith.constant 1.000000e+00 : f32
    %max3A_238 = vector.broadcast %max3A : f32 to vector<16xf32>
    %max3A_239 = arith.maximumf %add3A_237, %max3A_238 : vector<16xf32>
    %div3A = arith.constant 1.000000e+00 : f32
    %div3A_240 = vector.broadcast %div3A : f32 to vector<16xf32>
    %div3A_241 = arith.divf %div3A_240, %max3A_239 : vector<16xf32>
    %swap3A = arith.constant 0 : index
    %swap3A_242 = tpu.vector_load %arg10[%swap3A] {strides = array<i32>} : memref<320xf32, #tpu.memory_space<vmem>>, vector<16xf32>,
    tpu.vector_store %arg10[%swap3A], %div3A_241 {strides = array<i32>} : memref<320xf32, #tpu.memory_space<vmem>>, vector<16xf32>,
    %get3A_243 = arith.constant 0 : i32
    %get3A_244 = arith.index_cast %get3A_243 : i32 to index
    %get3A_245 = arith.constant 16 : index
    %get3A_246 = tpu.vector_load %arg9[%get3A_244, %get3A_245] {strides = array<i32>} : memref<16x320xf32, #tpu.memory_space<vmem>>, vector<16xf32>,
    %get3A_247 = arith.constant 1 : i32
    %get3A_248 = arith.index_cast %get3A_247 : i32 to index
    %get3A_249 = arith.constant 16 : index
    %get3A_250 = tpu.vector_load %arg9[%get3A_248, %get3A_249] {strides = array<i32>} : memref<16x320xf32, #tpu.memory_space<vmem>>, vector<16xf32>,
    %add3A_251 = arith.addf %get3A_246, %get3A_250 : vector<16xf32>
    %get3A_252 = arith.constant 2 : i32
    %get3A_253 = arith.index_cast %get3A_252 : i32 to index
    %get3A_254 = arith.constant 16 : index
    %get3A_255 = tpu.vector_load %arg9[%get3A_253, %get3A_254] {strides = array<i32>} : memref<16x320xf32, #tpu.memory_space<vmem>>, vector<16xf32>,
    %add3A_256 = arith.addf %add3A_251, %get3A_255 : vector<16xf32>
    %get3A_257 = arith.constant 3 : i32
    %get3A_258 = arith.index_cast %get3A_257 : i32 to index
    %get3A_259 = arith.constant 16 : index
    %get3A_260 = tpu.vector_load %arg9[%get3A_258, %get3A_259] {strides = array<i32>} : memref<16x320xf32, #tpu.memory_space<vmem>>, vector<16xf32>,
    %add3A_261 = arith.addf %add3A_256, %get3A_260 : vector<16xf32>
    %get3A_262 = arith.constant 4 : i32
    %get3A_263 = arith.index_cast %get3A_262 : i32 to index
    %get3A_264 = arith.constant 16 : index
    %get3A_265 = tpu.vector_load %arg9[%get3A_263, %get3A_264] {strides = array<i32>} : memref<16x320xf32, #tpu.memory_space<vmem>>, vector<16xf32>,
    %add3A_266 = arith.addf %add3A_261, %get3A_265 : vector<16xf32>
    %get3A_267 = arith.constant 5 : i32
    %get3A_268 = arith.index_cast %get3A_267 : i32 to index
    %get3A_269 = arith.constant 16 : index
    %get3A_270 = tpu.vector_load %arg9[%get3A_268, %get3A_269] {strides = array<i32>} : memref<16x320xf32, #tpu.memory_space<vmem>>, vector<16xf32>,
    %add3A_271 = arith.addf %add3A_266, %get3A_270 : vector<16xf32>
    %get3A_272 = arith.constant 6 : i32
    %get3A_273 = arith.index_cast %get3A_272 : i32 to index
    %get3A_274 = arith.constant 16 : index
    %get3A_275 = tpu.vector_load %arg9[%get3A_273, %get3A_274] {strides = array<i32>} : memref<16x320xf32, #tpu.memory_space<vmem>>, vector<16xf32>,
    %add3A_276 = arith.addf %add3A_271, %get3A_275 : vector<16xf32>
    %get3A_277 = arith.constant 7 : i32
    %get3A_278 = arith.index_cast %get3A_277 : i32 to index
    %get3A_279 = arith.constant 16 : index
    %get3A_280 = tpu.vector_load %arg9[%get3A_278, %get3A_279] {strides = array<i32>} : memref<16x320xf32, #tpu.memory_space<vmem>>, vector<16xf32>,
    %add3A_281 = arith.addf %add3A_276, %get3A_280 : vector<16xf32>
    %get3A_282 = arith.constant 8 : i32
    %get3A_283 = arith.index_cast %get3A_282 : i32 to index
    %get3A_284 = arith.constant 16 : index
    %get3A_285 = tpu.vector_load %arg9[%get3A_283, %get3A_284] {strides = array<i32>} : memref<16x320xf32, #tpu.memory_space<vmem>>, vector<16xf32>,
    %add3A_286 = arith.addf %add3A_281, %get3A_285 : vector<16xf32>
    %get3A_287 = arith.constant 9 : i32
    %get3A_288 = arith.index_cast %get3A_287 : i32 to index
    %get3A_289 = arith.constant 16 : index
    %get3A_290 = tpu.vector_load %arg9[%get3A_288, %get3A_289] {strides = array<i32>} : memref<16x320xf32, #tpu.memory_space<vmem>>, vector<16xf32>,
    %add3A_291 = arith.addf %add3A_286, %get3A_290 : vector<16xf32>
    %get3A_292 = arith.constant 10 : i32
    %get3A_293 = arith.index_cast %get3A_292 : i32 to index
    %get3A_294 = arith.constant 16 : index
    %get3A_295 = tpu.vector_load %arg9[%get3A_293, %get3A_294] {strides = array<i32>} : memref<16x320xf32, #tpu.memory_space<vmem>>, vector<16xf32>,
    %add3A_296 = arith.addf %add3A_291, %get3A_295 : vector<16xf32>
    %get3A_297 = arith.constant 11 : i32
    %get3A_298 = arith.index_cast %get3A_297 : i32 to index
    %get3A_299 = arith.constant 16 : index
    %get3A_300 = tpu.vector_load %arg9[%get3A_298, %get3A_299] {strides = array<i32>} : memref<16x320xf32, #tpu.memory_space<vmem>>, vector<16xf32>,
    %add3A_301 = arith.addf %add3A_296, %get3A_300 : vector<16xf32>
    %get3A_302 = arith.constant 12 : i32
    %get3A_303 = arith.index_cast %get3A_302 : i32 to index
    %get3A_304 = arith.constant 16 : index
    %get3A_305 = tpu.vector_load %arg9[%get3A_303, %get3A_304] {strides = array<i32>} : memref<16x320xf32, #tpu.memory_space<vmem>>, vector<16xf32>,
    %add3A_306 = arith.addf %add3A_301, %get3A_305 : vector<16xf32>
    %get3A_307 = arith.constant 13 : i32
    %get3A_308 = arith.index_cast %get3A_307 : i32 to index
    %get3A_309 = arith.constant 16 : index
    %get3A_310 = tpu.vector_load %arg9[%get3A_308, %get3A_309] {strides = array<i32>} : memref<16x320xf32, #tpu.memory_space<vmem>>, vector<16xf32>,
    %add3A_311 = arith.addf %add3A_306, %get3A_310 : vector<16xf32>
    %get3A_312 = arith.constant 14 : i32
    %get3A_313 = arith.index_cast %get3A_312 : i32 to index
    %get3A_314 = arith.constant 16 : index
    %get3A_315 = tpu.vector_load %arg9[%get3A_313, %get3A_314] {strides = array<i32>} : memref<16x320xf32, #tpu.memory_space<vmem>>, vector<16xf32>,
    %add3A_316 = arith.addf %add3A_311, %get3A_315 : vector<16xf32>
    %get3A_317 = arith.constant 15 : i32
    %get3A_318 = arith.index_cast %get3A_317 : i32 to index
    %get3A_319 = arith.constant 16 : index
    %get3A_320 = tpu.vector_load %arg9[%get3A_318, %get3A_319] {strides = array<i32>} : memref<16x320xf32, #tpu.memory_space<vmem>>, vector<16xf32>,
    %add3A_321 = arith.addf %add3A_316, %get3A_320 : vector<16xf32>
    %max3A_322 = arith.constant 1.000000e+00 : f32
    %max3A_323 = vector.broadcast %max3A_322 : f32 to vector<16xf32>
    %max3A_324 = arith.maximumf %add3A_321, %max3A_323 : vector<16xf32>
    %div3A_325 = arith.constant 1.000000e+00 : f32
    %div3A_326 = vector.broadcast %div3A_325 : f32 to vector<16xf32>
    %div3A_327 = arith.divf %div3A_326, %max3A_324 : vector<16xf32>
    %swap3A_328 = arith.constant 16 : index
    %swap3A_329 = tpu.vector_load %arg10[%swap3A_328] {strides = array<i32>} : memref<320xf32, #tpu.memory_space<vmem>>, vector<16xf32>,
    tpu.vector_store %arg10[%swap3A_328], %div3A_327 {strides = array<i32>} : memref<320xf32, #tpu.memory_space<vmem>>, vector<16xf32>,
    %get3A_330 = arith.constant 0 : i32
    %get3A_331 = arith.index_cast %get3A_330 : i32 to index
    %get3A_332 = arith.constant 32 : index
    %get3A_333 = tpu.vector_load %arg9[%get3A_331, %get3A_332] {strides = array<i32>} : memref<16x320xf32, #tpu.memory_space<vmem>>, vector<16xf32>,
    %get3A_334 = arith.constant 1 : i32
    %get3A_335 = arith.index_cast %get3A_334 : i32 to index
    %get3A_336 = arith.constant 32 : index
    %get3A_337 = tpu.vector_load %arg9[%get3A_335, %get3A_336] {strides = array<i32>} : memref<16x320xf32, #tpu.memory_space<vmem>>, vector<16xf32>,
    %add3A_338 = arith.addf %get3A_333, %get3A_337 : vector<16xf32>
    %get3A_339 = arith.constant 2 : i32
    %get3A_340 = arith.index_cast %get3A_339 : i32 to index
    %get3A_341 = arith.constant 32 : index
    %get3A_342 = tpu.vector_load %arg9[%get3A_340, %get3A_341] {strides = array<i32>} : memref<16x320xf32, #tpu.memory_space<vmem>>, vector<16xf32>,
    %add3A_343 = arith.addf %add3A_338, %get3A_342 : vector<16xf32>
    %get3A_344 = arith.constant 3 : i32
    %get3A_345 = arith.index_cast %get3A_344 : i32 to index
    %get3A_346 = arith.constant 32 : index
    %get3A_347 = tpu.vector_load %arg9[%get3A_345, %get3A_346] {strides = array<i32>} : memref<16x320xf32, #tpu.memory_space<vmem>>, vector<16xf32>,
    %add3A_348 = arith.addf %add3A_343, %get3A_347 : vector<16xf32>
    %get3A_349 = arith.constant 4 : i32
    %get3A_350 = arith.index_cast %get3A_349 : i32 to index
    %get3A_351 = arith.constant 32 : index
    %get3A_352 = tpu.vector_load %arg9[%get3A_350, %get3A_351] {strides = array<i32>} : memref<16x320xf32, #tpu.memory_space<vmem>>, vector<16xf32>,
    %add3A_353 = arith.addf %add3A_348, %get3A_352 : vector<16xf32>
    %get3A_354 = arith.constant 5 : i32
    %get3A_355 = arith.index_cast %get3A_354 : i32 to index
    %get3A_356 = arith.constant 32 : index
    %get3A_357 = tpu.vector_load %arg9[%get3A_355, %get3A_356] {strides = array<i32>} : memref<16x320xf32, #tpu.memory_space<vmem>>, vector<16xf32>,
    %add3A_358 = arith.addf %add3A_353, %get3A_357 : vector<16xf32>
    %get3A_359 = arith.constant 6 : i32
    %get3A_360 = arith.index_cast %get3A_359 : i32 to index
    %get3A_361 = arith.constant 32 : index
    %get3A_362 = tpu.vector_load %arg9[%get3A_360, %get3A_361] {strides = array<i32>} : memref<16x320xf32, #tpu.memory_space<vmem>>, vector<16xf32>,
    %add3A_363 = arith.addf %add3A_358, %get3A_362 : vector<16xf32>
    %get3A_364 = arith.constant 7 : i32
    %get3A_365 = arith.index_cast %get3A_364 : i32 to index
    %get3A_366 = arith.constant 32 : index
    %get3A_367 = tpu.vector_load %arg9[%get3A_365, %get3A_366] {strides = array<i32>} : memref<16x320xf32, #tpu.memory_space<vmem>>, vector<16xf32>,
    %add3A_368 = arith.addf %add3A_363, %get3A_367 : vector<16xf32>
    %get3A_369 = arith.constant 8 : i32
    %get3A_370 = arith.index_cast %get3A_369 : i32 to index
    %get3A_371 = arith.constant 32 : index
    %get3A_372 = tpu.vector_load %arg9[%get3A_370, %get3A_371] {strides = array<i32>} : memref<16x320xf32, #tpu.memory_space<vmem>>, vector<16xf32>,
    %add3A_373 = arith.addf %add3A_368, %get3A_372 : vector<16xf32>
    %get3A_374 = arith.constant 9 : i32
    %get3A_375 = arith.index_cast %get3A_374 : i32 to index
    %get3A_376 = arith.constant 32 : index
    %get3A_377 = tpu.vector_load %arg9[%get3A_375, %get3A_376] {strides = array<i32>} : memref<16x320xf32, #tpu.memory_space<vmem>>, vector<16xf32>,
    %add3A_378 = arith.addf %add3A_373, %get3A_377 : vector<16xf32>
    %get3A_379 = arith.constant 10 : i32
    %get3A_380 = arith.index_cast %get3A_379 : i32 to index
    %get3A_381 = arith.constant 32 : index
    %get3A_382 = tpu.vector_load %arg9[%get3A_380, %get3A_381] {strides = array<i32>} : memref<16x320xf32, #tpu.memory_space<vmem>>, vector<16xf32>,
    %add3A_383 = arith.addf %add3A_378, %get3A_382 : vector<16xf32>
    %get3A_384 = arith.constant 11 : i32
    %get3A_385 = arith.index_cast %get3A_384 : i32 to index
    %get3A_386 = arith.constant 32 : index
    %get3A_387 = tpu.vector_load %arg9[%get3A_385, %get3A_386] {strides = array<i32>} : memref<16x320xf32, #tpu.memory_space<vmem>>, vector<16xf32>,
    %add3A_388 = arith.addf %add3A_383, %get3A_387 : vector<16xf32>
    %get3A_389 = arith.constant 12 : i32
    %get3A_390 = arith.index_cast %get3A_389 : i32 to index
    %get3A_391 = arith.constant 32 : index
    %get3A_392 = tpu.vector_load %arg9[%get3A_390, %get3A_391] {strides = array<i32>} : memref<16x320xf32, #tpu.memory_space<vmem>>, vector<16xf32>,
    %add3A_393 = arith.addf %add3A_388, %get3A_392 : vector<16xf32>
    %get3A_394 = arith.constant 13 : i32
    %get3A_395 = arith.index_cast %get3A_394 : i32 to index
    %get3A_396 = arith.constant 32 : index
    %get3A_397 = tpu.vector_load %arg9[%get3A_395, %get3A_396] {strides = array<i32>} : memref<16x320xf32, #tpu.memory_space<vmem>>, vector<16xf32>,
    %add3A_398 = arith.addf %add3A_393, %get3A_397 : vector<16xf32>
    %get3A_399 = arith.constant 14 : i32
    %get3A_400 = arith.index_cast %get3A_399 : i32 to index
    %get3A_401 = arith.constant 32 : index
    %get3A_402 = tpu.vector_load %arg9[%get3A_400, %get3A_401] {strides = array<i32>} : memref<16x320xf32, #tpu.memory_space<vmem>>, vector<16xf32>,
    %add3A_403 = arith.addf %add3A_398, %get3A_402 : vector<16xf32>
    %get3A_404 = arith.constant 15 : i32
    %get3A_405 = arith.index_cast %get3A_404 : i32 to index
    %get3A_406 = arith.constant 32 : index
    %get3A_407 = tpu.vector_load %arg9[%get3A_405, %get3A_406] {strides = array<i32>} : memref<16x320xf32, #tpu.memory_space<vmem>>, vector<16xf32>,
    %add3A_408 = arith.addf %add3A_403, %get3A_407 : vector<16xf32>
    %max3A_409 = arith.constant 1.000000e+00 : f32
    %max3A_410 = vector.broadcast %max3A_409 : f32 to vector<16xf32>
    %max3A_411 = arith.maximumf %add3A_408, %max3A_410 : vector<16xf32>
    %div3A_412 = arith.constant 1.000000e+00 : f32
    %div3A_413 = vector.broadcast %div3A_412 : f32 to vector<16xf32>
    %div3A_414 = arith.divf %div3A_413, %max3A_411 : vector<16xf32>
    %swap3A_415 = arith.constant 32 : index
    %swap3A_416 = tpu.vector_load %arg10[%swap3A_415] {strides = array<i32>} : memref<320xf32, #tpu.memory_space<vmem>>, vector<16xf32>,
    tpu.vector_store %arg10[%swap3A_415], %div3A_414 {strides = array<i32>} : memref<320xf32, #tpu.memory_space<vmem>>, vector<16xf32>,
    %get3A_417 = arith.constant 0 : i32
    %get3A_418 = arith.index_cast %get3A_417 : i32 to index
    %get3A_419 = arith.constant 48 : index
    %get3A_420 = tpu.vector_load %arg9[%get3A_418, %get3A_419] {strides = array<i32>} : memref<16x320xf32, #tpu.memory_space<vmem>>, vector<16xf32>,
    %get3A_421 = arith.constant 1 : i32
    %get3A_422 = arith.index_cast %get3A_421 : i32 to index
    %get3A_423 = arith.constant 48 : index
    %get3A_424 = tpu.vector_load %arg9[%get3A_422, %get3A_423] {strides = array<i32>} : memref<16x320xf32, #tpu.memory_space<vmem>>, vector<16xf32>,
    %add3A_425 = arith.addf %get3A_420, %get3A_424 : vector<16xf32>
    %get3A_426 = arith.constant 2 : i32
    %get3A_427 = arith.index_cast %get3A_426 : i32 to index
    %get3A_428 = arith.constant 48 : index
    %get3A_429 = tpu.vector_load %arg9[%get3A_427, %get3A_428] {strides = array<i32>} : memref<16x320xf32, #tpu.memory_space<vmem>>, vector<16xf32>,
    %add3A_430 = arith.addf %add3A_425, %get3A_429 : vector<16xf32>
    %get3A_431 = arith.constant 3 : i32
    %get3A_432 = arith.index_cast %get3A_431 : i32 to index
    %get3A_433 = arith.constant 48 : index
    %get3A_434 = tpu.vector_load %arg9[%get3A_432, %get3A_433] {strides = array<i32>} : memref<16x320xf32, #tpu.memory_space<vmem>>, vector<16xf32>,
    %add3A_435 = arith.addf %add3A_430, %get3A_434 : vector<16xf32>
    %get3A_436 = arith.constant 4 : i32
    %get3A_437 = arith.index_cast %get3A_436 : i32 to index
    %get3A_438 = arith.constant 48 : index
    %get3A_439 = tpu.vector_load %arg9[%get3A_437, %get3A_438] {strides = array<i32>} : memref<16x320xf32, #tpu.memory_space<vmem>>, vector<16xf32>,
    %add3A_440 = arith.addf %add3A_435, %get3A_439 : vector<16xf32>
    %get3A_441 = arith.constant 5 : i32
    %get3A_442 = arith.index_cast %get3A_441 : i32 to index
    %get3A_443 = arith.constant 48 : index
    %get3A_444 = tpu.vector_load %arg9[%get3A_442, %get3A_443] {strides = array<i32>} : memref<16x320xf32, #tpu.memory_space<vmem>>, vector<16xf32>,
    %add3A_445 = arith.addf %add3A_440, %get3A_444 : vector<16xf32>
    %get3A_446 = arith.constant 6 : i32
    %get3A_447 = arith.index_cast %get3A_446 : i32 to index
    %get3A_448 = arith.constant 48 : index
    %get3A_449 = tpu.vector_load %arg9[%get3A_447, %get3A_448] {strides = array<i32>} : memref<16x320xf32, #tpu.memory_space<vmem>>, vector<16xf32>,
    %add3A_450 = arith.addf %add3A_445, %get3A_449 : vector<16xf32>
    %get3A_451 = arith.constant 7 : i32
    %get3A_452 = arith.index_cast %get3A_451 : i32 to index
    %get3A_453 = arith.constant 48 : index
    %get3A_454 = tpu.vector_load %arg9[%get3A_452, %get3A_453] {strides = array<i32>} : memref<16x320xf32, #tpu.memory_space<vmem>>, vector<16xf32>,
    %add3A_455 = arith.addf %add3A_450, %get3A_454 : vector<16xf32>
    %get3A_456 = arith.constant 8 : i32
    %get3A_457 = arith.index_cast %get3A_456 : i32 to index
    %get3A_458 = arith.constant 48 : index
    %get3A_459 = tpu.vector_load %arg9[%get3A_457, %get3A_458] {strides = array<i32>} : memref<16x320xf32, #tpu.memory_space<vmem>>, vector<16xf32>,
    %add3A_460 = arith.addf %add3A_455, %get3A_459 : vector<16xf32>
    %get3A_461 = arith.constant 9 : i32
    %get3A_462 = arith.index_cast %get3A_461 : i32 to index
    %get3A_463 = arith.constant 48 : index
    %get3A_464 = tpu.vector_load %arg9[%get3A_462, %get3A_463] {strides = array<i32>} : memref<16x320xf32, #tpu.memory_space<vmem>>, vector<16xf32>,
    %add3A_465 = arith.addf %add3A_460, %get3A_464 : vector<16xf32>
    %get3A_466 = arith.constant 10 : i32
    %get3A_467 = arith.index_cast %get3A_466 : i32 to index
    %get3A_468 = arith.constant 48 : index
    %get3A_469 = tpu.vector_load %arg9[%get3A_467, %get3A_468] {strides = array<i32>} : memref<16x320xf32, #tpu.memory_space<vmem>>, vector<16xf32>,
    %add3A_470 = arith.addf %add3A_465, %get3A_469 : vector<16xf32>
    %get3A_471 = arith.constant 11 : i32
    %get3A_472 = arith.index_cast %get3A_471 : i32 to index
    %get3A_473 = arith.constant 48 : index
    %get3A_474 = tpu.vector_load %arg9[%get3A_472, %get3A_473] {strides = array<i32>} : memref<16x320xf32, #tpu.memory_space<vmem>>, vector<16xf32>,
    %add3A_475 = arith.addf %add3A_470, %get3A_474 : vector<16xf32>
    %get3A_476 = arith.constant 12 : i32
    %get3A_477 = arith.index_cast %get3A_476 : i32 to index
    %get3A_478 = arith.constant 48 : index
    %get3A_479 = tpu.vector_load %arg9[%get3A_477, %get3A_478] {strides = array<i32>} : memref<16x320xf32, #tpu.memory_space<vmem>>, vector<16xf32>,
    %add3A_480 = arith.addf %add3A_475, %get3A_479 : vector<16xf32>
    %get3A_481 = arith.constant 13 : i32
    %get3A_482 = arith.index_cast %get3A_481 : i32 to index
    %get3A_483 = arith.constant 48 : index
    %get3A_484 = tpu.vector_load %arg9[%get3A_482, %get3A_483] {strides = array<i32>} : memref<16x320xf32, #tpu.memory_space<vmem>>, vector<16xf32>,
    %add3A_485 = arith.addf %add3A_480, %get3A_484 : vector<16xf32>
    %get3A_486 = arith.constant 14 : i32
    %get3A_487 = arith.index_cast %get3A_486 : i32 to index
    %get3A_488 = arith.constant 48 : index
    %get3A_489 = tpu.vector_load %arg9[%get3A_487, %get3A_488] {strides = array<i32>} : memref<16x320xf32, #tpu.memory_space<vmem>>, vector<16xf32>,
    %add3A_490 = arith.addf %add3A_485, %get3A_489 : vector<16xf32>
    %get3A_491 = arith.constant 15 : i32
    %get3A_492 = arith.index_cast %get3A_491 : i32 to index
    %get3A_493 = arith.constant 48 : index
    %get3A_494 = tpu.vector_load %arg9[%get3A_492, %get3A_493] {strides = array<i32>} : memref<16x320xf32, #tpu.memory_space<vmem>>, vector<16xf32>,
    %add3A_495 = arith.addf %add3A_490, %get3A_494 : vector<16xf32>
    %max3A_496 = arith.constant 1.000000e+00 : f32
    %max3A_497 = vector.broadcast %max3A_496 : f32 to vector<16xf32>
    %max3A_498 = arith.maximumf %add3A_495, %max3A_497 : vector<16xf32>
    %div3A_499 = arith.constant 1.000000e+00 : f32
    %div3A_500 = vector.broadcast %div3A_499 : f32 to vector<16xf32>
    %div3A_501 = arith.divf %div3A_500, %max3A_498 : vector<16xf32>
    %swap3A_502 = arith.constant 48 : index
    %swap3A_503 = tpu.vector_load %arg10[%swap3A_502] {strides = array<i32>} : memref<320xf32, #tpu.memory_space<vmem>>, vector<16xf32>,
    tpu.vector_store %arg10[%swap3A_502], %div3A_501 {strides = array<i32>} : memref<320xf32, #tpu.memory_space<vmem>>, vector<16xf32>,
    %get3A_504 = arith.constant 0 : i32
    %get3A_505 = arith.index_cast %get3A_504 : i32 to index
    %get3A_506 = arith.constant 64 : index
    %get3A_507 = tpu.vector_load %arg9[%get3A_505, %get3A_506] {strides = array<i32>} : memref<16x320xf32, #tpu.memory_space<vmem>>, vector<16xf32>,
    %get3A_508 = arith.constant 1 : i32
    %get3A_509 = arith.index_cast %get3A_508 : i32 to index
    %get3A_510 = arith.constant 64 : index
    %get3A_511 = tpu.vector_load %arg9[%get3A_509, %get3A_510] {strides = array<i32>} : memref<16x320xf32, #tpu.memory_space<vmem>>, vector<16xf32>,
    %add3A_512 = arith.addf %get3A_507, %get3A_511 : vector<16xf32>
    %get3A_513 = arith.constant 2 : i32
    %get3A_514 = arith.index_cast %get3A_513 : i32 to index
    %get3A_515 = arith.constant 64 : index
    %get3A_516 = tpu.vector_load %arg9[%get3A_514, %get3A_515] {strides = array<i32>} : memref<16x320xf32, #tpu.memory_space<vmem>>, vector<16xf32>,
    %add3A_517 = arith.addf %add3A_512, %get3A_516 : vector<16xf32>
    %get3A_518 = arith.constant 3 : i32
    %get3A_519 = arith.index_cast %get3A_518 : i32 to index
    %get3A_520 = arith.constant 64 : index
    %get3A_521 = tpu.vector_load %arg9[%get3A_519, %get3A_520] {strides = array<i32>} : memref<16x320xf32, #tpu.memory_space<vmem>>, vector<16xf32>,
    %add3A_522 = arith.addf %add3A_517, %get3A_521 : vector<16xf32>
    %get3A_523 = arith.constant 4 : i32
    %get3A_524 = arith.index_cast %get3A_523 : i32 to index
    %get3A_525 = arith.constant 64 : index
    %get3A_526 = tpu.vector_load %arg9[%get3A_524, %get3A_525] {strides = array<i32>} : memref<16x320xf32, #tpu.memory_space<vmem>>, vector<16xf32>,
    %add3A_527 = arith.addf %add3A_522, %get3A_526 : vector<16xf32>
    %get3A_528 = arith.constant 5 : i32
    %get3A_529 = arith.index_cast %get3A_528 : i32 to index
    %get3A_530 = arith.constant 64 : index
    %get3A_531 = tpu.vector_load %arg9[%get3A_529, %get3A_530] {strides = array<i32>} : memref<16x320xf32, #tpu.memory_space<vmem>>, vector<16xf32>,
    %add3A_532 = arith.addf %add3A_527, %get3A_531 : vector<16xf32>
    %get3A_533 = arith.constant 6 : i32
    %get3A_534 = arith.index_cast %get3A_533 : i32 to index
    %get3A_535 = arith.constant 64 : index
    %get3A_536 = tpu.vector_load %arg9[%get3A_534, %get3A_535] {strides = array<i32>} : memref<16x320xf32, #tpu.memory_space<vmem>>, vector<16xf32>,
    %add3A_537 = arith.addf %add3A_532, %get3A_536 : vector<16xf32>
    %get3A_538 = arith.constant 7 : i32
    %get3A_539 = arith.index_cast %get3A_538 : i32 to index
    %get3A_540 = arith.constant 64 : index
    %get3A_541 = tpu.vector_load %arg9[%get3A_539, %get3A_540] {strides = array<i32>} : memref<16x320xf32, #tpu.memory_space<vmem>>, vector<16xf32>,
    %add3A_542 = arith.addf %add3A_537, %get3A_541 : vector<16xf32>
    %get3A_543 = arith.constant 8 : i32
    %get3A_544 = arith.index_cast %get3A_543 : i32 to index
    %get3A_545 = arith.constant 64 : index
    %get3A_546 = tpu.vector_load %arg9[%get3A_544, %get3A_545] {strides = array<i32>} : memref<16x320xf32, #tpu.memory_space<vmem>>, vector<16xf32>,
    %add3A_547 = arith.addf %add3A_542, %get3A_546 : vector<16xf32>
    %get3A_548 = arith.constant 9 : i32
    %get3A_549 = arith.index_cast %get3A_548 : i32 to index
    %get3A_550 = arith.constant 64 : index
    %get3A_551 = tpu.vector_load %arg9[%get3A_549, %get3A_550] {strides = array<i32>} : memref<16x320xf32, #tpu.memory_space<vmem>>, vector<16xf32>,
    %add3A_552 = arith.addf %add3A_547, %get3A_551 : vector<16xf32>
    %get3A_553 = arith.constant 10 : i32
    %get3A_554 = arith.index_cast %get3A_553 : i32 to index
    %get3A_555 = arith.constant 64 : index
    %get3A_556 = tpu.vector_load %arg9[%get3A_554, %get3A_555] {strides = array<i32>} : memref<16x320xf32, #tpu.memory_space<vmem>>, vector<16xf32>,
    %add3A_557 = arith.addf %add3A_552, %get3A_556 : vector<16xf32>
    %get3A_558 = arith.constant 11 : i32
    %get3A_559 = arith.index_cast %get3A_558 : i32 to index
    %get3A_560 = arith.constant 64 : index
    %get3A_561 = tpu.vector_load %arg9[%get3A_559, %get3A_560] {strides = array<i32>} : memref<16x320xf32, #tpu.memory_space<vmem>>, vector<16xf32>,
    %add3A_562 = arith.addf %add3A_557, %get3A_561 : vector<16xf32>
    %get3A_563 = arith.constant 12 : i32
    %get3A_564 = arith.index_cast %get3A_563 : i32 to index
    %get3A_565 = arith.constant 64 : index
    %get3A_566 = tpu.vector_load %arg9[%get3A_564, %get3A_565] {strides = array<i32>} : memref<16x320xf32, #tpu.memory_space<vmem>>, vector<16xf32>,
    %add3A_567 = arith.addf %add3A_562, %get3A_566 : vector<16xf32>
    %get3A_568 = arith.constant 13 : i32
    %get3A_569 = arith.index_cast %get3A_568 : i32 to index
    %get3A_570 = arith.constant 64 : index
    %get3A_571 = tpu.vector_load %arg9[%get3A_569, %get3A_570] {strides = array<i32>} : memref<16x320xf32, #tpu.memory_space<vmem>>, vector<16xf32>,
    %add3A_572 = arith.addf %add3A_567, %get3A_571 : vector<16xf32>
    %get3A_573 = arith.constant 14 : i32
    %get3A_574 = arith.index_cast %get3A_573 : i32 to index
    %get3A_575 = arith.constant 64 : index
    %get3A_576 = tpu.vector_load %arg9[%get3A_574, %get3A_575] {strides = array<i32>} : memref<16x320xf32, #tpu.memory_space<vmem>>, vector<16xf32>,
    %add3A_577 = arith.addf %add3A_572, %get3A_576 : vector<16xf32>
    %get3A_578 = arith.constant 15 : i32
    %get3A_579 = arith.index_cast %get3A_578 : i32 to index
    %get3A_580 = arith.constant 64 : index
    %get3A_581 = tpu.vector_load %arg9[%get3A_579, %get3A_580] {strides = array<i32>} : memref<16x320xf32, #tpu.memory_space<vmem>>, vector<16xf32>,
    %add3A_582 = arith.addf %add3A_577, %get3A_581 : vector<16xf32>
    %max3A_583 = arith.constant 1.000000e+00 : f32
    %max3A_584 = vector.broadcast %max3A_583 : f32 to vector<16xf32>
    %max3A_585 = arith.maximumf %add3A_582, %max3A_584 : vector<16xf32>
    %div3A_586 = arith.constant 1.000000e+00 : f32
    %div3A_587 = vector.broadcast %div3A_586 : f32 to vector<16xf32>
    %div3A_588 = arith.divf %div3A_587, %max3A_585 : vector<16xf32>
    %swap3A_589 = arith.constant 64 : index
    %swap3A_590 = tpu.vector_load %arg10[%swap3A_589] {strides = array<i32>} : memref<320xf32, #tpu.memory_space<vmem>>, vector<16xf32>,
    tpu.vector_store %arg10[%swap3A_589], %div3A_588 {strides = array<i32>} : memref<320xf32, #tpu.memory_space<vmem>>, vector<16xf32>,
    %get3A_591 = arith.constant 0 : i32
    %get3A_592 = arith.index_cast %get3A_591 : i32 to index
    %get3A_593 = arith.constant 80 : index
    %get3A_594 = tpu.vector_load %arg9[%get3A_592, %get3A_593] {strides = array<i32>} : memref<16x320xf32, #tpu.memory_space<vmem>>, vector<16xf32>,
    %get3A_595 = arith.constant 1 : i32
    %get3A_596 = arith.index_cast %get3A_595 : i32 to index
    %get3A_597 = arith.constant 80 : index
    %get3A_598 = tpu.vector_load %arg9[%get3A_596, %get3A_597] {strides = array<i32>} : memref<16x320xf32, #tpu.memory_space<vmem>>, vector<16xf32>,
    %add3A_599 = arith.addf %get3A_594, %get3A_598 : vector<16xf32>
    %get3A_600 = arith.constant 2 : i32
    %get3A_601 = arith.index_cast %get3A_600 : i32 to index
    %get3A_602 = arith.constant 80 : index
    %get3A_603 = tpu.vector_load %arg9[%get3A_601, %get3A_602] {strides = array<i32>} : memref<16x320xf32, #tpu.memory_space<vmem>>, vector<16xf32>,
    %add3A_604 = arith.addf %add3A_599, %get3A_603 : vector<16xf32>
    %get3A_605 = arith.constant 3 : i32
    %get3A_606 = arith.index_cast %get3A_605 : i32 to index
    %get3A_607 = arith.constant 80 : index
    %get3A_608 = tpu.vector_load %arg9[%get3A_606, %get3A_607] {strides = array<i32>} : memref<16x320xf32, #tpu.memory_space<vmem>>, vector<16xf32>,
    %add3A_609 = arith.addf %add3A_604, %get3A_608 : vector<16xf32>
    %get3A_610 = arith.constant 4 : i32
    %get3A_611 = arith.index_cast %get3A_610 : i32 to index
    %get3A_612 = arith.constant 80 : index
    %get3A_613 = tpu.vector_load %arg9[%get3A_611, %get3A_612] {strides = array<i32>} : memref<16x320xf32, #tpu.memory_space<vmem>>, vector<16xf32>,
    %add3A_614 = arith.addf %add3A_609, %get3A_613 : vector<16xf32>
    %get3A_615 = arith.constant 5 : i32
    %get3A_616 = arith.index_cast %get3A_615 : i32 to index
    %get3A_617 = arith.constant 80 : index
    %get3A_618 = tpu.vector_load %arg9[%get3A_616, %get3A_617] {strides = array<i32>} : memref<16x320xf32, #tpu.memory_space<vmem>>, vector<16xf32>,
    %add3A_619 = arith.addf %add3A_614, %get3A_618 : vector<16xf32>
    %get3A_620 = arith.constant 6 : i32
    %get3A_621 = arith.index_cast %get3A_620 : i32 to index
    %get3A_622 = arith.constant 80 : index
    %get3A_623 = tpu.vector_load %arg9[%get3A_621, %get3A_622] {strides = array<i32>} : memref<16x320xf32, #tpu.memory_space<vmem>>, vector<16xf32>,
    %add3A_624 = arith.addf %add3A_619, %get3A_623 : vector<16xf32>
    %get3A_625 = arith.constant 7 : i32
    %get3A_626 = arith.index_cast %get3A_625 : i32 to index
    %get3A_627 = arith.constant 80 : index
    %get3A_628 = tpu.vector_load %arg9[%get3A_626, %get3A_627] {strides = array<i32>} : memref<16x320xf32, #tpu.memory_space<vmem>>, vector<16xf32>,
    %add3A_629 = arith.addf %add3A_624, %get3A_628 : vector<16xf32>
    %get3A_630 = arith.constant 8 : i32
    %get3A_631 = arith.index_cast %get3A_630 : i32 to index
    %get3A_632 = arith.constant 80 : index
    %get3A_633 = tpu.vector_load %arg9[%get3A_631, %get3A_632] {strides = array<i32>} : memref<16x320xf32, #tpu.memory_space<vmem>>, vector<16xf32>,
    %add3A_634 = arith.addf %add3A_629, %get3A_633 : vector<16xf32>
    %get3A_635 = arith.constant 9 : i32
    %get3A_636 = arith.index_cast %get3A_635 : i32 to index
    %get3A_637 = arith.constant 80 : index
    %get3A_638 = tpu.vector_load %arg9[%get3A_636, %get3A_637] {strides = array<i32>} : memref<16x320xf32, #tpu.memory_space<vmem>>, vector<16xf32>,
    %add3A_639 = arith.addf %add3A_634, %get3A_638 : vector<16xf32>
    %get3A_640 = arith.constant 10 : i32
    %get3A_641 = arith.index_cast %get3A_640 : i32 to index
    %get3A_642 = arith.constant 80 : index
    %get3A_643 = tpu.vector_load %arg9[%get3A_641, %get3A_642] {strides = array<i32>} : memref<16x320xf32, #tpu.memory_space<vmem>>, vector<16xf32>,
    %add3A_644 = arith.addf %add3A_639, %get3A_643 : vector<16xf32>
    %get3A_645 = arith.constant 11 : i32
    %get3A_646 = arith.index_cast %get3A_645 : i32 to index
    %get3A_647 = arith.constant 80 : index
    %get3A_648 = tpu.vector_load %arg9[%get3A_646, %get3A_647] {strides = array<i32>} : memref<16x320xf32, #tpu.memory_space<vmem>>, vector<16xf32>,
    %add3A_649 = arith.addf %add3A_644, %get3A_648 : vector<16xf32>
    %get3A_650 = arith.constant 12 : i32
    %get3A_651 = arith.index_cast %get3A_650 : i32 to index
    %get3A_652 = arith.constant 80 : index
    %get3A_653 = tpu.vector_load %arg9[%get3A_651, %get3A_652] {strides = array<i32>} : memref<16x320xf32, #tpu.memory_space<vmem>>, vector<16xf32>,
    %add3A_654 = arith.addf %add3A_649, %get3A_653 : vector<16xf32>
    %get3A_655 = arith.constant 13 : i32
    %get3A_656 = arith.index_cast %get3A_655 : i32 to index
    %get3A_657 = arith.constant 80 : index
    %get3A_658 = tpu.vector_load %arg9[%get3A_656, %get3A_657] {strides = array<i32>} : memref<16x320xf32, #tpu.memory_space<vmem>>, vector<16xf32>,
    %add3A_659 = arith.addf %add3A_654, %get3A_658 : vector<16xf32>
    %get3A_660 = arith.constant 14 : i32
    %get3A_661 = arith.index_cast %get3A_660 : i32 to index
    %get3A_662 = arith.constant 80 : index
    %get3A_663 = tpu.vector_load %arg9[%get3A_661, %get3A_662] {strides = array<i32>} : memref<16x320xf32, #tpu.memory_space<vmem>>, vector<16xf32>,
    %add3A_664 = arith.addf %add3A_659, %get3A_663 : vector<16xf32>
    %get3A_665 = arith.constant 15 : i32
    %get3A_666 = arith.index_cast %get3A_665 : i32 to index
    %get3A_667 = arith.constant 80 : index
    %get3A_668 = tpu.vector_load %arg9[%get3A_666, %get3A_667] {strides = array<i32>} : memref<16x320xf32, #tpu.memory_space<vmem>>, vector<16xf32>,
    %add3A_669 = arith.addf %add3A_664, %get3A_668 : vector<16xf32>
    %max3A_670 = arith.constant 1.000000e+00 : f32
    %max3A_671 = vector.broadcast %max3A_670 : f32 to vector<16xf32>
    %max3A_672 = arith.maximumf %add3A_669, %max3A_671 : vector<16xf32>
    %div3A_673 = arith.constant 1.000000e+00 : f32
    %div3A_674 = vector.broadcast %div3A_673 : f32 to vector<16xf32>
    %div3A_675 = arith.divf %div3A_674, %max3A_672 : vector<16xf32>
    %swap3A_676 = arith.constant 80 : index
    %swap3A_677 = tpu.vector_load %arg10[%swap3A_676] {strides = array<i32>} : memref<320xf32, #tpu.memory_space<vmem>>, vector<16xf32>,
    tpu.vector_store %arg10[%swap3A_676], %div3A_675 {strides = array<i32>} : memref<320xf32, #tpu.memory_space<vmem>>, vector<16xf32>,
    %get3A_678 = arith.constant 0 : i32
    %get3A_679 = arith.index_cast %get3A_678 : i32 to index
    %get3A_680 = arith.constant 96 : index
    %get3A_681 = tpu.vector_load %arg9[%get3A_679, %get3A_680] {strides = array<i32>} : memref<16x320xf32, #tpu.memory_space<vmem>>, vector<16xf32>,
    %get3A_682 = arith.constant 1 : i32
    %get3A_683 = arith.index_cast %get3A_682 : i32 to index
    %get3A_684 = arith.constant 96 : index
    %get3A_685 = tpu.vector_load %arg9[%get3A_683, %get3A_684] {strides = array<i32>} : memref<16x320xf32, #tpu.memory_space<vmem>>, vector<16xf32>,
    %add3A_686 = arith.addf %get3A_681, %get3A_685 : vector<16xf32>
    %get3A_687 = arith.constant 2 : i32
    %get3A_688 = arith.index_cast %get3A_687 : i32 to index
    %get3A_689 = arith.constant 96 : index
    %get3A_690 = tpu.vector_load %arg9[%get3A_688, %get3A_689] {strides = array<i32>} : memref<16x320xf32, #tpu.memory_space<vmem>>, vector<16xf32>,
    %add3A_691 = arith.addf %add3A_686, %get3A_690 : vector<16xf32>
    %get3A_692 = arith.constant 3 : i32
    %get3A_693 = arith.index_cast %get3A_692 : i32 to index
    %get3A_694 = arith.constant 96 : index
    %get3A_695 = tpu.vector_load %arg9[%get3A_693, %get3A_694] {strides = array<i32>} : memref<16x320xf32, #tpu.memory_space<vmem>>, vector<16xf32>,
    %add3A_696 = arith.addf %add3A_691, %get3A_695 : vector<16xf32>
    %get3A_697 = arith.constant 4 : i32
    %get3A_698 = arith.index_cast %get3A_697 : i32 to index
    %get3A_699 = arith.constant 96 : index
    %get3A_700 = tpu.vector_load %arg9[%get3A_698, %get3A_699] {strides = array<i32>} : memref<16x320xf32, #tpu.memory_space<vmem>>, vector<16xf32>,
    %add3A_701 = arith.addf %add3A_696, %get3A_700 : vector<16xf32>
    %get3A_702 = arith.constant 5 : i32
    %get3A_703 = arith.index_cast %get3A_702 : i32 to index
    %get3A_704 = arith.constant 96 : index
    %get3A_705 = tpu.vector_load %arg9[%get3A_703, %get3A_704] {strides = array<i32>} : memref<16x320xf32, #tpu.memory_space<vmem>>, vector<16xf32>,
    %add3A_706 = arith.addf %add3A_701, %get3A_705 : vector<16xf32>
    %get3A_707 = arith.constant 6 : i32
    %get3A_708 = arith.index_cast %get3A_707 : i32 to index
    %get3A_709 = arith.constant 96 : index
    %get3A_710 = tpu.vector_load %arg9[%get3A_708, %get3A_709] {strides = array<i32>} : memref<16x320xf32, #tpu.memory_space<vmem>>, vector<16xf32>,
    %add3A_711 = arith.addf %add3A_706, %get3A_710 : vector<16xf32>
    %get3A_712 = arith.constant 7 : i32
    %get3A_713 = arith.index_cast %get3A_712 : i32 to index
    %get3A_714 = arith.constant 96 : index
    %get3A_715 = tpu.vector_load %arg9[%get3A_713, %get3A_714] {strides = array<i32>} : memref<16x320xf32, #tpu.memory_space<vmem>>, vector<16xf32>,
    %add3A_716 = arith.addf %add3A_711, %get3A_715 : vector<16xf32>
    %get3A_717 = arith.constant 8 : i32
    %get3A_718 = arith.index_cast %get3A_717 : i32 to index
    %get3A_719 = arith.constant 96 : index
    %get3A_720 = tpu.vector_load %arg9[%get3A_718, %get3A_719] {strides = array<i32>} : memref<16x320xf32, #tpu.memory_space<vmem>>, vector<16xf32>,
    %add3A_721 = arith.addf %add3A_716, %get3A_720 : vector<16xf32>
    %get3A_722 = arith.constant 9 : i32
    %get3A_723 = arith.index_cast %get3A_722 : i32 to index
    %get3A_724 = arith.constant 96 : index
    %get3A_725 = tpu.vector_load %arg9[%get3A_723, %get3A_724] {strides = array<i32>} : memref<16x320xf32, #tpu.memory_space<vmem>>, vector<16xf32>,
    %add3A_726 = arith.addf %add3A_721, %get3A_725 : vector<16xf32>
    %get3A_727 = arith.constant 10 : i32
    %get3A_728 = arith.index_cast %get3A_727 : i32 to index
    %get3A_729 = arith.constant 96 : index
    %get3A_730 = tpu.vector_load %arg9[%get3A_728, %get3A_729] {strides = array<i32>} : memref<16x320xf32, #tpu.memory_space<vmem>>, vector<16xf32>,
    %add3A_731 = arith.addf %add3A_726, %get3A_730 : vector<16xf32>
    %get3A_732 = arith.constant 11 : i32
    %get3A_733 = arith.index_cast %get3A_732 : i32 to index
    %get3A_734 = arith.constant 96 : index
    %get3A_735 = tpu.vector_load %arg9[%get3A_733, %get3A_734] {strides = array<i32>} : memref<16x320xf32, #tpu.memory_space<vmem>>, vector<16xf32>,
    %add3A_736 = arith.addf %add3A_731, %get3A_735 : vector<16xf32>
    %get3A_737 = arith.constant 12 : i32
    %get3A_738 = arith.index_cast %get3A_737 : i32 to index
    %get3A_739 = arith.constant 96 : index
    %get3A_740 = tpu.vector_load %arg9[%get3A_738, %get3A_739] {strides = array<i32>} : memref<16x320xf32, #tpu.memory_space<vmem>>, vector<16xf32>,
    %add3A_741 = arith.addf %add3A_736, %get3A_740 : vector<16xf32>
    %get3A_742 = arith.constant 13 : i32
    %get3A_743 = arith.index_cast %get3A_742 : i32 to index
    %get3A_744 = arith.constant 96 : index
    %get3A_745 = tpu.vector_load %arg9[%get3A_743, %get3A_744] {strides = array<i32>} : memref<16x320xf32, #tpu.memory_space<vmem>>, vector<16xf32>,
    %add3A_746 = arith.addf %add3A_741, %get3A_745 : vector<16xf32>
    %get3A_747 = arith.constant 14 : i32
    %get3A_748 = arith.index_cast %get3A_747 : i32 to index
    %get3A_749 = arith.constant 96 : index
    %get3A_750 = tpu.vector_load %arg9[%get3A_748, %get3A_749] {strides = array<i32>} : memref<16x320xf32, #tpu.memory_space<vmem>>, vector<16xf32>,
    %add3A_751 = arith.addf %add3A_746, %get3A_750 : vector<16xf32>
    %get3A_752 = arith.constant 15 : i32
    %get3A_753 = arith.index_cast %get3A_752 : i32 to index
    %get3A_754 = arith.constant 96 : index
    %get3A_755 = tpu.vector_load %arg9[%get3A_753, %get3A_754] {strides = array<i32>} : memref<16x320xf32, #tpu.memory_space<vmem>>, vector<16xf32>,
    %add3A_756 = arith.addf %add3A_751, %get3A_755 : vector<16xf32>
    %max3A_757 = arith.constant 1.000000e+00 : f32
    %max3A_758 = vector.broadcast %max3A_757 : f32 to vector<16xf32>
    %max3A_759 = arith.maximumf %add3A_756, %max3A_758 : vector<16xf32>
    %div3A_760 = arith.constant 1.000000e+00 : f32
    %div3A_761 = vector.broadcast %div3A_760 : f32 to vector<16xf32>
    %div3A_762 = arith.divf %div3A_761, %max3A_759 : vector<16xf32>
    %swap3A_763 = arith.constant 96 : index
    %swap3A_764 = tpu.vector_load %arg10[%swap3A_763] {strides = array<i32>} : memref<320xf32, #tpu.memory_space<vmem>>, vector<16xf32>,
    tpu.vector_store %arg10[%swap3A_763], %div3A_762 {strides = array<i32>} : memref<320xf32, #tpu.memory_space<vmem>>, vector<16xf32>,
    %get3A_765 = arith.constant 0 : i32
    %get3A_766 = arith.index_cast %get3A_765 : i32 to index
    %get3A_767 = arith.constant 112 : index
    %get3A_768 = tpu.vector_load %arg9[%get3A_766, %get3A_767] {strides = array<i32>} : memref<16x320xf32, #tpu.memory_space<vmem>>, vector<16xf32>,
    %get3A_769 = arith.constant 1 : i32
    %get3A_770 = arith.index_cast %get3A_769 : i32 to index
    %get3A_771 = arith.constant 112 : index
    %get3A_772 = tpu.vector_load %arg9[%get3A_770, %get3A_771] {strides = array<i32>} : memref<16x320xf32, #tpu.memory_space<vmem>>, vector<16xf32>,
    %add3A_773 = arith.addf %get3A_768, %get3A_772 : vector<16xf32>
    %get3A_774 = arith.constant 2 : i32
    %get3A_775 = arith.index_cast %get3A_774 : i32 to index
    %get3A_776 = arith.constant 112 : index
    %get3A_777 = tpu.vector_load %arg9[%get3A_775, %get3A_776] {strides = array<i32>} : memref<16x320xf32, #tpu.memory_space<vmem>>, vector<16xf32>,
    %add3A_778 = arith.addf %add3A_773, %get3A_777 : vector<16xf32>
    %get3A_779 = arith.constant 3 : i32
    %get3A_780 = arith.index_cast %get3A_779 : i32 to index
    %get3A_781 = arith.constant 112 : index
    %get3A_782 = tpu.vector_load %arg9[%get3A_780, %get3A_781] {strides = array<i32>} : memref<16x320xf32, #tpu.memory_space<vmem>>, vector<16xf32>,
    %add3A_783 = arith.addf %add3A_778, %get3A_782 : vector<16xf32>
    %get3A_784 = arith.constant 4 : i32
    %get3A_785 = arith.index_cast %get3A_784 : i32 to index
    %get3A_786 = arith.constant 112 : index
    %get3A_787 = tpu.vector_load %arg9[%get3A_785, %get3A_786] {strides = array<i32>} : memref<16x320xf32, #tpu.memory_space<vmem>>, vector<16xf32>,
    %add3A_788 = arith.addf %add3A_783, %get3A_787 : vector<16xf32>
    %get3A_789 = arith.constant 5 : i32
    %get3A_790 = arith.index_cast %get3A_789 : i32 to index
    %get3A_791 = arith.constant 112 : index
    %get3A_792 = tpu.vector_load %arg9[%get3A_790, %get3A_791] {strides = array<i32>} : memref<16x320xf32, #tpu.memory_space<vmem>>, vector<16xf32>,
    %add3A_793 = arith.addf %add3A_788, %get3A_792 : vector<16xf32>
    %get3A_794 = arith.constant 6 : i32
    %get3A_795 = arith.index_cast %get3A_794 : i32 to index
    %get3A_796 = arith.constant 112 : index
    %get3A_797 = tpu.vector_load %arg9[%get3A_795, %get3A_796] {strides = array<i32>} : memref<16x320xf32, #tpu.memory_space<vmem>>, vector<16xf32>,
    %add3A_798 = arith.addf %add3A_793, %get3A_797 : vector<16xf32>
    %get3A_799 = arith.constant 7 : i32
    %get3A_800 = arith.index_cast %get3A_799 : i32 to index
    %get3A_801 = arith.constant 112 : index
    %get3A_802 = tpu.vector_load %arg9[%get3A_800, %get3A_801] {strides = array<i32>} : memref<16x320xf32, #tpu.memory_space<vmem>>, vector<16xf32>,
    %add3A_803 = arith.addf %add3A_798, %get3A_802 : vector<16xf32>
    %get3A_804 = arith.constant 8 : i32
    %get3A_805 = arith.index_cast %get3A_804 : i32 to index
    %get3A_806 = arith.constant 112 : index
    %get3A_807 = tpu.vector_load %arg9[%get3A_805, %get3A_806] {strides = array<i32>} : memref<16x320xf32, #tpu.memory_space<vmem>>, vector<16xf32>,
    %add3A_808 = arith.addf %add3A_803, %get3A_807 : vector<16xf32>
    %get3A_809 = arith.constant 9 : i32
    %get3A_810 = arith.index_cast %get3A_809 : i32 to index
    %get3A_811 = arith.constant 112 : index
    %get3A_812 = tpu.vector_load %arg9[%get3A_810, %get3A_811] {strides = array<i32>} : memref<16x320xf32, #tpu.memory_space<vmem>>, vector<16xf32>,
    %add3A_813 = arith.addf %add3A_808, %get3A_812 : vector<16xf32>
    %get3A_814 = arith.constant 10 : i32
    %get3A_815 = arith.index_cast %get3A_814 : i32 to index
    %get3A_816 = arith.constant 112 : index
    %get3A_817 = tpu.vector_load %arg9[%get3A_815, %get3A_816] {strides = array<i32>} : memref<16x320xf32, #tpu.memory_space<vmem>>, vector<16xf32>,
    %add3A_818 = arith.addf %add3A_813, %get3A_817 : vector<16xf32>
    %get3A_819 = arith.constant 11 : i32
    %get3A_820 = arith.index_cast %get3A_819 : i32 to index
    %get3A_821 = arith.constant 112 : index
    %get3A_822 = tpu.vector_load %arg9[%get3A_820, %get3A_821] {strides = array<i32>} : memref<16x320xf32, #tpu.memory_space<vmem>>, vector<16xf32>,
    %add3A_823 = arith.addf %add3A_818, %get3A_822 : vector<16xf32>
    %get3A_824 = arith.constant 12 : i32
    %get3A_825 = arith.index_cast %get3A_824 : i32 to index
    %get3A_826 = arith.constant 112 : index
    %get3A_827 = tpu.vector_load %arg9[%get3A_825, %get3A_826] {strides = array<i32>} : memref<16x320xf32, #tpu.memory_space<vmem>>, vector<16xf32>,
    %add3A_828 = arith.addf %add3A_823, %get3A_827 : vector<16xf32>
    %get3A_829 = arith.constant 13 : i32
    %get3A_830 = arith.index_cast %get3A_829 : i32 to index
    %get3A_831 = arith.constant 112 : index
    %get3A_832 = tpu.vector_load %arg9[%get3A_830, %get3A_831] {strides = array<i32>} : memref<16x320xf32, #tpu.memory_space<vmem>>, vector<16xf32>,
    %add3A_833 = arith.addf %add3A_828, %get3A_832 : vector<16xf32>
    %get3A_834 = arith.constant 14 : i32
    %get3A_835 = arith.index_cast %get3A_834 : i32 to index
    %get3A_836 = arith.constant 112 : index
    %get3A_837 = tpu.vector_load %arg9[%get3A_835, %get3A_836] {strides = array<i32>} : memref<16x320xf32, #tpu.memory_space<vmem>>, vector<16xf32>,
    %add3A_838 = arith.addf %add3A_833, %get3A_837 : vector<16xf32>
    %get3A_839 = arith.constant 15 : i32
    %get3A_840 = arith.index_cast %get3A_839 : i32 to index
    %get3A_841 = arith.constant 112 : index
    %get3A_842 = tpu.vector_load %arg9[%get3A_840, %get3A_841] {strides = array<i32>} : memref<16x320xf32, #tpu.memory_space<vmem>>, vector<16xf32>,
    %add3A_843 = arith.addf %add3A_838, %get3A_842 : vector<16xf32>
    %max3A_844 = arith.constant 1.000000e+00 : f32
    %max3A_845 = vector.broadcast %max3A_844 : f32 to vector<16xf32>
    %max3A_846 = arith.maximumf %add3A_843, %max3A_845 : vector<16xf32>
    %div3A_847 = arith.constant 1.000000e+00 : f32
    %div3A_848 = vector.broadcast %div3A_847 : f32 to vector<16xf32>
    %div3A_849 = arith.divf %div3A_848, %max3A_846 : vector<16xf32>
    %swap3A_850 = arith.constant 112 : index
    %swap3A_851 = tpu.vector_load %arg10[%swap3A_850] {strides = array<i32>} : memref<320xf32, #tpu.memory_space<vmem>>, vector<16xf32>,
    tpu.vector_store %arg10[%swap3A_850], %div3A_849 {strides = array<i32>} : memref<320xf32, #tpu.memory_space<vmem>>, vector<16xf32>,
    %get3A_852 = arith.constant 0 : i32
    %get3A_853 = arith.index_cast %get3A_852 : i32 to index
    %get3A_854 = arith.constant 128 : index
    %get3A_855 = tpu.vector_load %arg9[%get3A_853, %get3A_854] {strides = array<i32>} : memref<16x320xf32, #tpu.memory_space<vmem>>, vector<16xf32>,
    %get3A_856 = arith.constant 1 : i32
    %get3A_857 = arith.index_cast %get3A_856 : i32 to index
    %get3A_858 = arith.constant 128 : index
    %get3A_859 = tpu.vector_load %arg9[%get3A_857, %get3A_858] {strides = array<i32>} : memref<16x320xf32, #tpu.memory_space<vmem>>, vector<16xf32>,
    %add3A_860 = arith.addf %get3A_855, %get3A_859 : vector<16xf32>
    %get3A_861 = arith.constant 2 : i32
    %get3A_862 = arith.index_cast %get3A_861 : i32 to index
    %get3A_863 = arith.constant 128 : index
    %get3A_864 = tpu.vector_load %arg9[%get3A_862, %get3A_863] {strides = array<i32>} : memref<16x320xf32, #tpu.memory_space<vmem>>, vector<16xf32>,
    %add3A_865 = arith.addf %add3A_860, %get3A_864 : vector<16xf32>
    %get3A_866 = arith.constant 3 : i32
    %get3A_867 = arith.index_cast %get3A_866 : i32 to index
    %get3A_868 = arith.constant 128 : index
    %get3A_869 = tpu.vector_load %arg9[%get3A_867, %get3A_868] {strides = array<i32>} : memref<16x320xf32, #tpu.memory_space<vmem>>, vector<16xf32>,
    %add3A_870 = arith.addf %add3A_865, %get3A_869 : vector<16xf32>
    %get3A_871 = arith.constant 4 : i32
    %get3A_872 = arith.index_cast %get3A_871 : i32 to index
    %get3A_873 = arith.constant 128 : index
    %get3A_874 = tpu.vector_load %arg9[%get3A_872, %get3A_873] {strides = array<i32>} : memref<16x320xf32, #tpu.memory_space<vmem>>, vector<16xf32>,
    %add3A_875 = arith.addf %add3A_870, %get3A_874 : vector<16xf32>
    %get3A_876 = arith.constant 5 : i32
    %get3A_877 = arith.index_cast %get3A_876 : i32 to index
    %get3A_878 = arith.constant 128 : index
    %get3A_879 = tpu.vector_load %arg9[%get3A_877, %get3A_878] {strides = array<i32>} : memref<16x320xf32, #tpu.memory_space<vmem>>, vector<16xf32>,
    %add3A_880 = arith.addf %add3A_875, %get3A_879 : vector<16xf32>
    %get3A_881 = arith.constant 6 : i32
    %get3A_882 = arith.index_cast %get3A_881 : i32 to index
    %get3A_883 = arith.constant 128 : index
    %get3A_884 = tpu.vector_load %arg9[%get3A_882, %get3A_883] {strides = array<i32>} : memref<16x320xf32, #tpu.memory_space<vmem>>, vector<16xf32>,
    %add3A_885 = arith.addf %add3A_880, %get3A_884 : vector<16xf32>
    %get3A_886 = arith.constant 7 : i32
    %get3A_887 = arith.index_cast %get3A_886 : i32 to index
    %get3A_888 = arith.constant 128 : index
    %get3A_889 = tpu.vector_load %arg9[%get3A_887, %get3A_888] {strides = array<i32>} : memref<16x320xf32, #tpu.memory_space<vmem>>, vector<16xf32>,
    %add3A_890 = arith.addf %add3A_885, %get3A_889 : vector<16xf32>
    %get3A_891 = arith.constant 8 : i32
    %get3A_892 = arith.index_cast %get3A_891 : i32 to index
    %get3A_893 = arith.constant 128 : index
    %get3A_894 = tpu.vector_load %arg9[%get3A_892, %get3A_893] {strides = array<i32>} : memref<16x320xf32, #tpu.memory_space<vmem>>, vector<16xf32>,
    %add3A_895 = arith.addf %add3A_890, %get3A_894 : vector<16xf32>
    %get3A_896 = arith.constant 9 : i32
    %get3A_897 = arith.index_cast %get3A_896 : i32 to index
    %get3A_898 = arith.constant 128 : index
    %get3A_899 = tpu.vector_load %arg9[%get3A_897, %get3A_898] {strides = array<i32>} : memref<16x320xf32, #tpu.memory_space<vmem>>, vector<16xf32>,
    %add3A_900 = arith.addf %add3A_895, %get3A_899 : vector<16xf32>
    %get3A_901 = arith.constant 10 : i32
    %get3A_902 = arith.index_cast %get3A_901 : i32 to index
    %get3A_903 = arith.constant 128 : index
    %get3A_904 = tpu.vector_load %arg9[%get3A_902, %get3A_903] {strides = array<i32>} : memref<16x320xf32, #tpu.memory_space<vmem>>, vector<16xf32>,
    %add3A_905 = arith.addf %add3A_900, %get3A_904 : vector<16xf32>
    %get3A_906 = arith.constant 11 : i32
    %get3A_907 = arith.index_cast %get3A_906 : i32 to index
    %get3A_908 = arith.constant 128 : index
    %get3A_909 = tpu.vector_load %arg9[%get3A_907, %get3A_908] {strides = array<i32>} : memref<16x320xf32, #tpu.memory_space<vmem>>, vector<16xf32>,
    %add3A_910 = arith.addf %add3A_905, %get3A_909 : vector<16xf32>
    %get3A_911 = arith.constant 12 : i32
    %get3A_912 = arith.index_cast %get3A_911 : i32 to index
    %get3A_913 = arith.constant 128 : index
    %get3A_914 = tpu.vector_load %arg9[%get3A_912, %get3A_913] {strides = array<i32>} : memref<16x320xf32, #tpu.memory_space<vmem>>, vector<16xf32>,
    %add3A_915 = arith.addf %add3A_910, %get3A_914 : vector<16xf32>
    %get3A_916 = arith.constant 13 : i32
    %get3A_917 = arith.index_cast %get3A_916 : i32 to index
    %get3A_918 = arith.constant 128 : index
    %get3A_919 = tpu.vector_load %arg9[%get3A_917, %get3A_918] {strides = array<i32>} : memref<16x320xf32, #tpu.memory_space<vmem>>, vector<16xf32>,
    %add3A_920 = arith.addf %add3A_915, %get3A_919 : vector<16xf32>
    %get3A_921 = arith.constant 14 : i32
    %get3A_922 = arith.index_cast %get3A_921 : i32 to index
    %get3A_923 = arith.constant 128 : index
    %get3A_924 = tpu.vector_load %arg9[%get3A_922, %get3A_923] {strides = array<i32>} : memref<16x320xf32, #tpu.memory_space<vmem>>, vector<16xf32>,
    %add3A_925 = arith.addf %add3A_920, %get3A_924 : vector<16xf32>
    %get3A_926 = arith.constant 15 : i32
    %get3A_927 = arith.index_cast %get3A_926 : i32 to index
    %get3A_928 = arith.constant 128 : index
    %get3A_929 = tpu.vector_load %arg9[%get3A_927, %get3A_928] {strides = array<i32>} : memref<16x320xf32, #tpu.memory_space<vmem>>, vector<16xf32>,
    %add3A_930 = arith.addf %add3A_925, %get3A_929 : vector<16xf32>
    %max3A_931 = arith.constant 1.000000e+00 : f32
    %max3A_932 = vector.broadcast %max3A_931 : f32 to vector<16xf32>
    %max3A_933 = arith.maximumf %add3A_930, %max3A_932 : vector<16xf32>
    %div3A_934 = arith.constant 1.000000e+00 : f32
    %div3A_935 = vector.broadcast %div3A_934 : f32 to vector<16xf32>
    %div3A_936 = arith.divf %div3A_935, %max3A_933 : vector<16xf32>
    %swap3A_937 = arith.constant 128 : index
    %swap3A_938 = tpu.vector_load %arg10[%swap3A_937] {strides = array<i32>} : memref<320xf32, #tpu.memory_space<vmem>>, vector<16xf32>,
    tpu.vector_store %arg10[%swap3A_937], %div3A_936 {strides = array<i32>} : memref<320xf32, #tpu.memory_space<vmem>>, vector<16xf32>,
    %get3A_939 = arith.constant 0 : i32
    %get3A_940 = arith.index_cast %get3A_939 : i32 to index
    %get3A_941 = arith.constant 144 : index
    %get3A_942 = tpu.vector_load %arg9[%get3A_940, %get3A_941] {strides = array<i32>} : memref<16x320xf32, #tpu.memory_space<vmem>>, vector<16xf32>,
    %get3A_943 = arith.constant 1 : i32
    %get3A_944 = arith.index_cast %get3A_943 : i32 to index
    %get3A_945 = arith.constant 144 : index
    %get3A_946 = tpu.vector_load %arg9[%get3A_944, %get3A_945] {strides = array<i32>} : memref<16x320xf32, #tpu.memory_space<vmem>>, vector<16xf32>,
    %add3A_947 = arith.addf %get3A_942, %get3A_946 : vector<16xf32>
    %get3A_948 = arith.constant 2 : i32
    %get3A_949 = arith.index_cast %get3A_948 : i32 to index
    %get3A_950 = arith.constant 144 : index
    %get3A_951 = tpu.vector_load %arg9[%get3A_949, %get3A_950] {strides = array<i32>} : memref<16x320xf32, #tpu.memory_space<vmem>>, vector<16xf32>,
    %add3A_952 = arith.addf %add3A_947, %get3A_951 : vector<16xf32>
    %get3A_953 = arith.constant 3 : i32
    %get3A_954 = arith.index_cast %get3A_953 : i32 to index
    %get3A_955 = arith.constant 144 : index
    %get3A_956 = tpu.vector_load %arg9[%get3A_954, %get3A_955] {strides = array<i32>} : memref<16x320xf32, #tpu.memory_space<vmem>>, vector<16xf32>,
    %add3A_957 = arith.addf %add3A_952, %get3A_956 : vector<16xf32>
    %get3A_958 = arith.constant 4 : i32
    %get3A_959 = arith.index_cast %get3A_958 : i32 to index
    %get3A_960 = arith.constant 144 : index
    %get3A_961 = tpu.vector_load %arg9[%get3A_959, %get3A_960] {strides = array<i32>} : memref<16x320xf32, #tpu.memory_space<vmem>>, vector<16xf32>,
    %add3A_962 = arith.addf %add3A_957, %get3A_961 : vector<16xf32>
    %get3A_963 = arith.constant 5 : i32
    %get3A_964 = arith.index_cast %get3A_963 : i32 to index
    %get3A_965 = arith.constant 144 : index
    %get3A_966 = tpu.vector_load %arg9[%get3A_964, %get3A_965] {strides = array<i32>} : memref<16x320xf32, #tpu.memory_space<vmem>>, vector<16xf32>,
    %add3A_967 = arith.addf %add3A_962, %get3A_966 : vector<16xf32>
    %get3A_968 = arith.constant 6 : i32
    %get3A_969 = arith.index_cast %get3A_968 : i32 to index
    %get3A_970 = arith.constant 144 : index
    %get3A_971 = tpu.vector_load %arg9[%get3A_969, %get3A_970] {strides = array<i32>} : memref<16x320xf32, #tpu.memory_space<vmem>>, vector<16xf32>,
    %add3A_972 = arith.addf %add3A_967, %get3A_971 : vector<16xf32>
    %get3A_973 = arith.constant 7 : i32
    %get3A_974 = arith.index_cast %get3A_973 : i32 to index
    %get3A_975 = arith.constant 144 : index
    %get3A_976 = tpu.vector_load %arg9[%get3A_974, %get3A_975] {strides = array<i32>} : memref<16x320xf32, #tpu.memory_space<vmem>>, vector<16xf32>,
    %add3A_977 = arith.addf %add3A_972, %get3A_976 : vector<16xf32>
    %get3A_978 = arith.constant 8 : i32
    %get3A_979 = arith.index_cast %get3A_978 : i32 to index
    %get3A_980 = arith.constant 144 : index
    %get3A_981 = tpu.vector_load %arg9[%get3A_979, %get3A_980] {strides = array<i32>} : memref<16x320xf32, #tpu.memory_space<vmem>>, vector<16xf32>,
    %add3A_982 = arith.addf %add3A_977, %get3A_981 : vector<16xf32>
    %get3A_983 = arith.constant 9 : i32
    %get3A_984 = arith.index_cast %get3A_983 : i32 to index
    %get3A_985 = arith.constant 144 : index
    %get3A_986 = tpu.vector_load %arg9[%get3A_984, %get3A_985] {strides = array<i32>} : memref<16x320xf32, #tpu.memory_space<vmem>>, vector<16xf32>,
    %add3A_987 = arith.addf %add3A_982, %get3A_986 : vector<16xf32>
    %get3A_988 = arith.constant 10 : i32
    %get3A_989 = arith.index_cast %get3A_988 : i32 to index
    %get3A_990 = arith.constant 144 : index
    %get3A_991 = tpu.vector_load %arg9[%get3A_989, %get3A_990] {strides = array<i32>} : memref<16x320xf32, #tpu.memory_space<vmem>>, vector<16xf32>,
    %add3A_992 = arith.addf %add3A_987, %get3A_991 : vector<16xf32>
    %get3A_993 = arith.constant 11 : i32
    %get3A_994 = arith.index_cast %get3A_993 : i32 to index
    %get3A_995 = arith.constant 144 : index
    %get3A_996 = tpu.vector_load %arg9[%get3A_994, %get3A_995] {strides = array<i32>} : memref<16x320xf32, #tpu.memory_space<vmem>>, vector<16xf32>,
    %add3A_997 = arith.addf %add3A_992, %get3A_996 : vector<16xf32>
    %get3A_998 = arith.constant 12 : i32
    %get3A_999 = arith.index_cast %get3A_998 : i32 to index
    %get3A_1000 = arith.constant 144 : index
    %get3A_1001 = tpu.vector_load %arg9[%get3A_999, %get3A_1000] {strides = array<i32>} : memref<16x320xf32, #tpu.memory_space<vmem>>, vector<16xf32>,
    %add3A_1002 = arith.addf %add3A_997, %get3A_1001 : vector<16xf32>
    %get3A_1003 = arith.constant 13 : i32
    %get3A_1004 = arith.index_cast %get3A_1003 : i32 to index
    %get3A_1005 = arith.constant 144 : index
    %get3A_1006 = tpu.vector_load %arg9[%get3A_1004, %get3A_1005] {strides = array<i32>} : memref<16x320xf32, #tpu.memory_space<vmem>>, vector<16xf32>,
    %add3A_1007 = arith.addf %add3A_1002, %get3A_1006 : vector<16xf32>
    %get3A_1008 = arith.constant 14 : i32
    %get3A_1009 = arith.index_cast %get3A_1008 : i32 to index
    %get3A_1010 = arith.constant 144 : index
    %get3A_1011 = tpu.vector_load %arg9[%get3A_1009, %get3A_1010] {strides = array<i32>} : memref<16x320xf32, #tpu.memory_space<vmem>>, vector<16xf32>,
    %add3A_1012 = arith.addf %add3A_1007, %get3A_1011 : vector<16xf32>
    %get3A_1013 = arith.constant 15 : i32
    %get3A_1014 = arith.index_cast %get3A_1013 : i32 to index
    %get3A_1015 = arith.constant 144 : index
    %get3A_1016 = tpu.vector_load %arg9[%get3A_1014, %get3A_1015] {strides = array<i32>} : memref<16x320xf32, #tpu.memory_space<vmem>>, vector<16xf32>,
    %add3A_1017 = arith.addf %add3A_1012, %get3A_1016 : vector<16xf32>
    %max3A_1018 = arith.constant 1.000000e+00 : f32
    %max3A_1019 = vector.broadcast %max3A_1018 : f32 to vector<16xf32>
    %max3A_1020 = arith.maximumf %add3A_1017, %max3A_1019 : vector<16xf32>
    %div3A_1021 = arith.constant 1.000000e+00 : f32
    %div3A_1022 = vector.broadcast %div3A_1021 : f32 to vector<16xf32>
    %div3A_1023 = arith.divf %div3A_1022, %max3A_1020 : vector<16xf32>
    %swap3A_1024 = arith.constant 144 : index
    %swap3A_1025 = tpu.vector_load %arg10[%swap3A_1024] {strides = array<i32>} : memref<320xf32, #tpu.memory_space<vmem>>, vector<16xf32>,
    tpu.vector_store %arg10[%swap3A_1024], %div3A_1023 {strides = array<i32>} : memref<320xf32, #tpu.memory_space<vmem>>, vector<16xf32>,
    %get3A_1026 = arith.constant 0 : i32
    %get3A_1027 = arith.index_cast %get3A_1026 : i32 to index
    %get3A_1028 = arith.constant 160 : index
    %get3A_1029 = tpu.vector_load %arg9[%get3A_1027, %get3A_1028] {strides = array<i32>} : memref<16x320xf32, #tpu.memory_space<vmem>>, vector<16xf32>,
    %get3A_1030 = arith.constant 1 : i32
    %get3A_1031 = arith.index_cast %get3A_1030 : i32 to index
    %get3A_1032 = arith.constant 160 : index
    %get3A_1033 = tpu.vector_load %arg9[%get3A_1031, %get3A_1032] {strides = array<i32>} : memref<16x320xf32, #tpu.memory_space<vmem>>, vector<16xf32>,
    %add3A_1034 = arith.addf %get3A_1029, %get3A_1033 : vector<16xf32>
    %get3A_1035 = arith.constant 2 : i32
    %get3A_1036 = arith.index_cast %get3A_1035 : i32 to index
    %get3A_1037 = arith.constant 160 : index
    %get3A_1038 = tpu.vector_load %arg9[%get3A_1036, %get3A_1037] {strides = array<i32>} : memref<16x320xf32, #tpu.memory_space<vmem>>, vector<16xf32>,
    %add3A_1039 = arith.addf %add3A_1034, %get3A_1038 : vector<16xf32>
    %get3A_1040 = arith.constant 3 : i32
    %get3A_1041 = arith.index_cast %get3A_1040 : i32 to index
    %get3A_1042 = arith.constant 160 : index
    %get3A_1043 = tpu.vector_load %arg9[%get3A_1041, %get3A_1042] {strides = array<i32>} : memref<16x320xf32, #tpu.memory_space<vmem>>, vector<16xf32>,
    %add3A_1044 = arith.addf %add3A_1039, %get3A_1043 : vector<16xf32>
    %get3A_1045 = arith.constant 4 : i32
    %get3A_1046 = arith.index_cast %get3A_1045 : i32 to index
    %get3A_1047 = arith.constant 160 : index
    %get3A_1048 = tpu.vector_load %arg9[%get3A_1046, %get3A_1047] {strides = array<i32>} : memref<16x320xf32, #tpu.memory_space<vmem>>, vector<16xf32>,
    %add3A_1049 = arith.addf %add3A_1044, %get3A_1048 : vector<16xf32>
    %get3A_1050 = arith.constant 5 : i32
    %get3A_1051 = arith.index_cast %get3A_1050 : i32 to index
    %get3A_1052 = arith.constant 160 : index
    %get3A_1053 = tpu.vector_load %arg9[%get3A_1051, %get3A_1052] {strides = array<i32>} : memref<16x320xf32, #tpu.memory_space<vmem>>, vector<16xf32>,
    %add3A_1054 = arith.addf %add3A_1049, %get3A_1053 : vector<16xf32>
    %get3A_1055 = arith.constant 6 : i32
    %get3A_1056 = arith.index_cast %get3A_1055 : i32 to index
    %get3A_1057 = arith.constant 160 : index
    %get3A_1058 = tpu.vector_load %arg9[%get3A_1056, %get3A_1057] {strides = array<i32>} : memref<16x320xf32, #tpu.memory_space<vmem>>, vector<16xf32>,
    %add3A_1059 = arith.addf %add3A_1054, %get3A_1058 : vector<16xf32>
    %get3A_1060 = arith.constant 7 : i32
    %get3A_1061 = arith.index_cast %get3A_1060 : i32 to index
    %get3A_1062 = arith.constant 160 : index
    %get3A_1063 = tpu.vector_load %arg9[%get3A_1061, %get3A_1062] {strides = array<i32>} : memref<16x320xf32, #tpu.memory_space<vmem>>, vector<16xf32>,
    %add3A_1064 = arith.addf %add3A_1059, %get3A_1063 : vector<16xf32>
    %get3A_1065 = arith.constant 8 : i32
    %get3A_1066 = arith.index_cast %get3A_1065 : i32 to index
    %get3A_1067 = arith.constant 160 : index
    %get3A_1068 = tpu.vector_load %arg9[%get3A_1066, %get3A_1067] {strides = array<i32>} : memref<16x320xf32, #tpu.memory_space<vmem>>, vector<16xf32>,
    %add3A_1069 = arith.addf %add3A_1064, %get3A_1068 : vector<16xf32>
    %get3A_1070 = arith.constant 9 : i32
    %get3A_1071 = arith.index_cast %get3A_1070 : i32 to index
    %get3A_1072 = arith.constant 160 : index
    %get3A_1073 = tpu.vector_load %arg9[%get3A_1071, %get3A_1072] {strides = array<i32>} : memref<16x320xf32, #tpu.memory_space<vmem>>, vector<16xf32>,
    %add3A_1074 = arith.addf %add3A_1069, %get3A_1073 : vector<16xf32>
    %get3A_1075 = arith.constant 10 : i32
    %get3A_1076 = arith.index_cast %get3A_1075 : i32 to index
    %get3A_1077 = arith.constant 160 : index
    %get3A_1078 = tpu.vector_load %arg9[%get3A_1076, %get3A_1077] {strides = array<i32>} : memref<16x320xf32, #tpu.memory_space<vmem>>, vector<16xf32>,
    %add3A_1079 = arith.addf %add3A_1074, %get3A_1078 : vector<16xf32>
    %get3A_1080 = arith.constant 11 : i32
    %get3A_1081 = arith.index_cast %get3A_1080 : i32 to index
    %get3A_1082 = arith.constant 160 : index
    %get3A_1083 = tpu.vector_load %arg9[%get3A_1081, %get3A_1082] {strides = array<i32>} : memref<16x320xf32, #tpu.memory_space<vmem>>, vector<16xf32>,
    %add3A_1084 = arith.addf %add3A_1079, %get3A_1083 : vector<16xf32>
    %get3A_1085 = arith.constant 12 : i32
    %get3A_1086 = arith.index_cast %get3A_1085 : i32 to index
    %get3A_1087 = arith.constant 160 : index
    %get3A_1088 = tpu.vector_load %arg9[%get3A_1086, %get3A_1087] {strides = array<i32>} : memref<16x320xf32, #tpu.memory_space<vmem>>, vector<16xf32>,
    %add3A_1089 = arith.addf %add3A_1084, %get3A_1088 : vector<16xf32>
    %get3A_1090 = arith.constant 13 : i32
    %get3A_1091 = arith.index_cast %get3A_1090 : i32 to index
    %get3A_1092 = arith.constant 160 : index
    %get3A_1093 = tpu.vector_load %arg9[%get3A_1091, %get3A_1092] {strides = array<i32>} : memref<16x320xf32, #tpu.memory_space<vmem>>, vector<16xf32>,
    %add3A_1094 = arith.addf %add3A_1089, %get3A_1093 : vector<16xf32>
    %get3A_1095 = arith.constant 14 : i32
    %get3A_1096 = arith.index_cast %get3A_1095 : i32 to index
    %get3A_1097 = arith.constant 160 : index
    %get3A_1098 = tpu.vector_load %arg9[%get3A_1096, %get3A_1097] {strides = array<i32>} : memref<16x320xf32, #tpu.memory_space<vmem>>, vector<16xf32>,
    %add3A_1099 = arith.addf %add3A_1094, %get3A_1098 : vector<16xf32>
    %get3A_1100 = arith.constant 15 : i32
    %get3A_1101 = arith.index_cast %get3A_1100 : i32 to index
    %get3A_1102 = arith.constant 160 : index
    %get3A_1103 = tpu.vector_load %arg9[%get3A_1101, %get3A_1102] {strides = array<i32>} : memref<16x320xf32, #tpu.memory_space<vmem>>, vector<16xf32>,
    %add3A_1104 = arith.addf %add3A_1099, %get3A_1103 : vector<16xf32>
    %max3A_1105 = arith.constant 1.000000e+00 : f32
    %max3A_1106 = vector.broadcast %max3A_1105 : f32 to vector<16xf32>
    %max3A_1107 = arith.maximumf %add3A_1104, %max3A_1106 : vector<16xf32>
    %div3A_1108 = arith.constant 1.000000e+00 : f32
    %div3A_1109 = vector.broadcast %div3A_1108 : f32 to vector<16xf32>
    %div3A_1110 = arith.divf %div3A_1109, %max3A_1107 : vector<16xf32>
    %swap3A_1111 = arith.constant 160 : index
    %swap3A_1112 = tpu.vector_load %arg10[%swap3A_1111] {strides = array<i32>} : memref<320xf32, #tpu.memory_space<vmem>>, vector<16xf32>,
    tpu.vector_store %arg10[%swap3A_1111], %div3A_1110 {strides = array<i32>} : memref<320xf32, #tpu.memory_space<vmem>>, vector<16xf32>,
    %get3A_1113 = arith.constant 0 : i32
    %get3A_1114 = arith.index_cast %get3A_1113 : i32 to index
    %get3A_1115 = arith.constant 176 : index
    %get3A_1116 = tpu.vector_load %arg9[%get3A_1114, %get3A_1115] {strides = array<i32>} : memref<16x320xf32, #tpu.memory_space<vmem>>, vector<16xf32>,
    %get3A_1117 = arith.constant 1 : i32
    %get3A_1118 = arith.index_cast %get3A_1117 : i32 to index
    %get3A_1119 = arith.constant 176 : index
    %get3A_1120 = tpu.vector_load %arg9[%get3A_1118, %get3A_1119] {strides = array<i32>} : memref<16x320xf32, #tpu.memory_space<vmem>>, vector<16xf32>,
    %add3A_1121 = arith.addf %get3A_1116, %get3A_1120 : vector<16xf32>
    %get3A_1122 = arith.constant 2 : i32
    %get3A_1123 = arith.index_cast %get3A_1122 : i32 to index
    %get3A_1124 = arith.constant 176 : index
    %get3A_1125 = tpu.vector_load %arg9[%get3A_1123, %get3A_1124] {strides = array<i32>} : memref<16x320xf32, #tpu.memory_space<vmem>>, vector<16xf32>,
    %add3A_1126 = arith.addf %add3A_1121, %get3A_1125 : vector<16xf32>
    %get3A_1127 = arith.constant 3 : i32
    %get3A_1128 = arith.index_cast %get3A_1127 : i32 to index
    %get3A_1129 = arith.constant 176 : index
    %get3A_1130 = tpu.vector_load %arg9[%get3A_1128, %get3A_1129] {strides = array<i32>} : memref<16x320xf32, #tpu.memory_space<vmem>>, vector<16xf32>,
    %add3A_1131 = arith.addf %add3A_1126, %get3A_1130 : vector<16xf32>
    %get3A_1132 = arith.constant 4 : i32
    %get3A_1133 = arith.index_cast %get3A_1132 : i32 to index
    %get3A_1134 = arith.constant 176 : index
    %get3A_1135 = tpu.vector_load %arg9[%get3A_1133, %get3A_1134] {strides = array<i32>} : memref<16x320xf32, #tpu.memory_space<vmem>>, vector<16xf32>,
    %add3A_1136 = arith.addf %add3A_1131, %get3A_1135 : vector<16xf32>
    %get3A_1137 = arith.constant 5 : i32
    %get3A_1138 = arith.index_cast %get3A_1137 : i32 to index
    %get3A_1139 = arith.constant 176 : index
    %get3A_1140 = tpu.vector_load %arg9[%get3A_1138, %get3A_1139] {strides = array<i32>} : memref<16x320xf32, #tpu.memory_space<vmem>>, vector<16xf32>,
    %add3A_1141 = arith.addf %add3A_1136, %get3A_1140 : vector<16xf32>
    %get3A_1142 = arith.constant 6 : i32
    %get3A_1143 = arith.index_cast %get3A_1142 : i32 to index
    %get3A_1144 = arith.constant 176 : index
    %get3A_1145 = tpu.vector_load %arg9[%get3A_1143, %get3A_1144] {strides = array<i32>} : memref<16x320xf32, #tpu.memory_space<vmem>>, vector<16xf32>,
    %add3A_1146 = arith.addf %add3A_1141, %get3A_1145 : vector<16xf32>
    %get3A_1147 = arith.constant 7 : i32
    %get3A_1148 = arith.index_cast %get3A_1147 : i32 to index
    %get3A_1149 = arith.constant 176 : index
    %get3A_1150 = tpu.vector_load %arg9[%get3A_1148, %get3A_1149] {strides = array<i32>} : memref<16x320xf32, #tpu.memory_space<vmem>>, vector<16xf32>,
    %add3A_1151 = arith.addf %add3A_1146, %get3A_1150 : vector<16xf32>
    %get3A_1152 = arith.constant 8 : i32
    %get3A_1153 = arith.index_cast %get3A_1152 : i32 to index
    %get3A_1154 = arith.constant 176 : index
    %get3A_1155 = tpu.vector_load %arg9[%get3A_1153, %get3A_1154] {strides = array<i32>} : memref<16x320xf32, #tpu.memory_space<vmem>>, vector<16xf32>,
    %add3A_1156 = arith.addf %add3A_1151, %get3A_1155 : vector<16xf32>
    %get3A_1157 = arith.constant 9 : i32
    %get3A_1158 = arith.index_cast %get3A_1157 : i32 to index
    %get3A_1159 = arith.constant 176 : index
    %get3A_1160 = tpu.vector_load %arg9[%get3A_1158, %get3A_1159] {strides = array<i32>} : memref<16x320xf32, #tpu.memory_space<vmem>>, vector<16xf32>,
    %add3A_1161 = arith.addf %add3A_1156, %get3A_1160 : vector<16xf32>
    %get3A_1162 = arith.constant 10 : i32
    %get3A_1163 = arith.index_cast %get3A_1162 : i32 to index
    %get3A_1164 = arith.constant 176 : index
    %get3A_1165 = tpu.vector_load %arg9[%get3A_1163, %get3A_1164] {strides = array<i32>} : memref<16x320xf32, #tpu.memory_space<vmem>>, vector<16xf32>,
    %add3A_1166 = arith.addf %add3A_1161, %get3A_1165 : vector<16xf32>
    %get3A_1167 = arith.constant 11 : i32
    %get3A_1168 = arith.index_cast %get3A_1167 : i32 to index
    %get3A_1169 = arith.constant 176 : index
    %get3A_1170 = tpu.vector_load %arg9[%get3A_1168, %get3A_1169] {strides = array<i32>} : memref<16x320xf32, #tpu.memory_space<vmem>>, vector<16xf32>,
    %add3A_1171 = arith.addf %add3A_1166, %get3A_1170 : vector<16xf32>
    %get3A_1172 = arith.constant 12 : i32
    %get3A_1173 = arith.index_cast %get3A_1172 : i32 to index
    %get3A_1174 = arith.constant 176 : index
    %get3A_1175 = tpu.vector_load %arg9[%get3A_1173, %get3A_1174] {strides = array<i32>} : memref<16x320xf32, #tpu.memory_space<vmem>>, vector<16xf32>,
    %add3A_1176 = arith.addf %add3A_1171, %get3A_1175 : vector<16xf32>
    %get3A_1177 = arith.constant 13 : i32
    %get3A_1178 = arith.index_cast %get3A_1177 : i32 to index
    %get3A_1179 = arith.constant 176 : index
    %get3A_1180 = tpu.vector_load %arg9[%get3A_1178, %get3A_1179] {strides = array<i32>} : memref<16x320xf32, #tpu.memory_space<vmem>>, vector<16xf32>,
    %add3A_1181 = arith.addf %add3A_1176, %get3A_1180 : vector<16xf32>
    %get3A_1182 = arith.constant 14 : i32
    %get3A_1183 = arith.index_cast %get3A_1182 : i32 to index
    %get3A_1184 = arith.constant 176 : index
    %get3A_1185 = tpu.vector_load %arg9[%get3A_1183, %get3A_1184] {strides = array<i32>} : memref<16x320xf32, #tpu.memory_space<vmem>>, vector<16xf32>,
    %add3A_1186 = arith.addf %add3A_1181, %get3A_1185 : vector<16xf32>
    %get3A_1187 = arith.constant 15 : i32
    %get3A_1188 = arith.index_cast %get3A_1187 : i32 to index
    %get3A_1189 = arith.constant 176 : index
    %get3A_1190 = tpu.vector_load %arg9[%get3A_1188, %get3A_1189] {strides = array<i32>} : memref<16x320xf32, #tpu.memory_space<vmem>>, vector<16xf32>,
    %add3A_1191 = arith.addf %add3A_1186, %get3A_1190 : vector<16xf32>
    %max3A_1192 = arith.constant 1.000000e+00 : f32
    %max3A_1193 = vector.broadcast %max3A_1192 : f32 to vector<16xf32>
    %max3A_1194 = arith.maximumf %add3A_1191, %max3A_1193 : vector<16xf32>
    %div3A_1195 = arith.constant 1.000000e+00 : f32
    %div3A_1196 = vector.broadcast %div3A_1195 : f32 to vector<16xf32>
    %div3A_1197 = arith.divf %div3A_1196, %max3A_1194 : vector<16xf32>
    %swap3A_1198 = arith.constant 176 : index
    %swap3A_1199 = tpu.vector_load %arg10[%swap3A_1198] {strides = array<i32>} : memref<320xf32, #tpu.memory_space<vmem>>, vector<16xf32>,
    tpu.vector_store %arg10[%swap3A_1198], %div3A_1197 {strides = array<i32>} : memref<320xf32, #tpu.memory_space<vmem>>, vector<16xf32>,
    %get3A_1200 = arith.constant 0 : i32
    %get3A_1201 = arith.index_cast %get3A_1200 : i32 to index
    %get3A_1202 = arith.constant 192 : index
    %get3A_1203 = tpu.vector_load %arg9[%get3A_1201, %get3A_1202] {strides = array<i32>} : memref<16x320xf32, #tpu.memory_space<vmem>>, vector<16xf32>,
    %get3A_1204 = arith.constant 1 : i32
    %get3A_1205 = arith.index_cast %get3A_1204 : i32 to index
    %get3A_1206 = arith.constant 192 : index
    %get3A_1207 = tpu.vector_load %arg9[%get3A_1205, %get3A_1206] {strides = array<i32>} : memref<16x320xf32, #tpu.memory_space<vmem>>, vector<16xf32>,
    %add3A_1208 = arith.addf %get3A_1203, %get3A_1207 : vector<16xf32>
    %get3A_1209 = arith.constant 2 : i32
    %get3A_1210 = arith.index_cast %get3A_1209 : i32 to index
    %get3A_1211 = arith.constant 192 : index
    %get3A_1212 = tpu.vector_load %arg9[%get3A_1210, %get3A_1211] {strides = array<i32>} : memref<16x320xf32, #tpu.memory_space<vmem>>, vector<16xf32>,
    %add3A_1213 = arith.addf %add3A_1208, %get3A_1212 : vector<16xf32>
    %get3A_1214 = arith.constant 3 : i32
    %get3A_1215 = arith.index_cast %get3A_1214 : i32 to index
    %get3A_1216 = arith.constant 192 : index
    %get3A_1217 = tpu.vector_load %arg9[%get3A_1215, %get3A_1216] {strides = array<i32>} : memref<16x320xf32, #tpu.memory_space<vmem>>, vector<16xf32>,
    %add3A_1218 = arith.addf %add3A_1213, %get3A_1217 : vector<16xf32>
    %get3A_1219 = arith.constant 4 : i32
    %get3A_1220 = arith.index_cast %get3A_1219 : i32 to index
    %get3A_1221 = arith.constant 192 : index
    %get3A_1222 = tpu.vector_load %arg9[%get3A_1220, %get3A_1221] {strides = array<i32>} : memref<16x320xf32, #tpu.memory_space<vmem>>, vector<16xf32>,
    %add3A_1223 = arith.addf %add3A_1218, %get3A_1222 : vector<16xf32>
    %get3A_1224 = arith.constant 5 : i32
    %get3A_1225 = arith.index_cast %get3A_1224 : i32 to index
    %get3A_1226 = arith.constant 192 : index
    %get3A_1227 = tpu.vector_load %arg9[%get3A_1225, %get3A_1226] {strides = array<i32>} : memref<16x320xf32, #tpu.memory_space<vmem>>, vector<16xf32>,
    %add3A_1228 = arith.addf %add3A_1223, %get3A_1227 : vector<16xf32>
    %get3A_1229 = arith.constant 6 : i32
    %get3A_1230 = arith.index_cast %get3A_1229 : i32 to index
    %get3A_1231 = arith.constant 192 : index
    %get3A_1232 = tpu.vector_load %arg9[%get3A_1230, %get3A_1231] {strides = array<i32>} : memref<16x320xf32, #tpu.memory_space<vmem>>, vector<16xf32>,
    %add3A_1233 = arith.addf %add3A_1228, %get3A_1232 : vector<16xf32>
    %get3A_1234 = arith.constant 7 : i32
    %get3A_1235 = arith.index_cast %get3A_1234 : i32 to index
    %get3A_1236 = arith.constant 192 : index
    %get3A_1237 = tpu.vector_load %arg9[%get3A_1235, %get3A_1236] {strides = array<i32>} : memref<16x320xf32, #tpu.memory_space<vmem>>, vector<16xf32>,
    %add3A_1238 = arith.addf %add3A_1233, %get3A_1237 : vector<16xf32>
    %get3A_1239 = arith.constant 8 : i32
    %get3A_1240 = arith.index_cast %get3A_1239 : i32 to index
    %get3A_1241 = arith.constant 192 : index
    %get3A_1242 = tpu.vector_load %arg9[%get3A_1240, %get3A_1241] {strides = array<i32>} : memref<16x320xf32, #tpu.memory_space<vmem>>, vector<16xf32>,
    %add3A_1243 = arith.addf %add3A_1238, %get3A_1242 : vector<16xf32>
    %get3A_1244 = arith.constant 9 : i32
    %get3A_1245 = arith.index_cast %get3A_1244 : i32 to index
    %get3A_1246 = arith.constant 192 : index
    %get3A_1247 = tpu.vector_load %arg9[%get3A_1245, %get3A_1246] {strides = array<i32>} : memref<16x320xf32, #tpu.memory_space<vmem>>, vector<16xf32>,
    %add3A_1248 = arith.addf %add3A_1243, %get3A_1247 : vector<16xf32>
    %get3A_1249 = arith.constant 10 : i32
    %get3A_1250 = arith.index_cast %get3A_1249 : i32 to index
    %get3A_1251 = arith.constant 192 : index
    %get3A_1252 = tpu.vector_load %arg9[%get3A_1250, %get3A_1251] {strides = array<i32>} : memref<16x320xf32, #tpu.memory_space<vmem>>, vector<16xf32>,
    %add3A_1253 = arith.addf %add3A_1248, %get3A_1252 : vector<16xf32>
    %get3A_1254 = arith.constant 11 : i32
    %get3A_1255 = arith.index_cast %get3A_1254 : i32 to index
    %get3A_1256 = arith.constant 192 : index
    %get3A_1257 = tpu.vector_load %arg9[%get3A_1255, %get3A_1256] {strides = array<i32>} : memref<16x320xf32, #tpu.memory_space<vmem>>, vector<16xf32>,
    %add3A_1258 = arith.addf %add3A_1253, %get3A_1257 : vector<16xf32>
    %get3A_1259 = arith.constant 12 : i32
    %get3A_1260 = arith.index_cast %get3A_1259 : i32 to index
    %get3A_1261 = arith.constant 192 : index
    %get3A_1262 = tpu.vector_load %arg9[%get3A_1260, %get3A_1261] {strides = array<i32>} : memref<16x320xf32, #tpu.memory_space<vmem>>, vector<16xf32>,
    %add3A_1263 = arith.addf %add3A_1258, %get3A_1262 : vector<16xf32>
    %get3A_1264 = arith.constant 13 : i32
    %get3A_1265 = arith.index_cast %get3A_1264 : i32 to index
    %get3A_1266 = arith.constant 192 : index
    %get3A_1267 = tpu.vector_load %arg9[%get3A_1265, %get3A_1266] {strides = array<i32>} : memref<16x320xf32, #tpu.memory_space<vmem>>, vector<16xf32>,
    %add3A_1268 = arith.addf %add3A_1263, %get3A_1267 : vector<16xf32>
    %get3A_1269 = arith.constant 14 : i32
    %get3A_1270 = arith.index_cast %get3A_1269 : i32 to index
    %get3A_1271 = arith.constant 192 : index
    %get3A_1272 = tpu.vector_load %arg9[%get3A_1270, %get3A_1271] {strides = array<i32>} : memref<16x320xf32, #tpu.memory_space<vmem>>, vector<16xf32>,
    %add3A_1273 = arith.addf %add3A_1268, %get3A_1272 : vector<16xf32>
    %get3A_1274 = arith.constant 15 : i32
    %get3A_1275 = arith.index_cast %get3A_1274 : i32 to index
    %get3A_1276 = arith.constant 192 : index
    %get3A_1277 = tpu.vector_load %arg9[%get3A_1275, %get3A_1276] {strides = array<i32>} : memref<16x320xf32, #tpu.memory_space<vmem>>, vector<16xf32>,
    %add3A_1278 = arith.addf %add3A_1273, %get3A_1277 : vector<16xf32>
    %max3A_1279 = arith.constant 1.000000e+00 : f32
    %max3A_1280 = vector.broadcast %max3A_1279 : f32 to vector<16xf32>
    %max3A_1281 = arith.maximumf %add3A_1278, %max3A_1280 : vector<16xf32>
    %div3A_1282 = arith.constant 1.000000e+00 : f32
    %div3A_1283 = vector.broadcast %div3A_1282 : f32 to vector<16xf32>
    %div3A_1284 = arith.divf %div3A_1283, %max3A_1281 : vector<16xf32>
    %swap3A_1285 = arith.constant 192 : index
    %swap3A_1286 = tpu.vector_load %arg10[%swap3A_1285] {strides = array<i32>} : memref<320xf32, #tpu.memory_space<vmem>>, vector<16xf32>,
    tpu.vector_store %arg10[%swap3A_1285], %div3A_1284 {strides = array<i32>} : memref<320xf32, #tpu.memory_space<vmem>>, vector<16xf32>,
    %get3A_1287 = arith.constant 0 : i32
    %get3A_1288 = arith.index_cast %get3A_1287 : i32 to index
    %get3A_1289 = arith.constant 208 : index
    %get3A_1290 = tpu.vector_load %arg9[%get3A_1288, %get3A_1289] {strides = array<i32>} : memref<16x320xf32, #tpu.memory_space<vmem>>, vector<16xf32>,
    %get3A_1291 = arith.constant 1 : i32
    %get3A_1292 = arith.index_cast %get3A_1291 : i32 to index
    %get3A_1293 = arith.constant 208 : index
    %get3A_1294 = tpu.vector_load %arg9[%get3A_1292, %get3A_1293] {strides = array<i32>} : memref<16x320xf32, #tpu.memory_space<vmem>>, vector<16xf32>,
    %add3A_1295 = arith.addf %get3A_1290, %get3A_1294 : vector<16xf32>
    %get3A_1296 = arith.constant 2 : i32
    %get3A_1297 = arith.index_cast %get3A_1296 : i32 to index
    %get3A_1298 = arith.constant 208 : index
    %get3A_1299 = tpu.vector_load %arg9[%get3A_1297, %get3A_1298] {strides = array<i32>} : memref<16x320xf32, #tpu.memory_space<vmem>>, vector<16xf32>,
    %add3A_1300 = arith.addf %add3A_1295, %get3A_1299 : vector<16xf32>
    %get3A_1301 = arith.constant 3 : i32
    %get3A_1302 = arith.index_cast %get3A_1301 : i32 to index
    %get3A_1303 = arith.constant 208 : index
    %get3A_1304 = tpu.vector_load %arg9[%get3A_1302, %get3A_1303] {strides = array<i32>} : memref<16x320xf32, #tpu.memory_space<vmem>>, vector<16xf32>,
    %add3A_1305 = arith.addf %add3A_1300, %get3A_1304 : vector<16xf32>
    %get3A_1306 = arith.constant 4 : i32
    %get3A_1307 = arith.index_cast %get3A_1306 : i32 to index
    %get3A_1308 = arith.constant 208 : index
    %get3A_1309 = tpu.vector_load %arg9[%get3A_1307, %get3A_1308] {strides = array<i32>} : memref<16x320xf32, #tpu.memory_space<vmem>>, vector<16xf32>,
    %add3A_1310 = arith.addf %add3A_1305, %get3A_1309 : vector<16xf32>
    %get3A_1311 = arith.constant 5 : i32
    %get3A_1312 = arith.index_cast %get3A_1311 : i32 to index
    %get3A_1313 = arith.constant 208 : index
    %get3A_1314 = tpu.vector_load %arg9[%get3A_1312, %get3A_1313] {strides = array<i32>} : memref<16x320xf32, #tpu.memory_space<vmem>>, vector<16xf32>,
    %add3A_1315 = arith.addf %add3A_1310, %get3A_1314 : vector<16xf32>
    %get3A_1316 = arith.constant 6 : i32
    %get3A_1317 = arith.index_cast %get3A_1316 : i32 to index
    %get3A_1318 = arith.constant 208 : index
    %get3A_1319 = tpu.vector_load %arg9[%get3A_1317, %get3A_1318] {strides = array<i32>} : memref<16x320xf32, #tpu.memory_space<vmem>>, vector<16xf32>,
    %add3A_1320 = arith.addf %add3A_1315, %get3A_1319 : vector<16xf32>
    %get3A_1321 = arith.constant 7 : i32
    %get3A_1322 = arith.index_cast %get3A_1321 : i32 to index
    %get3A_1323 = arith.constant 208 : index
    %get3A_1324 = tpu.vector_load %arg9[%get3A_1322, %get3A_1323] {strides = array<i32>} : memref<16x320xf32, #tpu.memory_space<vmem>>, vector<16xf32>,
    %add3A_1325 = arith.addf %add3A_1320, %get3A_1324 : vector<16xf32>
    %get3A_1326 = arith.constant 8 : i32
    %get3A_1327 = arith.index_cast %get3A_1326 : i32 to index
    %get3A_1328 = arith.constant 208 : index
    %get3A_1329 = tpu.vector_load %arg9[%get3A_1327, %get3A_1328] {strides = array<i32>} : memref<16x320xf32, #tpu.memory_space<vmem>>, vector<16xf32>,
    %add3A_1330 = arith.addf %add3A_1325, %get3A_1329 : vector<16xf32>
    %get3A_1331 = arith.constant 9 : i32
    %get3A_1332 = arith.index_cast %get3A_1331 : i32 to index
    %get3A_1333 = arith.constant 208 : index
    %get3A_1334 = tpu.vector_load %arg9[%get3A_1332, %get3A_1333] {strides = array<i32>} : memref<16x320xf32, #tpu.memory_space<vmem>>, vector<16xf32>,
    %add3A_1335 = arith.addf %add3A_1330, %get3A_1334 : vector<16xf32>
    %get3A_1336 = arith.constant 10 : i32
    %get3A_1337 = arith.index_cast %get3A_1336 : i32 to index
    %get3A_1338 = arith.constant 208 : index
    %get3A_1339 = tpu.vector_load %arg9[%get3A_1337, %get3A_1338] {strides = array<i32>} : memref<16x320xf32, #tpu.memory_space<vmem>>, vector<16xf32>,
    %add3A_1340 = arith.addf %add3A_1335, %get3A_1339 : vector<16xf32>
    %get3A_1341 = arith.constant 11 : i32
    %get3A_1342 = arith.index_cast %get3A_1341 : i32 to index
    %get3A_1343 = arith.constant 208 : index
    %get3A_1344 = tpu.vector_load %arg9[%get3A_1342, %get3A_1343] {strides = array<i32>} : memref<16x320xf32, #tpu.memory_space<vmem>>, vector<16xf32>,
    %add3A_1345 = arith.addf %add3A_1340, %get3A_1344 : vector<16xf32>
    %get3A_1346 = arith.constant 12 : i32
    %get3A_1347 = arith.index_cast %get3A_1346 : i32 to index
    %get3A_1348 = arith.constant 208 : index
    %get3A_1349 = tpu.vector_load %arg9[%get3A_1347, %get3A_1348] {strides = array<i32>} : memref<16x320xf32, #tpu.memory_space<vmem>>, vector<16xf32>,
    %add3A_1350 = arith.addf %add3A_1345, %get3A_1349 : vector<16xf32>
    %get3A_1351 = arith.constant 13 : i32
    %get3A_1352 = arith.index_cast %get3A_1351 : i32 to index
    %get3A_1353 = arith.constant 208 : index
    %get3A_1354 = tpu.vector_load %arg9[%get3A_1352, %get3A_1353] {strides = array<i32>} : memref<16x320xf32, #tpu.memory_space<vmem>>, vector<16xf32>,
    %add3A_1355 = arith.addf %add3A_1350, %get3A_1354 : vector<16xf32>
    %get3A_1356 = arith.constant 14 : i32
    %get3A_1357 = arith.index_cast %get3A_1356 : i32 to index
    %get3A_1358 = arith.constant 208 : index
    %get3A_1359 = tpu.vector_load %arg9[%get3A_1357, %get3A_1358] {strides = array<i32>} : memref<16x320xf32, #tpu.memory_space<vmem>>, vector<16xf32>,
    %add3A_1360 = arith.addf %add3A_1355, %get3A_1359 : vector<16xf32>
    %get3A_1361 = arith.constant 15 : i32
    %get3A_1362 = arith.index_cast %get3A_1361 : i32 to index
    %get3A_1363 = arith.constant 208 : index
    %get3A_1364 = tpu.vector_load %arg9[%get3A_1362, %get3A_1363] {strides = array<i32>} : memref<16x320xf32, #tpu.memory_space<vmem>>, vector<16xf32>,
    %add3A_1365 = arith.addf %add3A_1360, %get3A_1364 : vector<16xf32>
    %max3A_1366 = arith.constant 1.000000e+00 : f32
    %max3A_1367 = vector.broadcast %max3A_1366 : f32 to vector<16xf32>
    %max3A_1368 = arith.maximumf %add3A_1365, %max3A_1367 : vector<16xf32>
    %div3A_1369 = arith.constant 1.000000e+00 : f32
    %div3A_1370 = vector.broadcast %div3A_1369 : f32 to vector<16xf32>
    %div3A_1371 = arith.divf %div3A_1370, %max3A_1368 : vector<16xf32>
    %swap3A_1372 = arith.constant 208 : index
    %swap3A_1373 = tpu.vector_load %arg10[%swap3A_1372] {strides = array<i32>} : memref<320xf32, #tpu.memory_space<vmem>>, vector<16xf32>,
    tpu.vector_store %arg10[%swap3A_1372], %div3A_1371 {strides = array<i32>} : memref<320xf32, #tpu.memory_space<vmem>>, vector<16xf32>,
    %get3A_1374 = arith.constant 0 : i32
    %get3A_1375 = arith.index_cast %get3A_1374 : i32 to index
    %get3A_1376 = arith.constant 224 : index
    %get3A_1377 = tpu.vector_load %arg9[%get3A_1375, %get3A_1376] {strides = array<i32>} : memref<16x320xf32, #tpu.memory_space<vmem>>, vector<16xf32>,
    %get3A_1378 = arith.constant 1 : i32
    %get3A_1379 = arith.index_cast %get3A_1378 : i32 to index
    %get3A_1380 = arith.constant 224 : index
    %get3A_1381 = tpu.vector_load %arg9[%get3A_1379, %get3A_1380] {strides = array<i32>} : memref<16x320xf32, #tpu.memory_space<vmem>>, vector<16xf32>,
    %add3A_1382 = arith.addf %get3A_1377, %get3A_1381 : vector<16xf32>
    %get3A_1383 = arith.constant 2 : i32
    %get3A_1384 = arith.index_cast %get3A_1383 : i32 to index
    %get3A_1385 = arith.constant 224 : index
    %get3A_1386 = tpu.vector_load %arg9[%get3A_1384, %get3A_1385] {strides = array<i32>} : memref<16x320xf32, #tpu.memory_space<vmem>>, vector<16xf32>,
    %add3A_1387 = arith.addf %add3A_1382, %get3A_1386 : vector<16xf32>
    %get3A_1388 = arith.constant 3 : i32
    %get3A_1389 = arith.index_cast %get3A_1388 : i32 to index
    %get3A_1390 = arith.constant 224 : index
    %get3A_1391 = tpu.vector_load %arg9[%get3A_1389, %get3A_1390] {strides = array<i32>} : memref<16x320xf32, #tpu.memory_space<vmem>>, vector<16xf32>,
    %add3A_1392 = arith.addf %add3A_1387, %get3A_1391 : vector<16xf32>
    %get3A_1393 = arith.constant 4 : i32
    %get3A_1394 = arith.index_cast %get3A_1393 : i32 to index
    %get3A_1395 = arith.constant 224 : index
    %get3A_1396 = tpu.vector_load %arg9[%get3A_1394, %get3A_1395] {strides = array<i32>} : memref<16x320xf32, #tpu.memory_space<vmem>>, vector<16xf32>,
    %add3A_1397 = arith.addf %add3A_1392, %get3A_1396 : vector<16xf32>
    %get3A_1398 = arith.constant 5 : i32
    %get3A_1399 = arith.index_cast %get3A_1398 : i32 to index
    %get3A_1400 = arith.constant 224 : index
    %get3A_1401 = tpu.vector_load %arg9[%get3A_1399, %get3A_1400] {strides = array<i32>} : memref<16x320xf32, #tpu.memory_space<vmem>>, vector<16xf32>,
    %add3A_1402 = arith.addf %add3A_1397, %get3A_1401 : vector<16xf32>
    %get3A_1403 = arith.constant 6 : i32
    %get3A_1404 = arith.index_cast %get3A_1403 : i32 to index
    %get3A_1405 = arith.constant 224 : index
    %get3A_1406 = tpu.vector_load %arg9[%get3A_1404, %get3A_1405] {strides = array<i32>} : memref<16x320xf32, #tpu.memory_space<vmem>>, vector<16xf32>,
    %add3A_1407 = arith.addf %add3A_1402, %get3A_1406 : vector<16xf32>
    %get3A_1408 = arith.constant 7 : i32
    %get3A_1409 = arith.index_cast %get3A_1408 : i32 to index
    %get3A_1410 = arith.constant 224 : index
    %get3A_1411 = tpu.vector_load %arg9[%get3A_1409, %get3A_1410] {strides = array<i32>} : memref<16x320xf32, #tpu.memory_space<vmem>>, vector<16xf32>,
    %add3A_1412 = arith.addf %add3A_1407, %get3A_1411 : vector<16xf32>
    %get3A_1413 = arith.constant 8 : i32
    %get3A_1414 = arith.index_cast %get3A_1413 : i32 to index
    %get3A_1415 = arith.constant 224 : index
    %get3A_1416 = tpu.vector_load %arg9[%get3A_1414, %get3A_1415] {strides = array<i32>} : memref<16x320xf32, #tpu.memory_space<vmem>>, vector<16xf32>,
    %add3A_1417 = arith.addf %add3A_1412, %get3A_1416 : vector<16xf32>
    %get3A_1418 = arith.constant 9 : i32
    %get3A_1419 = arith.index_cast %get3A_1418 : i32 to index
    %get3A_1420 = arith.constant 224 : index
    %get3A_1421 = tpu.vector_load %arg9[%get3A_1419, %get3A_1420] {strides = array<i32>} : memref<16x320xf32, #tpu.memory_space<vmem>>, vector<16xf32>,
    %add3A_1422 = arith.addf %add3A_1417, %get3A_1421 : vector<16xf32>
    %get3A_1423 = arith.constant 10 : i32
    %get3A_1424 = arith.index_cast %get3A_1423 : i32 to index
    %get3A_1425 = arith.constant 224 : index
    %get3A_1426 = tpu.vector_load %arg9[%get3A_1424, %get3A_1425] {strides = array<i32>} : memref<16x320xf32, #tpu.memory_space<vmem>>, vector<16xf32>,
    %add3A_1427 = arith.addf %add3A_1422, %get3A_1426 : vector<16xf32>
    %get3A_1428 = arith.constant 11 : i32
    %get3A_1429 = arith.index_cast %get3A_1428 : i32 to index
    %get3A_1430 = arith.constant 224 : index
    %get3A_1431 = tpu.vector_load %arg9[%get3A_1429, %get3A_1430] {strides = array<i32>} : memref<16x320xf32, #tpu.memory_space<vmem>>, vector<16xf32>,
    %add3A_1432 = arith.addf %add3A_1427, %get3A_1431 : vector<16xf32>
    %get3A_1433 = arith.constant 12 : i32
    %get3A_1434 = arith.index_cast %get3A_1433 : i32 to index
    %get3A_1435 = arith.constant 224 : index
    %get3A_1436 = tpu.vector_load %arg9[%get3A_1434, %get3A_1435] {strides = array<i32>} : memref<16x320xf32, #tpu.memory_space<vmem>>, vector<16xf32>,
    %add3A_1437 = arith.addf %add3A_1432, %get3A_1436 : vector<16xf32>
    %get3A_1438 = arith.constant 13 : i32
    %get3A_1439 = arith.index_cast %get3A_1438 : i32 to index
    %get3A_1440 = arith.constant 224 : index
    %get3A_1441 = tpu.vector_load %arg9[%get3A_1439, %get3A_1440] {strides = array<i32>} : memref<16x320xf32, #tpu.memory_space<vmem>>, vector<16xf32>,
    %add3A_1442 = arith.addf %add3A_1437, %get3A_1441 : vector<16xf32>
    %get3A_1443 = arith.constant 14 : i32
    %get3A_1444 = arith.index_cast %get3A_1443 : i32 to index
    %get3A_1445 = arith.constant 224 : index
    %get3A_1446 = tpu.vector_load %arg9[%get3A_1444, %get3A_1445] {strides = array<i32>} : memref<16x320xf32, #tpu.memory_space<vmem>>, vector<16xf32>,
    %add3A_1447 = arith.addf %add3A_1442, %get3A_1446 : vector<16xf32>
    %get3A_1448 = arith.constant 15 : i32
    %get3A_1449 = arith.index_cast %get3A_1448 : i32 to index
    %get3A_1450 = arith.constant 224 : index
    %get3A_1451 = tpu.vector_load %arg9[%get3A_1449, %get3A_1450] {strides = array<i32>} : memref<16x320xf32, #tpu.memory_space<vmem>>, vector<16xf32>,
    %add3A_1452 = arith.addf %add3A_1447, %get3A_1451 : vector<16xf32>
    %max3A_1453 = arith.constant 1.000000e+00 : f32
    %max3A_1454 = vector.broadcast %max3A_1453 : f32 to vector<16xf32>
    %max3A_1455 = arith.maximumf %add3A_1452, %max3A_1454 : vector<16xf32>
    %div3A_1456 = arith.constant 1.000000e+00 : f32
    %div3A_1457 = vector.broadcast %div3A_1456 : f32 to vector<16xf32>
    %div3A_1458 = arith.divf %div3A_1457, %max3A_1455 : vector<16xf32>
    %swap3A_1459 = arith.constant 224 : index
    %swap3A_1460 = tpu.vector_load %arg10[%swap3A_1459] {strides = array<i32>} : memref<320xf32, #tpu.memory_space<vmem>>, vector<16xf32>,
    tpu.vector_store %arg10[%swap3A_1459], %div3A_1458 {strides = array<i32>} : memref<320xf32, #tpu.memory_space<vmem>>, vector<16xf32>,
    %get3A_1461 = arith.constant 0 : i32
    %get3A_1462 = arith.index_cast %get3A_1461 : i32 to index
    %get3A_1463 = arith.constant 240 : index
    %get3A_1464 = tpu.vector_load %arg9[%get3A_1462, %get3A_1463] {strides = array<i32>} : memref<16x320xf32, #tpu.memory_space<vmem>>, vector<16xf32>,
    %get3A_1465 = arith.constant 1 : i32
    %get3A_1466 = arith.index_cast %get3A_1465 : i32 to index
    %get3A_1467 = arith.constant 240 : index
    %get3A_1468 = tpu.vector_load %arg9[%get3A_1466, %get3A_1467] {strides = array<i32>} : memref<16x320xf32, #tpu.memory_space<vmem>>, vector<16xf32>,
    %add3A_1469 = arith.addf %get3A_1464, %get3A_1468 : vector<16xf32>
    %get3A_1470 = arith.constant 2 : i32
    %get3A_1471 = arith.index_cast %get3A_1470 : i32 to index
    %get3A_1472 = arith.constant 240 : index
    %get3A_1473 = tpu.vector_load %arg9[%get3A_1471, %get3A_1472] {strides = array<i32>} : memref<16x320xf32, #tpu.memory_space<vmem>>, vector<16xf32>,
    %add3A_1474 = arith.addf %add3A_1469, %get3A_1473 : vector<16xf32>
    %get3A_1475 = arith.constant 3 : i32
    %get3A_1476 = arith.index_cast %get3A_1475 : i32 to index
    %get3A_1477 = arith.constant 240 : index
    %get3A_1478 = tpu.vector_load %arg9[%get3A_1476, %get3A_1477] {strides = array<i32>} : memref<16x320xf32, #tpu.memory_space<vmem>>, vector<16xf32>,
    %add3A_1479 = arith.addf %add3A_1474, %get3A_1478 : vector<16xf32>
    %get3A_1480 = arith.constant 4 : i32
    %get3A_1481 = arith.index_cast %get3A_1480 : i32 to index
    %get3A_1482 = arith.constant 240 : index
    %get3A_1483 = tpu.vector_load %arg9[%get3A_1481, %get3A_1482] {strides = array<i32>} : memref<16x320xf32, #tpu.memory_space<vmem>>, vector<16xf32>,
    %add3A_1484 = arith.addf %add3A_1479, %get3A_1483 : vector<16xf32>
    %get3A_1485 = arith.constant 5 : i32
    %get3A_1486 = arith.index_cast %get3A_1485 : i32 to index
    %get3A_1487 = arith.constant 240 : index
    %get3A_1488 = tpu.vector_load %arg9[%get3A_1486, %get3A_1487] {strides = array<i32>} : memref<16x320xf32, #tpu.memory_space<vmem>>, vector<16xf32>,
    %add3A_1489 = arith.addf %add3A_1484, %get3A_1488 : vector<16xf32>
    %get3A_1490 = arith.constant 6 : i32
    %get3A_1491 = arith.index_cast %get3A_1490 : i32 to index
    %get3A_1492 = arith.constant 240 : index
    %get3A_1493 = tpu.vector_load %arg9[%get3A_1491, %get3A_1492] {strides = array<i32>} : memref<16x320xf32, #tpu.memory_space<vmem>>, vector<16xf32>,
    %add3A_1494 = arith.addf %add3A_1489, %get3A_1493 : vector<16xf32>
    %get3A_1495 = arith.constant 7 : i32
    %get3A_1496 = arith.index_cast %get3A_1495 : i32 to index
    %get3A_1497 = arith.constant 240 : index
    %get3A_1498 = tpu.vector_load %arg9[%get3A_1496, %get3A_1497] {strides = array<i32>} : memref<16x320xf32, #tpu.memory_space<vmem>>, vector<16xf32>,
    %add3A_1499 = arith.addf %add3A_1494, %get3A_1498 : vector<16xf32>
    %get3A_1500 = arith.constant 8 : i32
    %get3A_1501 = arith.index_cast %get3A_1500 : i32 to index
    %get3A_1502 = arith.constant 240 : index
    %get3A_1503 = tpu.vector_load %arg9[%get3A_1501, %get3A_1502] {strides = array<i32>} : memref<16x320xf32, #tpu.memory_space<vmem>>, vector<16xf32>,
    %add3A_1504 = arith.addf %add3A_1499, %get3A_1503 : vector<16xf32>
    %get3A_1505 = arith.constant 9 : i32
    %get3A_1506 = arith.index_cast %get3A_1505 : i32 to index
    %get3A_1507 = arith.constant 240 : index
    %get3A_1508 = tpu.vector_load %arg9[%get3A_1506, %get3A_1507] {strides = array<i32>} : memref<16x320xf32, #tpu.memory_space<vmem>>, vector<16xf32>,
    %add3A_1509 = arith.addf %add3A_1504, %get3A_1508 : vector<16xf32>
    %get3A_1510 = arith.constant 10 : i32
    %get3A_1511 = arith.index_cast %get3A_1510 : i32 to index
    %get3A_1512 = arith.constant 240 : index
    %get3A_1513 = tpu.vector_load %arg9[%get3A_1511, %get3A_1512] {strides = array<i32>} : memref<16x320xf32, #tpu.memory_space<vmem>>, vector<16xf32>,
    %add3A_1514 = arith.addf %add3A_1509, %get3A_1513 : vector<16xf32>
    %get3A_1515 = arith.constant 11 : i32
    %get3A_1516 = arith.index_cast %get3A_1515 : i32 to index
    %get3A_1517 = arith.constant 240 : index
    %get3A_1518 = tpu.vector_load %arg9[%get3A_1516, %get3A_1517] {strides = array<i32>} : memref<16x320xf32, #tpu.memory_space<vmem>>, vector<16xf32>,
    %add3A_1519 = arith.addf %add3A_1514, %get3A_1518 : vector<16xf32>
    %get3A_1520 = arith.constant 12 : i32
    %get3A_1521 = arith.index_cast %get3A_1520 : i32 to index
    %get3A_1522 = arith.constant 240 : index
    %get3A_1523 = tpu.vector_load %arg9[%get3A_1521, %get3A_1522] {strides = array<i32>} : memref<16x320xf32, #tpu.memory_space<vmem>>, vector<16xf32>,
    %add3A_1524 = arith.addf %add3A_1519, %get3A_1523 : vector<16xf32>
    %get3A_1525 = arith.constant 13 : i32
    %get3A_1526 = arith.index_cast %get3A_1525 : i32 to index
    %get3A_1527 = arith.constant 240 : index
    %get3A_1528 = tpu.vector_load %arg9[%get3A_1526, %get3A_1527] {strides = array<i32>} : memref<16x320xf32, #tpu.memory_space<vmem>>, vector<16xf32>,
    %add3A_1529 = arith.addf %add3A_1524, %get3A_1528 : vector<16xf32>
    %get3A_1530 = arith.constant 14 : i32
    %get3A_1531 = arith.index_cast %get3A_1530 : i32 to index
    %get3A_1532 = arith.constant 240 : index
    %get3A_1533 = tpu.vector_load %arg9[%get3A_1531, %get3A_1532] {strides = array<i32>} : memref<16x320xf32, #tpu.memory_space<vmem>>, vector<16xf32>,
    %add3A_1534 = arith.addf %add3A_1529, %get3A_1533 : vector<16xf32>
    %get3A_1535 = arith.constant 15 : i32
    %get3A_1536 = arith.index_cast %get3A_1535 : i32 to index
    %get3A_1537 = arith.constant 240 : index
    %get3A_1538 = tpu.vector_load %arg9[%get3A_1536, %get3A_1537] {strides = array<i32>} : memref<16x320xf32, #tpu.memory_space<vmem>>, vector<16xf32>,
    %add3A_1539 = arith.addf %add3A_1534, %get3A_1538 : vector<16xf32>
    %max3A_1540 = arith.constant 1.000000e+00 : f32
    %max3A_1541 = vector.broadcast %max3A_1540 : f32 to vector<16xf32>
    %max3A_1542 = arith.maximumf %add3A_1539, %max3A_1541 : vector<16xf32>
    %div3A_1543 = arith.constant 1.000000e+00 : f32
    %div3A_1544 = vector.broadcast %div3A_1543 : f32 to vector<16xf32>
    %div3A_1545 = arith.divf %div3A_1544, %max3A_1542 : vector<16xf32>
    %swap3A_1546 = arith.constant 240 : index
    %swap3A_1547 = tpu.vector_load %arg10[%swap3A_1546] {strides = array<i32>} : memref<320xf32, #tpu.memory_space<vmem>>, vector<16xf32>,
    tpu.vector_store %arg10[%swap3A_1546], %div3A_1545 {strides = array<i32>} : memref<320xf32, #tpu.memory_space<vmem>>, vector<16xf32>,
    %get3A_1548 = arith.constant 0 : i32
    %get3A_1549 = arith.index_cast %get3A_1548 : i32 to index
    %get3A_1550 = arith.constant 256 : index
    %get3A_1551 = tpu.vector_load %arg9[%get3A_1549, %get3A_1550] {strides = array<i32>} : memref<16x320xf32, #tpu.memory_space<vmem>>, vector<16xf32>,
    %get3A_1552 = arith.constant 1 : i32
    %get3A_1553 = arith.index_cast %get3A_1552 : i32 to index
    %get3A_1554 = arith.constant 256 : index
    %get3A_1555 = tpu.vector_load %arg9[%get3A_1553, %get3A_1554] {strides = array<i32>} : memref<16x320xf32, #tpu.memory_space<vmem>>, vector<16xf32>,
    %add3A_1556 = arith.addf %get3A_1551, %get3A_1555 : vector<16xf32>
    %get3A_1557 = arith.constant 2 : i32
    %get3A_1558 = arith.index_cast %get3A_1557 : i32 to index
    %get3A_1559 = arith.constant 256 : index
    %get3A_1560 = tpu.vector_load %arg9[%get3A_1558, %get3A_1559] {strides = array<i32>} : memref<16x320xf32, #tpu.memory_space<vmem>>, vector<16xf32>,
    %add3A_1561 = arith.addf %add3A_1556, %get3A_1560 : vector<16xf32>
    %get3A_1562 = arith.constant 3 : i32
    %get3A_1563 = arith.index_cast %get3A_1562 : i32 to index
    %get3A_1564 = arith.constant 256 : index
    %get3A_1565 = tpu.vector_load %arg9[%get3A_1563, %get3A_1564] {strides = array<i32>} : memref<16x320xf32, #tpu.memory_space<vmem>>, vector<16xf32>,
    %add3A_1566 = arith.addf %add3A_1561, %get3A_1565 : vector<16xf32>
    %get3A_1567 = arith.constant 4 : i32
    %get3A_1568 = arith.index_cast %get3A_1567 : i32 to index
    %get3A_1569 = arith.constant 256 : index
    %get3A_1570 = tpu.vector_load %arg9[%get3A_1568, %get3A_1569] {strides = array<i32>} : memref<16x320xf32, #tpu.memory_space<vmem>>, vector<16xf32>,
    %add3A_1571 = arith.addf %add3A_1566, %get3A_1570 : vector<16xf32>
    %get3A_1572 = arith.constant 5 : i32
    %get3A_1573 = arith.index_cast %get3A_1572 : i32 to index
    %get3A_1574 = arith.constant 256 : index
    %get3A_1575 = tpu.vector_load %arg9[%get3A_1573, %get3A_1574] {strides = array<i32>} : memref<16x320xf32, #tpu.memory_space<vmem>>, vector<16xf32>,
    %add3A_1576 = arith.addf %add3A_1571, %get3A_1575 : vector<16xf32>
    %get3A_1577 = arith.constant 6 : i32
    %get3A_1578 = arith.index_cast %get3A_1577 : i32 to index
    %get3A_1579 = arith.constant 256 : index
    %get3A_1580 = tpu.vector_load %arg9[%get3A_1578, %get3A_1579] {strides = array<i32>} : memref<16x320xf32, #tpu.memory_space<vmem>>, vector<16xf32>,
    %add3A_1581 = arith.addf %add3A_1576, %get3A_1580 : vector<16xf32>
    %get3A_1582 = arith.constant 7 : i32
    %get3A_1583 = arith.index_cast %get3A_1582 : i32 to index
    %get3A_1584 = arith.constant 256 : index
    %get3A_1585 = tpu.vector_load %arg9[%get3A_1583, %get3A_1584] {strides = array<i32>} : memref<16x320xf32, #tpu.memory_space<vmem>>, vector<16xf32>,
    %add3A_1586 = arith.addf %add3A_1581, %get3A_1585 : vector<16xf32>
    %get3A_1587 = arith.constant 8 : i32
    %get3A_1588 = arith.index_cast %get3A_1587 : i32 to index
    %get3A_1589 = arith.constant 256 : index
    %get3A_1590 = tpu.vector_load %arg9[%get3A_1588, %get3A_1589] {strides = array<i32>} : memref<16x320xf32, #tpu.memory_space<vmem>>, vector<16xf32>,
    %add3A_1591 = arith.addf %add3A_1586, %get3A_1590 : vector<16xf32>
    %get3A_1592 = arith.constant 9 : i32
    %get3A_1593 = arith.index_cast %get3A_1592 : i32 to index
    %get3A_1594 = arith.constant 256 : index
    %get3A_1595 = tpu.vector_load %arg9[%get3A_1593, %get3A_1594] {strides = array<i32>} : memref<16x320xf32, #tpu.memory_space<vmem>>, vector<16xf32>,
    %add3A_1596 = arith.addf %add3A_1591, %get3A_1595 : vector<16xf32>
    %get3A_1597 = arith.constant 10 : i32
    %get3A_1598 = arith.index_cast %get3A_1597 : i32 to index
    %get3A_1599 = arith.constant 256 : index
    %get3A_1600 = tpu.vector_load %arg9[%get3A_1598, %get3A_1599] {strides = array<i32>} : memref<16x320xf32, #tpu.memory_space<vmem>>, vector<16xf32>,
    %add3A_1601 = arith.addf %add3A_1596, %get3A_1600 : vector<16xf32>
    %get3A_1602 = arith.constant 11 : i32
    %get3A_1603 = arith.index_cast %get3A_1602 : i32 to index
    %get3A_1604 = arith.constant 256 : index
    %get3A_1605 = tpu.vector_load %arg9[%get3A_1603, %get3A_1604] {strides = array<i32>} : memref<16x320xf32, #tpu.memory_space<vmem>>, vector<16xf32>,
    %add3A_1606 = arith.addf %add3A_1601, %get3A_1605 : vector<16xf32>
    %get3A_1607 = arith.constant 12 : i32
    %get3A_1608 = arith.index_cast %get3A_1607 : i32 to index
    %get3A_1609 = arith.constant 256 : index
    %get3A_1610 = tpu.vector_load %arg9[%get3A_1608, %get3A_1609] {strides = array<i32>} : memref<16x320xf32, #tpu.memory_space<vmem>>, vector<16xf32>,
    %add3A_1611 = arith.addf %add3A_1606, %get3A_1610 : vector<16xf32>
    %get3A_1612 = arith.constant 13 : i32
    %get3A_1613 = arith.index_cast %get3A_1612 : i32 to index
    %get3A_1614 = arith.constant 256 : index
    %get3A_1615 = tpu.vector_load %arg9[%get3A_1613, %get3A_1614] {strides = array<i32>} : memref<16x320xf32, #tpu.memory_space<vmem>>, vector<16xf32>,
    %add3A_1616 = arith.addf %add3A_1611, %get3A_1615 : vector<16xf32>
    %get3A_1617 = arith.constant 14 : i32
    %get3A_1618 = arith.index_cast %get3A_1617 : i32 to index
    %get3A_1619 = arith.constant 256 : index
    %get3A_1620 = tpu.vector_load %arg9[%get3A_1618, %get3A_1619] {strides = array<i32>} : memref<16x320xf32, #tpu.memory_space<vmem>>, vector<16xf32>,
    %add3A_1621 = arith.addf %add3A_1616, %get3A_1620 : vector<16xf32>
    %get3A_1622 = arith.constant 15 : i32
    %get3A_1623 = arith.index_cast %get3A_1622 : i32 to index
    %get3A_1624 = arith.constant 256 : index
    %get3A_1625 = tpu.vector_load %arg9[%get3A_1623, %get3A_1624] {strides = array<i32>} : memref<16x320xf32, #tpu.memory_space<vmem>>, vector<16xf32>,
    %add3A_1626 = arith.addf %add3A_1621, %get3A_1625 : vector<16xf32>
    %max3A_1627 = arith.constant 1.000000e+00 : f32
    %max3A_1628 = vector.broadcast %max3A_1627 : f32 to vector<16xf32>
    %max3A_1629 = arith.maximumf %add3A_1626, %max3A_1628 : vector<16xf32>
    %div3A_1630 = arith.constant 1.000000e+00 : f32
    %div3A_1631 = vector.broadcast %div3A_1630 : f32 to vector<16xf32>
    %div3A_1632 = arith.divf %div3A_1631, %max3A_1629 : vector<16xf32>
    %swap3A_1633 = arith.constant 256 : index
    %swap3A_1634 = tpu.vector_load %arg10[%swap3A_1633] {strides = array<i32>} : memref<320xf32, #tpu.memory_space<vmem>>, vector<16xf32>,
    tpu.vector_store %arg10[%swap3A_1633], %div3A_1632 {strides = array<i32>} : memref<320xf32, #tpu.memory_space<vmem>>, vector<16xf32>,
    %get3A_1635 = arith.constant 0 : i32
    %get3A_1636 = arith.index_cast %get3A_1635 : i32 to index
    %get3A_1637 = arith.constant 272 : index
    %get3A_1638 = tpu.vector_load %arg9[%get3A_1636, %get3A_1637] {strides = array<i32>} : memref<16x320xf32, #tpu.memory_space<vmem>>, vector<16xf32>,
    %get3A_1639 = arith.constant 1 : i32
    %get3A_1640 = arith.index_cast %get3A_1639 : i32 to index
    %get3A_1641 = arith.constant 272 : index
    %get3A_1642 = tpu.vector_load %arg9[%get3A_1640, %get3A_1641] {strides = array<i32>} : memref<16x320xf32, #tpu.memory_space<vmem>>, vector<16xf32>,
    %add3A_1643 = arith.addf %get3A_1638, %get3A_1642 : vector<16xf32>
    %get3A_1644 = arith.constant 2 : i32
    %get3A_1645 = arith.index_cast %get3A_1644 : i32 to index
    %get3A_1646 = arith.constant 272 : index
    %get3A_1647 = tpu.vector_load %arg9[%get3A_1645, %get3A_1646] {strides = array<i32>} : memref<16x320xf32, #tpu.memory_space<vmem>>, vector<16xf32>,
    %add3A_1648 = arith.addf %add3A_1643, %get3A_1647 : vector<16xf32>
    %get3A_1649 = arith.constant 3 : i32
    %get3A_1650 = arith.index_cast %get3A_1649 : i32 to index
    %get3A_1651 = arith.constant 272 : index
    %get3A_1652 = tpu.vector_load %arg9[%get3A_1650, %get3A_1651] {strides = array<i32>} : memref<16x320xf32, #tpu.memory_space<vmem>>, vector<16xf32>,
    %add3A_1653 = arith.addf %add3A_1648, %get3A_1652 : vector<16xf32>
    %get3A_1654 = arith.constant 4 : i32
    %get3A_1655 = arith.index_cast %get3A_1654 : i32 to index
    %get3A_1656 = arith.constant 272 : index
    %get3A_1657 = tpu.vector_load %arg9[%get3A_1655, %get3A_1656] {strides = array<i32>} : memref<16x320xf32, #tpu.memory_space<vmem>>, vector<16xf32>,
    %add3A_1658 = arith.addf %add3A_1653, %get3A_1657 : vector<16xf32>
    %get3A_1659 = arith.constant 5 : i32
    %get3A_1660 = arith.index_cast %get3A_1659 : i32 to index
    %get3A_1661 = arith.constant 272 : index
    %get3A_1662 = tpu.vector_load %arg9[%get3A_1660, %get3A_1661] {strides = array<i32>} : memref<16x320xf32, #tpu.memory_space<vmem>>, vector<16xf32>,
    %add3A_1663 = arith.addf %add3A_1658, %get3A_1662 : vector<16xf32>
    %get3A_1664 = arith.constant 6 : i32
    %get3A_1665 = arith.index_cast %get3A_1664 : i32 to index
    %get3A_1666 = arith.constant 272 : index
    %get3A_1667 = tpu.vector_load %arg9[%get3A_1665, %get3A_1666] {strides = array<i32>} : memref<16x320xf32, #tpu.memory_space<vmem>>, vector<16xf32>,
    %add3A_1668 = arith.addf %add3A_1663, %get3A_1667 : vector<16xf32>
    %get3A_1669 = arith.constant 7 : i32
    %get3A_1670 = arith.index_cast %get3A_1669 : i32 to index
    %get3A_1671 = arith.constant 272 : index
    %get3A_1672 = tpu.vector_load %arg9[%get3A_1670, %get3A_1671] {strides = array<i32>} : memref<16x320xf32, #tpu.memory_space<vmem>>, vector<16xf32>,
    %add3A_1673 = arith.addf %add3A_1668, %get3A_1672 : vector<16xf32>
    %get3A_1674 = arith.constant 8 : i32
    %get3A_1675 = arith.index_cast %get3A_1674 : i32 to index
    %get3A_1676 = arith.constant 272 : index
    %get3A_1677 = tpu.vector_load %arg9[%get3A_1675, %get3A_1676] {strides = array<i32>} : memref<16x320xf32, #tpu.memory_space<vmem>>, vector<16xf32>,
    %add3A_1678 = arith.addf %add3A_1673, %get3A_1677 : vector<16xf32>
    %get3A_1679 = arith.constant 9 : i32
    %get3A_1680 = arith.index_cast %get3A_1679 : i32 to index
    %get3A_1681 = arith.constant 272 : index
    %get3A_1682 = tpu.vector_load %arg9[%get3A_1680, %get3A_1681] {strides = array<i32>} : memref<16x320xf32, #tpu.memory_space<vmem>>, vector<16xf32>,
    %add3A_1683 = arith.addf %add3A_1678, %get3A_1682 : vector<16xf32>
    %get3A_1684 = arith.constant 10 : i32
    %get3A_1685 = arith.index_cast %get3A_1684 : i32 to index
    %get3A_1686 = arith.constant 272 : index
    %get3A_1687 = tpu.vector_load %arg9[%get3A_1685, %get3A_1686] {strides = array<i32>} : memref<16x320xf32, #tpu.memory_space<vmem>>, vector<16xf32>,
    %add3A_1688 = arith.addf %add3A_1683, %get3A_1687 : vector<16xf32>
    %get3A_1689 = arith.constant 11 : i32
    %get3A_1690 = arith.index_cast %get3A_1689 : i32 to index
    %get3A_1691 = arith.constant 272 : index
    %get3A_1692 = tpu.vector_load %arg9[%get3A_1690, %get3A_1691] {strides = array<i32>} : memref<16x320xf32, #tpu.memory_space<vmem>>, vector<16xf32>,
    %add3A_1693 = arith.addf %add3A_1688, %get3A_1692 : vector<16xf32>
    %get3A_1694 = arith.constant 12 : i32
    %get3A_1695 = arith.index_cast %get3A_1694 : i32 to index
    %get3A_1696 = arith.constant 272 : index
    %get3A_1697 = tpu.vector_load %arg9[%get3A_1695, %get3A_1696] {strides = array<i32>} : memref<16x320xf32, #tpu.memory_space<vmem>>, vector<16xf32>,
    %add3A_1698 = arith.addf %add3A_1693, %get3A_1697 : vector<16xf32>
    %get3A_1699 = arith.constant 13 : i32
    %get3A_1700 = arith.index_cast %get3A_1699 : i32 to index
    %get3A_1701 = arith.constant 272 : index
    %get3A_1702 = tpu.vector_load %arg9[%get3A_1700, %get3A_1701] {strides = array<i32>} : memref<16x320xf32, #tpu.memory_space<vmem>>, vector<16xf32>,
    %add3A_1703 = arith.addf %add3A_1698, %get3A_1702 : vector<16xf32>
    %get3A_1704 = arith.constant 14 : i32
    %get3A_1705 = arith.index_cast %get3A_1704 : i32 to index
    %get3A_1706 = arith.constant 272 : index
    %get3A_1707 = tpu.vector_load %arg9[%get3A_1705, %get3A_1706] {strides = array<i32>} : memref<16x320xf32, #tpu.memory_space<vmem>>, vector<16xf32>,
    %add3A_1708 = arith.addf %add3A_1703, %get3A_1707 : vector<16xf32>
    %get3A_1709 = arith.constant 15 : i32
    %get3A_1710 = arith.index_cast %get3A_1709 : i32 to index
    %get3A_1711 = arith.constant 272 : index
    %get3A_1712 = tpu.vector_load %arg9[%get3A_1710, %get3A_1711] {strides = array<i32>} : memref<16x320xf32, #tpu.memory_space<vmem>>, vector<16xf32>,
    %add3A_1713 = arith.addf %add3A_1708, %get3A_1712 : vector<16xf32>
    %max3A_1714 = arith.constant 1.000000e+00 : f32
    %max3A_1715 = vector.broadcast %max3A_1714 : f32 to vector<16xf32>
    %max3A_1716 = arith.maximumf %add3A_1713, %max3A_1715 : vector<16xf32>
    %div3A_1717 = arith.constant 1.000000e+00 : f32
    %div3A_1718 = vector.broadcast %div3A_1717 : f32 to vector<16xf32>
    %div3A_1719 = arith.divf %div3A_1718, %max3A_1716 : vector<16xf32>
    %swap3A_1720 = arith.constant 272 : index
    %swap3A_1721 = tpu.vector_load %arg10[%swap3A_1720] {strides = array<i32>} : memref<320xf32, #tpu.memory_space<vmem>>, vector<16xf32>,
    tpu.vector_store %arg10[%swap3A_1720], %div3A_1719 {strides = array<i32>} : memref<320xf32, #tpu.memory_space<vmem>>, vector<16xf32>,
    %get3A_1722 = arith.constant 0 : i32
    %get3A_1723 = arith.index_cast %get3A_1722 : i32 to index
    %get3A_1724 = arith.constant 288 : index
    %get3A_1725 = tpu.vector_load %arg9[%get3A_1723, %get3A_1724] {strides = array<i32>} : memref<16x320xf32, #tpu.memory_space<vmem>>, vector<16xf32>,
    %get3A_1726 = arith.constant 1 : i32
    %get3A_1727 = arith.index_cast %get3A_1726 : i32 to index
    %get3A_1728 = arith.constant 288 : index
    %get3A_1729 = tpu.vector_load %arg9[%get3A_1727, %get3A_1728] {strides = array<i32>} : memref<16x320xf32, #tpu.memory_space<vmem>>, vector<16xf32>,
    %add3A_1730 = arith.addf %get3A_1725, %get3A_1729 : vector<16xf32>
    %get3A_1731 = arith.constant 2 : i32
    %get3A_1732 = arith.index_cast %get3A_1731 : i32 to index
    %get3A_1733 = arith.constant 288 : index
    %get3A_1734 = tpu.vector_load %arg9[%get3A_1732, %get3A_1733] {strides = array<i32>} : memref<16x320xf32, #tpu.memory_space<vmem>>, vector<16xf32>,
    %add3A_1735 = arith.addf %add3A_1730, %get3A_1734 : vector<16xf32>
    %get3A_1736 = arith.constant 3 : i32
    %get3A_1737 = arith.index_cast %get3A_1736 : i32 to index
    %get3A_1738 = arith.constant 288 : index
    %get3A_1739 = tpu.vector_load %arg9[%get3A_1737, %get3A_1738] {strides = array<i32>} : memref<16x320xf32, #tpu.memory_space<vmem>>, vector<16xf32>,
    %add3A_1740 = arith.addf %add3A_1735, %get3A_1739 : vector<16xf32>
    %get3A_1741 = arith.constant 4 : i32
    %get3A_1742 = arith.index_cast %get3A_1741 : i32 to index
    %get3A_1743 = arith.constant 288 : index
    %get3A_1744 = tpu.vector_load %arg9[%get3A_1742, %get3A_1743] {strides = array<i32>} : memref<16x320xf32, #tpu.memory_space<vmem>>, vector<16xf32>,
    %add3A_1745 = arith.addf %add3A_1740, %get3A_1744 : vector<16xf32>
    %get3A_1746 = arith.constant 5 : i32
    %get3A_1747 = arith.index_cast %get3A_1746 : i32 to index
    %get3A_1748 = arith.constant 288 : index
    %get3A_1749 = tpu.vector_load %arg9[%get3A_1747, %get3A_1748] {strides = array<i32>} : memref<16x320xf32, #tpu.memory_space<vmem>>, vector<16xf32>,
    %add3A_1750 = arith.addf %add3A_1745, %get3A_1749 : vector<16xf32>
    %get3A_1751 = arith.constant 6 : i32
    %get3A_1752 = arith.index_cast %get3A_1751 : i32 to index
    %get3A_1753 = arith.constant 288 : index
    %get3A_1754 = tpu.vector_load %arg9[%get3A_1752, %get3A_1753] {strides = array<i32>} : memref<16x320xf32, #tpu.memory_space<vmem>>, vector<16xf32>,
    %add3A_1755 = arith.addf %add3A_1750, %get3A_1754 : vector<16xf32>
    %get3A_1756 = arith.constant 7 : i32
    %get3A_1757 = arith.index_cast %get3A_1756 : i32 to index
    %get3A_1758 = arith.constant 288 : index
    %get3A_1759 = tpu.vector_load %arg9[%get3A_1757, %get3A_1758] {strides = array<i32>} : memref<16x320xf32, #tpu.memory_space<vmem>>, vector<16xf32>,
    %add3A_1760 = arith.addf %add3A_1755, %get3A_1759 : vector<16xf32>
    %get3A_1761 = arith.constant 8 : i32
    %get3A_1762 = arith.index_cast %get3A_1761 : i32 to index
    %get3A_1763 = arith.constant 288 : index
    %get3A_1764 = tpu.vector_load %arg9[%get3A_1762, %get3A_1763] {strides = array<i32>} : memref<16x320xf32, #tpu.memory_space<vmem>>, vector<16xf32>,
    %add3A_1765 = arith.addf %add3A_1760, %get3A_1764 : vector<16xf32>
    %get3A_1766 = arith.constant 9 : i32
    %get3A_1767 = arith.index_cast %get3A_1766 : i32 to index
    %get3A_1768 = arith.constant 288 : index
    %get3A_1769 = tpu.vector_load %arg9[%get3A_1767, %get3A_1768] {strides = array<i32>} : memref<16x320xf32, #tpu.memory_space<vmem>>, vector<16xf32>,
    %add3A_1770 = arith.addf %add3A_1765, %get3A_1769 : vector<16xf32>
    %get3A_1771 = arith.constant 10 : i32
    %get3A_1772 = arith.index_cast %get3A_1771 : i32 to index
    %get3A_1773 = arith.constant 288 : index
    %get3A_1774 = tpu.vector_load %arg9[%get3A_1772, %get3A_1773] {strides = array<i32>} : memref<16x320xf32, #tpu.memory_space<vmem>>, vector<16xf32>,
    %add3A_1775 = arith.addf %add3A_1770, %get3A_1774 : vector<16xf32>
    %get3A_1776 = arith.constant 11 : i32
    %get3A_1777 = arith.index_cast %get3A_1776 : i32 to index
    %get3A_1778 = arith.constant 288 : index
    %get3A_1779 = tpu.vector_load %arg9[%get3A_1777, %get3A_1778] {strides = array<i32>} : memref<16x320xf32, #tpu.memory_space<vmem>>, vector<16xf32>,
    %add3A_1780 = arith.addf %add3A_1775, %get3A_1779 : vector<16xf32>
    %get3A_1781 = arith.constant 12 : i32
    %get3A_1782 = arith.index_cast %get3A_1781 : i32 to index
    %get3A_1783 = arith.constant 288 : index
    %get3A_1784 = tpu.vector_load %arg9[%get3A_1782, %get3A_1783] {strides = array<i32>} : memref<16x320xf32, #tpu.memory_space<vmem>>, vector<16xf32>,
    %add3A_1785 = arith.addf %add3A_1780, %get3A_1784 : vector<16xf32>
    %get3A_1786 = arith.constant 13 : i32
    %get3A_1787 = arith.index_cast %get3A_1786 : i32 to index
    %get3A_1788 = arith.constant 288 : index
    %get3A_1789 = tpu.vector_load %arg9[%get3A_1787, %get3A_1788] {strides = array<i32>} : memref<16x320xf32, #tpu.memory_space<vmem>>, vector<16xf32>,
    %add3A_1790 = arith.addf %add3A_1785, %get3A_1789 : vector<16xf32>
    %get3A_1791 = arith.constant 14 : i32
    %get3A_1792 = arith.index_cast %get3A_1791 : i32 to index
    %get3A_1793 = arith.constant 288 : index
    %get3A_1794 = tpu.vector_load %arg9[%get3A_1792, %get3A_1793] {strides = array<i32>} : memref<16x320xf32, #tpu.memory_space<vmem>>, vector<16xf32>,
    %add3A_1795 = arith.addf %add3A_1790, %get3A_1794 : vector<16xf32>
    %get3A_1796 = arith.constant 15 : i32
    %get3A_1797 = arith.index_cast %get3A_1796 : i32 to index
    %get3A_1798 = arith.constant 288 : index
    %get3A_1799 = tpu.vector_load %arg9[%get3A_1797, %get3A_1798] {strides = array<i32>} : memref<16x320xf32, #tpu.memory_space<vmem>>, vector<16xf32>,
    %add3A_1800 = arith.addf %add3A_1795, %get3A_1799 : vector<16xf32>
    %max3A_1801 = arith.constant 1.000000e+00 : f32
    %max3A_1802 = vector.broadcast %max3A_1801 : f32 to vector<16xf32>
    %max3A_1803 = arith.maximumf %add3A_1800, %max3A_1802 : vector<16xf32>
    %div3A_1804 = arith.constant 1.000000e+00 : f32
    %div3A_1805 = vector.broadcast %div3A_1804 : f32 to vector<16xf32>
    %div3A_1806 = arith.divf %div3A_1805, %max3A_1803 : vector<16xf32>
    %swap3A_1807 = arith.constant 288 : index
    %swap3A_1808 = tpu.vector_load %arg10[%swap3A_1807] {strides = array<i32>} : memref<320xf32, #tpu.memory_space<vmem>>, vector<16xf32>,
    tpu.vector_store %arg10[%swap3A_1807], %div3A_1806 {strides = array<i32>} : memref<320xf32, #tpu.memory_space<vmem>>, vector<16xf32>,
    %get3A_1809 = arith.constant 0 : i32
    %get3A_1810 = arith.index_cast %get3A_1809 : i32 to index
    %get3A_1811 = arith.constant 304 : index
    %get3A_1812 = tpu.vector_load %arg9[%get3A_1810, %get3A_1811] {strides = array<i32>} : memref<16x320xf32, #tpu.memory_space<vmem>>, vector<16xf32>,
    %get3A_1813 = arith.constant 1 : i32
    %get3A_1814 = arith.index_cast %get3A_1813 : i32 to index
    %get3A_1815 = arith.constant 304 : index
    %get3A_1816 = tpu.vector_load %arg9[%get3A_1814, %get3A_1815] {strides = array<i32>} : memref<16x320xf32, #tpu.memory_space<vmem>>, vector<16xf32>,
    %add3A_1817 = arith.addf %get3A_1812, %get3A_1816 : vector<16xf32>
    %get3A_1818 = arith.constant 2 : i32
    %get3A_1819 = arith.index_cast %get3A_1818 : i32 to index
    %get3A_1820 = arith.constant 304 : index
    %get3A_1821 = tpu.vector_load %arg9[%get3A_1819, %get3A_1820] {strides = array<i32>} : memref<16x320xf32, #tpu.memory_space<vmem>>, vector<16xf32>,
    %add3A_1822 = arith.addf %add3A_1817, %get3A_1821 : vector<16xf32>
    %get3A_1823 = arith.constant 3 : i32
    %get3A_1824 = arith.index_cast %get3A_1823 : i32 to index
    %get3A_1825 = arith.constant 304 : index
    %get3A_1826 = tpu.vector_load %arg9[%get3A_1824, %get3A_1825] {strides = array<i32>} : memref<16x320xf32, #tpu.memory_space<vmem>>, vector<16xf32>,
    %add3A_1827 = arith.addf %add3A_1822, %get3A_1826 : vector<16xf32>
    %get3A_1828 = arith.constant 4 : i32
    %get3A_1829 = arith.index_cast %get3A_1828 : i32 to index
    %get3A_1830 = arith.constant 304 : index
    %get3A_1831 = tpu.vector_load %arg9[%get3A_1829, %get3A_1830] {strides = array<i32>} : memref<16x320xf32, #tpu.memory_space<vmem>>, vector<16xf32>,
    %add3A_1832 = arith.addf %add3A_1827, %get3A_1831 : vector<16xf32>
    %get3A_1833 = arith.constant 5 : i32
    %get3A_1834 = arith.index_cast %get3A_1833 : i32 to index
    %get3A_1835 = arith.constant 304 : index
    %get3A_1836 = tpu.vector_load %arg9[%get3A_1834, %get3A_1835] {strides = array<i32>} : memref<16x320xf32, #tpu.memory_space<vmem>>, vector<16xf32>,
    %add3A_1837 = arith.addf %add3A_1832, %get3A_1836 : vector<16xf32>
    %get3A_1838 = arith.constant 6 : i32
    %get3A_1839 = arith.index_cast %get3A_1838 : i32 to index
    %get3A_1840 = arith.constant 304 : index
    %get3A_1841 = tpu.vector_load %arg9[%get3A_1839, %get3A_1840] {strides = array<i32>} : memref<16x320xf32, #tpu.memory_space<vmem>>, vector<16xf32>,
    %add3A_1842 = arith.addf %add3A_1837, %get3A_1841 : vector<16xf32>
    %get3A_1843 = arith.constant 7 : i32
    %get3A_1844 = arith.index_cast %get3A_1843 : i32 to index
    %get3A_1845 = arith.constant 304 : index
    %get3A_1846 = tpu.vector_load %arg9[%get3A_1844, %get3A_1845] {strides = array<i32>} : memref<16x320xf32, #tpu.memory_space<vmem>>, vector<16xf32>,
    %add3A_1847 = arith.addf %add3A_1842, %get3A_1846 : vector<16xf32>
    %get3A_1848 = arith.constant 8 : i32
    %get3A_1849 = arith.index_cast %get3A_1848 : i32 to index
    %get3A_1850 = arith.constant 304 : index
    %get3A_1851 = tpu.vector_load %arg9[%get3A_1849, %get3A_1850] {strides = array<i32>} : memref<16x320xf32, #tpu.memory_space<vmem>>, vector<16xf32>,
    %add3A_1852 = arith.addf %add3A_1847, %get3A_1851 : vector<16xf32>
    %get3A_1853 = arith.constant 9 : i32
    %get3A_1854 = arith.index_cast %get3A_1853 : i32 to index
    %get3A_1855 = arith.constant 304 : index
    %get3A_1856 = tpu.vector_load %arg9[%get3A_1854, %get3A_1855] {strides = array<i32>} : memref<16x320xf32, #tpu.memory_space<vmem>>, vector<16xf32>,
    %add3A_1857 = arith.addf %add3A_1852, %get3A_1856 : vector<16xf32>
    %get3A_1858 = arith.constant 10 : i32
    %get3A_1859 = arith.index_cast %get3A_1858 : i32 to index
    %get3A_1860 = arith.constant 304 : index
    %get3A_1861 = tpu.vector_load %arg9[%get3A_1859, %get3A_1860] {strides = array<i32>} : memref<16x320xf32, #tpu.memory_space<vmem>>, vector<16xf32>,
    %add3A_1862 = arith.addf %add3A_1857, %get3A_1861 : vector<16xf32>
    %get3A_1863 = arith.constant 11 : i32
    %get3A_1864 = arith.index_cast %get3A_1863 : i32 to index
    %get3A_1865 = arith.constant 304 : index
    %get3A_1866 = tpu.vector_load %arg9[%get3A_1864, %get3A_1865] {strides = array<i32>} : memref<16x320xf32, #tpu.memory_space<vmem>>, vector<16xf32>,
    %add3A_1867 = arith.addf %add3A_1862, %get3A_1866 : vector<16xf32>
    %get3A_1868 = arith.constant 12 : i32
    %get3A_1869 = arith.index_cast %get3A_1868 : i32 to index
    %get3A_1870 = arith.constant 304 : index
    %get3A_1871 = tpu.vector_load %arg9[%get3A_1869, %get3A_1870] {strides = array<i32>} : memref<16x320xf32, #tpu.memory_space<vmem>>, vector<16xf32>,
    %add3A_1872 = arith.addf %add3A_1867, %get3A_1871 : vector<16xf32>
    %get3A_1873 = arith.constant 13 : i32
    %get3A_1874 = arith.index_cast %get3A_1873 : i32 to index
    %get3A_1875 = arith.constant 304 : index
    %get3A_1876 = tpu.vector_load %arg9[%get3A_1874, %get3A_1875] {strides = array<i32>} : memref<16x320xf32, #tpu.memory_space<vmem>>, vector<16xf32>,
    %add3A_1877 = arith.addf %add3A_1872, %get3A_1876 : vector<16xf32>
    %get3A_1878 = arith.constant 14 : i32
    %get3A_1879 = arith.index_cast %get3A_1878 : i32 to index
    %get3A_1880 = arith.constant 304 : index
    %get3A_1881 = tpu.vector_load %arg9[%get3A_1879, %get3A_1880] {strides = array<i32>} : memref<16x320xf32, #tpu.memory_space<vmem>>, vector<16xf32>,
    %add3A_1882 = arith.addf %add3A_1877, %get3A_1881 : vector<16xf32>
    %get3A_1883 = arith.constant 15 : i32
    %get3A_1884 = arith.index_cast %get3A_1883 : i32 to index
    %get3A_1885 = arith.constant 304 : index
    %get3A_1886 = tpu.vector_load %arg9[%get3A_1884, %get3A_1885] {strides = array<i32>} : memref<16x320xf32, #tpu.memory_space<vmem>>, vector<16xf32>,
    %add3A_1887 = arith.addf %add3A_1882, %get3A_1886 : vector<16xf32>
    %max3A_1888 = arith.constant 1.000000e+00 : f32
    %max3A_1889 = vector.broadcast %max3A_1888 : f32 to vector<16xf32>
    %max3A_1890 = arith.maximumf %add3A_1887, %max3A_1889 : vector<16xf32>
    %div3A_1891 = arith.constant 1.000000e+00 : f32
    %div3A_1892 = vector.broadcast %div3A_1891 : f32 to vector<16xf32>
    %div3A_1893 = arith.divf %div3A_1892, %max3A_1890 : vector<16xf32>
    %swap3A_1894 = arith.constant 304 : index
    %swap3A_1895 = tpu.vector_load %arg10[%swap3A_1894] {strides = array<i32>} : memref<320xf32, #tpu.memory_space<vmem>>, vector<16xf32>,
    tpu.vector_store %arg10[%swap3A_1894], %div3A_1893 {strides = array<i32>} : memref<320xf32, #tpu.memory_space<vmem>>, vector<16xf32>,
    %add3A_1896 = arith.constant 0 : i32
    %add3A_1897 = arith.addi %mul3A_2, %add3A_1896 : i32
    %dma_wait3A_1898 = arith.constant 0 : i32
    %dma_wait3A_1899 = tpu.memref_slice %arg21[%add3A_1897, %dma_wait3A_1898] : memref<5120x64xf32, #tpu.memory_space<vmem_shared>> -> memref<80x64xf32, #tpu.memory_space<vmem_shared>>
    %dma_wait3A_1900 = arith.constant 0 : i32
    %dma_wait3A_1901 = tpu.memref_slice %arg21[%add3A_1897, %dma_wait3A_1900] : memref<5120x64xf32, #tpu.memory_space<vmem_shared>> -> memref<80x64xf32, #tpu.memory_space<vmem_shared>>
    tpu.wait_dma2 semaphore(%arg23 : memref<!tpu.dma_semaphore, #tpu.memory_space<semaphore_mem>>) src(%dma_wait3A_1901 : memref<80x64xf32, #tpu.memory_space<vmem_shared>>) dst(%arg11 : memref<80x64xf32, #tpu.memory_space<vmem>>)
    %scan3A_1902 = arith.constant 0 : i32
    %scan3A_1903 = arith.constant 0 : i32
    %scan3A_1904 = arith.constant 80 : i32
    %scan3A_1905 = arith.addi %scan3A_1903, %scan3A_1904 : i32
    %scan3A_1906 = arith.constant 1 : i32
    scf.for %scan3A_1950 = %scan3A_1903 to %scan3A_1905 step %scan3A_1906  : i32 {
      %broadcast_in_dim3A_1951 = arith.constant 0 : i32
      %broadcast_in_dim3A_1952 = vector.broadcast %broadcast_in_dim3A_1951 : i32 to vector<16xi32>
      %add3A_1953 = vector.broadcast %scan3A_1950 : i32 to vector<16xi32>
      %add3A_1954 = arith.addi %broadcast_in_dim3A_1952, %add3A_1953 : vector<16xi32>
      %gather3A = tpu.vector_load_idx %arg10[%add3A_1954] : memref<320xf32, #tpu.memory_space<vmem>>[vector<16xi32>], vector<16xf32>,
      %get3A_1955 = arith.index_cast %scan3A_1950 : i32 to index
      %get3A_1956 = arith.constant 0 : index
      %get3A_1957 = tpu.vector_load %arg11[%get3A_1955, %get3A_1956] {strides = array<i32>} : memref<80x64xf32, #tpu.memory_space<vmem>>, vector<16xf32>,
      %mul3A_1958 = arith.mulf %get3A_1957, %gather3A : vector<16xf32>
      %swap3A_1959 = arith.index_cast %scan3A_1950 : i32 to index
      %swap3A_1960 = arith.constant 0 : index
      %swap3A_1961 = tpu.vector_load %arg11[%swap3A_1959, %swap3A_1960] {strides = array<i32>} : memref<80x64xf32, #tpu.memory_space<vmem>>, vector<16xf32>,
      tpu.vector_store %arg11[%swap3A_1959, %swap3A_1960], %mul3A_1958 {strides = array<i32>} : memref<80x64xf32, #tpu.memory_space<vmem>>, vector<16xf32>,
      %get3A_1962 = arith.index_cast %scan3A_1950 : i32 to index
      %get3A_1963 = arith.constant 16 : index
      %get3A_1964 = tpu.vector_load %arg11[%get3A_1962, %get3A_1963] {strides = array<i32>} : memref<80x64xf32, #tpu.memory_space<vmem>>, vector<16xf32>,
      %mul3A_1965 = arith.mulf %get3A_1964, %gather3A : vector<16xf32>
      %swap3A_1966 = arith.index_cast %scan3A_1950 : i32 to index
      %swap3A_1967 = arith.constant 16 : index
      %swap3A_1968 = tpu.vector_load %arg11[%swap3A_1966, %swap3A_1967] {strides = array<i32>} : memref<80x64xf32, #tpu.memory_space<vmem>>, vector<16xf32>,
      tpu.vector_store %arg11[%swap3A_1966, %swap3A_1967], %mul3A_1965 {strides = array<i32>} : memref<80x64xf32, #tpu.memory_space<vmem>>, vector<16xf32>,
      %get3A_1969 = arith.index_cast %scan3A_1950 : i32 to index
      %get3A_1970 = arith.constant 32 : index
      %get3A_1971 = tpu.vector_load %arg11[%get3A_1969, %get3A_1970] {strides = array<i32>} : memref<80x64xf32, #tpu.memory_space<vmem>>, vector<16xf32>,
      %mul3A_1972 = arith.mulf %get3A_1971, %gather3A : vector<16xf32>
      %swap3A_1973 = arith.index_cast %scan3A_1950 : i32 to index
      %swap3A_1974 = arith.constant 32 : index
      %swap3A_1975 = tpu.vector_load %arg11[%swap3A_1973, %swap3A_1974] {strides = array<i32>} : memref<80x64xf32, #tpu.memory_space<vmem>>, vector<16xf32>,
      tpu.vector_store %arg11[%swap3A_1973, %swap3A_1974], %mul3A_1972 {strides = array<i32>} : memref<80x64xf32, #tpu.memory_space<vmem>>, vector<16xf32>,
      %get3A_1976 = arith.index_cast %scan3A_1950 : i32 to index
      %get3A_1977 = arith.constant 48 : index
      %get3A_1978 = tpu.vector_load %arg11[%get3A_1976, %get3A_1977] {strides = array<i32>} : memref<80x64xf32, #tpu.memory_space<vmem>>, vector<16xf32>,
      %mul3A_1979 = arith.mulf %get3A_1978, %gather3A : vector<16xf32>
      %swap3A_1980 = arith.index_cast %scan3A_1950 : i32 to index
      %swap3A_1981 = arith.constant 48 : index
      %swap3A_1982 = tpu.vector_load %arg11[%swap3A_1980, %swap3A_1981] {strides = array<i32>} : memref<80x64xf32, #tpu.memory_space<vmem>>, vector<16xf32>,
      tpu.vector_store %arg11[%swap3A_1980, %swap3A_1981], %mul3A_1979 {strides = array<i32>} : memref<80x64xf32, #tpu.memory_space<vmem>>, vector<16xf32>,
    }
    %scan3A_1907 = arith.constant 80 : i32
    %add3A_1908 = arith.constant 80 : i32
    %add3A_1909 = arith.addi %mul3A_2, %add3A_1908 : i32
    %dma_wait3A_1910 = arith.constant 0 : i32
    %dma_wait3A_1911 = tpu.memref_slice %arg21[%add3A_1909, %dma_wait3A_1910] : memref<5120x64xf32, #tpu.memory_space<vmem_shared>> -> memref<80x64xf32, #tpu.memory_space<vmem_shared>>
    %dma_wait3A_1912 = arith.constant 0 : i32
    %dma_wait3A_1913 = tpu.memref_slice %arg21[%add3A_1909, %dma_wait3A_1912] : memref<5120x64xf32, #tpu.memory_space<vmem_shared>> -> memref<80x64xf32, #tpu.memory_space<vmem_shared>>
    tpu.wait_dma2 semaphore(%arg23 : memref<!tpu.dma_semaphore, #tpu.memory_space<semaphore_mem>>) src(%dma_wait3A_1913 : memref<80x64xf32, #tpu.memory_space<vmem_shared>>) dst(%arg12 : memref<80x64xf32, #tpu.memory_space<vmem>>)
    %scan3A_1914 = arith.constant 0 : i32
    %scan3A_1915 = arith.constant 0 : i32
    %scan3A_1916 = arith.constant 80 : i32
    %scan3A_1917 = arith.addi %scan3A_1915, %scan3A_1916 : i32
    %scan3A_1918 = arith.constant 1 : i32
    scf.for %scan3A_1950 = %scan3A_1915 to %scan3A_1917 step %scan3A_1918  : i32 {
      %broadcast_in_dim3A_1951 = arith.constant 80 : i32
      %broadcast_in_dim3A_1952 = vector.broadcast %broadcast_in_dim3A_1951 : i32 to vector<16xi32>
      %add3A_1953 = vector.broadcast %scan3A_1950 : i32 to vector<16xi32>
      %add3A_1954 = arith.addi %broadcast_in_dim3A_1952, %add3A_1953 : vector<16xi32>
      %gather3A = tpu.vector_load_idx %arg10[%add3A_1954] : memref<320xf32, #tpu.memory_space<vmem>>[vector<16xi32>], vector<16xf32>,
      %get3A_1955 = arith.index_cast %scan3A_1950 : i32 to index
      %get3A_1956 = arith.constant 0 : index
      %get3A_1957 = tpu.vector_load %arg12[%get3A_1955, %get3A_1956] {strides = array<i32>} : memref<80x64xf32, #tpu.memory_space<vmem>>, vector<16xf32>,
      %mul3A_1958 = arith.mulf %get3A_1957, %gather3A : vector<16xf32>
      %swap3A_1959 = arith.index_cast %scan3A_1950 : i32 to index
      %swap3A_1960 = arith.constant 0 : index
      %swap3A_1961 = tpu.vector_load %arg12[%swap3A_1959, %swap3A_1960] {strides = array<i32>} : memref<80x64xf32, #tpu.memory_space<vmem>>, vector<16xf32>,
      tpu.vector_store %arg12[%swap3A_1959, %swap3A_1960], %mul3A_1958 {strides = array<i32>} : memref<80x64xf32, #tpu.memory_space<vmem>>, vector<16xf32>,
      %get3A_1962 = arith.index_cast %scan3A_1950 : i32 to index
      %get3A_1963 = arith.constant 16 : index
      %get3A_1964 = tpu.vector_load %arg12[%get3A_1962, %get3A_1963] {strides = array<i32>} : memref<80x64xf32, #tpu.memory_space<vmem>>, vector<16xf32>,
      %mul3A_1965 = arith.mulf %get3A_1964, %gather3A : vector<16xf32>
      %swap3A_1966 = arith.index_cast %scan3A_1950 : i32 to index
      %swap3A_1967 = arith.constant 16 : index
      %swap3A_1968 = tpu.vector_load %arg12[%swap3A_1966, %swap3A_1967] {strides = array<i32>} : memref<80x64xf32, #tpu.memory_space<vmem>>, vector<16xf32>,
      tpu.vector_store %arg12[%swap3A_1966, %swap3A_1967], %mul3A_1965 {strides = array<i32>} : memref<80x64xf32, #tpu.memory_space<vmem>>, vector<16xf32>,
      %get3A_1969 = arith.index_cast %scan3A_1950 : i32 to index
      %get3A_1970 = arith.constant 32 : index
      %get3A_1971 = tpu.vector_load %arg12[%get3A_1969, %get3A_1970] {strides = array<i32>} : memref<80x64xf32, #tpu.memory_space<vmem>>, vector<16xf32>,
      %mul3A_1972 = arith.mulf %get3A_1971, %gather3A : vector<16xf32>
      %swap3A_1973 = arith.index_cast %scan3A_1950 : i32 to index
      %swap3A_1974 = arith.constant 32 : index
      %swap3A_1975 = tpu.vector_load %arg12[%swap3A_1973, %swap3A_1974] {strides = array<i32>} : memref<80x64xf32, #tpu.memory_space<vmem>>, vector<16xf32>,
      tpu.vector_store %arg12[%swap3A_1973, %swap3A_1974], %mul3A_1972 {strides = array<i32>} : memref<80x64xf32, #tpu.memory_space<vmem>>, vector<16xf32>,
      %get3A_1976 = arith.index_cast %scan3A_1950 : i32 to index
      %get3A_1977 = arith.constant 48 : index
      %get3A_1978 = tpu.vector_load %arg12[%get3A_1976, %get3A_1977] {strides = array<i32>} : memref<80x64xf32, #tpu.memory_space<vmem>>, vector<16xf32>,
      %mul3A_1979 = arith.mulf %get3A_1978, %gather3A : vector<16xf32>
      %swap3A_1980 = arith.index_cast %scan3A_1950 : i32 to index
      %swap3A_1981 = arith.constant 48 : index
      %swap3A_1982 = tpu.vector_load %arg12[%swap3A_1980, %swap3A_1981] {strides = array<i32>} : memref<80x64xf32, #tpu.memory_space<vmem>>, vector<16xf32>,
      tpu.vector_store %arg12[%swap3A_1980, %swap3A_1981], %mul3A_1979 {strides = array<i32>} : memref<80x64xf32, #tpu.memory_space<vmem>>, vector<16xf32>,
    }
    %scan3A_1919 = arith.constant 80 : i32
    %add3A_1920 = arith.constant 160 : i32
    %add3A_1921 = arith.addi %mul3A_2, %add3A_1920 : i32
    %dma_wait3A_1922 = arith.constant 0 : i32
    %dma_wait3A_1923 = tpu.memref_slice %arg21[%add3A_1921, %dma_wait3A_1922] : memref<5120x64xf32, #tpu.memory_space<vmem_shared>> -> memref<80x64xf32, #tpu.memory_space<vmem_shared>>
    %dma_wait3A_1924 = arith.constant 0 : i32
    %dma_wait3A_1925 = tpu.memref_slice %arg21[%add3A_1921, %dma_wait3A_1924] : memref<5120x64xf32, #tpu.memory_space<vmem_shared>> -> memref<80x64xf32, #tpu.memory_space<vmem_shared>>
    tpu.wait_dma2 semaphore(%arg23 : memref<!tpu.dma_semaphore, #tpu.memory_space<semaphore_mem>>) src(%dma_wait3A_1925 : memref<80x64xf32, #tpu.memory_space<vmem_shared>>) dst(%arg13 : memref<80x64xf32, #tpu.memory_space<vmem>>)
    %scan3A_1926 = arith.constant 0 : i32
    %scan3A_1927 = arith.constant 0 : i32
    %scan3A_1928 = arith.constant 80 : i32
    %scan3A_1929 = arith.addi %scan3A_1927, %scan3A_1928 : i32
    %scan3A_1930 = arith.constant 1 : i32
    scf.for %scan3A_1950 = %scan3A_1927 to %scan3A_1929 step %scan3A_1930  : i32 {
      %broadcast_in_dim3A_1951 = arith.constant 160 : i32
      %broadcast_in_dim3A_1952 = vector.broadcast %broadcast_in_dim3A_1951 : i32 to vector<16xi32>
      %add3A_1953 = vector.broadcast %scan3A_1950 : i32 to vector<16xi32>
      %add3A_1954 = arith.addi %broadcast_in_dim3A_1952, %add3A_1953 : vector<16xi32>
      %gather3A = tpu.vector_load_idx %arg10[%add3A_1954] : memref<320xf32, #tpu.memory_space<vmem>>[vector<16xi32>], vector<16xf32>,
      %get3A_1955 = arith.index_cast %scan3A_1950 : i32 to index
      %get3A_1956 = arith.constant 0 : index
      %get3A_1957 = tpu.vector_load %arg13[%get3A_1955, %get3A_1956] {strides = array<i32>} : memref<80x64xf32, #tpu.memory_space<vmem>>, vector<16xf32>,
      %mul3A_1958 = arith.mulf %get3A_1957, %gather3A : vector<16xf32>
      %swap3A_1959 = arith.index_cast %scan3A_1950 : i32 to index
      %swap3A_1960 = arith.constant 0 : index
      %swap3A_1961 = tpu.vector_load %arg13[%swap3A_1959, %swap3A_1960] {strides = array<i32>} : memref<80x64xf32, #tpu.memory_space<vmem>>, vector<16xf32>,
      tpu.vector_store %arg13[%swap3A_1959, %swap3A_1960], %mul3A_1958 {strides = array<i32>} : memref<80x64xf32, #tpu.memory_space<vmem>>, vector<16xf32>,
      %get3A_1962 = arith.index_cast %scan3A_1950 : i32 to index
      %get3A_1963 = arith.constant 16 : index
      %get3A_1964 = tpu.vector_load %arg13[%get3A_1962, %get3A_1963] {strides = array<i32>} : memref<80x64xf32, #tpu.memory_space<vmem>>, vector<16xf32>,
      %mul3A_1965 = arith.mulf %get3A_1964, %gather3A : vector<16xf32>
      %swap3A_1966 = arith.index_cast %scan3A_1950 : i32 to index
      %swap3A_1967 = arith.constant 16 : index
      %swap3A_1968 = tpu.vector_load %arg13[%swap3A_1966, %swap3A_1967] {strides = array<i32>} : memref<80x64xf32, #tpu.memory_space<vmem>>, vector<16xf32>,
      tpu.vector_store %arg13[%swap3A_1966, %swap3A_1967], %mul3A_1965 {strides = array<i32>} : memref<80x64xf32, #tpu.memory_space<vmem>>, vector<16xf32>,
      %get3A_1969 = arith.index_cast %scan3A_1950 : i32 to index
      %get3A_1970 = arith.constant 32 : index
      %get3A_1971 = tpu.vector_load %arg13[%get3A_1969, %get3A_1970] {strides = array<i32>} : memref<80x64xf32, #tpu.memory_space<vmem>>, vector<16xf32>,
      %mul3A_1972 = arith.mulf %get3A_1971, %gather3A : vector<16xf32>
      %swap3A_1973 = arith.index_cast %scan3A_1950 : i32 to index
      %swap3A_1974 = arith.constant 32 : index
      %swap3A_1975 = tpu.vector_load %arg13[%swap3A_1973, %swap3A_1974] {strides = array<i32>} : memref<80x64xf32, #tpu.memory_space<vmem>>, vector<16xf32>,
      tpu.vector_store %arg13[%swap3A_1973, %swap3A_1974], %mul3A_1972 {strides = array<i32>} : memref<80x64xf32, #tpu.memory_space<vmem>>, vector<16xf32>,
      %get3A_1976 = arith.index_cast %scan3A_1950 : i32 to index
      %get3A_1977 = arith.constant 48 : index
      %get3A_1978 = tpu.vector_load %arg13[%get3A_1976, %get3A_1977] {strides = array<i32>} : memref<80x64xf32, #tpu.memory_space<vmem>>, vector<16xf32>,
      %mul3A_1979 = arith.mulf %get3A_1978, %gather3A : vector<16xf32>
      %swap3A_1980 = arith.index_cast %scan3A_1950 : i32 to index
      %swap3A_1981 = arith.constant 48 : index
      %swap3A_1982 = tpu.vector_load %arg13[%swap3A_1980, %swap3A_1981] {strides = array<i32>} : memref<80x64xf32, #tpu.memory_space<vmem>>, vector<16xf32>,
      tpu.vector_store %arg13[%swap3A_1980, %swap3A_1981], %mul3A_1979 {strides = array<i32>} : memref<80x64xf32, #tpu.memory_space<vmem>>, vector<16xf32>,
    }
    %scan3A_1931 = arith.constant 80 : i32
    %add3A_1932 = arith.constant 240 : i32
    %add3A_1933 = arith.addi %mul3A_2, %add3A_1932 : i32
    %dma_wait3A_1934 = arith.constant 0 : i32
    %dma_wait3A_1935 = tpu.memref_slice %arg21[%add3A_1933, %dma_wait3A_1934] : memref<5120x64xf32, #tpu.memory_space<vmem_shared>> -> memref<80x64xf32, #tpu.memory_space<vmem_shared>>
    %dma_wait3A_1936 = arith.constant 0 : i32
    %dma_wait3A_1937 = tpu.memref_slice %arg21[%add3A_1933, %dma_wait3A_1936] : memref<5120x64xf32, #tpu.memory_space<vmem_shared>> -> memref<80x64xf32, #tpu.memory_space<vmem_shared>>
    tpu.wait_dma2 semaphore(%arg23 : memref<!tpu.dma_semaphore, #tpu.memory_space<semaphore_mem>>) src(%dma_wait3A_1937 : memref<80x64xf32, #tpu.memory_space<vmem_shared>>) dst(%arg14 : memref<80x64xf32, #tpu.memory_space<vmem>>)
    %scan3A_1938 = arith.constant 0 : i32
    %scan3A_1939 = arith.constant 0 : i32
    %scan3A_1940 = arith.constant 80 : i32
    %scan3A_1941 = arith.addi %scan3A_1939, %scan3A_1940 : i32
    %scan3A_1942 = arith.constant 1 : i32
    scf.for %scan3A_1950 = %scan3A_1939 to %scan3A_1941 step %scan3A_1942  : i32 {
      %broadcast_in_dim3A_1951 = arith.constant 240 : i32
      %broadcast_in_dim3A_1952 = vector.broadcast %broadcast_in_dim3A_1951 : i32 to vector<16xi32>
      %add3A_1953 = vector.broadcast %scan3A_1950 : i32 to vector<16xi32>
      %add3A_1954 = arith.addi %broadcast_in_dim3A_1952, %add3A_1953 : vector<16xi32>
      %gather3A = tpu.vector_load_idx %arg10[%add3A_1954] : memref<320xf32, #tpu.memory_space<vmem>>[vector<16xi32>], vector<16xf32>,
      %get3A_1955 = arith.index_cast %scan3A_1950 : i32 to index
      %get3A_1956 = arith.constant 0 : index
      %get3A_1957 = tpu.vector_load %arg14[%get3A_1955, %get3A_1956] {strides = array<i32>} : memref<80x64xf32, #tpu.memory_space<vmem>>, vector<16xf32>,
      %mul3A_1958 = arith.mulf %get3A_1957, %gather3A : vector<16xf32>
      %swap3A_1959 = arith.index_cast %scan3A_1950 : i32 to index
      %swap3A_1960 = arith.constant 0 : index
      %swap3A_1961 = tpu.vector_load %arg14[%swap3A_1959, %swap3A_1960] {strides = array<i32>} : memref<80x64xf32, #tpu.memory_space<vmem>>, vector<16xf32>,
      tpu.vector_store %arg14[%swap3A_1959, %swap3A_1960], %mul3A_1958 {strides = array<i32>} : memref<80x64xf32, #tpu.memory_space<vmem>>, vector<16xf32>,
      %get3A_1962 = arith.index_cast %scan3A_1950 : i32 to index
      %get3A_1963 = arith.constant 16 : index
      %get3A_1964 = tpu.vector_load %arg14[%get3A_1962, %get3A_1963] {strides = array<i32>} : memref<80x64xf32, #tpu.memory_space<vmem>>, vector<16xf32>,
      %mul3A_1965 = arith.mulf %get3A_1964, %gather3A : vector<16xf32>
      %swap3A_1966 = arith.index_cast %scan3A_1950 : i32 to index
      %swap3A_1967 = arith.constant 16 : index
      %swap3A_1968 = tpu.vector_load %arg14[%swap3A_1966, %swap3A_1967] {strides = array<i32>} : memref<80x64xf32, #tpu.memory_space<vmem>>, vector<16xf32>,
      tpu.vector_store %arg14[%swap3A_1966, %swap3A_1967], %mul3A_1965 {strides = array<i32>} : memref<80x64xf32, #tpu.memory_space<vmem>>, vector<16xf32>,
      %get3A_1969 = arith.index_cast %scan3A_1950 : i32 to index
      %get3A_1970 = arith.constant 32 : index
      %get3A_1971 = tpu.vector_load %arg14[%get3A_1969, %get3A_1970] {strides = array<i32>} : memref<80x64xf32, #tpu.memory_space<vmem>>, vector<16xf32>,
      %mul3A_1972 = arith.mulf %get3A_1971, %gather3A : vector<16xf32>
      %swap3A_1973 = arith.index_cast %scan3A_1950 : i32 to index
      %swap3A_1974 = arith.constant 32 : index
      %swap3A_1975 = tpu.vector_load %arg14[%swap3A_1973, %swap3A_1974] {strides = array<i32>} : memref<80x64xf32, #tpu.memory_space<vmem>>, vector<16xf32>,
      tpu.vector_store %arg14[%swap3A_1973, %swap3A_1974], %mul3A_1972 {strides = array<i32>} : memref<80x64xf32, #tpu.memory_space<vmem>>, vector<16xf32>,
      %get3A_1976 = arith.index_cast %scan3A_1950 : i32 to index
      %get3A_1977 = arith.constant 48 : index
      %get3A_1978 = tpu.vector_load %arg14[%get3A_1976, %get3A_1977] {strides = array<i32>} : memref<80x64xf32, #tpu.memory_space<vmem>>, vector<16xf32>,
      %mul3A_1979 = arith.mulf %get3A_1978, %gather3A : vector<16xf32>
      %swap3A_1980 = arith.index_cast %scan3A_1950 : i32 to index
      %swap3A_1981 = arith.constant 48 : index
      %swap3A_1982 = tpu.vector_load %arg14[%swap3A_1980, %swap3A_1981] {strides = array<i32>} : memref<80x64xf32, #tpu.memory_space<vmem>>, vector<16xf32>,
      tpu.vector_store %arg14[%swap3A_1980, %swap3A_1981], %mul3A_1979 {strides = array<i32>} : memref<80x64xf32, #tpu.memory_space<vmem>>, vector<16xf32>,
    }
    %scan3A_1943 = arith.constant 80 : i32
    %lt3A = arith.constant 15 : i32
    %lt3A_1944 = arith.cmpi slt, %arg1, %lt3A : i32
    %convert_element_type3A = arith.extui %lt3A_1944 : i1 to i32
    %cond3A = arith.constant 0 : i32
    %cond3A_1945 = arith.cmpi ne, %convert_element_type3A, %cond3A : i32
    scf.if %cond3A_1945 {
      %add3A_1950 = arith.constant 0 : i32
      %add3A_1951 = arith.addi %mul3A_2, %add3A_1950 : i32
      %mul3A_1952 = arith.constant 64 : i32
      %mul3A_1953 = arith.muli %arg0, %mul3A_1952 : i32
      %dma_start3A_1954 = tpu.memref_slice %arg5[%add3A_1951, %mul3A_1953] : memref<5000x128xf32, #tpu.memory_space<hbm>> -> memref<80x64xf32, #tpu.memory_space<hbm>>
      %dma_start3A_1955 = tpu.memref_slice %arg5[%add3A_1951, %mul3A_1953] : memref<5000x128xf32, #tpu.memory_space<hbm>> -> memref<80x64xf32, #tpu.memory_space<hbm>>
      tpu.enqueue_dma source(%arg11 : memref<80x64xf32, #tpu.memory_space<vmem>>) target(%dma_start3A_1955 : memref<80x64xf32, #tpu.memory_space<hbm>>) target_semaphore(%arg25 : memref<!tpu.dma_semaphore, #tpu.memory_space<semaphore_mem>>)
      %add3A_1956 = arith.constant 80 : i32
      %add3A_1957 = arith.addi %mul3A_2, %add3A_1956 : i32
      %mul3A_1958 = arith.constant 64 : i32
      %mul3A_1959 = arith.muli %arg0, %mul3A_1958 : i32
      %dma_start3A_1960 = tpu.memref_slice %arg5[%add3A_1957, %mul3A_1959] : memref<5000x128xf32, #tpu.memory_space<hbm>> -> memref<80x64xf32, #tpu.memory_space<hbm>>
      %dma_start3A_1961 = tpu.memref_slice %arg5[%add3A_1957, %mul3A_1959] : memref<5000x128xf32, #tpu.memory_space<hbm>> -> memref<80x64xf32, #tpu.memory_space<hbm>>
      tpu.enqueue_dma source(%arg12 : memref<80x64xf32, #tpu.memory_space<vmem>>) target(%dma_start3A_1961 : memref<80x64xf32, #tpu.memory_space<hbm>>) target_semaphore(%arg25 : memref<!tpu.dma_semaphore, #tpu.memory_space<semaphore_mem>>)
      %add3A_1962 = arith.constant 160 : i32
      %add3A_1963 = arith.addi %mul3A_2, %add3A_1962 : i32
      %mul3A_1964 = arith.constant 64 : i32
      %mul3A_1965 = arith.muli %arg0, %mul3A_1964 : i32
      %dma_start3A_1966 = tpu.memref_slice %arg5[%add3A_1963, %mul3A_1965] : memref<5000x128xf32, #tpu.memory_space<hbm>> -> memref<80x64xf32, #tpu.memory_space<hbm>>
      %dma_start3A_1967 = tpu.memref_slice %arg5[%add3A_1963, %mul3A_1965] : memref<5000x128xf32, #tpu.memory_space<hbm>> -> memref<80x64xf32, #tpu.memory_space<hbm>>
      tpu.enqueue_dma source(%arg13 : memref<80x64xf32, #tpu.memory_space<vmem>>) target(%dma_start3A_1967 : memref<80x64xf32, #tpu.memory_space<hbm>>) target_semaphore(%arg25 : memref<!tpu.dma_semaphore, #tpu.memory_space<semaphore_mem>>)
      %add3A_1968 = arith.constant 240 : i32
      %add3A_1969 = arith.addi %mul3A_2, %add3A_1968 : i32
      %mul3A_1970 = arith.constant 64 : i32
      %mul3A_1971 = arith.muli %arg0, %mul3A_1970 : i32
      %dma_start3A_1972 = tpu.memref_slice %arg5[%add3A_1969, %mul3A_1971] : memref<5000x128xf32, #tpu.memory_space<hbm>> -> memref<80x64xf32, #tpu.memory_space<hbm>>
      %dma_start3A_1973 = tpu.memref_slice %arg5[%add3A_1969, %mul3A_1971] : memref<5000x128xf32, #tpu.memory_space<hbm>> -> memref<80x64xf32, #tpu.memory_space<hbm>>
      tpu.enqueue_dma source(%arg14 : memref<80x64xf32, #tpu.memory_space<vmem>>) target(%dma_start3A_1973 : memref<80x64xf32, #tpu.memory_space<hbm>>) target_semaphore(%arg25 : memref<!tpu.dma_semaphore, #tpu.memory_space<semaphore_mem>>)
      %add3A_1974 = arith.constant 0 : i32
      %add3A_1975 = arith.addi %mul3A_2, %add3A_1974 : i32
      %mul3A_1976 = arith.constant 64 : i32
      %mul3A_1977 = arith.muli %arg0, %mul3A_1976 : i32
      %dma_wait3A_1978 = tpu.memref_slice %arg5[%add3A_1975, %mul3A_1977] : memref<5000x128xf32, #tpu.memory_space<hbm>> -> memref<80x64xf32, #tpu.memory_space<hbm>>
      %dma_wait3A_1979 = tpu.memref_slice %arg5[%add3A_1975, %mul3A_1977] : memref<5000x128xf32, #tpu.memory_space<hbm>> -> memref<80x64xf32, #tpu.memory_space<hbm>>
      tpu.wait_dma2 semaphore(%arg25 : memref<!tpu.dma_semaphore, #tpu.memory_space<semaphore_mem>>) src(%arg11 : memref<80x64xf32, #tpu.memory_space<vmem>>) dst(%dma_wait3A_1979 : memref<80x64xf32, #tpu.memory_space<hbm>>)
      %add3A_1980 = arith.constant 80 : i32
      %add3A_1981 = arith.addi %mul3A_2, %add3A_1980 : i32
      %mul3A_1982 = arith.constant 64 : i32
      %mul3A_1983 = arith.muli %arg0, %mul3A_1982 : i32
      %dma_wait3A_1984 = tpu.memref_slice %arg5[%add3A_1981, %mul3A_1983] : memref<5000x128xf32, #tpu.memory_space<hbm>> -> memref<80x64xf32, #tpu.memory_space<hbm>>
      %dma_wait3A_1985 = tpu.memref_slice %arg5[%add3A_1981, %mul3A_1983] : memref<5000x128xf32, #tpu.memory_space<hbm>> -> memref<80x64xf32, #tpu.memory_space<hbm>>
      tpu.wait_dma2 semaphore(%arg25 : memref<!tpu.dma_semaphore, #tpu.memory_space<semaphore_mem>>) src(%arg12 : memref<80x64xf32, #tpu.memory_space<vmem>>) dst(%dma_wait3A_1985 : memref<80x64xf32, #tpu.memory_space<hbm>>)
      %add3A_1986 = arith.constant 160 : i32
      %add3A_1987 = arith.addi %mul3A_2, %add3A_1986 : i32
      %mul3A_1988 = arith.constant 64 : i32
      %mul3A_1989 = arith.muli %arg0, %mul3A_1988 : i32
      %dma_wait3A_1990 = tpu.memref_slice %arg5[%add3A_1987, %mul3A_1989] : memref<5000x128xf32, #tpu.memory_space<hbm>> -> memref<80x64xf32, #tpu.memory_space<hbm>>
      %dma_wait3A_1991 = tpu.memref_slice %arg5[%add3A_1987, %mul3A_1989] : memref<5000x128xf32, #tpu.memory_space<hbm>> -> memref<80x64xf32, #tpu.memory_space<hbm>>
      tpu.wait_dma2 semaphore(%arg25 : memref<!tpu.dma_semaphore, #tpu.memory_space<semaphore_mem>>) src(%arg13 : memref<80x64xf32, #tpu.memory_space<vmem>>) dst(%dma_wait3A_1991 : memref<80x64xf32, #tpu.memory_space<hbm>>)
      %add3A_1992 = arith.constant 240 : i32
      %add3A_1993 = arith.addi %mul3A_2, %add3A_1992 : i32
      %mul3A_1994 = arith.constant 64 : i32
      %mul3A_1995 = arith.muli %arg0, %mul3A_1994 : i32
      %dma_wait3A_1996 = tpu.memref_slice %arg5[%add3A_1993, %mul3A_1995] : memref<5000x128xf32, #tpu.memory_space<hbm>> -> memref<80x64xf32, #tpu.memory_space<hbm>>
      %dma_wait3A_1997 = tpu.memref_slice %arg5[%add3A_1993, %mul3A_1995] : memref<5000x128xf32, #tpu.memory_space<hbm>> -> memref<80x64xf32, #tpu.memory_space<hbm>>
      tpu.wait_dma2 semaphore(%arg25 : memref<!tpu.dma_semaphore, #tpu.memory_space<semaphore_mem>>) src(%arg14 : memref<80x64xf32, #tpu.memory_space<vmem>>) dst(%dma_wait3A_1997 : memref<80x64xf32, #tpu.memory_space<hbm>>)
    } else {
    }
    %eq3A = arith.constant 15 : i32
    %eq3A_1946 = arith.cmpi eq, %arg1, %eq3A : i32
    %convert_element_type3A_1947 = arith.extui %eq3A_1946 : i1 to i32
    %cond3A_1948 = arith.constant 0 : i32
    %cond3A_1949 = arith.cmpi ne, %convert_element_type3A_1947, %cond3A_1948 : i32
    scf.if %cond3A_1949 {
      %add3A_1950 = arith.constant 0 : i32
      %add3A_1951 = arith.addi %mul3A_2, %add3A_1950 : i32
      %mul3A_1952 = arith.constant 64 : i32
      %mul3A_1953 = arith.muli %arg0, %mul3A_1952 : i32
      %dma_start3A_1954 = tpu.memref_slice %arg5[%add3A_1951, %mul3A_1953] : memref<5000x128xf32, #tpu.memory_space<hbm>> -> memref<80x64xf32, #tpu.memory_space<hbm>>
      %dma_start3A_1955 = tpu.memref_slice %arg5[%add3A_1951, %mul3A_1953] : memref<5000x128xf32, #tpu.memory_space<hbm>> -> memref<80x64xf32, #tpu.memory_space<hbm>>
      tpu.enqueue_dma source(%arg11 : memref<80x64xf32, #tpu.memory_space<vmem>>) target(%dma_start3A_1955 : memref<80x64xf32, #tpu.memory_space<hbm>>) target_semaphore(%arg25 : memref<!tpu.dma_semaphore, #tpu.memory_space<semaphore_mem>>)
      %add3A_1956 = arith.constant 80 : i32
      %add3A_1957 = arith.addi %mul3A_2, %add3A_1956 : i32
      %mul3A_1958 = arith.constant 64 : i32
      %mul3A_1959 = arith.muli %arg0, %mul3A_1958 : i32
      %dma_start3A_1960 = tpu.memref_slice %arg5[%add3A_1957, %mul3A_1959] : memref<5000x128xf32, #tpu.memory_space<hbm>> -> memref<80x64xf32, #tpu.memory_space<hbm>>
      %dma_start3A_1961 = tpu.memref_slice %arg5[%add3A_1957, %mul3A_1959] : memref<5000x128xf32, #tpu.memory_space<hbm>> -> memref<80x64xf32, #tpu.memory_space<hbm>>
      tpu.enqueue_dma source(%arg12 : memref<80x64xf32, #tpu.memory_space<vmem>>) target(%dma_start3A_1961 : memref<80x64xf32, #tpu.memory_space<hbm>>) target_semaphore(%arg25 : memref<!tpu.dma_semaphore, #tpu.memory_space<semaphore_mem>>)
      %add3A_1962 = arith.constant 160 : i32
      %add3A_1963 = arith.addi %mul3A_2, %add3A_1962 : i32
      %mul3A_1964 = arith.constant 64 : i32
      %mul3A_1965 = arith.muli %arg0, %mul3A_1964 : i32
      %dma_start3A_1966 = arith.constant 0 : i32
      %dma_start3A_1967 = arith.constant 0 : i32
      %dma_start3A_1968 = tpu.memref_slice %arg13[%dma_start3A_1966, %dma_start3A_1967] : memref<80x64xf32, #tpu.memory_space<vmem>> -> memref<40x64xf32, #tpu.memory_space<vmem>>
      %dma_start3A_1969 = tpu.memref_slice %arg5[%add3A_1963, %mul3A_1965] : memref<5000x128xf32, #tpu.memory_space<hbm>> -> memref<40x64xf32, #tpu.memory_space<hbm>>
      %dma_start3A_1970 = tpu.memref_slice %arg5[%add3A_1963, %mul3A_1965] : memref<5000x128xf32, #tpu.memory_space<hbm>> -> memref<40x64xf32, #tpu.memory_space<hbm>>
      %dma_start3A_1971 = arith.constant 0 : i32
      %dma_start3A_1972 = arith.constant 0 : i32
      %dma_start3A_1973 = tpu.memref_slice %arg13[%dma_start3A_1971, %dma_start3A_1972] : memref<80x64xf32, #tpu.memory_space<vmem>> -> memref<40x64xf32, #tpu.memory_space<vmem>>
      tpu.enqueue_dma source(%dma_start3A_1973 : memref<40x64xf32, #tpu.memory_space<vmem>>) target(%dma_start3A_1970 : memref<40x64xf32, #tpu.memory_space<hbm>>) target_semaphore(%arg25 : memref<!tpu.dma_semaphore, #tpu.memory_space<semaphore_mem>>)
      %add3A_1974 = arith.constant 0 : i32
      %add3A_1975 = arith.addi %mul3A_2, %add3A_1974 : i32
      %mul3A_1976 = arith.constant 64 : i32
      %mul3A_1977 = arith.muli %arg0, %mul3A_1976 : i32
      %dma_wait3A_1978 = tpu.memref_slice %arg5[%add3A_1975, %mul3A_1977] : memref<5000x128xf32, #tpu.memory_space<hbm>> -> memref<80x64xf32, #tpu.memory_space<hbm>>
      %dma_wait3A_1979 = tpu.memref_slice %arg5[%add3A_1975, %mul3A_1977] : memref<5000x128xf32, #tpu.memory_space<hbm>> -> memref<80x64xf32, #tpu.memory_space<hbm>>
      tpu.wait_dma2 semaphore(%arg25 : memref<!tpu.dma_semaphore, #tpu.memory_space<semaphore_mem>>) src(%arg11 : memref<80x64xf32, #tpu.memory_space<vmem>>) dst(%dma_wait3A_1979 : memref<80x64xf32, #tpu.memory_space<hbm>>)
      %add3A_1980 = arith.constant 80 : i32
      %add3A_1981 = arith.addi %mul3A_2, %add3A_1980 : i32
      %mul3A_1982 = arith.constant 64 : i32
      %mul3A_1983 = arith.muli %arg0, %mul3A_1982 : i32
      %dma_wait3A_1984 = tpu.memref_slice %arg5[%add3A_1981, %mul3A_1983] : memref<5000x128xf32, #tpu.memory_space<hbm>> -> memref<80x64xf32, #tpu.memory_space<hbm>>
      %dma_wait3A_1985 = tpu.memref_slice %arg5[%add3A_1981, %mul3A_1983] : memref<5000x128xf32, #tpu.memory_space<hbm>> -> memref<80x64xf32, #tpu.memory_space<hbm>>
      tpu.wait_dma2 semaphore(%arg25 : memref<!tpu.dma_semaphore, #tpu.memory_space<semaphore_mem>>) src(%arg12 : memref<80x64xf32, #tpu.memory_space<vmem>>) dst(%dma_wait3A_1985 : memref<80x64xf32, #tpu.memory_space<hbm>>)
      %add3A_1986 = arith.constant 160 : i32
      %add3A_1987 = arith.addi %mul3A_2, %add3A_1986 : i32
      %mul3A_1988 = arith.constant 64 : i32
      %mul3A_1989 = arith.muli %arg0, %mul3A_1988 : i32
      %dma_wait3A_1990 = arith.constant 0 : i32
      %dma_wait3A_1991 = arith.constant 0 : i32
      %dma_wait3A_1992 = tpu.memref_slice %arg13[%dma_wait3A_1990, %dma_wait3A_1991] : memref<80x64xf32, #tpu.memory_space<vmem>> -> memref<40x64xf32, #tpu.memory_space<vmem>>
      %dma_wait3A_1993 = tpu.memref_slice %arg5[%add3A_1987, %mul3A_1989] : memref<5000x128xf32, #tpu.memory_space<hbm>> -> memref<40x64xf32, #tpu.memory_space<hbm>>
      %dma_wait3A_1994 = tpu.memref_slice %arg5[%add3A_1987, %mul3A_1989] : memref<5000x128xf32, #tpu.memory_space<hbm>> -> memref<40x64xf32, #tpu.memory_space<hbm>>
      %dma_wait3A_1995 = arith.constant 0 : i32
      %dma_wait3A_1996 = arith.constant 0 : i32
      %dma_wait3A_1997 = tpu.memref_slice %arg13[%dma_wait3A_1995, %dma_wait3A_1996] : memref<80x64xf32, #tpu.memory_space<vmem>> -> memref<40x64xf32, #tpu.memory_space<vmem>>
      tpu.wait_dma2 semaphore(%arg25 : memref<!tpu.dma_semaphore, #tpu.memory_space<semaphore_mem>>) src(%dma_wait3A_1997 : memref<40x64xf32, #tpu.memory_space<vmem>>) dst(%dma_wait3A_1994 : memref<40x64xf32, #tpu.memory_space<hbm>>)
    } else {
    }
    return
  }
}

</mosaic_0001>

<sc_bundles>
// kernel: _impl.3.cloned.1.call-start
scs
__scs_entry_jumppad:
0x0: {  	(pc) =	sbr.rel $0x88, $3  }
0x1: {  	(tag) =	ssettag $0x0;
	lr =	simm.s32 $0x1  }
0x2: {  	[smem:$0x3F9E] =	sst lr;
	_ =	strace $0xD0000000  }
0x3: {  	_ = 	snop  }
0x4: {  	_ = 	snop  }
0x5: {  	_ = 	snop  }
0x6: {  	_ = 	snop  }
0x7: {  	_ = 	snop  }
__scs_overlays_trampoline_lowered:
0x8: {  	[smem:$0x3FAD] =	sst s0  }
0x9: {  	[smem:$0x3FAE] =	sst s1  }
0xa: {  	[smem:$0x3FAF] =	sst s2  }
0xb: {  	[smem:$0x3FB0] =	sst s3  }
0xc: {  	[smem:$0x3FB1] =	sst s4  }
0xd: {  	[smem:$0x3FB2] =	sst s5  }
0xe: {  	[smem:$0x3FB3] =	sst s6  }
0xf: {  	[smem:$0x3FB4] =	sst s7  }
0x10: {  	[smem:$0x3FB5] =	sst s8  }
0x11: {  	[smem:$0x3FB6] =	sst s9;
	s0 =	simm.s32 @!p0 $0x0  }
0x12: {  	s1 =	sld [smem:$0x3F9C];
	s0 =	simm.s32 @p0 $0x1  }
0x13: {  	[smem:$0x3FB7] =	sst s0;
	s0 =	simm.s32 @!p1 $0x0  }
0x14: {  	s2 =	sld [smem:$0x3F9B];
	s0 =	simm.s32 @p1 $0x1  }
0x15: {  	[smem:$0x3FB8] =	sst s0;
	s0 =	simm.s32 @!p2 $0x0  }
0x16: {  	s3 =	sld [smem:$0x3FDB];
	s0 =	simm.s32 @p2 $0x1  }
0x17: {  	s4 =	simm.s32 $0x1BF5;
	[smem:$0x3FBA] =	sst s0  }
0x18: {  	s0 =	sld [smem:$0x3F9D];
	_ =	swait.ge [sflag:s4], $0x0  }
0x19: {  	s7 =	sld [smem:$0x3F9E]  }
0x1a: {  	s8 =	sadd.s32 $0xFFFFE003, lr  }
0x1b: {  	s9 =	sadd.s32 $0xFFFFFEF7, lr;
	s5 =	simm.s32 $0xFFFFFFFF;
	p2 =	slt.u32 s8, $0xFFFFF086  }
0x1c: {  	p1 =	slt.u32 s9, $0xF7A;
	s5 =	simm.s32 @!p2 $0x0  }
0x1d: {  	s5 =	simm.s32 @p1 $0x1;
	p0 =	seq.s32 s7, s2  }
0x1e: {  	s7 =	smul.u32 @!p0 $0xF7A, s2;
	p2 =	seq.s32 @!p0 s5, $0x0  }
0x1f: {  	s9 =	smul.u32 $0xF7A, s1;
	s8 =	simm.s32 @!p0 $0x1BF5;
	p2 =	por !p2, p0  }
0x20: {  	[sflag:s8] =	ssyncset.s32 @!p0 $0xFFFFF086;
	s6 =	sadd.s32 @!p0 s3, s7;
	s7 =	simm.s32 @!p0 $0x108  }
0x21: {  	s3 =	sadd.s32 s3, s9;
	s6 =	sadd.s32 @!p0 $0x88, s6;
	s7 =	simm.s32 @p2 $0x1082  }
0x22: {  	[simem:s7], [sflag:s8] =	dma.local @!p0 [hbm:s6], $0xF7A  }
0x23: {  	s9 =	sor.u32 $0xD0000000, s2;
	s6 =	simm.s32 $0x108;
	_ =	swait.ge @!p0 [sflag:s8], $0x0  }
0x24: {  	s3 =	sadd.s32 $0x88, s3;
	s6 =	simm.s32 @!p1 $0x1082;
	[sflag:s4] =	ssyncset.s32 $0xFFFFF086  }
0x25: {  	[simem:s6], [sflag:s4] =	dma.local [hbm:s3], $0xF7A  }
0x26: {  	[smem:$0x3F9E] =	sst s1;
	(tag) =	ssettag s2;
	_ =	strace s9  }
0x27: {  	s1 =	sld [smem:$0x3FAE]  }
0x28: {  	s2 =	sld [smem:$0x3FAF]  }
0x29: {  	s4 =	sld [smem:$0x3FB1]  }
0x2a: {  	p0 =	seq.s32 s5, $0x0;
	s5 =	sld [smem:$0x3FB2]  }
0x2b: {  	s6 =	sld [smem:$0x3FB3]  }
0x2c: {  	s7 =	sld [smem:$0x3FB4]  }
0x2d: {  	s3 =	simm.s32 $0x108;
	s8 =	sld [smem:$0x3FB5]  }
0x2e: {  	s3 =	simm.s32 @!p0 $0x1082;
	s9 =	sld [smem:$0x3FB6]  }
0x2f: {  	lr =	sadd.s32 s0, s3;
	s0 =	sld [smem:$0x3FAD]  }
0x30: {  	s3 =	sld [smem:$0x3FB0]  }
0x31: {  	[smem:$0x3FB9] =	sst s10  }
0x32: {  	s10 =	sld [smem:$0x3FB7];
	_ =	sdelay $0x3  }
0x33: {  	p0 =	seq.s32 s10, $0x1;
	s10 =	sld [smem:$0x3FB9];
	_ =	sdelay $0x3  }
0x34: {  	[smem:$0x3FB9] =	sst s10  }
0x35: {  	s10 =	sld [smem:$0x3FB8];
	_ =	sdelay $0x3  }
0x36: {  	p1 =	seq.s32 s10, $0x1;
	s10 =	sld [smem:$0x3FB9];
	_ =	sdelay $0x3  }
0x37: {  	[smem:$0x3FB9] =	sst s10  }
0x38: {  	s10 =	sld [smem:$0x3FBA]  }
0x39: {  	_ = 	snop;
	(pc) =	sbr.ind lr, $3  }
0x3a: {  	_ = 	snop  }
0x3b: {  	_ = 	snop  }
0x3c: {  	p2 =	seq.s32 s10, $0x1;
	s10 =	sld [smem:$0x3FB9]  }
0x3d: {  	_ =	shalt  }
0x3e: {  	_ =	shalt  }
0x3f: {  	_ =	shalt  }
0x40: {  	_ =	shalt  }
0x41: {  	_ =	shalt  }
0x42: {  	_ =	shalt  }
0x43: {  	_ =	shalt  }
0x44: {  	_ =	shalt  }
0x45: {  	_ =	shalt  }
0x46: {  	_ =	shalt  }
0x47: {  	_ =	shalt  }
0x48: {  	_ =	shalt  }
0x49: {  	_ =	shalt  }
0x4a: {  	_ =	shalt  }
0x4b: {  	_ =	shalt  }
0x4c: {  	_ =	shalt  }
0x4d: {  	_ =	shalt  }
0x4e: {  	_ =	shalt  }
0x4f: {  	_ =	shalt  }
0x50: {  	_ =	shalt  }
0x51: {  	_ =	shalt  }
0x52: {  	_ =	shalt  }
0x53: {  	_ =	shalt  }
0x54: {  	_ =	shalt  }
0x55: {  	_ =	shalt  }
0x56: {  	_ =	shalt  }
0x57: {  	_ =	shalt  }
0x58: {  	_ =	shalt  }
0x59: {  	_ =	shalt  }
0x5a: {  	_ =	shalt  }
0x5b: {  	_ =	shalt  }
0x5c: {  	_ =	shalt  }
0x5d: {  	_ =	shalt  }
0x5e: {  	_ =	shalt  }
0x5f: {  	_ =	shalt  }
0x60: {  	_ =	shalt  }
0x61: {  	_ =	shalt  }
0x62: {  	_ =	shalt  }
0x63: {  	_ =	shalt  }
0x64: {  	_ =	shalt  }
0x65: {  	_ =	shalt  }
0x66: {  	_ =	shalt  }
0x67: {  	_ =	shalt  }
0x68: {  	_ =	shalt  }
0x69: {  	_ =	shalt  }
0x6a: {  	_ =	shalt  }
0x6b: {  	_ =	shalt  }
0x6c: {  	_ =	shalt  }
0x6d: {  	_ =	shalt  }
0x6e: {  	_ =	shalt  }
0x6f: {  	_ =	shalt  }
0x70: {  	_ =	shalt  }
0x71: {  	_ =	shalt  }
0x72: {  	_ =	shalt  }
0x73: {  	_ =	shalt  }
0x74: {  	_ =	shalt  }
0x75: {  	_ =	shalt  }
0x76: {  	_ =	shalt  }
0x77: {  	_ =	shalt  }
0x78: {  	_ =	shalt  }
0x79: {  	_ =	shalt  }
0x7a: {  	_ =	shalt  }
0x7b: {  	_ =	shalt  }
0x7c: {  	_ =	shalt  }
0x7d: {  	_ =	shalt  }
0x7e: {  	_ =	shalt  }
0x7f: {  	_ =	shalt  }
0x80: {  	_ =	shalt  }
0x81: {  	_ =	shalt  }
0x82: {  	_ =	shalt  }
0x83: {  	_ =	shalt  }
0x84: {  	_ =	shalt  }
0x85: {  	_ =	shalt  }
0x86: {  	_ =	shalt  }
0x87: {  	_ =	shalt  }
.Lfunc_end0:
.L_simem_size_0:
called_computation_lowered:
.L_overlay_start_0:
0x88: {  	s2 =	sld [smem:$0x3FD9]  }
0x89: {  	s3 =	sld [smem:$0x3FFE];
	_ =	sdelay $0x1  }
0x8a: {  	s1 =	srdreg.scid  }
0x8b: {  	s0 =	sand.u32 $0x1, s1  }
0x8c: {  	s18 =	sshll.u32 s0, $0xA;
	s2 =	sadd.s32 s3, s2  }
0x8d: {  	s2 =	sadd.s32 s2, s18  }
0x8e: {  	[smem:$0x3FC5] =	sst s2  }
0x8f: {  	_ = 	snop  }
0x90: {  	s2 =	sld [smem:$0x3FC9]  }
0x91: {  	s19 =	sld [smem:$0x3FC8]  }
0x92: {  	s4 =	sld [smem:$0x3FC7]  }
0x93: {  	s5 =	sld [smem:$0x3FD0];
	(tm) =	ssettm $0x1  }
0x94: {  	s6 =	sld [smem:$0x3FFB];
	_ =	sdelay $0x3  }
0x95: {  	_ =	strace s6  }
0x96: {  	s6 =	sld [smem:$0x3FFC];
	_ =	sdelay $0x3  }
0x97: {  	_ =	strace s6  }
0x98: {  	s6 =	sld [smem:$0x3FFD];
	_ =	sdelay $0x3  }
0x99: {  	_ =	strace s6  }
0x9a: {  	_ =	strace $0x8FFFFFFF  }
0x9b: {  	s20 =	sld [smem:$0x3FDB];
	_ =	sdelay $0x1  }
0x9c: {  	s7 =	simm.s32 $_scs_section_size  }
0x9d: {  	s8 =	simm.s32 $_size__tile_overlayer_lowered;
	s9 =	simm.s32 $_tile_overlayer_lowered  }
0x9e: {  	s23 =	simm.s32 $0x1BFF;
	s22 =	sshll.u32 s9, $0x1;
	s6 =	sadd.s32 s7, s20  }
0x9f: {  	s10 =	simm.s32 $0x0;
	s21 =	sshll.u32 s8, $0x1;
	s8 =	sadd.s32 s22, s6  }
0xa0: {  	[timem:s10], [sflag:s23] =	dma.local [hbm:s8], s21  }
0xa1: {  	_ =	swait.ge [sflag:s23], s21  }
0xa2: {  	s7 =	ssub.s32 $0x0, s21;
	[sflag:s23] =	ssyncset.done $0x0  }
0xa3: {  	[sflag:s23] =	ssyncadd.s32 s7;
	_ =	sdelay $0x1  }
0xa4: {  	s24 =	simm.s32 $0x1B8B  }
0xa5: {  	_ =	swait.ge [sflag:s24], $0x1  }
0xa6: {  	[sflag:s24] =	ssyncset.done $0x0  }
0xa7: {  	s25 =	simm.s32 $0x1B8E;
	[sflag:s24] =	ssyncadd.s32 $0xFFFFFFFF  }
0xa8: {  	s26 =	simm.s32 $execute0_lowered;
	[smem:$0x3FD2] =	sst s25  }
0xa9: {  	s7 =	sshll.u32 s26, $0x1;
	_ =	strace $0x80000046;
	[dreg:$0x1] =	wrdreg $0xFFFFFFFF  }
0xaa: {  	s28 =	simm.s32 $_size_execute0_lowered;
	s6 =	sadd.s32 s6, s7;
	[dreg:$0x0] =	wrdreg $0x0  }
0xab: {  	s7 =	sshll.u32 s28, $0x1;
	[dreg:$0x2] =	wrdreg s6  }
0xac: {  	[dreg:$0x3] =	wrdreg s7  }
0xad: {  	[dreg:$0x4] =	wrdreg $0xC0  }
0xae: {  	_ =	task [dreg:s10], $0x5FFFF  }
0xaf: {  	[dreg:$0x1] =	wrdreg $0xFFFFFFFF  }
0xb0: {  	[dreg:$0x0] =	wrdreg $0x60  }
0xb1: {  	[dreg:$0x2] =	wrdreg s2  }
0xb2: {  	[dreg:$0x3] =	wrdreg s19  }
0xb3: {  	[dreg:$0x4] =	wrdreg s4  }
0xb4: {  	[dreg:$0x5] =	wrdreg s5  }
0xb5: {  	[dreg:$0x6] =	wrdreg $0x18D800  }
0xb6: {  	[dreg:$0x7] =	wrdreg $0x1DD800  }
0xb7: {  	[dreg:$0x8] =	wrdreg $0x9  }
0xb8: {  	_ =	task.clear_ibuf [dreg:s10], $0x9FFFF;
	_ =	strace $0x90000046  }
0xb9: {  	s29 =	simm.s32 $0x9;
	_ =	strace $0x80000048  }
0xba: {  	_ =	swait.ge [sflag:s29], $0x1  }
0xbb: {  	[sflag:s29] =	ssyncadd.s32 $0xFFFFFFFF  }
0xbc: {  	_ =	strace $0x90000048  }
0xbd: {  	_ =	sfence  }
0xbe: {  	s30 =	sld [smem:$0x0];
	_ =	sdelay $0x2  }
0xbf: {  	s31 =	sshll.u32 s1, $0xD;
	s1 =	sshrl.u32 s1, $0x2  }
0xc0: {  	s3 =	sand.u32 $0x4000, s31;
	s1 =	sadd.s32 s1, s30  }
0xc1: {  	s0 =	sor.u32 s3, s0;
	s1 =	sshll.u32 s1, $0x11  }
0xc2: {  	s0 =	sor.u32 s1, s0  }
0xc3: {  	s0 =	sadd.s32 $0x8F2B, s0  }
0xc4: {  	[sflag:s0] =	ssyncadd.remote.s32 $0x1  }
0xc5: {  	_ =	sfence.sel $0xFFFF  }
0xc6: {  	[dreg:$0x0] =	wrdreg $0xFFFFFFFF;
	(pc) =	sbr.abs _section_cstart, $3  }
0xc7: {  	[dreg:$0x1] =	wrdreg $0xFFFFFFFF  }
0xc8: {  	_ =	task.clear_ibuf [dreg:s10], $0x2FFFF;
	_ =	strace $0x9FFFFFFF  }
0xc9: {  	(tm) =	ssettm $0x7FFFFFFF  }
tec
execute0_lowered:
.L_overlay_start_1:
0x0: {  	(tag) =	ssettag $0x1  }
0x1: {  	s0 =	rddreg [dreg:$0x0]  }
0x2: {  	s1 =	rddreg [dreg:$0x1]  }
0x3: {  	s5 =	rddreg [dreg:$0x2]  }
0x4: {  	s6 =	rddreg [dreg:$0x3]  }
0x5: {  	s3 =	rddreg [dreg:$0x4]  }
0x6: {  	s11 =	rddreg [dreg:$0x5];
	s18 =	stileid.u32  }
0x7: {  	s2 =	srdreg.scid;
	s12 =	smul.u32 $0x140, s18  }
0x8: {  	s4 =	simm.s32 $0x0;
	s28 =	simm.s32 $0xD980;
	s8 =	smul.u32 $0x9C4, s18  }
0x9: {  	s30 =	simm.s32 $0xED80;
	s29 =	simm.s32 $0x9C40;
	s10 =	smul.u32 $0x14000, s18  }
0xa: {  	s31 =	simm.s32 $0x12980;
	s2 =	sand.u32 $0x1, s2;
	s24 =	smul.u32 $0x5000, s18  }
0xb: {  	[smem:$0x7FF] =	sst s4;
	s16 =	smul.u32 $0xA000, s18;
	p0 =	seq.s32 s18, $0xF  }
0xc: {  	s7 =	ssub.s32 $0x2, s2;
	_ =	strace $0x80000047;
	s17 =	sshll.u32 s2, $0x6  }
0xd: {  	s9 =	sshrl.u32 s7, $0x1;
	s1 =	sadd.s32 s1, s8;
	s21 =	sshrl.u32 s10, $0x2  }
0xe: {  	s14 =	sadd.s32 $0x50, s12;
	s5 =	sadd.s32 s5, s8;
	s23 =	sadd.s32 $0xA0, s12  }
0xf: {  	s15 =	sadd.s32 $0xF0, s12;
	s16 =	sor.u32 s17, s16;
	[dreg:$0x7] =	wrdreg s1  }
0x10: {  	s13 =	ssub.s32 s7, s9;
	[dreg:$0x8] =	wrdreg s5;
	s7 =	sadd.s32 s21, s3  }
0x11: {  	s22 =	sshll.u32 s14, $0x6;
	s25 =	sshll.u32 s23, $0x6;
	s26 =	sshll.u32 s15, $0x6  }
0x12: {  	s5 =	sshrl.u32 s24, $0x2;
	s16 =	sshrl.u32 s16, $0x3;
	s14 =	sshll.u32 s14, $0x7  }
0x13: {  	s1 =	sshll.u32 s23, $0x7;
	s20 =	sshll.u32 s15, $0x7;
	s15 =	simm.s32 $0x0  }
0x14: {  	s8 =	sadd.s32 s22, s3;
	s9 =	sadd.s32 s25, s3;
	s10 =	sadd.s32 s26, s3  }
0x15: {  	s5 =	sadd.s32 s5, s11;
	s11 =	sadd.s32 s12, s11;
	s19 =	sor.u32 s17, s14  }
0x16: {  	s1 =	sor.u32 s17, s1;
	s21 =	sor.u32 s17, s20;
	s22 =	sshll.u32 s2, $0x3  }
0x17: {  	s20 =	smax.u32 s13, $0x1;
	s12 =	simm.s32 $0x17980;
	s13 =	simm.s32 $0x3  }
0x18: {  	v0 =	vmov s2;
	s14 =	simm.s32 $0x4;
	s2 =	simm.s32 $0xC440;
	[dreg:$0x9] =	wrdreg s5  }
0x19: {  	[dreg:$0xa] =	wrdreg s11;
	s5 =	sadd.s32 s6, s16;
	s1 =	sshrl.u32 s1, $0x3  }
0x1a: {  	s24 =	sadd.s32 s22, s6;
	s22 =	simm.s32 $0x1;
	s11 =	simm.s32 $0x16580  }
0x1b: {  	[dreg:$0xb] =	wrdreg s5;
	s5 =	sshrl.u32 s19, $0x3;
	s1 =	sadd.s32 s6, s1  }
0x1c: {  	s25 =	sadd.s32 $0x12C00, s24;
	s26 =	sadd.s32 $0x13100, s24;
	[dreg:$0xd] =	wrdreg s1  }
0x1d: {  	s19 =	simm.s32 $0x140;
	s5 =	sadd.s32 s6, s5;
	[dreg:$0xf] =	wrdreg s25  }
0x1e: {  	[dreg:$0x10] =	wrdreg s26;
	s1 =	sadd.s32 $0x13600, s24;
	s24 =	simm.s32 $0xC580  }
0x1f: {  	s25 =	simm.s32 $0x5;
	s26 =	simm.s32 $0x50;
	[dreg:$0xc] =	wrdreg s5  }
0x20: {  	s5 =	sshrl.u32 s21, $0x3;
	[dreg:$0x11] =	wrdreg s1;
	s1 =	simm.s32 $0x10180  }
0x21: {  	s21 =	simm.s32 $0x11580;
	s23 =	sadd.s32 s6, s5;
	s5 =	simm.s32 $0x13D80  }
0x22: {  	v1 =	vimm.f32 $0.0e+00;
	v2 =	vimm.f32 $1.000000000e+00;
	s6 =	simm.s32 $0x15180;
	[dreg:$0xe] =	wrdreg s23;
	s23 =	simm.s32 $0x2  }
.LBB2_1:
0x23: {  	s16 =	rddreg [dreg:$0x7]  }
0x24: {  	[tilespmem:s4], [sflag:$0x1] =	stream.linear.gather [hbm4b:s16+s4], $0x4E20, $0x38;
	[tilespmem:$0x1F180] =	vst v63  }
0x25: {  	s18 =	rddreg [dreg:$0x8];
	s17 =	simm.s32 $0x4E20;
	s16 =	simm.s32 $0x0  }
0x26: {  	[tilespmem:s17], [sflag:$0x2] =	stream.linear.gather [hbm4b:s18+s4], $0x4E20, $0x38;
	[tilespmem:$0x1F180] =	vst v63  }
.LBB2_2:
0x27: {  	p1 =	sne.s32 s16, $0x4FC0  }
.Ltmp0:
0x28: {  	_ = 	snop;
	(pc) =	sbr.rel @p1 .LBB2_2-.Ltmp0, $3  }
0x29: {  	_ =	sdelay $0x1  }
0x2a: {  	s17 =	sshra.s32 s16, $0x2  }
0x2b: {  	s16 =	sadd.s32 $0x40, s16;
	[tilespmem:s17+$0x9C40] =	vst v1  }
0x2c: {  	s17 =	simm.s32 $0x100;
	s16 =	simm.s32 $0x0  }
.LBB2_4:
0x2d: {  	p1 =	sne.s32 s17, $0x4F00;
	[tilespmem:s16+$0xC5B0] =	vst v1;
	s18 =	smov.u32 s17;
	s17 =	sadd.s32 $0x100, s17  }
.Ltmp1:
0x2e: {  	[tilespmem:s16+$0xC5A0] =	vst v1;
	(pc) =	sbr.rel @p1 .LBB2_4-.Ltmp1, $3  }
0x2f: {  	[tilespmem:s16+$0xC580] =	vst v1  }
0x30: {  	[tilespmem:s16+$0xC590] =	vst v1;
	_ =	sdelay $0x1  }
0x31: {  	s16 =	sshra.s32 s18, $0x2  }
0x32: {  	[tilespmem:s16+$0xC5B0] =	vst v1  }
0x33: {  	[tilespmem:s16+$0xC5A0] =	vst v1  }
0x34: {  	[tilespmem:s16+$0xC580] =	vst v1  }
0x35: {  	[tilespmem:s16+$0xC590] =	vst v1  }
0x36: {  	_ =	swait.ge [sflag:s22], $0x4E20  }
0x37: {  	[sflag:s22] =	ssyncset.done $0x0  }
0x38: {  	[sflag:s22] =	ssyncadd.s32 $0xFFFFB1E0  }
0x39: {  	_ =	swait.ge [sflag:s23], $0x4E20  }
0x3a: {  	[sflag:s23] =	ssyncset.done $0x0  }
0x3b: {  	s16 =	simm.s32 $0x0;
	s17 =	simm.s32 $0x40;
	[sflag:s23] =	ssyncadd.s32 $0xFFFFB1E0  }
.LBB2_6:
0x3c: {  	p1 =	sne.s32 s17, $0x600;
	v3 =	vld [tilespmem:s16+$0x0];
	_ =	sdelay $0x2  }
.Ltmp2:
0x3d: {  	(pc) =	sbr.rel @p1 .LBB2_6-.Ltmp2, $4  }
0x3e: {  	_ = 	snop  }
0x3f: {  	v3 =	vshll.u32 v3, $0x1  }
0x40: {  	v3 =	vor.u32 v0, v3  }
0x41: {  	[tilespmem:s16+$0x0] =	vst v3;
	s16 =	sshra.s32 s17, $0x2;
	s17 =	sadd.s32 $0x40, s17  }
0x42: {  	v3 =	vld [tilespmem:s16+$0x0];
	_ =	sdelay $0x4  }
0x43: {  	v3 =	vshll.u32 v3, $0x1  }
0x44: {  	v3 =	vor.u32 v0, v3  }
0x45: {  	[tilespmem:s16+$0x0] =	vst v3  }
0x46: {  	[spmem:s7] =	stream.linear.scatter [tilespmem:s24], [sflag:$0x5], $0x1400, $0x38;
	[tilespmem:$0x1F180] =	vst v63  }
0x47: {  	_ =	swait.ge [sflag:s25], $0x1400  }
0x48: {  	[sflag:s25] =	ssyncset.done $0x0  }
0x49: {  	[sflag:s25] =	ssyncadd.s32 $0xFFFFEC00  }
0x4a: {  	[spmem:s8] =	stream.linear.scatter [tilespmem:s24], [sflag:$0x5], $0x1400, $0x38;
	[tilespmem:$0x1F180] =	vst v63  }
0x4b: {  	_ =	swait.ge [sflag:s25], $0x1400  }
0x4c: {  	[sflag:s25] =	ssyncset.done $0x0  }
0x4d: {  	[sflag:s25] =	ssyncadd.s32 $0xFFFFEC00  }
0x4e: {  	[spmem:s9] =	stream.linear.scatter [tilespmem:s24], [sflag:$0x5], $0x1400, $0x38;
	[tilespmem:$0x1F180] =	vst v63  }
0x4f: {  	_ =	swait.ge [sflag:s25], $0x1400  }
0x50: {  	[sflag:s25] =	ssyncset.done $0x0  }
0x51: {  	[sflag:s25] =	ssyncadd.s32 $0xFFFFEC00  }
0x52: {  	[spmem:s10] =	stream.linear.scatter [tilespmem:s24], [sflag:$0x5], $0x1400, $0x38;
	[tilespmem:$0x1F180] =	vst v63  }
0x53: {  	_ =	swait.ge [sflag:s25], $0x1400  }
0x54: {  	[sflag:s25] =	ssyncset.done $0x0  }
0x55: {  	[sflag:s25] =	ssyncadd.s32 $0xFFFFEC00  }
0x56: {  	[tilespmem:s24], [sflag:$0x1] =	stream.indirect.gather [hbm4b:s0+s26], $0x40, s4, s26, $0xb8;
	[tilespmem:$0x1F180] =	vst v63  }
0x57: {  	_ = 	snop  }
0x58: {  	[tilespmem:s28], [sflag:$0x1] =	stream.indirect.gather [hbm4b:s0+s26], $0x40, s26, s26, $0xb8;
	[tilespmem:$0x1F180] =	vst v63  }
0x59: {  	s17 =	simm.s32 $0xA0  }
0x5a: {  	[tilespmem:s30], [sflag:$0x1] =	stream.indirect.gather [hbm4b:s0+s26], $0x40, s17, s26, $0xb8;
	[tilespmem:$0x1F180] =	vst v63  }
0x5b: {  	s18 =	simm.s32 $0xF0  }
0x5c: {  	[tilespmem:s1], [sflag:$0x1] =	stream.indirect.gather [hbm4b:s0+s26], $0x40, s18, s26, $0xb8;
	[tilespmem:$0x1F180] =	vst v63  }
0x5d: {  	s16 =	simm.s32 $0x190;
	s17 =	simm.s32 $0x680  }
0x5e: {  	[tilespmem:s21], [sflag:$0x1] =	stream.indirect.gather [hbm4b:s0+s26], $0x40, s19, s26, $0xb8;
	[tilespmem:$0x1F180] =	vst v63  }
.LBB2_8:
0x5f: {  	p1 =	sne.s32 s17, $0x13840;
	v3 =	vld [tilespmem:s16+$0x0];
	_ =	sdelay $0x2  }
.Ltmp3:
0x60: {  	(pc) =	sbr.rel @p1 .LBB2_8-.Ltmp3, $4  }
0x61: {  	_ = 	snop  }
0x62: {  	v3 =	vshll.u32 v3, $0x1  }
0x63: {  	v3 =	vor.u32 v0, v3  }
0x64: {  	[tilespmem:s16+$0x0] =	vst v3;
	s16 =	sshra.s32 s17, $0x2;
	s17 =	sadd.s32 $0x40, s17  }
0x65: {  	v3 =	vld [tilespmem:s16+$0x0];
	_ =	sdelay $0x4  }
0x66: {  	v3 =	vshll.u32 v3, $0x1  }
0x67: {  	v3 =	vor.u32 v0, v3  }
0x68: {  	[tilespmem:s16+$0x0] =	vst v3  }
0x69: {  	s16 =	simm.s32 $0x0;
	[bflag:$0x0] =	sbarrier.arrive $0xFFFF  }
.LBB2_10:
0x6a: {  	_ =	swait.ge [sflag:s22], $0x1400  }
0x6b: {  	[sflag:s22] =	ssyncset.done $0x0  }
0x6c: {  	[sflag:s22] =	ssyncadd.s32 $0xFFFFEC00  }
0x6d: {  	_ =	swait.ge [sflag:s22], $0x1400  }
0x6e: {  	[sflag:s22] =	ssyncset.done $0x0  }
0x6f: {  	[sflag:s22] =	ssyncadd.s32 $0xFFFFEC00  }
0x70: {  	_ =	swait.ge [sflag:s22], $0x1400  }
0x71: {  	[sflag:s22] =	ssyncset.done $0x0  }
0x72: {  	[sflag:s22] =	ssyncadd.s32 $0xFFFFEC00  }
0x73: {  	_ =	swait.ge [sflag:s22], $0x1400  }
0x74: {  	[sflag:s22] =	ssyncset.done $0x0  }
0x75: {  	[sflag:s22] =	ssyncadd.s32 $0xFFFFEC00  }
0x76: {  	_ =	swait.ge [sflag:s22], $0x1400  }
0x77: {  	s17 =	sshra.s32 s16, $0x2;
	[sflag:s22] =	ssyncset.done $0x0  }
0x78: {  	s18 =	sadd.s32 $0x4E20, s17;
	[sflag:s22] =	ssyncadd.s32 $0xFFFFEC00  }
0x79: {  	[spmem:s3] =	stream.indirect.scatter.add.f32 [tilespmem:s24], [sflag:$0x3], $0x40, s18, s26, $0xb8;
	[tilespmem:$0x1F180] =	vst v63  }
0x7a: {  	v3 =	vld [tilespmem:s17+$0x4E20];
	_ =	sdelay $0x7  }
0x7b: {  	[tilespmem:v3+s29+$0x0] =	vst.idx.add.f32.msk $0xffff, v2  }
0x7c: {  	v3 =	vld [tilespmem:s17+$0x4E30];
	_ =	sdelay $0x7  }
0x7d: {  	[tilespmem:v3+s29+$0x0] =	vst.idx.add.f32.msk $0xffff, v2  }
0x7e: {  	v3 =	vld [tilespmem:s17+$0x4E40];
	_ =	sdelay $0x7  }
0x7f: {  	[tilespmem:v3+s29+$0x0] =	vst.idx.add.f32.msk $0xffff, v2  }
0x80: {  	v3 =	vld [tilespmem:s17+$0x4E50];
	_ =	sdelay $0x7  }
0x81: {  	[tilespmem:v3+s29+$0x0] =	vst.idx.add.f32.msk $0xffff, v2  }
0x82: {  	v3 =	vld [tilespmem:s17+$0x4E60];
	_ =	sdelay $0x7  }
0x83: {  	s18 =	sadd.s32 $0x4E70, s17;
	[tilespmem:v3+s29+$0x0] =	vst.idx.add.f32.msk $0xffff, v2  }
0x84: {  	[spmem:s3] =	stream.indirect.scatter.add.f32 [tilespmem:s28], [sflag:$0x3], $0x40, s18, s26, $0xb8;
	[tilespmem:$0x1F180] =	vst v63  }
0x85: {  	v3 =	vld [tilespmem:s17+$0x4E70];
	_ =	sdelay $0x7  }
0x86: {  	[tilespmem:v3+s29+$0x0] =	vst.idx.add.f32.msk $0xffff, v2  }
0x87: {  	v3 =	vld [tilespmem:s17+$0x4E80];
	_ =	sdelay $0x7  }
0x88: {  	[tilespmem:v3+s29+$0x0] =	vst.idx.add.f32.msk $0xffff, v2  }
0x89: {  	v3 =	vld [tilespmem:s17+$0x4E90];
	_ =	sdelay $0x7  }
0x8a: {  	[tilespmem:v3+s29+$0x0] =	vst.idx.add.f32.msk $0xffff, v2  }
0x8b: {  	v3 =	vld [tilespmem:s17+$0x4EA0];
	_ =	sdelay $0x7  }
0x8c: {  	[tilespmem:v3+s29+$0x0] =	vst.idx.add.f32.msk $0xffff, v2  }
0x8d: {  	v3 =	vld [tilespmem:s17+$0x4EB0];
	_ =	sdelay $0x7  }
0x8e: {  	s18 =	sadd.s32 $0x4EC0, s17;
	[tilespmem:v3+s29+$0x0] =	vst.idx.add.f32.msk $0xffff, v2  }
0x8f: {  	[spmem:s3] =	stream.indirect.scatter.add.f32 [tilespmem:s30], [sflag:$0x3], $0x40, s18, s26, $0xb8;
	[tilespmem:$0x1F180] =	vst v63  }
0x90: {  	v3 =	vld [tilespmem:s17+$0x4EC0];
	_ =	sdelay $0x7  }
0x91: {  	[tilespmem:v3+s29+$0x0] =	vst.idx.add.f32.msk $0xffff, v2  }
0x92: {  	v3 =	vld [tilespmem:s17+$0x4ED0];
	_ =	sdelay $0x7  }
0x93: {  	[tilespmem:v3+s29+$0x0] =	vst.idx.add.f32.msk $0xffff, v2  }
0x94: {  	v3 =	vld [tilespmem:s17+$0x4EE0];
	_ =	sdelay $0x7  }
0x95: {  	[tilespmem:v3+s29+$0x0] =	vst.idx.add.f32.msk $0xffff, v2  }
0x96: {  	v3 =	vld [tilespmem:s17+$0x4EF0];
	_ =	sdelay $0x7  }
0x97: {  	[tilespmem:v3+s29+$0x0] =	vst.idx.add.f32.msk $0xffff, v2  }
0x98: {  	v3 =	vld [tilespmem:s17+$0x4F00];
	_ =	sdelay $0x7  }
0x99: {  	s18 =	sadd.s32 $0x4F10, s17;
	[tilespmem:v3+s29+$0x0] =	vst.idx.add.f32.msk $0xffff, v2  }
0x9a: {  	[spmem:s3] =	stream.indirect.scatter.add.f32 [tilespmem:s1], [sflag:$0x3], $0x40, s18, s26, $0xb8;
	[tilespmem:$0x1F180] =	vst v63  }
0x9b: {  	v3 =	vld [tilespmem:s17+$0x4F10];
	_ =	sdelay $0x7  }
0x9c: {  	[tilespmem:v3+s29+$0x0] =	vst.idx.add.f32.msk $0xffff, v2  }
0x9d: {  	v3 =	vld [tilespmem:s17+$0x4F20];
	_ =	sdelay $0x7  }
0x9e: {  	[tilespmem:v3+s29+$0x0] =	vst.idx.add.f32.msk $0xffff, v2  }
0x9f: {  	v3 =	vld [tilespmem:s17+$0x4F30];
	_ =	sdelay $0x7  }
0xa0: {  	[tilespmem:v3+s29+$0x0] =	vst.idx.add.f32.msk $0xffff, v2  }
0xa1: {  	v3 =	vld [tilespmem:s17+$0x4F40];
	_ =	sdelay $0x7  }
0xa2: {  	[tilespmem:v3+s29+$0x0] =	vst.idx.add.f32.msk $0xffff, v2  }
0xa3: {  	v3 =	vld [tilespmem:s17+$0x4F50];
	_ =	sdelay $0x7  }
0xa4: {  	s18 =	sadd.s32 $0x4F60, s17;
	[tilespmem:v3+s29+$0x0] =	vst.idx.add.f32.msk $0xffff, v2  }
0xa5: {  	[spmem:s3] =	stream.indirect.scatter.add.f32 [tilespmem:s21], [sflag:$0x3], $0x40, s18, s26, $0xb8;
	[tilespmem:$0x1F180] =	vst v63  }
0xa6: {  	v3 =	vld [tilespmem:s17+$0x4F60];
	_ =	sdelay $0x7  }
0xa7: {  	[tilespmem:v3+s29+$0x0] =	vst.idx.add.f32.msk $0xffff, v2  }
0xa8: {  	v3 =	vld [tilespmem:s17+$0x4F70];
	_ =	sdelay $0x7  }
0xa9: {  	[tilespmem:v3+s29+$0x0] =	vst.idx.add.f32.msk $0xffff, v2  }
0xaa: {  	v3 =	vld [tilespmem:s17+$0x4F80];
	_ =	sdelay $0x7  }
0xab: {  	[tilespmem:v3+s29+$0x0] =	vst.idx.add.f32.msk $0xffff, v2  }
0xac: {  	v3 =	vld [tilespmem:s17+$0x4F90];
	_ =	sdelay $0x7  }
0xad: {  	[tilespmem:v3+s29+$0x0] =	vst.idx.add.f32.msk $0xffff, v2  }
0xae: {  	v3 =	vld [tilespmem:s17+$0x4FA0];
	_ =	sdelay $0x6  }
0xaf: {  	p1 =	seq.s32 s16, $0x0  }
0xb0: {  	s18 =	simm.s32 @!p1 $0x4;
	[tilespmem:v3+s29+$0x0] =	vst.idx.add.f32.msk $0xffff, v2  }
0xb1: {  	_ =	swait.ge @!p1 [sflag:s18], $0x1400  }
0xb2: {  	[sflag:s18] =	ssyncset.done @!p1 $0x0  }
0xb3: {  	[sflag:s18] =	ssyncadd.s32 @!p1 $0xFFFFEC00  }
0xb4: {  	_ =	swait.ge @!p1 [sflag:s18], $0x1400  }
0xb5: {  	[sflag:s18] =	ssyncset.done @!p1 $0x0  }
0xb6: {  	[sflag:s18] =	ssyncadd.s32 @!p1 $0xFFFFEC00  }
0xb7: {  	_ =	swait.ge @!p1 [sflag:s18], $0x1400  }
0xb8: {  	[sflag:s18] =	ssyncset.done @!p1 $0x0  }
0xb9: {  	[sflag:s18] =	ssyncadd.s32 @!p1 $0xFFFFEC00  }
0xba: {  	_ =	swait.ge @!p1 [sflag:s18], $0x1400  }
0xbb: {  	[sflag:s18] =	ssyncset.done @!p1 $0x0  }
0xbc: {  	[sflag:s18] =	ssyncadd.s32 @!p1 $0xFFFFEC00  }
0xbd: {  	_ =	swait.ge @!p1 [sflag:s18], $0x1400  }
0xbe: {  	[sflag:s18] =	ssyncset.done @!p1 $0x0  }
0xbf: {  	[sflag:s18] =	ssyncadd.s32 @!p1 $0xFFFFEC00;
	s18 =	sadd.s32 $0x190, s17  }
0xc0: {  	[tilespmem:s31], [sflag:$0x2] =	stream.indirect.gather [hbm4b:s0+s26], $0x40, s18, s26, $0xb8;
	[tilespmem:$0x1F180] =	vst v63  }
0xc1: {  	s18 =	sadd.s32 $0x1E0, s17  }
0xc2: {  	[tilespmem:s5], [sflag:$0x2] =	stream.indirect.gather [hbm4b:s0+s26], $0x40, s18, s26, $0xb8;
	[tilespmem:$0x1F180] =	vst v63  }
0xc3: {  	s18 =	sadd.s32 $0x230, s17  }
0xc4: {  	[tilespmem:s6], [sflag:$0x2] =	stream.indirect.gather [hbm4b:s0+s26], $0x40, s18, s26, $0xb8;
	[tilespmem:$0x1F180] =	vst v63  }
0xc5: {  	s18 =	sadd.s32 $0x280, s17  }
0xc6: {  	[tilespmem:s11], [sflag:$0x2] =	stream.indirect.gather [hbm4b:s0+s26], $0x40, s18, s26, $0xb8;
	[tilespmem:$0x1F180] =	vst v63  }
0xc7: {  	s18 =	sadd.s32 $0x2D0, s17  }
0xc8: {  	[tilespmem:s12], [sflag:$0x2] =	stream.indirect.gather [hbm4b:s0+s26], $0x40, s18, s26, $0xb8;
	[tilespmem:$0x1F180] =	vst v63  }
0xc9: {  	_ =	swait.ge [sflag:s23], $0x1400  }
0xca: {  	[sflag:s23] =	ssyncset.done $0x0  }
0xcb: {  	[sflag:s23] =	ssyncadd.s32 $0xFFFFEC00  }
0xcc: {  	_ =	swait.ge [sflag:s23], $0x1400  }
0xcd: {  	[sflag:s23] =	ssyncset.done $0x0  }
0xce: {  	[sflag:s23] =	ssyncadd.s32 $0xFFFFEC00  }
0xcf: {  	_ =	swait.ge [sflag:s23], $0x1400  }
0xd0: {  	[sflag:s23] =	ssyncset.done $0x0  }
0xd1: {  	[sflag:s23] =	ssyncadd.s32 $0xFFFFEC00  }
0xd2: {  	_ =	swait.ge [sflag:s23], $0x1400  }
0xd3: {  	[sflag:s23] =	ssyncset.done $0x0  }
0xd4: {  	[sflag:s23] =	ssyncadd.s32 $0xFFFFEC00  }
0xd5: {  	_ =	swait.ge [sflag:s23], $0x1400  }
0xd6: {  	[sflag:s23] =	ssyncset.done $0x0  }
0xd7: {  	s18 =	sadd.s32 $0x4FB0, s17;
	[sflag:s23] =	ssyncadd.s32 $0xFFFFEC00  }
0xd8: {  	[spmem:s3] =	stream.indirect.scatter.add.f32 [tilespmem:s31], [sflag:$0x4], $0x40, s18, s26, $0xb8;
	[tilespmem:$0x1F180] =	vst v63  }
0xd9: {  	v3 =	vld [tilespmem:s17+$0x4FB0];
	_ =	sdelay $0x7  }
0xda: {  	[tilespmem:v3+s29+$0x0] =	vst.idx.add.f32.msk $0xffff, v2  }
0xdb: {  	v3 =	vld [tilespmem:s17+$0x4FC0];
	_ =	sdelay $0x7  }
0xdc: {  	[tilespmem:v3+s29+$0x0] =	vst.idx.add.f32.msk $0xffff, v2  }
0xdd: {  	v3 =	vld [tilespmem:s17+$0x4FD0];
	_ =	sdelay $0x7  }
0xde: {  	[tilespmem:v3+s29+$0x0] =	vst.idx.add.f32.msk $0xffff, v2  }
0xdf: {  	v3 =	vld [tilespmem:s17+$0x4FE0];
	_ =	sdelay $0x7  }
0xe0: {  	[tilespmem:v3+s29+$0x0] =	vst.idx.add.f32.msk $0xffff, v2  }
0xe1: {  	v3 =	vld [tilespmem:s17+$0x4FF0];
	_ =	sdelay $0x7  }
0xe2: {  	s18 =	sadd.s32 $0x5000, s17;
	[tilespmem:v3+s29+$0x0] =	vst.idx.add.f32.msk $0xffff, v2  }
0xe3: {  	[spmem:s3] =	stream.indirect.scatter.add.f32 [tilespmem:s5], [sflag:$0x4], $0x40, s18, s26, $0xb8;
	[tilespmem:$0x1F180] =	vst v63  }
0xe4: {  	v3 =	vld [tilespmem:s17+$0x5000];
	_ =	sdelay $0x7  }
0xe5: {  	[tilespmem:v3+s29+$0x0] =	vst.idx.add.f32.msk $0xffff, v2  }
0xe6: {  	v3 =	vld [tilespmem:s17+$0x5010];
	_ =	sdelay $0x7  }
0xe7: {  	[tilespmem:v3+s29+$0x0] =	vst.idx.add.f32.msk $0xffff, v2  }
0xe8: {  	v3 =	vld [tilespmem:s17+$0x5020];
	_ =	sdelay $0x7  }
0xe9: {  	[tilespmem:v3+s29+$0x0] =	vst.idx.add.f32.msk $0xffff, v2  }
0xea: {  	v3 =	vld [tilespmem:s17+$0x5030];
	_ =	sdelay $0x7  }
0xeb: {  	[tilespmem:v3+s29+$0x0] =	vst.idx.add.f32.msk $0xffff, v2  }
0xec: {  	v3 =	vld [tilespmem:s17+$0x5040];
	_ =	sdelay $0x7  }
0xed: {  	s18 =	sadd.s32 $0x5050, s17;
	[tilespmem:v3+s29+$0x0] =	vst.idx.add.f32.msk $0xffff, v2  }
0xee: {  	[spmem:s3] =	stream.indirect.scatter.add.f32 [tilespmem:s6], [sflag:$0x4], $0x40, s18, s26, $0xb8;
	[tilespmem:$0x1F180] =	vst v63  }
0xef: {  	v3 =	vld [tilespmem:s17+$0x5050];
	_ =	sdelay $0x7  }
0xf0: {  	[tilespmem:v3+s29+$0x0] =	vst.idx.add.f32.msk $0xffff, v2  }
0xf1: {  	v3 =	vld [tilespmem:s17+$0x5060];
	_ =	sdelay $0x7  }
0xf2: {  	[tilespmem:v3+s29+$0x0] =	vst.idx.add.f32.msk $0xffff, v2  }
0xf3: {  	v3 =	vld [tilespmem:s17+$0x5070];
	_ =	sdelay $0x7  }
0xf4: {  	[tilespmem:v3+s29+$0x0] =	vst.idx.add.f32.msk $0xffff, v2  }
0xf5: {  	v3 =	vld [tilespmem:s17+$0x5080];
	_ =	sdelay $0x7  }
0xf6: {  	[tilespmem:v3+s29+$0x0] =	vst.idx.add.f32.msk $0xffff, v2  }
0xf7: {  	v3 =	vld [tilespmem:s17+$0x5090];
	_ =	sdelay $0x7  }
0xf8: {  	s18 =	sadd.s32 $0x50A0, s17;
	[tilespmem:v3+s29+$0x0] =	vst.idx.add.f32.msk $0xffff, v2  }
0xf9: {  	[spmem:s3] =	stream.indirect.scatter.add.f32 [tilespmem:s11], [sflag:$0x4], $0x40, s18, s26, $0xb8;
	[tilespmem:$0x1F180] =	vst v63  }
0xfa: {  	v3 =	vld [tilespmem:s17+$0x50A0];
	_ =	sdelay $0x7  }
0xfb: {  	[tilespmem:v3+s29+$0x0] =	vst.idx.add.f32.msk $0xffff, v2  }
0xfc: {  	v3 =	vld [tilespmem:s17+$0x50B0];
	_ =	sdelay $0x7  }
0xfd: {  	[tilespmem:v3+s29+$0x0] =	vst.idx.add.f32.msk $0xffff, v2  }
0xfe: {  	v3 =	vld [tilespmem:s17+$0x50C0];
	_ =	sdelay $0x7  }
0xff: {  	[tilespmem:v3+s29+$0x0] =	vst.idx.add.f32.msk $0xffff, v2  }
0x100: {  	v3 =	vld [tilespmem:s17+$0x50D0];
	_ =	sdelay $0x7  }
0x101: {  	[tilespmem:v3+s29+$0x0] =	vst.idx.add.f32.msk $0xffff, v2  }
0x102: {  	v3 =	vld [tilespmem:s17+$0x50E0];
	_ =	sdelay $0x7  }
0x103: {  	s18 =	sadd.s32 $0x50F0, s17;
	[tilespmem:v3+s29+$0x0] =	vst.idx.add.f32.msk $0xffff, v2  }
0x104: {  	[spmem:s3] =	stream.indirect.scatter.add.f32 [tilespmem:s12], [sflag:$0x4], $0x40, s18, s26, $0xb8;
	[tilespmem:$0x1F180] =	vst v63  }
0x105: {  	v3 =	vld [tilespmem:s17+$0x50F0];
	_ =	sdelay $0x7  }
0x106: {  	[tilespmem:v3+s29+$0x0] =	vst.idx.add.f32.msk $0xffff, v2  }
0x107: {  	v3 =	vld [tilespmem:s17+$0x5100];
	_ =	sdelay $0x7  }
0x108: {  	[tilespmem:v3+s29+$0x0] =	vst.idx.add.f32.msk $0xffff, v2  }
0x109: {  	v3 =	vld [tilespmem:s17+$0x5110];
	_ =	sdelay $0x7  }
0x10a: {  	[tilespmem:v3+s29+$0x0] =	vst.idx.add.f32.msk $0xffff, v2  }
0x10b: {  	v3 =	vld [tilespmem:s17+$0x5120];
	_ =	sdelay $0x7  }
0x10c: {  	[tilespmem:v3+s29+$0x0] =	vst.idx.add.f32.msk $0xffff, v2  }
0x10d: {  	v3 =	vld [tilespmem:s17+$0x5130];
	_ =	sdelay $0x7  }
0x10e: {  	[tilespmem:v3+s29+$0x0] =	vst.idx.add.f32.msk $0xffff, v2  }
0x10f: {  	_ =	swait.ge [sflag:s13], $0x1400  }
0x110: {  	[sflag:s13] =	ssyncset.done $0x0  }
0x111: {  	[sflag:s13] =	ssyncadd.s32 $0xFFFFEC00  }
0x112: {  	_ =	swait.ge [sflag:s13], $0x1400  }
0x113: {  	[sflag:s13] =	ssyncset.done $0x0  }
0x114: {  	[sflag:s13] =	ssyncadd.s32 $0xFFFFEC00  }
0x115: {  	_ =	swait.ge [sflag:s13], $0x1400  }
0x116: {  	[sflag:s13] =	ssyncset.done $0x0  }
0x117: {  	[sflag:s13] =	ssyncadd.s32 $0xFFFFEC00  }
0x118: {  	p1 =	seq.s32 s16, $0x12C00;
	_ =	swait.ge [sflag:s13], $0x1400  }
.Ltmp4:
0x119: {  	[sflag:s13] =	ssyncset.done $0x0;
	(pc) =	sbr.rel @p1 .LBB2_12-.Ltmp4, $4  }
0x11a: {  	[sflag:s13] =	ssyncadd.s32 $0xFFFFEC00  }
0x11b: {  	_ =	swait.ge [sflag:s13], $0x1400  }
0x11c: {  	[sflag:s13] =	ssyncset.done $0x0  }
0x11d: {  	[sflag:s13] =	ssyncadd.s32 $0xFFFFEC00  }
0x11e: {  	s18 =	sadd.s32 $0x320, s17  }
0x11f: {  	[tilespmem:s24], [sflag:$0x1] =	stream.indirect.gather [hbm4b:s0+s26], $0x40, s18, s26, $0xb8;
	[tilespmem:$0x1F180] =	vst v63  }
0x120: {  	s18 =	sadd.s32 $0x370, s17  }
0x121: {  	[tilespmem:s28], [sflag:$0x1] =	stream.indirect.gather [hbm4b:s0+s26], $0x40, s18, s26, $0xb8;
	[tilespmem:$0x1F180] =	vst v63  }
0x122: {  	s18 =	sadd.s32 $0x3C0, s17  }
0x123: {  	[tilespmem:s30], [sflag:$0x1] =	stream.indirect.gather [hbm4b:s0+s26], $0x40, s18, s26, $0xb8;
	[tilespmem:$0x1F180] =	vst v63  }
.Ltmp5:
0x124: {  	_ = 	snop;
	(pc) =	sbr.rel .LBB2_10-.Ltmp5, $4  }
0x125: {  	s18 =	sadd.s32 $0x410, s17  }
0x126: {  	[tilespmem:s1], [sflag:$0x1] =	stream.indirect.gather [hbm4b:s0+s26], $0x40, s18, s26, $0xb8;
	[tilespmem:$0x1F180] =	vst v63  }
0x127: {  	s16 =	sadd.s32 $0xC80, s16;
	s18 =	sadd.s32 $0x460, s17  }
0x128: {  	[tilespmem:s21], [sflag:$0x1] =	stream.indirect.gather [hbm4b:s0+s26], $0x40, s18, s26, $0xb8;
	[tilespmem:$0x1F180] =	vst v63  }
.LBB2_12:
0x129: {  	s16 =	rddreg [dreg:$0x9]  }
0x12a: {  	[spmem:s16] =	stream.linear.scatter [tilespmem:s29], [sflag:$0x1], $0x1400, $0x38;
	[tilespmem:$0x1F180] =	vst v63  }
0x12b: {  	_ =	swait.ge [sflag:s14], $0x1400  }
0x12c: {  	[sflag:s14] =	ssyncset.done $0x0  }
0x12d: {  	[sflag:s14] =	ssyncadd.s32 $0xFFFFEC00  }
0x12e: {  	_ =	swait.ge [sflag:s14], $0x1400  }
0x12f: {  	[sflag:s14] =	ssyncset.done $0x0  }
0x130: {  	[sflag:s14] =	ssyncadd.s32 $0xFFFFEC00  }
0x131: {  	_ =	swait.ge [sflag:s14], $0x1400  }
0x132: {  	[sflag:s14] =	ssyncset.done $0x0  }
0x133: {  	[sflag:s14] =	ssyncadd.s32 $0xFFFFEC00  }
0x134: {  	_ =	swait.ge [sflag:s14], $0x1400  }
0x135: {  	[sflag:s14] =	ssyncset.done $0x0  }
0x136: {  	[sflag:s14] =	ssyncadd.s32 $0xFFFFEC00  }
0x137: {  	_ =	swait.ge [sflag:s14], $0x1400  }
0x138: {  	[sflag:s14] =	ssyncset.done $0x0  }
0x139: {  	[sflag:s14] =	ssyncadd.s32 $0xFFFFEC00  }
0x13a: {  	_ =	swait.ge [sflag:s22], $0x1400  }
0x13b: {  	[sflag:s22] =	ssyncset.done $0x0  }
0x13c: {  	[sflag:s22] =	ssyncadd.s32 $0xFFFFEC00  }
0x13d: {  	[bflag:$0x0] =	sbarrier.arrive $0xFFFF  }
0x13e: {  	s17 =	simm.s32 $0x1400;
	s18 =	simm.s32 $0xB040;
	s16 =	rddreg [dreg:$0xa]  }
0x13f: {  	[tilespmem:s18], [sflag:$0x2] =	stream.strided.gather [spmem:s16], $0x1400, s17, s19, $0x38;
	[tilespmem:$0x1F180] =	vst v63  }
0x140: {  	_ = 	snop  }
0x141: {  	[tilespmem:s24], [sflag:$0x1] =	stream.linear.gather [spmem:s7], $0x1400, $0x38;
	[tilespmem:$0x1F180] =	vst v63  }
0x142: {  	_ = 	snop  }
0x143: {  	[tilespmem:s28], [sflag:$0x1] =	stream.linear.gather [spmem:s8], $0x1400, $0x38;
	[tilespmem:$0x1F180] =	vst v63  }
0x144: {  	_ = 	snop  }
0x145: {  	[tilespmem:s30], [sflag:$0x1] =	stream.linear.gather [spmem:s9], $0x1400, $0x38;
	[tilespmem:$0x1F180] =	vst v63  }
0x146: {  	_ = 	snop  }
0x147: {  	[tilespmem:s1], [sflag:$0x1] =	stream.linear.gather [spmem:s10], $0x1400, $0x38;
	[tilespmem:$0x1F180] =	vst v63  }
0x148: {  	_ =	swait.ge [sflag:s23], $0x1400  }
0x149: {  	[sflag:s23] =	ssyncset.done $0x0  }
0x14a: {  	[sflag:s23] =	ssyncadd.s32 $0xFFFFEC00  }
0x14b: {  	v32 =	vld [tilespmem:$0xB040]  }
0x14c: {  	v28 =	vld [tilespmem:$0xB180]  }
0x14d: {  	v35 =	vld [tilespmem:$0xB2C0]  }
0x14e: {  	v39 =	vld [tilespmem:$0xB400]  }
0x14f: {  	v48 =	vld [tilespmem:$0xB540]  }
0x150: {  	v55 =	vld [tilespmem:$0xB680]  }
0x151: {  	v63 =	vld [tilespmem:$0xB7C0]  }
0x152: {  	v3 =	vld [tilespmem:$0xB900]  }
0x153: {  	v17 =	vld [tilespmem:$0xB050]  }
0x154: {  	v15 =	vld [tilespmem:$0xB190]  }
0x155: {  	v19 =	vld [tilespmem:$0xB2D0]  }
0x156: {  	v23 =	vld [tilespmem:$0xB410]  }
0x157: {  	v31 =	vld [tilespmem:$0xB550]  }
0x158: {  	[tilespmem:$0x1F700] =	vst v3;
	v3 =	vld [tilespmem:$0xBA40]  }
0x159: {  	v38 =	vld [tilespmem:$0xB690]  }
0x15a: {  	v43 =	vld [tilespmem:$0xB7D0]  }
0x15b: {  	v51 =	vld [tilespmem:$0xB910]  }
0x15c: {  	v59 =	vld [tilespmem:$0xBA50]  }
0x15d: {  	[tilespmem:$0x1F710] =	vst v3;
	v3 =	vld [tilespmem:$0xBB80]  }
0x15e: {  	v8 =	vld [tilespmem:$0xB060]  }
0x15f: {  	v7 =	vld [tilespmem:$0xB1A0]  }
0x160: {  	v10 =	vld [tilespmem:$0xB2E0]  }
0x161: {  	v12 =	vld [tilespmem:$0xB420]  }
0x162: {  	[tilespmem:$0x1F720] =	vst v3;
	v3 =	vld [tilespmem:$0xBCC0]  }
0x163: {  	v18 =	vld [tilespmem:$0xB560]  }
0x164: {  	v22 =	vld [tilespmem:$0xB6A0]  }
0x165: {  	v26 =	vld [tilespmem:$0xB7E0]  }
0x166: {  	v34 =	vld [tilespmem:$0xB920]  }
0x167: {  	[tilespmem:$0x1F740] =	vst v3;
	v3 =	vld [tilespmem:$0xBE00]  }
0x168: {  	v41 =	vld [tilespmem:$0xBA60]  }
0x169: {  	v47 =	vld [tilespmem:$0xBBA0]  }
0x16a: {  	v56 =	vld [tilespmem:$0xBCE0]  }
0x16b: {  	v4 =	vld [tilespmem:$0xB070]  }
0x16c: {  	[tilespmem:$0x1F760] =	vst v3;
	v3 =	vld [tilespmem:$0xBF40]  }
0x16d: {  	v5 =	vld [tilespmem:$0xB2F0]  }
0x16e: {  	v6 =	vld [tilespmem:$0xB430]  }
0x16f: {  	v9 =	vld [tilespmem:$0xB570]  }
0x170: {  	v11 =	vld [tilespmem:$0xB6B0]  }
0x171: {  	[tilespmem:$0x1F780] =	vst v3;
	v3 =	vld [tilespmem:$0xC080]  }
0x172: {  	v13 =	vld [tilespmem:$0xB7F0]  }
0x173: {  	v20 =	vld [tilespmem:$0xB930]  }
0x174: {  	v24 =	vld [tilespmem:$0xBA70]  }
0x175: {  	v30 =	vld [tilespmem:$0xBBB0]  }
0x176: {  	[tilespmem:$0x1F7B0] =	vst v3;
	v3 =	vld [tilespmem:$0xC1C0]  }
0x177: {  	v37 =	vld [tilespmem:$0xBCF0]  }
0x178: {  	v44 =	vld [tilespmem:$0xBE30]  }
0x179: {  	v52 =	vld [tilespmem:$0xBF70]  }
0x17a: {  	v58 =	vld [tilespmem:$0xC0B0]  }
0x17b: {  	[tilespmem:$0x1F7E0] =	vst v3;
	v3 =	vld [tilespmem:$0xC300]  }
0x17c: {  	v14 =	vld [tilespmem:$0xC1F0]  }
0x17d: {  	v27 =	vld [tilespmem:$0xC330]  }
0x17e: {  	v29 =	vld [tilespmem:$0xB080]  }
0x17f: {  	v33 =	vld [tilespmem:$0xB1C0]  }
0x180: {  	[tilespmem:$0x1F810] =	vst v3;
	v3 =	vld [tilespmem:$0xBB90]  }
0x181: {  	v36 =	vld [tilespmem:$0xB300]  }
0x182: {  	v40 =	vld [tilespmem:$0xB440]  }
0x183: {  	v42 =	vld [tilespmem:$0xB580]  }
0x184: {  	v45 =	vld [tilespmem:$0xB6C0]  }
0x185: {  	[tilespmem:$0x1F730] =	vst v3;
	v3 =	vld [tilespmem:$0xBCD0]  }
0x186: {  	v46 =	vld [tilespmem:$0xB800]  }
0x187: {  	v49 =	vld [tilespmem:$0xB940]  }
0x188: {  	v50 =	vld [tilespmem:$0xBA80]  }
0x189: {  	v53 =	vld [tilespmem:$0xBBC0]  }
0x18a: {  	[tilespmem:$0x1F750] =	vst v3;
	v3 =	vld [tilespmem:$0xBE10]  }
0x18b: {  	v54 =	vld [tilespmem:$0xBD00];
	[tilespmem:$0x1F840] =	vst v14  }
0x18c: {  	v57 =	vld [tilespmem:$0xBE40];
	[tilespmem:$0x1F880] =	vst v27  }
0x18d: {  	v60 =	vld [tilespmem:$0xBF80];
	[tilespmem:$0x1F860] =	vst v29  }
0x18e: {  	v61 =	vld [tilespmem:$0xC0C0];
	[tilespmem:$0x1F870] =	vst v33  }
0x18f: {  	[tilespmem:$0x1F770] =	vst v3;
	v3 =	vld [tilespmem:$0xBF50]  }
0x190: {  	v62 =	vld [tilespmem:$0xC200];
	[tilespmem:$0x1F890] =	vst v36  }
0x191: {  	v16 =	vld [tilespmem:$0xC340];
	[tilespmem:$0x1F8A0] =	vst v40  }
0x192: {  	v21 =	vld [tilespmem:$0xB590];
	[tilespmem:$0x1F8B0] =	vst v42  }
0x193: {  	v25 =	vld [tilespmem:$0xB6D0];
	[tilespmem:$0x1F8D0] =	vst v45  }
0x194: {  	[tilespmem:$0x1F7A0] =	vst v3;
	v3 =	vld [tilespmem:$0xC090]  }
0x195: {  	[tilespmem:$0x1F910] =	vst v49;
	v49 =	vld [tilespmem:$0xB090]  }
0x196: {  	[tilespmem:$0x1F8F0] =	vst v46;
	v46 =	vld [tilespmem:$0xB1D0]  }
0x197: {  	[tilespmem:$0x1F970] =	vst v53;
	v53 =	vld [tilespmem:$0xB310]  }
0x198: {  	[tilespmem:$0x1FA20] =	vst v60;
	v60 =	vld [tilespmem:$0xB450]  }
0x199: {  	[tilespmem:$0x1F7D0] =	vst v3;
	v3 =	vld [tilespmem:$0xC1D0]  }
0x19a: {  	[tilespmem:$0x1F940] =	vst v50;
	v27 =	vld [tilespmem:$0xB810]  }
0x19b: {  	[tilespmem:$0x1F9A0] =	vst v54;
	v29 =	vld [tilespmem:$0xB950]  }
0x19c: {  	[tilespmem:$0x1F9E0] =	vst v57;
	v33 =	vld [tilespmem:$0xBA90]  }
0x19d: {  	[tilespmem:$0x1FA60] =	vst v61;
	v36 =	vld [tilespmem:$0xBBD0]  }
0x19e: {  	[tilespmem:$0x1F800] =	vst v3;
	v3 =	vld [tilespmem:$0xC310]  }
0x19f: {  	[tilespmem:$0x1FAA0] =	vst v62;
	v40 =	vld [tilespmem:$0xBD10]  }
0x1a0: {  	[tilespmem:$0x1FAE0] =	vst v16;
	v42 =	vld [tilespmem:$0xBE50]  }
0x1a1: {  	[tilespmem:$0x1F8C0] =	vst v21;
	v45 =	vld [tilespmem:$0xBF90]  }
0x1a2: {  	[tilespmem:$0x1F8E0] =	vst v25;
	v50 =	vld [tilespmem:$0xC0D0]  }
0x1a3: {  	[tilespmem:$0x1F830] =	vst v3;
	v3 =	vld [tilespmem:$0xBE20]  }
0x1a4: {  	v54 =	vld [tilespmem:$0xC210];
	[tilespmem:$0x1F900] =	vst v27  }
0x1a5: {  	v57 =	vld [tilespmem:$0xC350];
	[tilespmem:$0x1F930] =	vst v29  }
0x1a6: {  	v61 =	vld [tilespmem:$0xB820];
	[tilespmem:$0x1F960] =	vst v33  }
0x1a7: {  	v62 =	vld [tilespmem:$0xB960];
	[tilespmem:$0x1F990] =	vst v36  }
0x1a8: {  	[tilespmem:$0x1F790] =	vst v3;
	v3 =	vld [tilespmem:$0xBF60]  }
0x1a9: {  	v16 =	vld [tilespmem:$0xBAA0];
	[tilespmem:$0x1F9C0] =	vst v40  }
0x1aa: {  	v21 =	vld [tilespmem:$0xBBE0];
	[tilespmem:$0x1FA00] =	vst v42  }
0x1ab: {  	v25 =	vld [tilespmem:$0xBD20];
	[tilespmem:$0x1FA40] =	vst v45  }
0x1ac: {  	v14 =	vld [tilespmem:$0xB1F0];
	[tilespmem:$0x1FA80] =	vst v50  }
0x1ad: {  	[tilespmem:$0x1F7C0] =	vst v3;
	v3 =	vld [tilespmem:$0xC0A0]  }
0x1ae: {  	[tilespmem:$0x1FAC0] =	vst v54;
	v29 =	vld [tilespmem:$0xB0A0]  }
0x1af: {  	[tilespmem:$0x1FB00] =	vst v57;
	v27 =	vld [tilespmem:$0xB1E0]  }
0x1b0: {  	v36 =	vld [tilespmem:$0xB320];
	[tilespmem:$0x1F920] =	vst v61  }
0x1b1: {  	[tilespmem:$0x1F950] =	vst v62;
	v33 =	vld [tilespmem:$0xBE60]  }
0x1b2: {  	[tilespmem:$0x1F7F0] =	vst v3;
	v3 =	vld [tilespmem:$0xC1E0]  }
0x1b3: {  	[tilespmem:$0x1F980] =	vst v16;
	v40 =	vld [tilespmem:$0xBFA0]  }
0x1b4: {  	[tilespmem:$0x1F9B0] =	vst v21;
	v45 =	vld [tilespmem:$0xC0E0]  }
0x1b5: {  	[tilespmem:$0x1F9F0] =	vst v25;
	v54 =	vld [tilespmem:$0xC220]  }
0x1b6: {  	v61 =	vld [tilespmem:$0xC360];
	[tilespmem:$0x1FA30] =	vst v33  }
0x1b7: {  	[tilespmem:$0x1F820] =	vst v3;
	v3 =	vld [tilespmem:$0xC320]  }
0x1b8: {  	v42 =	vld [tilespmem:$0xB460];
	[tilespmem:$0x1FA70] =	vst v40  }
0x1b9: {  	v50 =	vld [tilespmem:$0xB5A0];
	[tilespmem:$0x1FAB0] =	vst v45  }
0x1ba: {  	v57 =	vld [tilespmem:$0xB6E0];
	[tilespmem:$0x1FAF0] =	vst v54  }
0x1bb: {  	v16 =	vld [tilespmem:$0xB0B0];
	[tilespmem:$0x1FB20] =	vst v61  }
0x1bc: {  	[tilespmem:$0x1F850] =	vst v3;
	v3 =	vld [tilespmem:$0xB1B0]  }
0x1bd: {  	v21 =	vld [tilespmem:$0xB330]  }
0x1be: {  	v62 =	vld [tilespmem:$0xBBF0];
	_ =	sdelay $0x4  }
0x1bf: {  	[tilespmem:$0x1F9D0] =	vst v62;
	v62 =	vld [tilespmem:$0xBD30];
	_ =	sdelay $0x4  }
0x1c0: {  	[tilespmem:$0x1FA10] =	vst v62;
	v62 =	vld [tilespmem:$0xBE70];
	_ =	sdelay $0x4  }
0x1c1: {  	[tilespmem:$0x1FA50] =	vst v62;
	v62 =	vld [tilespmem:$0xBFB0];
	_ =	sdelay $0x4  }
0x1c2: {  	[tilespmem:$0x1FA90] =	vst v62;
	v62 =	vld [tilespmem:$0xC0F0];
	_ =	sdelay $0x4  }
0x1c3: {  	[tilespmem:$0x1FAD0] =	vst v62;
	v62 =	vld [tilespmem:$0xC230]  }
0x1c4: {  	v7 =	vadd.f32 v7, v8;
	v8 =	vld [tilespmem:$0xC3A0];
	_ =	sdelay $0x2  }
0x1c5: {  	v15 =	vadd.f32 v15, v17  }
0x1c6: {  	v28 =	vadd.f32 v28, v32;
	v3 =	vadd.f32 v3, v4;
	[tilespmem:$0x1FB10] =	vst v62;
	v62 =	vld [tilespmem:$0xC370]  }
0x1c7: {  	v10 =	vadd.f32 v10, v7;
	[tilespmem:$0x1FE50] =	vst v8;
	v8 =	vadd.f32 v19, v15  }
0x1c8: {  	v28 =	vadd.f32 v35, v28;
	v3 =	vadd.f32 v5, v3  }
0x1c9: {  	v5 =	vadd.f32 v12, v10;
	v8 =	vadd.f32 v23, v8  }
0x1ca: {  	v4 =	vadd.f32 v39, v28  }
0x1cb: {  	v5 =	vadd.f32 v18, v5;
	v35 =	vadd.f32 v31, v8;
	[tilespmem:$0x1FB50] =	vst v62;
	v62 =	vld [tilespmem:$0xB0C0]  }
0x1cc: {  	v4 =	vadd.f32 v48, v4  }
0x1cd: {  	v5 =	vadd.f32 v22, v5;
	v12 =	vadd.f32 v38, v35;
	v38 =	vld [tilespmem:$0x1F700]  }
0x1ce: {  	v4 =	vadd.f32 v55, v4  }
0x1cf: {  	v12 =	vadd.f32 v43, v12;
	v43 =	vadd.f32 v26, v5;
	v5 =	vld [tilespmem:$0x1F710]  }
0x1d0: {  	v4 =	vadd.f32 v63, v4;
	[tilespmem:$0x1FB30] =	vst v62;
	v62 =	vld [tilespmem:$0xB200];
	_ =	sdelay $0x1  }
0x1d1: {  	v4 =	vadd.f32 v38, v4;
	_ =	sdelay $0x1  }
0x1d2: {  	v4 =	vadd.f32 v5, v4;
	v5 =	vld [tilespmem:$0xBEB0]  }
0x1d3: {  	[tilespmem:$0x1FB40] =	vst v62;
	v62 =	vld [tilespmem:$0xB340];
	_ =	sdelay $0x3  }
0x1d4: {  	[tilespmem:$0x1FDA0] =	vst v5;
	v5 =	vld [tilespmem:$0x1F720]  }
0x1d5: {  	[tilespmem:$0x1FB80] =	vst v62;
	v62 =	vld [tilespmem:$0xB480];
	_ =	sdelay $0x3  }
0x1d6: {  	v4 =	vadd.f32 v5, v4;
	v5 =	vld [tilespmem:$0x1F730]  }
0x1d7: {  	v12 =	vadd.f32 v51, v12;
	[tilespmem:$0x1FBC0] =	vst v62;
	v62 =	vld [tilespmem:$0xB5C0];
	_ =	sdelay $0x1  }
0x1d8: {  	v12 =	vadd.f32 v59, v12;
	_ =	sdelay $0x1  }
0x1d9: {  	v12 =	vadd.f32 v5, v12;
	v5 =	vld [tilespmem:$0xC270]  }
0x1da: {  	[tilespmem:$0x1FBF0] =	vst v62;
	v62 =	vld [tilespmem:$0xB700];
	_ =	sdelay $0x3  }
0x1db: {  	[tilespmem:$0x1FE40] =	vst v5;
	v5 =	vld [tilespmem:$0x1F740]  }
0x1dc: {  	[tilespmem:$0x1FC20] =	vst v62;
	v62 =	vld [tilespmem:$0xB840];
	_ =	sdelay $0x3  }
0x1dd: {  	v4 =	vadd.f32 v5, v4;
	v5 =	vld [tilespmem:$0xC3B0]  }
0x1de: {  	[tilespmem:$0x1FC50] =	vst v62;
	v62 =	vld [tilespmem:$0xB980];
	_ =	sdelay $0x3  }
0x1df: {  	[tilespmem:$0x1FE70] =	vst v5;
	v5 =	vld [tilespmem:$0x1F750]  }
0x1e0: {  	[tilespmem:$0x1FC80] =	vst v62;
	v62 =	vld [tilespmem:$0xBAC0];
	_ =	sdelay $0x3  }
0x1e1: {  	v48 =	vadd.f32 v5, v12;
	v5 =	vld [tilespmem:$0xB100]  }
0x1e2: {  	[tilespmem:$0x1FCB0] =	vst v62;
	v62 =	vld [tilespmem:$0xBC00];
	_ =	sdelay $0x3  }
0x1e3: {  	[tilespmem:$0x1FE60] =	vst v5;
	v5 =	vld [tilespmem:$0x1F760]  }
0x1e4: {  	[tilespmem:$0x1FCE0] =	vst v62;
	v62 =	vld [tilespmem:$0xBD40];
	_ =	sdelay $0x2  }
0x1e5: {  	v3 =	vadd.f32 v6, v3  }
0x1e6: {  	v4 =	vadd.f32 v5, v4;
	v5 =	vld [tilespmem:$0x1F770]  }
0x1e7: {  	v3 =	vadd.f32 v9, v3;
	[tilespmem:$0x1FD10] =	vst v62;
	v62 =	vld [tilespmem:$0xBE80];
	_ =	sdelay $0x1  }
0x1e8: {  	v3 =	vadd.f32 v11, v3;
	_ =	sdelay $0x1  }
0x1e9: {  	v3 =	vadd.f32 v13, v3;
	v13 =	vadd.f32 v5, v48;
	v5 =	vld [tilespmem:$0xB380]  }
0x1ea: {  	[tilespmem:$0x1FD40] =	vst v62;
	v62 =	vld [tilespmem:$0xBFC0];
	_ =	sdelay $0x3  }
0x1eb: {  	[tilespmem:$0x1FE80] =	vst v5;
	v5 =	vld [tilespmem:$0x1F780]  }
0x1ec: {  	[tilespmem:$0x1FD70] =	vst v62;
	v62 =	vld [tilespmem:$0xC100]  }
0x1ed: {  	v11 =	vadd.f32 v34, v43;
	_ =	sdelay $0x1  }
0x1ee: {  	v11 =	vadd.f32 v41, v11  }
0x1ef: {  	v4 =	vadd.f32 v5, v4;
	v5 =	vld [tilespmem:$0x1F790]  }
0x1f0: {  	v11 =	vadd.f32 v47, v11;
	[tilespmem:$0x1FDB0] =	vst v62;
	v62 =	vld [tilespmem:$0xC240];
	_ =	sdelay $0x1  }
0x1f1: {  	v11 =	vadd.f32 v56, v11;
	_ =	sdelay $0x1  }
0x1f2: {  	v11 =	vadd.f32 v5, v11;
	v5 =	vld [tilespmem:$0xB4C0]  }
0x1f3: {  	[tilespmem:$0x1FDE0] =	vst v62;
	v62 =	vld [tilespmem:$0xC380];
	_ =	sdelay $0x3  }
0x1f4: {  	[tilespmem:$0x1FE90] =	vst v5;
	v5 =	vld [tilespmem:$0x1F7A0]  }
0x1f5: {  	[tilespmem:$0x1FE10] =	vst v62;
	v62 =	vld [tilespmem:$0xB0D0];
	_ =	sdelay $0x3  }
0x1f6: {  	v13 =	vadd.f32 v5, v13;
	v5 =	vld [tilespmem:$0xB600]  }
0x1f7: {  	[tilespmem:$0x1FB60] =	vst v62;
	v62 =	vld [tilespmem:$0xB210];
	_ =	sdelay $0x3  }
0x1f8: {  	[tilespmem:$0x1FEA0] =	vst v5;
	v5 =	vld [tilespmem:$0x1F7B0]  }
0x1f9: {  	[tilespmem:$0x1FB70] =	vst v62;
	v62 =	vld [tilespmem:$0xB350];
	_ =	sdelay $0x3  }
0x1fa: {  	v4 =	vadd.f32 v5, v4;
	v5 =	vld [tilespmem:$0x1F7C0]  }
0x1fb: {  	[tilespmem:$0x1FBB0] =	vst v62;
	v62 =	vld [tilespmem:$0xB490];
	_ =	sdelay $0x3  }
0x1fc: {  	v11 =	vadd.f32 v5, v11;
	v5 =	vld [tilespmem:$0xB740]  }
0x1fd: {  	[tilespmem:$0x1FBE0] =	vst v62;
	v62 =	vld [tilespmem:$0xB5D0];
	_ =	sdelay $0x3  }
0x1fe: {  	[tilespmem:$0x1FEB0] =	vst v5;
	v5 =	vld [tilespmem:$0x1F7D0]  }
0x1ff: {  	[tilespmem:$0x1FC10] =	vst v62;
	v62 =	vld [tilespmem:$0xB710];
	_ =	sdelay $0x3  }
0x200: {  	v13 =	vadd.f32 v5, v13;
	v5 =	vld [tilespmem:$0xB880]  }
0x201: {  	[tilespmem:$0x1FC40] =	vst v62;
	v62 =	vld [tilespmem:$0xB850];
	_ =	sdelay $0x3  }
0x202: {  	[tilespmem:$0x1FEC0] =	vst v5;
	v5 =	vld [tilespmem:$0x1F7E0]  }
0x203: {  	[tilespmem:$0x1FC70] =	vst v62;
	v62 =	vld [tilespmem:$0xB990];
	_ =	sdelay $0x3  }
0x204: {  	v4 =	vadd.f32 v5, v4;
	v5 =	vld [tilespmem:$0x1F7F0]  }
0x205: {  	[tilespmem:$0x1FCA0] =	vst v62;
	v62 =	vld [tilespmem:$0xBAD0];
	_ =	sdelay $0x3  }
0x206: {  	v11 =	vadd.f32 v5, v11;
	v5 =	vld [tilespmem:$0xB9C0]  }
0x207: {  	[tilespmem:$0x1FCD0] =	vst v62;
	v62 =	vld [tilespmem:$0xBC10];
	_ =	sdelay $0x3  }
0x208: {  	[tilespmem:$0x1FED0] =	vst v5;
	v5 =	vld [tilespmem:$0x1F800]  }
0x209: {  	[tilespmem:$0x1FD00] =	vst v62;
	v62 =	vld [tilespmem:$0xBD50];
	_ =	sdelay $0x3  }
0x20a: {  	v13 =	vadd.f32 v5, v13;
	v5 =	vld [tilespmem:$0xBB00]  }
0x20b: {  	[tilespmem:$0x1FD30] =	vst v62;
	v62 =	vld [tilespmem:$0xBE90];
	_ =	sdelay $0x3  }
0x20c: {  	[tilespmem:$0x1FEE0] =	vst v5;
	v5 =	vld [tilespmem:$0x1F810]  }
0x20d: {  	[tilespmem:$0x1FD60] =	vst v62;
	v62 =	vld [tilespmem:$0xBFD0];
	_ =	sdelay $0x3  }
0x20e: {  	v4 =	vadd.f32 v5, v4;
	v5 =	vld [tilespmem:$0xBC40]  }
0x20f: {  	[tilespmem:$0x1FD90] =	vst v62;
	v62 =	vld [tilespmem:$0xC110];
	_ =	sdelay $0x2  }
0x210: {  	v3 =	vadd.f32 v20, v3  }
0x211: {  	[tilespmem:$0x1FEF0] =	vst v5;
	v5 =	vld [tilespmem:$0x1F830]  }
0x212: {  	v3 =	vadd.f32 v24, v3;
	[tilespmem:$0x1FDD0] =	vst v62;
	v62 =	vld [tilespmem:$0xC250];
	_ =	sdelay $0x1  }
0x213: {  	v3 =	vadd.f32 v30, v3;
	_ =	sdelay $0x1  }
0x214: {  	v3 =	vadd.f32 v37, v3  }
0x215: {  	v5 =	vadd.f32 v5, v13;
	[tilespmem:$0x1FE00] =	vst v62;
	v62 =	vld [tilespmem:$0xC390]  }
0x216: {  	v3 =	vadd.f32 v44, v3  }
0x217: {  	[tilespmem:$0x1FF90] =	vst v5;
	v5 =	vld [tilespmem:$0x1F840]  }
0x218: {  	v3 =	vadd.f32 v52, v3;
	_ =	sdelay $0x1  }
0x219: {  	v3 =	vadd.f32 v58, v3;
	[tilespmem:$0x1FE30] =	vst v62;
	v62 =	vld [tilespmem:$0xB0E0];
	_ =	sdelay $0x1  }
0x21a: {  	v3 =	vadd.f32 v5, v3;
	v5 =	vld [tilespmem:$0xBD80];
	_ =	sdelay $0x1  }
0x21b: {  	[tilespmem:$0x1FF80] =	vst v4;
	v4 =	vld [tilespmem:$0x1F820]  }
0x21c: {  	[tilespmem:$0x1FB90] =	vst v62;
	v62 =	vld [tilespmem:$0xB220];
	_ =	sdelay $0x1  }
0x21d: {  	[tilespmem:$0x1FF00] =	vst v5;
	v5 =	vld [tilespmem:$0x1F850];
	_ =	sdelay $0x2  }
0x21e: {  	v4 =	vadd.f32 v4, v11;
	[tilespmem:$0x1FBA0] =	vst v62;
	v62 =	vld [tilespmem:$0xB360];
	_ =	sdelay $0x1  }
0x21f: {  	v4 =	vadd.f32 v5, v4  }
0x220: {  	v5 =	vld [tilespmem:$0x1F870]  }
0x221: {  	[tilespmem:$0x1FFA0] =	vst v4;
	v4 =	vld [tilespmem:$0x1F860]  }
0x222: {  	[tilespmem:$0x1FBD0] =	vst v62;
	v62 =	vld [tilespmem:$0xB4A0];
	_ =	sdelay $0x3  }
0x223: {  	v4 =	vadd.f32 v5, v4;
	v5 =	vld [tilespmem:$0xBEC0]  }
0x224: {  	[tilespmem:$0x1FC00] =	vst v62;
	v62 =	vld [tilespmem:$0xB5E0];
	_ =	sdelay $0x3  }
0x225: {  	[tilespmem:$0x1FF10] =	vst v5;
	v5 =	vld [tilespmem:$0x1F880]  }
0x226: {  	[tilespmem:$0x1FC30] =	vst v62;
	v62 =	vld [tilespmem:$0xB720];
	_ =	sdelay $0x3  }
0x227: {  	v3 =	vadd.f32 v5, v3;
	v5 =	vld [tilespmem:$0xC000]  }
0x228: {  	[tilespmem:$0x1FC60] =	vst v62;
	v62 =	vld [tilespmem:$0xB860];
	_ =	sdelay $0x3  }
0x229: {  	[tilespmem:$0x1FF20] =	vst v5;
	v5 =	vld [tilespmem:$0x1F890]  }
0x22a: {  	[tilespmem:$0x1FC90] =	vst v62;
	v62 =	vld [tilespmem:$0xB9A0];
	_ =	sdelay $0x3  }
0x22b: {  	v4 =	vadd.f32 v5, v4;
	v5 =	vld [tilespmem:$0xC140]  }
0x22c: {  	[tilespmem:$0x1FCC0] =	vst v62;
	v62 =	vld [tilespmem:$0xBAE0];
	_ =	sdelay $0x3  }
0x22d: {  	[tilespmem:$0x1FF30] =	vst v5;
	v5 =	vld [tilespmem:$0xC280]  }
0x22e: {  	[tilespmem:$0x1FCF0] =	vst v62;
	v62 =	vld [tilespmem:$0xBC20];
	_ =	sdelay $0x3  }
0x22f: {  	[tilespmem:$0x1FF40] =	vst v5;
	v5 =	vld [tilespmem:$0x1F8A0]  }
0x230: {  	[tilespmem:$0x1FD20] =	vst v62;
	v62 =	vld [tilespmem:$0xBD60];
	_ =	sdelay $0x3  }
0x231: {  	v4 =	vadd.f32 v5, v4;
	v5 =	vld [tilespmem:$0xC3C0]  }
0x232: {  	[tilespmem:$0x1FD50] =	vst v62;
	v62 =	vld [tilespmem:$0xBEA0];
	_ =	sdelay $0x3  }
0x233: {  	[tilespmem:$0x1FF60] =	vst v5;
	v5 =	vld [tilespmem:$0x1F8B0]  }
0x234: {  	[tilespmem:$0x1FD80] =	vst v62;
	v62 =	vld [tilespmem:$0xBFE0];
	_ =	sdelay $0x2  }
0x235: {  	[tilespmem:$0x1FFB0] =	vst v3;
	v3 =	vadd.f32 v46, v49  }
0x236: {  	v4 =	vadd.f32 v5, v4;
	v5 =	vld [tilespmem:$0x1F8C0]  }
0x237: {  	v3 =	vadd.f32 v53, v3;
	[tilespmem:$0x1FDC0] =	vst v62;
	v62 =	vld [tilespmem:$0xC120];
	_ =	sdelay $0x1  }
0x238: {  	v3 =	vadd.f32 v60, v3;
	_ =	sdelay $0x1  }
0x239: {  	v3 =	vadd.f32 v5, v3;
	v5 =	vld [tilespmem:$0x1F8D0]  }
0x23a: {  	[tilespmem:$0x1FDF0] =	vst v62;
	v62 =	vld [tilespmem:$0xC260];
	_ =	sdelay $0x4  }
0x23b: {  	[tilespmem:$0x1FE20] =	vst v62;
	v62 =	vadd.f32 v5, v4;
	v4 =	vld [tilespmem:$0x1F8E0];
	_ =	sdelay $0x4  }
0x23c: {  	v3 =	vadd.f32 v4, v3;
	v4 =	vld [tilespmem:$0x1F8F0];
	_ =	sdelay $0x4  }
0x23d: {  	v59 =	vadd.f32 v14, v16;
	v14 =	vadd.f32 v4, v62;
	v4 =	vld [tilespmem:$0x1F900];
	_ =	sdelay $0x4  }
0x23e: {  	v58 =	vadd.f32 v27, v29;
	v3 =	vadd.f32 v4, v3;
	v4 =	vld [tilespmem:$0x1F910];
	_ =	sdelay $0x1  }
0x23f: {  	v11 =	vadd.f32 v36, v58;
	_ =	sdelay $0x1  }
0x240: {  	v11 =	vadd.f32 v42, v11  }
0x241: {  	v14 =	vadd.f32 v4, v14;
	v4 =	vld [tilespmem:$0x1F920]  }
0x242: {  	v11 =	vadd.f32 v50, v11;
	_ =	sdelay $0x1  }
0x243: {  	v11 =	vadd.f32 v57, v11;
	_ =	sdelay $0x1  }
0x244: {  	v11 =	vadd.f32 v4, v11;
	v4 =	vld [tilespmem:$0x1F930];
	_ =	sdelay $0x4  }
0x245: {  	v3 =	vadd.f32 v4, v3;
	v4 =	vld [tilespmem:$0x1F940];
	_ =	sdelay $0x4  }
0x246: {  	v14 =	vadd.f32 v4, v14;
	v4 =	vld [tilespmem:$0x1F950];
	_ =	sdelay $0x4  }
0x247: {  	v11 =	vadd.f32 v4, v11;
	v4 =	vld [tilespmem:$0x1F960];
	_ =	sdelay $0x4  }
0x248: {  	v63 =	vadd.f32 v4, v3;
	v3 =	vld [tilespmem:$0x1F970];
	_ =	sdelay $0x4  }
0x249: {  	v14 =	vadd.f32 v3, v14;
	v3 =	vld [tilespmem:$0x1F980];
	_ =	sdelay $0x4  }
0x24a: {  	v11 =	vadd.f32 v3, v11;
	v3 =	vld [tilespmem:$0x1F990];
	_ =	sdelay $0x4  }
0x24b: {  	v16 =	vadd.f32 v3, v63;
	v3 =	vld [tilespmem:$0x1F9A0];
	_ =	sdelay $0x2  }
0x24c: {  	v25 =	vld [tilespmem:$0xB470]  }
0x24d: {  	v33 =	vld [tilespmem:$0xB5B0]  }
0x24e: {  	v14 =	vadd.f32 v3, v14;
	v3 =	vld [tilespmem:$0x1F9B0]  }
0x24f: {  	v13 =	vadd.f32 v21, v59  }
0x250: {  	v40 =	vld [tilespmem:$0xB6F0]  }
0x251: {  	v13 =	vadd.f32 v25, v13  }
0x252: {  	v45 =	vld [tilespmem:$0xB830]  }
0x253: {  	v13 =	vadd.f32 v33, v13;
	v11 =	vadd.f32 v3, v11;
	v3 =	vld [tilespmem:$0x1F9C0]  }
0x254: {  	v54 =	vld [tilespmem:$0xB970]  }
0x255: {  	v13 =	vadd.f32 v40, v13  }
0x256: {  	v61 =	vld [tilespmem:$0xBAB0]  }
0x257: {  	v13 =	vadd.f32 v45, v13  }
0x258: {  	v16 =	vadd.f32 v3, v16;
	v3 =	vld [tilespmem:$0x1F9D0]  }
0x259: {  	v13 =	vadd.f32 v54, v13;
	_ =	sdelay $0x1  }
0x25a: {  	v13 =	vadd.f32 v61, v13;
	_ =	sdelay $0x1  }
0x25b: {  	v13 =	vadd.f32 v3, v13;
	v3 =	vld [tilespmem:$0xC290];
	_ =	sdelay $0x4  }
0x25c: {  	[tilespmem:$0x1FF50] =	vst v3;
	v3 =	vld [tilespmem:$0x1F9E0];
	_ =	sdelay $0x4  }
0x25d: {  	v14 =	vadd.f32 v3, v14;
	v3 =	vld [tilespmem:$0x1F9F0];
	_ =	sdelay $0x4  }
0x25e: {  	v11 =	vadd.f32 v3, v11;
	v3 =	vld [tilespmem:$0xC3D0];
	_ =	sdelay $0x4  }
0x25f: {  	[tilespmem:$0x1FF70] =	vst v3;
	v3 =	vld [tilespmem:$0x1FA00];
	_ =	sdelay $0x4  }
0x260: {  	v16 =	vadd.f32 v3, v16;
	v3 =	vld [tilespmem:$0x1FA10];
	_ =	sdelay $0x4  }
0x261: {  	v13 =	vadd.f32 v3, v13;
	v3 =	vld [tilespmem:$0x1FA20];
	_ =	sdelay $0x4  }
0x262: {  	v14 =	vadd.f32 v3, v14;
	v3 =	vld [tilespmem:$0x1FA30];
	_ =	sdelay $0x4  }
0x263: {  	v11 =	vadd.f32 v3, v11;
	v3 =	vld [tilespmem:$0x1FA40];
	_ =	sdelay $0x4  }
0x264: {  	v16 =	vadd.f32 v3, v16;
	v3 =	vld [tilespmem:$0x1FA50];
	_ =	sdelay $0x4  }
0x265: {  	v13 =	vadd.f32 v3, v13;
	v3 =	vld [tilespmem:$0x1FA60];
	_ =	sdelay $0x4  }
0x266: {  	v14 =	vadd.f32 v3, v14;
	v3 =	vld [tilespmem:$0x1FA70];
	_ =	sdelay $0x4  }
0x267: {  	v11 =	vadd.f32 v3, v11;
	v3 =	vld [tilespmem:$0x1FA80];
	_ =	sdelay $0x4  }
0x268: {  	v16 =	vadd.f32 v3, v16;
	v3 =	vld [tilespmem:$0x1FA90];
	_ =	sdelay $0x4  }
0x269: {  	v13 =	vadd.f32 v3, v13;
	v3 =	vld [tilespmem:$0x1FAA0];
	_ =	sdelay $0x4  }
0x26a: {  	v14 =	vadd.f32 v3, v14;
	v3 =	vld [tilespmem:$0x1FAB0];
	_ =	sdelay $0x4  }
0x26b: {  	v11 =	vadd.f32 v3, v11;
	v3 =	vld [tilespmem:$0x1FAC0];
	_ =	sdelay $0x4  }
0x26c: {  	v16 =	vadd.f32 v3, v16;
	v3 =	vld [tilespmem:$0x1FAD0];
	_ =	sdelay $0x4  }
0x26d: {  	v13 =	vadd.f32 v3, v13;
	v3 =	vld [tilespmem:$0x1FAE0];
	_ =	sdelay $0x4  }
0x26e: {  	v3 =	vadd.f32 v3, v14;
	_ =	sdelay $0x1  }
0x26f: {  	[tilespmem:$0x1FFC0] =	vst v3;
	v3 =	vld [tilespmem:$0x1FAF0];
	_ =	sdelay $0x4  }
0x270: {  	v11 =	vadd.f32 v3, v11;
	v3 =	vld [tilespmem:$0x1FB00];
	_ =	sdelay $0x4  }
0x271: {  	v3 =	vadd.f32 v3, v16;
	_ =	sdelay $0x1  }
0x272: {  	[tilespmem:$0x1FFD0] =	vst v3;
	v3 =	vld [tilespmem:$0x1FB10];
	_ =	sdelay $0x4  }
0x273: {  	v13 =	vadd.f32 v3, v13;
	v3 =	vld [tilespmem:$0x1FB20];
	_ =	sdelay $0x4  }
0x274: {  	v3 =	vadd.f32 v3, v11  }
0x275: {  	v4 =	vld [tilespmem:$0x1FB40]  }
0x276: {  	[tilespmem:$0x1FFE0] =	vst v3;
	v3 =	vld [tilespmem:$0x1FB30];
	_ =	sdelay $0x4  }
0x277: {  	v17 =	vadd.f32 v4, v3;
	v3 =	vld [tilespmem:$0x1FB50];
	_ =	sdelay $0x4  }
0x278: {  	v3 =	vadd.f32 v3, v13  }
0x279: {  	v4 =	vld [tilespmem:$0x1FB70]  }
0x27a: {  	[tilespmem:$0x1FFF0] =	vst v3;
	v3 =	vld [tilespmem:$0x1FB60];
	_ =	sdelay $0x4  }
0x27b: {  	v20 =	vadd.f32 v4, v3;
	v3 =	vld [tilespmem:$0x1FB80];
	_ =	sdelay $0x3  }
0x27c: {  	v4 =	vld [tilespmem:$0x1FBA0]  }
0x27d: {  	v11 =	vadd.f32 v3, v17;
	v3 =	vld [tilespmem:$0x1FB90];
	_ =	sdelay $0x4  }
0x27e: {  	v21 =	vadd.f32 v4, v3;
	v3 =	vld [tilespmem:$0x1FBB0];
	_ =	sdelay $0x4  }
0x27f: {  	v13 =	vadd.f32 v3, v20;
	v3 =	vld [tilespmem:$0x1FBC0];
	_ =	sdelay $0x4  }
0x280: {  	v61 =	vadd.f32 v3, v11;
	v3 =	vld [tilespmem:$0x1FBD0];
	_ =	sdelay $0x4  }
0x281: {  	v14 =	vadd.f32 v3, v21;
	v3 =	vld [tilespmem:$0x1FBE0];
	_ =	sdelay $0x4  }
0x282: {  	v62 =	vadd.f32 v3, v13;
	v3 =	vld [tilespmem:$0x1FBF0];
	_ =	sdelay $0x4  }
0x283: {  	v63 =	vadd.f32 v3, v61;
	v3 =	vld [tilespmem:$0x1FC00];
	_ =	sdelay $0x4  }
0x284: {  	v14 =	vadd.f32 v3, v14;
	v3 =	vld [tilespmem:$0x1FC10];
	_ =	sdelay $0x4  }
0x285: {  	v20 =	vadd.f32 v3, v62;
	v3 =	vld [tilespmem:$0x1FC20];
	_ =	sdelay $0x4  }
0x286: {  	v16 =	vadd.f32 v3, v63;
	v3 =	vld [tilespmem:$0x1FC30];
	_ =	sdelay $0x2  }
0x287: {  	v32 =	vld [tilespmem:$0xB0F0]  }
0x288: {  	v39 =	vld [tilespmem:$0xB230]  }
0x289: {  	v14 =	vadd.f32 v3, v14;
	v3 =	vld [tilespmem:$0x1FC40]  }
0x28a: {  	v7 =	vld [tilespmem:$0xB370];
	_ =	sdelay $0x1  }
0x28b: {  	v10 =	vld [tilespmem:$0xB4B0]  }
0x28c: {  	v8 =	vld [tilespmem:$0xB5F0];
	v23 =	vadd.f32 v39, v32  }
0x28d: {  	v27 =	vadd.f32 v3, v20;
	v3 =	vld [tilespmem:$0x1FC50]  }
0x28e: {  	v7 =	vadd.f32 v7, v23;
	_ =	sdelay $0x1  }
0x28f: {  	v7 =	vadd.f32 v10, v7;
	_ =	sdelay $0x1  }
0x290: {  	v7 =	vadd.f32 v8, v7;
	v8 =	vadd.f32 v3, v16;
	v3 =	vld [tilespmem:$0x1FC60];
	_ =	sdelay $0x4  }
0x291: {  	v14 =	vadd.f32 v3, v14;
	v3 =	vld [tilespmem:$0x1FC70];
	_ =	sdelay $0x4  }
0x292: {  	v21 =	vadd.f32 v3, v27;
	v3 =	vld [tilespmem:$0x1FC80];
	_ =	sdelay $0x4  }
0x293: {  	v8 =	vadd.f32 v3, v8;
	v3 =	vld [tilespmem:$0x1FC90];
	_ =	sdelay $0x4  }
0x294: {  	v14 =	vadd.f32 v3, v14;
	v3 =	vld [tilespmem:$0x1FCA0];
	_ =	sdelay $0x4  }
0x295: {  	v25 =	vadd.f32 v3, v21;
	v3 =	vld [tilespmem:$0x1FCB0];
	_ =	sdelay $0x4  }
0x296: {  	v8 =	vadd.f32 v3, v8;
	v3 =	vld [tilespmem:$0x1FCC0];
	_ =	sdelay $0x3  }
0x297: {  	v15 =	vld [tilespmem:$0xB730]  }
0x298: {  	v14 =	vadd.f32 v3, v14;
	v3 =	vld [tilespmem:$0x1FCD0];
	_ =	sdelay $0x2  }
0x299: {  	v55 =	vld [tilespmem:$0xB870]  }
0x29a: {  	v6 =	vld [tilespmem:$0xB9B0]  }
0x29b: {  	v7 =	vadd.f32 v15, v7;
	v15 =	vadd.f32 v3, v25;
	v3 =	vld [tilespmem:$0x1FCE0];
	_ =	sdelay $0x2  }
0x29c: {  	v7 =	vadd.f32 v55, v7;
	_ =	sdelay $0x1  }
0x29d: {  	v6 =	vadd.f32 v6, v7;
	v7 =	vadd.f32 v3, v8;
	v3 =	vld [tilespmem:$0x1FCF0];
	_ =	sdelay $0x4  }
0x29e: {  	v8 =	vadd.f32 v3, v14;
	v3 =	vld [tilespmem:$0x1FD00];
	_ =	sdelay $0x4  }
0x29f: {  	v27 =	vadd.f32 v3, v15;
	v3 =	vld [tilespmem:$0x1FD10];
	_ =	sdelay $0x4  }
0x2a0: {  	v7 =	vadd.f32 v3, v7;
	v3 =	vld [tilespmem:$0x1FD20];
	_ =	sdelay $0x4  }
0x2a1: {  	v8 =	vadd.f32 v3, v8;
	v3 =	vld [tilespmem:$0x1FD30];
	_ =	sdelay $0x4  }
0x2a2: {  	v14 =	vadd.f32 v3, v27;
	v3 =	vld [tilespmem:$0x1FD40];
	_ =	sdelay $0x4  }
0x2a3: {  	v7 =	vadd.f32 v3, v7;
	v3 =	vld [tilespmem:$0x1FD50];
	_ =	sdelay $0x2  }
0x2a4: {  	v28 =	vld [tilespmem:$0xC130]  }
0x2a5: {  	v19 =	vld [tilespmem:$0xBFF0]  }
0x2a6: {  	v8 =	vadd.f32 v3, v8;
	v3 =	vld [tilespmem:$0x1FD60]  }
0x2a7: {  	v18 =	vld [tilespmem:$0xBAF0]  }
0x2a8: {  	v31 =	vld [tilespmem:$0xB4D0]  }
0x2a9: {  	v39 =	vld [tilespmem:$0xC160]  }
0x2aa: {  	v32 =	vld [tilespmem:$0xB270]  }
0x2ab: {  	v14 =	vadd.f32 v3, v14;
	v3 =	vld [tilespmem:$0x1FD70]  }
0x2ac: {  	v22 =	vld [tilespmem:$0xB120]  }
0x2ad: {  	v9 =	vld [tilespmem:$0xB9F0]  }
0x2ae: {  	v35 =	vld [tilespmem:$0xB610]  }
0x2af: {  	v23 =	vld [tilespmem:$0xC2A0]  }
0x2b0: {  	v7 =	vadd.f32 v3, v7;
	v3 =	vld [tilespmem:$0x1FD80]  }
0x2b1: {  	v26 =	vld [tilespmem:$0xBC30]  }
0x2b2: {  	v10 =	vld [tilespmem:$0xB130]  }
0x2b3: {  	v51 =	vld [tilespmem:$0xBD70]  }
0x2b4: {  	v34 =	vld [tilespmem:$0xB110]  }
0x2b5: {  	v8 =	vadd.f32 v3, v8;
	v3 =	vld [tilespmem:$0x1FD90]  }
0x2b6: {  	v43 =	vld [tilespmem:$0xB9D0]  }
0x2b7: {  	v38 =	vld [tilespmem:$0xBC60]  }
0x2b8: {  	v41 =	vld [tilespmem:$0xB250]  }
0x2b9: {  	v24 =	vld [tilespmem:$0xC020];
	v6 =	vadd.f32 v18, v6  }
0x2ba: {  	v14 =	vadd.f32 v3, v14;
	v3 =	vld [tilespmem:$0x1FDA0]  }
0x2bb: {  	v10 =	vadd.f32 v32, v10;
	v32 =	vld [tilespmem:$0xC040];
	v6 =	vadd.f32 v26, v6  }
0x2bc: {  	v47 =	vld [tilespmem:$0xBC50]  }
0x2bd: {  	v55 =	vld [tilespmem:$0xB8B0];
	v6 =	vadd.f32 v51, v6  }
0x2be: {  	v30 =	vld [tilespmem:$0xC3E0]  }
0x2bf: {  	v6 =	vadd.f32 v3, v6;
	v3 =	vld [tilespmem:$0x1FDB0]  }
0x2c0: {  	v56 =	vld [tilespmem:$0xB240]  }
0x2c1: {  	v37 =	vld [tilespmem:$0xB390]  }
0x2c2: {  	v18 =	vld [tilespmem:$0xBDB0]  }
0x2c3: {  	v44 =	vld [tilespmem:$0xB9E0]  }
0x2c4: {  	v7 =	vadd.f32 v3, v7;
	v3 =	vld [tilespmem:$0x1FDC0]  }
0x2c5: {  	v26 =	vld [tilespmem:$0xB140]  }
0x2c6: {  	v52 =	vld [tilespmem:$0xC010]  }
0x2c7: {  	v51 =	vld [tilespmem:$0xC2B0]  }
0x2c8: {  	v29 =	vld [tilespmem:$0xBEE0]  }
0x2c9: {  	v8 =	vadd.f32 v3, v8;
	v3 =	vld [tilespmem:$0x1FDD0]  }
0x2ca: {  	v12 =	vld [tilespmem:$0xBC70]  }
0x2cb: {  	v48 =	vld [tilespmem:$0xB8A0]  }
0x2cc: {  	v36 =	vld [tilespmem:$0xB750]  }
0x2cd: {  	v58 =	vld [tilespmem:$0xC150]  }
0x2ce: {  	v14 =	vadd.f32 v3, v14;
	v3 =	vld [tilespmem:$0x1FDE0]  }
0x2cf: {  	v42 =	vld [tilespmem:$0xBDA0]  }
0x2d0: {  	v59 =	vld [tilespmem:$0xB4E0]  }
0x2d1: {  	v50 =	vld [tilespmem:$0xBED0]  }
0x2d2: {  	v54 =	vld [tilespmem:$0xB260]  }
0x2d3: {  	v7 =	vadd.f32 v3, v7;
	v3 =	vld [tilespmem:$0x1FDF0]  }
0x2d4: {  	v57 =	vld [tilespmem:$0xB3A0]  }
0x2d5: {  	v40 =	vld [tilespmem:$0xB890]  }
0x2d6: {  	v45 =	vld [tilespmem:$0xBB10]  }
0x2d7: {  	v22 =	vadd.f32 v54, v22;
	v54 =	vld [tilespmem:$0x1FE90]  }
0x2d8: {  	v8 =	vadd.f32 v3, v8;
	v3 =	vld [tilespmem:$0x1FE00]  }
0x2d9: {  	v49 =	vld [tilespmem:$0xBD90]  }
0x2da: {  	v46 =	vld [tilespmem:$0xBB20]  }
0x2db: {  	v53 =	vld [tilespmem:$0xB760]  }
0x2dc: {  	v22 =	vadd.f32 v57, v22;
	v60 =	vld [tilespmem:$0xB620]  }
0x2dd: {  	v14 =	vadd.f32 v3, v14;
	v3 =	vld [tilespmem:$0x1FE10]  }
0x2de: {  	v22 =	vadd.f32 v59, v22;
	v59 =	vld [tilespmem:$0x1FF20]  }
0x2df: {  	v5 =	vld [tilespmem:$0xB770]  }
0x2e0: {  	v17 =	vld [tilespmem:$0xC170]  }
0x2e1: {  	v61 =	vld [tilespmem:$0xB3B0]  }
0x2e2: {  	v25 =	vadd.f32 v3, v7;
	v3 =	vld [tilespmem:$0x1FE20]  }
0x2e3: {  	v4 =	vld [tilespmem:$0x1FE50]  }
0x2e4: {  	v11 =	vld [tilespmem:$0xBB30]  }
0x2e5: {  	v13 =	vld [tilespmem:$0xC030];
	v6 =	vadd.f32 v19, v6  }
0x2e6: {  	v61 =	vadd.f32 v61, v10;
	v10 =	vld [tilespmem:$0xC180]  }
0x2e7: {  	v33 =	vadd.f32 v28, v6;
	v28 =	vadd.f32 v3, v8;
	v3 =	vld [tilespmem:$0x1FE30]  }
0x2e8: {  	v15 =	vld [tilespmem:$0xB280]  }
0x2e9: {  	v62 =	vld [tilespmem:$0xB4F0]  }
0x2ea: {  	v19 =	vld [tilespmem:$0xB3C0]  }
0x2eb: {  	v21 =	vld [tilespmem:$0xB500]  }
0x2ec: {  	v8 =	vadd.f32 v3, v14;
	v14 =	vadd.f32 v4, v28;
	v4 =	vld [tilespmem:$0x1FE60]  }
0x2ed: {  	v15 =	vadd.f32 v15, v26;
	v6 =	vld [tilespmem:$0xB640]  }
0x2ee: {  	v3 =	vld [tilespmem:$0x1FE40]  }
0x2ef: {  	v63 =	vld [tilespmem:$0xB630];
	v15 =	vadd.f32 v19, v15  }
0x2f0: {  	v7 =	vld [tilespmem:$0xB780]  }
0x2f1: {  	v15 =	vadd.f32 v21, v15;
	v4 =	vadd.f32 v56, v4;
	v56 =	vld [tilespmem:$0x1FE70]  }
0x2f2: {  	v20 =	vld [tilespmem:$0xC3F0]  }
0x2f3: {  	v6 =	vadd.f32 v6, v15;
	v3 =	vadd.f32 v3, v33;
	v33 =	vld [tilespmem:$0xB8C0]  }
0x2f4: {  	v16 =	vld [tilespmem:$0xBEF0]  }
0x2f5: {  	v27 =	vld [tilespmem:$0xBA00];
	v6 =	vadd.f32 v7, v6  }
0x2f6: {  	v28 =	vadd.f32 v56, v3;
	v3 =	vadd.f32 v41, v34;
	v56 =	vld [tilespmem:$0xBB40]  }
0x2f7: {  	v41 =	vld [tilespmem:$0x1FE80]  }
0x2f8: {  	v6 =	vadd.f32 v33, v6;
	v33 =	vld [tilespmem:$0x1FFF0];
	v3 =	vadd.f32 v37, v3  }
0x2f9: {  	v37 =	vld [tilespmem:$0xBDC0]  }
0x2fa: {  	v3 =	vadd.f32 v31, v3;
	v31 =	vadd.f32 v62, v61;
	v61 =	vld [tilespmem:$0x1FEB0]  }
0x2fb: {  	v62 =	vadd.f32 v60, v22;
	v22 =	vld [tilespmem:$0xC400]  }
0x2fc: {  	v60 =	vld [tilespmem:$0x1FED0]  }
0x2fd: {  	v4 =	vadd.f32 v41, v4;
	v41 =	vld [tilespmem:$0xBC80]  }
0x2fe: {  	v31 =	vadd.f32 v63, v31;
	v63 =	vld [tilespmem:$0x1FEC0]  }
0x2ff: {  	v53 =	vadd.f32 v53, v62;
	v62 =	vld [tilespmem:$0x1FEE0]  }
0x300: {  	v3 =	vadd.f32 v35, v3;
	v34 =	vadd.f32 v54, v4;
	v54 =	vld [tilespmem:$0x1FEA0]  }
0x301: {  	v4 =	vld [tilespmem:$0xBF00]  }
0x302: {  	v3 =	vadd.f32 v36, v3;
	v36 =	vld [tilespmem:$0xB150];
	v5 =	vadd.f32 v5, v31  }
0x303: {  	v31 =	vld [tilespmem:$0xB3D0]  }
0x304: {  	v5 =	vadd.f32 v55, v5;
	v55 =	vld [tilespmem:$0x1FF00]  }
0x305: {  	v3 =	vadd.f32 v40, v3;
	v57 =	vadd.f32 v54, v34;
	v34 =	vld [tilespmem:$0xC2C0]  }
0x306: {  	v54 =	vld [tilespmem:$0xB290]  }
0x307: {  	v3 =	vadd.f32 v43, v3;
	v43 =	vld [tilespmem:$0xB650];
	v5 =	vadd.f32 v9, v5  }
0x308: {  	v35 =	vadd.f32 v61, v57;
	v61 =	vadd.f32 v48, v53;
	v48 =	vld [tilespmem:$0xB510]  }
0x309: {  	v3 =	vadd.f32 v45, v3;
	v45 =	vld [tilespmem:$0xB8D0]  }
0x30a: {  	v5 =	vadd.f32 v11, v5;
	v11 =	vld [tilespmem:$0xBB50]  }
0x30b: {  	v57 =	vld [tilespmem:$0x1FF10]  }
0x30c: {  	v40 =	vadd.f32 v44, v61;
	v44 =	vld [tilespmem:$0xB790]  }
0x30d: {  	v35 =	vadd.f32 v63, v35;
	v63 =	vld [tilespmem:$0x1FEF0]  }
0x30e: {  	v5 =	vadd.f32 v12, v5;
	v12 =	vld [tilespmem:$0xBDD0]  }
0x30f: {  	v3 =	vadd.f32 v47, v3;
	v47 =	vld [tilespmem:$0xC060]  }
0x310: {  	v35 =	vadd.f32 v60, v35;
	v53 =	vadd.f32 v46, v40;
	v40 =	vld [tilespmem:$0xBA10]  }
0x311: {  	v3 =	vadd.f32 v49, v3;
	v5 =	vadd.f32 v18, v5;
	v18 =	vld [tilespmem:$0xC050]  }
0x312: {  	v49 =	vld [tilespmem:$0xB2A0];
	v35 =	vadd.f32 v62, v35  }
0x313: {  	v3 =	vadd.f32 v50, v3;
	v5 =	vadd.f32 v16, v5;
	v50 =	vld [tilespmem:$0x1FF50]  }
0x314: {  	v9 =	vadd.f32 v63, v35;
	v35 =	vadd.f32 v38, v53;
	v38 =	vld [tilespmem:$0xBC90]  }
0x315: {  	v60 =	vadd.f32 v52, v3;
	v3 =	vld [tilespmem:$0x1FF30]  }
0x316: {  	v5 =	vadd.f32 v13, v5;
	v13 =	vld [tilespmem:$0xB160]  }
0x317: {  	v63 =	vld [tilespmem:$0x1FF40]  }
0x318: {  	v52 =	vld [tilespmem:$0xB170]  }
0x319: {  	v53 =	vld [tilespmem:$0x1FF60]  }
0x31a: {  	v35 =	vadd.f32 v42, v35;
	v42 =	vld [tilespmem:$0xBF10]  }
0x31b: {  	v9 =	vadd.f32 v55, v9;
	v55 =	vld [tilespmem:$0xB2B0]  }
0x31c: {  	v62 =	vadd.f32 v58, v60;
	v58 =	vld [tilespmem:$0x1FF80]  }
0x31d: {  	v60 =	vld [tilespmem:$0xB3F0]  }
0x31e: {  	v5 =	vadd.f32 v17, v5;
	v29 =	vadd.f32 v29, v35;
	v35 =	vld [tilespmem:$0xC190]  }
0x31f: {  	v9 =	vadd.f32 v57, v9;
	v57 =	vld [tilespmem:$0x1FF70]  }
0x320: {  	v6 =	vadd.f32 v27, v6;
	v5 =	vadd.f32 v51, v5;
	v51 =	vld [tilespmem:$0xB660]  }
0x321: {  	v46 =	vadd.f32 v59, v9;
	v9 =	vld [tilespmem:$0xC2D0]  }
0x322: {  	v6 =	vadd.f32 v56, v6;
	v59 =	vld [tilespmem:$0xB3E0]  }
0x323: {  	v24 =	vadd.f32 v24, v29;
	v29 =	vadd.f32 v50, v62;
	v50 =	vld [tilespmem:$0x1FFA0]  }
0x324: {  	v62 =	vadd.f32 v54, v36;
	v54 =	vld [tilespmem:$0xB7A0];
	v61 =	vadd.f32 v3, v46  }
0x325: {  	v6 =	vadd.f32 v41, v6;
	v17 =	vadd.f32 v55, v52;
	v52 =	vld [tilespmem:$0xB670]  }
0x326: {  	v46 =	vmax.f32 v58, $1.000000000e+00;
	v16 =	vadd.f32 v63, v61;
	v61 =	vld [tilespmem:$0x1FF90]  }
0x327: {  	v6 =	vadd.f32 v37, v6;
	(erf) = vrcp.f32 v46;
	v46 =	vld [tilespmem:$0xB530]  }
0x328: {  	v13 =	vadd.f32 v49, v13;
	v5 =	vadd.f32 v20, v5;
	v63 =	vld [tilespmem:$0xB520]  }
0x329: {  	v55 =	vld [tilespmem:$0xB7B0];
	v24 =	vadd.f32 v39, v24;
	v49 =	vadd.f32 v31, v62  }
0x32a: {  	v29 =	vadd.f32 v57, v29;
	v17 =	vadd.f32 v60, v17;
	v60 =	vld [tilespmem:$0x1FFD0]  }
0x32b: {  	v13 =	vadd.f32 v59, v13;
	v16 =	vadd.f32 v53, v16;
	v53 =	vld [tilespmem:$0x1FFB0];
	v20 =	vmax.f32 v61, $1.000000000e+00  }
0x32c: {  	v57 =	vld [tilespmem:$0x1FFC0];
	v23 =	vadd.f32 v23, v24;
	(erf) = vrcp.f32 v20;
	v20 =	vadd.f32 v48, v49  }
0x32d: {  	v8 =	vmax.f32 v8, $1.000000000e+00;
	v58 =	vld [tilespmem:$0xB8E0];
	v17 =	vadd.f32 v46, v17;
	v13 =	vadd.f32 v63, v13  }
0x32e: {  	v59 =	vld [tilespmem:$0xB8F0];
	v23 =	vadd.f32 v30, v23;
	v30 =	vmax.f32 v50, $1.000000000e+00;
	v20 =	vadd.f32 v43, v20  }
0x32f: {  	v24 =	vmax.f32 v60, $1.000000000e+00;
	v63 =	vld [tilespmem:$0x1FFE0];
	v17 =	vadd.f32 v52, v17;
	v7 =	vadd.f32 v51, v13  }
0x330: {  	v61 =	vld [tilespmem:$0xBA20];
	(erf) = vrcp.f32 v30;
	v30 =	vmax.f32 v53, $1.000000000e+00;
	v20 =	vadd.f32 v44, v20  }
0x331: {  	v62 =	vld [tilespmem:$0xBA30];
	(erf) = vrcp.f32 v30;
	v30 =	vmax.f32 v57, $1.000000000e+00;
	v7 =	vadd.f32 v54, v7  }
0x332: {  	v15 =	vadd.f32 v55, v17;
	(erf) = vrcp.f32 v30;
	v30 =	vld [tilespmem:$0xBB60];
	v20 =	vadd.f32 v45, v20  }
0x333: {  	v4 =	vadd.f32 v4, v6;
	v31 =	vld [tilespmem:$0xBB70];
	(erf) = vrcp.f32 v24;
	v7 =	vadd.f32 v58, v7  }
0x334: {  	v36 =	vld [tilespmem:$0xBCA0];
	v26 =	vmax.f32 v63, $1.000000000e+00;
	v13 =	vadd.f32 v59, v15;
	v20 =	vadd.f32 v40, v20  }
0x335: {  	v4 =	vadd.f32 v32, v4;
	v39 =	vld [tilespmem:$0xBCB0];
	(erf) = vrcp.f32 v26;
	v7 =	vadd.f32 v61, v7  }
0x336: {  	v43 =	vld [tilespmem:$0xBDE0];
	v26 =	vmax.f32 v33, $1.000000000e+00;
	v13 =	vadd.f32 v62, v13;
	v11 =	vadd.f32 v11, v20  }
0x337: {  	v44 =	vld [tilespmem:$0xBDF0];
	(erf) = vrcp.f32 v26;
	v40 =	vmax.f32 v25, $1.000000000e+00;
	v7 =	vadd.f32 v30, v7  }
0x338: {  	v45 =	vld [tilespmem:$0xBF20];
	v13 =	vadd.f32 v31, v13;
	(erf) = vrcp.f32 v40;
	v11 =	vadd.f32 v38, v11  }
0x339: {  	v4 =	vadd.f32 v10, v4;
	(erf) = vrcp.f32 v8;
	v8 =	vld [tilespmem:$0xBF30];
	v7 =	vadd.f32 v36, v7  }
0x33a: {  	v3 =	vld [tilespmem:$0xC410];
	v13 =	vadd.f32 v39, v13;
	v11 =	vadd.f32 v12, v11  }
0x33b: {  	v4 =	vadd.f32 v34, v4;
	v6 =	vadd.f32 v43, v7;
	v7 =	vld [tilespmem:$0xC070]  }
0x33c: {  	v49 =	vld [tilespmem:$0xC1A0];
	v13 =	vadd.f32 v44, v13;
	v11 =	vadd.f32 v42, v11  }
0x33d: {  	v4 =	vadd.f32 v22, v4;
	v5 =	vmax.f32 v5, $1.000000000e+00;
	v50 =	vld [tilespmem:$0xC1B0];
	v6 =	vadd.f32 v45, v6  }
0x33e: {  	v46 =	vmax.f32 v14, $1.000000000e+00;
	v52 =	vld [tilespmem:$0xC2E0];
	v8 =	vadd.f32 v8, v13;
	v11 =	vadd.f32 v18, v11  }
0x33f: {  	v16 =	vmax.f32 v16, $1.000000000e+00;
	v48 =	vmax.f32 v28, $1.000000000e+00;
	v53 =	vld [tilespmem:$0xC2F0];
	v6 =	vadd.f32 v47, v6  }
0x340: {  	v51 =	vpop (erf);
	(erf) = vrcp.f32 v46;
	v7 =	vadd.f32 v7, v8;
	v8 =	vld [tilespmem:$0xC420];
	v11 =	vadd.f32 v35, v11  }
0x341: {  	v55 =	vmax.f32 v29, $1.000000000e+00;
	v57 =	vld [tilespmem:$0xC430];
	[tilespmem:$0xC440] =	vst v51;
	v54 =	vpop (erf);
	(erf) = vrcp.f32 v48;
	v6 =	vadd.f32 v49, v6  }
0x342: {  	[tilespmem:$0xC450] =	vst v54;
	v56 =	vpop (erf);
	(erf) = vrcp.f32 v16;
	v7 =	vadd.f32 v50, v7;
	v9 =	vadd.f32 v9, v11  }
0x343: {  	v59 =	vmax.f32 v23, $1.000000000e+00;
	v58 =	vpop (erf);
	[tilespmem:$0xC460] =	vst v56;
	(erf) = vrcp.f32 v55;
	v6 =	vadd.f32 v52, v6  }
0x344: {  	[tilespmem:$0xC470] =	vst v58;
	v60 =	vpop (erf);
	(erf) = vrcp.f32 v59;
	v7 =	vadd.f32 v53, v7;
	v3 =	vadd.f32 v3, v9  }
0x345: {  	v4 =	vmax.f32 v4, $1.000000000e+00;
	v61 =	vpop (erf);
	[tilespmem:$0xC480] =	vst v60;
	(erf) = vrcp.f32 v5;
	v5 =	vadd.f32 v8, v6  }
0x346: {  	[tilespmem:$0xC490] =	vst v61;
	v62 =	vpop (erf);
	(erf) = vrcp.f32 v4;
	v4 =	vadd.f32 v57, v7;
	v3 =	vmax.f32 v3, $1.000000000e+00  }
0x347: {  	[tilespmem:$0xC4A0] =	vst v62;
	v6 =	vpop (erf);
	(erf) = vrcp.f32 v3;
	v3 =	vmax.f32 v5, $1.000000000e+00  }
0x348: {  	[tilespmem:$0xC4B0] =	vst v6;
	v6 =	vpop (erf);
	(erf) = vrcp.f32 v3;
	v3 =	vmax.f32 v4, $1.000000000e+00  }
0x349: {  	[tilespmem:$0xC4C0] =	vst v6;
	v5 =	vpop (erf)  }
0x34a: {  	[tilespmem:$0xC4D0] =	vst v5;
	v4 =	vpop (erf);
	(erf) = vrcp.f32 v3  }
0x34b: {  	[tilespmem:$0xC4E0] =	vst v4;
	v3 =	vpop (erf)  }
0x34c: {  	v4 =	vpop (erf);
	[tilespmem:$0xC4F0] =	vst v3  }
0x34d: {  	v3 =	vpop (erf);
	[tilespmem:$0xC500] =	vst v4  }
0x34e: {  	v4 =	vpop (erf);
	[tilespmem:$0xC510] =	vst v3  }
0x34f: {  	v3 =	vpop (erf);
	[tilespmem:$0xC520] =	vst v4  }
0x350: {  	v4 =	vpop (erf);
	[tilespmem:$0xC530] =	vst v3  }
0x351: {  	v3 =	vpop (erf);
	[tilespmem:$0xC540] =	vst v4  }
0x352: {  	v4 =	vpop (erf);
	[tilespmem:$0xC550] =	vst v3  }
0x353: {  	[tilespmem:$0xC560] =	vst v4;
	v3 =	vpop (erf)  }
0x354: {  	s18 =	simm.s32 $0x0;
	[tilespmem:$0xC570] =	vst v3  }
0x355: {  	v3 =	vmov s18;
	_ =	swait.ge [sflag:s22], $0x1400  }
0x356: {  	[sflag:s22] =	ssyncset.done $0x0  }
0x357: {  	s16 =	simm.s32 $0xC5A0;
	[sflag:s22] =	ssyncadd.s32 $0xFFFFEC00  }
0x358: {  	v5 =	vld [tilespmem:s16+$0xFFFFFFF0]  }
0x359: {  	v6 =	vld [tilespmem:s16+$0x10]  }
0x35a: {  	v8 =	vld.idx.msk [tilespmem:v3+s2+$0x0], $0xffff  }
0x35b: {  	v3 =	vld [tilespmem:s16+$0xFFFFFFE0]  }
0x35c: {  	v63 =	vld [tilespmem:s16+$0x0];
	_ =	sdelay $0x3  }
0x35d: {  	s19 =	simm.s32 $0x1;
	v4 =	vmul.f32 v3, v8;
	v7 =	vmul.f32 v6, v8  }
0x35e: {  	s17 =	simm.s32 $0x2;
	s18 =	simm.s32 $0xC5A0;
	v3 =	vmov s19;
	v6 =	vmul.f32 v5, v8;
	v5 =	vmul.f32 v63, v8  }
.LBB2_13:
0x35f: {  	p1 =	sne.s32 s17, $0x4F  }
0x360: {  	[tilespmem:s16+$0x10] =	vst v7;
	s18 =	sadd.s32 $0x40, s18;
	s19 =	smov.u32 s17;
	s17 =	sadd.s32 $0x1, s17  }
0x361: {  	[tilespmem:s16+$0xFFFFFFE0] =	vst v4  }
0x362: {  	v8 =	vld [tilespmem:s18+$0xFFFFFFF0];
	[tilespmem:s16+$0xFFFFFFF0] =	vst v6  }
0x363: {  	v6 =	vld [tilespmem:s18+$0x10];
	[tilespmem:s16+$0x0] =	vst v5;
	s16 =	smov.u32 s18  }
0x364: {  	v5 =	vld.idx.msk [tilespmem:v3+s2+$0x0], $0xffff  }
0x365: {  	v3 =	vld [tilespmem:s18+$0xFFFFFFE0]  }
0x366: {  	v9 =	vld [tilespmem:s18+$0x0]  }
.Ltmp6:
0x367: {  	(pc) =	sbr.rel @p1 .LBB2_13-.Ltmp6, $3  }
0x368: {  	_ =	sdelay $0x1  }
0x369: {  	v7 =	vmul.f32 v6, v5;
	v4 =	vmul.f32 v3, v5  }
0x36a: {  	v6 =	vmul.f32 v8, v5;
	v3 =	vmov s19;
	v5 =	vmul.f32 v9, v5  }
0x36b: {  	[tilespmem:s16+$0x10] =	vst v7  }
0x36c: {  	s17 =	sadd.s32 $0x40, s18;
	[tilespmem:s16+$0xFFFFFFE0] =	vst v4  }
0x36d: {  	v4 =	vld [tilespmem:s17+$0xFFFFFFF0];
	[tilespmem:s16+$0xFFFFFFF0] =	vst v6  }
0x36e: {  	v6 =	vld [tilespmem:s17+$0x10];
	[tilespmem:s16+$0x0] =	vst v5  }
0x36f: {  	v3 =	vld.idx.msk [tilespmem:v3+s2+$0x0], $0xffff  }
0x370: {  	v5 =	vld [tilespmem:s17+$0xFFFFFFE0];
	_ =	sdelay $0x1  }
0x371: {  	v7 =	vld [tilespmem:s17+$0x0];
	_ =	sdelay $0x1  }
0x372: {  	v6 =	vmul.f32 v6, v3  }
0x373: {  	s18 =	simm.s32 $0x0;
	v5 =	vmul.f32 v5, v3  }
0x374: {  	v4 =	vmul.f32 v4, v3;
	[tilespmem:s17+$0x10] =	vst v6;
	v6 =	vmov s18  }
0x375: {  	v3 =	vmul.f32 v7, v3;
	[tilespmem:s17+$0xFFFFFFE0] =	vst v5;
	v5 =	vadd.s32 $0x50, v6  }
0x376: {  	[tilespmem:s17+$0xFFFFFFF0] =	vst v4;
	v4 =	vbroadcast v5, $0x0  }
0x377: {  	[tilespmem:s17+$0x0] =	vst v3  }
0x378: {  	_ =	swait.ge [sflag:s22], $0x1400  }
0x379: {  	[sflag:s22] =	ssyncset.done $0x0  }
0x37a: {  	s16 =	simm.s32 $0xD9A0;
	[sflag:s22] =	ssyncadd.s32 $0xFFFFEC00  }
0x37b: {  	v6 =	vld [tilespmem:s16+$0x10]  }
0x37c: {  	v4 =	vld.idx.msk [tilespmem:v4+s2+$0x0], $0xffff;
	_ =	sdelay $0x1  }
0x37d: {  	v5 =	vld [tilespmem:s16+$0xFFFFFFF0]  }
0x37e: {  	v8 =	vld [tilespmem:s16+$0x0]  }
0x37f: {  	s19 =	simm.s32 $0x1  }
0x380: {  	v3 =	vmov s19;
	v7 =	vmul.f32 v6, v4;
	v6 =	vld [tilespmem:s16+$0xFFFFFFE0]  }
0x381: {  	v3 =	vadd.s32 $0x50, v3  }
0x382: {  	v3 =	vbroadcast v3, $0x0  }
0x383: {  	s18 =	simm.s32 $0x2;
	s17 =	simm.s32 $0xD9A0;
	v5 =	vmul.f32 v5, v4;
	v8 =	vmul.f32 v8, v4  }
.LBB2_15:
0x384: {  	p1 =	sne.s32 s18, $0x4F  }
0x385: {  	v4 =	vmul.f32 v6, v4;
	[tilespmem:s16+$0x10] =	vst v7;
	s17 =	sadd.s32 $0x40, s17;
	s19 =	smov.u32 s18;
	s18 =	sadd.s32 $0x1, s18  }
0x386: {  	[tilespmem:s16+$0x0] =	vst v8  }
0x387: {  	[tilespmem:s16+$0xFFFFFFE0] =	vst v4  }
0x388: {  	v8 =	vld [tilespmem:s17+$0xFFFFFFF0];
	[tilespmem:s16+$0xFFFFFFF0] =	vst v5;
	s16 =	smov.u32 s17  }
0x389: {  	v4 =	vld.idx.msk [tilespmem:v3+s2+$0x0], $0xffff  }
0x38a: {  	v5 =	vld [tilespmem:s17+$0x10]  }
0x38b: {  	v9 =	vld [tilespmem:s17+$0x0]  }
.Ltmp7:
0x38c: {  	v6 =	vld [tilespmem:s17+$0xFFFFFFE0];
	(pc) =	sbr.rel @p1 .LBB2_15-.Ltmp7, $4  }
0x38d: {  	v3 =	vmov s19  }
0x38e: {  	v3 =	vadd.s32 $0x50, v3  }
0x38f: {  	v3 =	vbroadcast v3, $0x0;
	v7 =	vmul.f32 v5, v4  }
0x390: {  	v5 =	vmul.f32 v8, v4;
	v8 =	vmul.f32 v9, v4  }
0x391: {  	v4 =	vmul.f32 v6, v4;
	[tilespmem:s16+$0x10] =	vst v7  }
0x392: {  	[tilespmem:s16+$0x0] =	vst v8  }
0x393: {  	s17 =	sadd.s32 $0x40, s17;
	[tilespmem:s16+$0xFFFFFFE0] =	vst v4  }
0x394: {  	v4 =	vld [tilespmem:s17+$0xFFFFFFF0];
	[tilespmem:s16+$0xFFFFFFF0] =	vst v5  }
0x395: {  	v3 =	vld.idx.msk [tilespmem:v3+s2+$0x0], $0xffff  }
0x396: {  	v5 =	vld [tilespmem:s17+$0x10]  }
0x397: {  	v6 =	vld [tilespmem:s17+$0x0]  }
0x398: {  	v7 =	vld [tilespmem:s17+$0xFFFFFFE0];
	_ =	sdelay $0x2  }
0x399: {  	v5 =	vmul.f32 v5, v3  }
0x39a: {  	s18 =	simm.s32 $0x0;
	v6 =	vmul.f32 v6, v3  }
0x39b: {  	v7 =	vmul.f32 v7, v3;
	[tilespmem:s17+$0x10] =	vst v5;
	v5 =	vmov s18  }
0x39c: {  	v3 =	vmul.f32 v4, v3;
	[tilespmem:s17+$0x0] =	vst v6;
	v4 =	vadd.s32 $0xA0, v5  }
0x39d: {  	[tilespmem:s17+$0xFFFFFFE0] =	vst v7;
	v4 =	vbroadcast v4, $0x0  }
0x39e: {  	[tilespmem:s17+$0xFFFFFFF0] =	vst v3  }
0x39f: {  	_ =	swait.ge [sflag:s22], $0x1400  }
0x3a0: {  	[sflag:s22] =	ssyncset.done $0x0  }
0x3a1: {  	s16 =	simm.s32 $0xEDA0;
	[sflag:s22] =	ssyncadd.s32 $0xFFFFEC00  }
0x3a2: {  	v6 =	vld [tilespmem:s16+$0x10]  }
0x3a3: {  	v4 =	vld.idx.msk [tilespmem:v4+s2+$0x0], $0xffff;
	_ =	sdelay $0x1  }
0x3a4: {  	v5 =	vld [tilespmem:s16+$0xFFFFFFF0]  }
0x3a5: {  	v8 =	vld [tilespmem:s16+$0x0]  }
0x3a6: {  	s19 =	simm.s32 $0x1  }
0x3a7: {  	v3 =	vmov s19;
	v7 =	vmul.f32 v6, v4;
	v6 =	vld [tilespmem:s16+$0xFFFFFFE0]  }
0x3a8: {  	v3 =	vadd.s32 $0xA0, v3  }
0x3a9: {  	v3 =	vbroadcast v3, $0x0  }
0x3aa: {  	s18 =	simm.s32 $0x2;
	s17 =	simm.s32 $0xEDA0;
	v5 =	vmul.f32 v5, v4;
	v8 =	vmul.f32 v8, v4  }
.LBB2_17:
0x3ab: {  	p1 =	sne.s32 s18, $0x4F  }
0x3ac: {  	v4 =	vmul.f32 v6, v4;
	[tilespmem:s16+$0x10] =	vst v7;
	s17 =	sadd.s32 $0x40, s17;
	s19 =	smov.u32 s18;
	s18 =	sadd.s32 $0x1, s18  }
0x3ad: {  	[tilespmem:s16+$0x0] =	vst v8  }
0x3ae: {  	[tilespmem:s16+$0xFFFFFFE0] =	vst v4  }
0x3af: {  	v8 =	vld [tilespmem:s17+$0xFFFFFFF0];
	[tilespmem:s16+$0xFFFFFFF0] =	vst v5;
	s16 =	smov.u32 s17  }
0x3b0: {  	v4 =	vld.idx.msk [tilespmem:v3+s2+$0x0], $0xffff  }
0x3b1: {  	v5 =	vld [tilespmem:s17+$0x10]  }
0x3b2: {  	v9 =	vld [tilespmem:s17+$0x0]  }
.Ltmp8:
0x3b3: {  	v6 =	vld [tilespmem:s17+$0xFFFFFFE0];
	(pc) =	sbr.rel @p1 .LBB2_17-.Ltmp8, $4  }
0x3b4: {  	v3 =	vmov s19  }
0x3b5: {  	v3 =	vadd.s32 $0xA0, v3  }
0x3b6: {  	v3 =	vbroadcast v3, $0x0;
	v7 =	vmul.f32 v5, v4  }
0x3b7: {  	v5 =	vmul.f32 v8, v4;
	v8 =	vmul.f32 v9, v4  }
0x3b8: {  	v4 =	vmul.f32 v6, v4;
	[tilespmem:s16+$0x10] =	vst v7  }
0x3b9: {  	[tilespmem:s16+$0x0] =	vst v8  }
0x3ba: {  	s17 =	sadd.s32 $0x40, s17;
	[tilespmem:s16+$0xFFFFFFE0] =	vst v4  }
0x3bb: {  	v4 =	vld [tilespmem:s17+$0xFFFFFFF0];
	[tilespmem:s16+$0xFFFFFFF0] =	vst v5  }
0x3bc: {  	v3 =	vld.idx.msk [tilespmem:v3+s2+$0x0], $0xffff  }
0x3bd: {  	v5 =	vld [tilespmem:s17+$0x10]  }
0x3be: {  	v6 =	vld [tilespmem:s17+$0x0]  }
0x3bf: {  	v7 =	vld [tilespmem:s17+$0xFFFFFFE0];
	_ =	sdelay $0x2  }
0x3c0: {  	v5 =	vmul.f32 v5, v3  }
0x3c1: {  	s18 =	simm.s32 $0x0;
	v6 =	vmul.f32 v6, v3  }
0x3c2: {  	v7 =	vmul.f32 v7, v3;
	[tilespmem:s17+$0x10] =	vst v5;
	v5 =	vmov s18  }
0x3c3: {  	v3 =	vmul.f32 v4, v3;
	[tilespmem:s17+$0x0] =	vst v6;
	v4 =	vadd.s32 $0xF0, v5  }
0x3c4: {  	[tilespmem:s17+$0xFFFFFFE0] =	vst v7;
	v4 =	vbroadcast v4, $0x0  }
0x3c5: {  	[tilespmem:s17+$0xFFFFFFF0] =	vst v3  }
0x3c6: {  	_ =	swait.ge [sflag:s22], $0x1400  }
0x3c7: {  	[sflag:s22] =	ssyncset.done $0x0  }
0x3c8: {  	s16 =	simm.s32 $0x101A0;
	[sflag:s22] =	ssyncadd.s32 $0xFFFFEC00  }
0x3c9: {  	v6 =	vld [tilespmem:s16+$0x10]  }
0x3ca: {  	v4 =	vld.idx.msk [tilespmem:v4+s2+$0x0], $0xffff;
	_ =	sdelay $0x1  }
0x3cb: {  	v5 =	vld [tilespmem:s16+$0xFFFFFFF0]  }
0x3cc: {  	v8 =	vld [tilespmem:s16+$0x0]  }
0x3cd: {  	s19 =	simm.s32 $0x1  }
0x3ce: {  	v3 =	vmov s19;
	v7 =	vmul.f32 v6, v4;
	v6 =	vld [tilespmem:s16+$0xFFFFFFE0]  }
0x3cf: {  	v3 =	vadd.s32 $0xF0, v3  }
0x3d0: {  	v3 =	vbroadcast v3, $0x0  }
0x3d1: {  	s18 =	simm.s32 $0x2;
	s17 =	simm.s32 $0x101A0;
	v5 =	vmul.f32 v5, v4;
	v8 =	vmul.f32 v8, v4  }
.LBB2_19:
0x3d2: {  	p1 =	sne.s32 s18, $0x4F  }
0x3d3: {  	v4 =	vmul.f32 v6, v4;
	[tilespmem:s16+$0x10] =	vst v7;
	s17 =	sadd.s32 $0x40, s17;
	s19 =	smov.u32 s18;
	s18 =	sadd.s32 $0x1, s18  }
0x3d4: {  	[tilespmem:s16+$0x0] =	vst v8  }
0x3d5: {  	[tilespmem:s16+$0xFFFFFFE0] =	vst v4  }
0x3d6: {  	v8 =	vld [tilespmem:s17+$0xFFFFFFF0];
	[tilespmem:s16+$0xFFFFFFF0] =	vst v5;
	s16 =	smov.u32 s17  }
0x3d7: {  	v4 =	vld.idx.msk [tilespmem:v3+s2+$0x0], $0xffff  }
0x3d8: {  	v5 =	vld [tilespmem:s17+$0x10]  }
0x3d9: {  	v9 =	vld [tilespmem:s17+$0x0]  }
.Ltmp9:
0x3da: {  	v6 =	vld [tilespmem:s17+$0xFFFFFFE0];
	(pc) =	sbr.rel @p1 .LBB2_19-.Ltmp9, $4  }
0x3db: {  	v3 =	vmov s19  }
0x3dc: {  	v3 =	vadd.s32 $0xF0, v3  }
0x3dd: {  	v3 =	vbroadcast v3, $0x0;
	v7 =	vmul.f32 v5, v4  }
0x3de: {  	v5 =	vmul.f32 v8, v4;
	v8 =	vmul.f32 v9, v4  }
0x3df: {  	v4 =	vmul.f32 v6, v4;
	[tilespmem:s16+$0x10] =	vst v7  }
0x3e0: {  	[tilespmem:s16+$0x0] =	vst v8  }
0x3e1: {  	s17 =	sadd.s32 $0x40, s17;
	[tilespmem:s16+$0xFFFFFFE0] =	vst v4  }
0x3e2: {  	v4 =	vld [tilespmem:s17+$0xFFFFFFF0];
	[tilespmem:s16+$0xFFFFFFF0] =	vst v5  }
0x3e3: {  	v3 =	vld.idx.msk [tilespmem:v3+s2+$0x0], $0xffff  }
0x3e4: {  	v5 =	vld [tilespmem:s17+$0x10]  }
0x3e5: {  	v63 =	vld [tilespmem:s17+$0x0]  }
0x3e6: {  	v7 =	vld [tilespmem:s17+$0xFFFFFFE0];
	_ =	sdelay $0x2  }
0x3e7: {  	v5 =	vmul.f32 v5, v3  }
0x3e8: {  	v6 =	vmul.f32 v63, v3  }
0x3e9: {  	v7 =	vmul.f32 v7, v3;
	[tilespmem:s17+$0x10] =	vst v5  }
0x3ea: {  	v3 =	vmul.f32 v4, v3;
	[tilespmem:s17+$0x0] =	vst v6  }
0x3eb: {  	s18 =	simm.s32 @p0 $0xC580;
	[tilespmem:s17+$0xFFFFFFE0] =	vst v7  }
0x3ec: {  	s19 =	rddreg [dreg:$0xf];
	s16 =	simm.s32 @p0 $0x40;
	[tilespmem:s17+$0xFFFFFFF0] =	vst v3;
	s17 =	simm.s32 @p0 $0x80  }
0x3ed: {  	[hbm4b:s19+s16] =	stream.strided.scatter @p0 [tilespmem:s18], [sflag:$0x3], $0x1400, s17, s16, $0x38;
	[tilespmem:$0x1F180] =	vst v63  }
0x3ee: {  	s18 =	simm.s32 @p0 $0xD980;
	s19 =	rddreg [dreg:$0x10]  }
0x3ef: {  	[hbm4b:s19+s16] =	stream.strided.scatter @p0 [tilespmem:s18], [sflag:$0x3], $0x1400, s17, s16, $0x38;
	[tilespmem:$0x1F180] =	vst v63  }
0x3f0: {  	s18 =	simm.s32 @p0 $0xED80;
	s19 =	rddreg [dreg:$0x11]  }
0x3f1: {  	[hbm4b:s19+s16] =	stream.strided.scatter @p0 [tilespmem:s18], [sflag:$0x3], $0xA00, s17, s16, $0x38;
	[tilespmem:$0x1F180] =	vst v63  }
0x3f2: {  	s16 =	simm.s32 @p0 $0x3  }
0x3f3: {  	_ =	swait.ge @p0 [sflag:s16], $0x1400  }
0x3f4: {  	[sflag:s16] =	ssyncset.done @p0 $0x0  }
0x3f5: {  	[sflag:s16] =	ssyncadd.s32 @p0 $0xFFFFEC00  }
0x3f6: {  	_ =	swait.ge @p0 [sflag:s16], $0x1400  }
0x3f7: {  	[sflag:s16] =	ssyncset.done @p0 $0x0  }
0x3f8: {  	[sflag:s16] =	ssyncadd.s32 @p0 $0xFFFFEC00  }
0x3f9: {  	_ =	swait.ge @p0 [sflag:s16], $0xA00  }
0x3fa: {  	s17 =	simm.s32 @!p0 $0x80;
	s18 =	simm.s32 @!p0 $0xC580;
	[sflag:s16] =	ssyncset.done @p0 $0x0  }
0x3fb: {  	s19 =	rddreg [dreg:$0xb];
	[sflag:s16] =	ssyncadd.s32 @p0 $0xFFFFF600;
	s16 =	simm.s32 @!p0 $0x40  }
0x3fc: {  	[hbm4b:s19+s16] =	stream.strided.scatter @!p0 [tilespmem:s18], [sflag:$0x3], $0x1400, s17, s16, $0x38;
	[tilespmem:$0x1F180] =	vst v63  }
0x3fd: {  	s18 =	simm.s32 @!p0 $0xD980;
	s19 =	rddreg [dreg:$0xc]  }
0x3fe: {  	[hbm4b:s19+s16] =	stream.strided.scatter @!p0 [tilespmem:s18], [sflag:$0x3], $0x1400, s17, s16, $0x38;
	[tilespmem:$0x1F180] =	vst v63  }
0x3ff: {  	s18 =	simm.s32 @!p0 $0xED80;
	s19 =	rddreg [dreg:$0xd]  }
0x400: {  	[hbm4b:s19+s16] =	stream.strided.scatter @!p0 [tilespmem:s18], [sflag:$0x3], $0x1400, s17, s16, $0x38;
	[tilespmem:$0x1F180] =	vst v63  }
0x401: {  	s18 =	simm.s32 @!p0 $0x10180;
	s19 =	rddreg [dreg:$0xe]  }
0x402: {  	[hbm4b:s19+s16] =	stream.strided.scatter @!p0 [tilespmem:s18], [sflag:$0x3], $0x1400, s17, s16, $0x38;
	[tilespmem:$0x1F180] =	vst v63  }
0x403: {  	s16 =	simm.s32 @!p0 $0x3  }
0x404: {  	_ =	swait.ge @!p0 [sflag:s16], $0x1400  }
0x405: {  	[sflag:s16] =	ssyncset.done @!p0 $0x0  }
0x406: {  	[sflag:s16] =	ssyncadd.s32 @!p0 $0xFFFFEC00  }
0x407: {  	_ =	swait.ge @!p0 [sflag:s16], $0x1400  }
0x408: {  	[sflag:s16] =	ssyncset.done @!p0 $0x0  }
0x409: {  	s15 =	sadd.s32 $0x1, s15;
	[sflag:s16] =	ssyncadd.s32 @!p0 $0xFFFFEC00  }
0x40a: {  	p1 =	sne.s32 s15, s20;
	_ =	swait.ge @!p0 [sflag:s16], $0x1400  }
.Ltmp10:
0x40b: {  	[sflag:s16] =	ssyncset.done @!p0 $0x0;
	(pc) =	sbr.rel @p1 .LBB2_1-.Ltmp10, $4  }
0x40c: {  	[sflag:s16] =	ssyncadd.s32 @!p0 $0xFFFFEC00  }
0x40d: {  	_ =	swait.ge @!p0 [sflag:s16], $0x1400  }
0x40e: {  	[sflag:s16] =	ssyncset.done @!p0 $0x0  }
0x40f: {  	s19 =	simm.s32 $0x140;
	[sflag:s16] =	ssyncadd.s32 @!p0 $0xFFFFEC00  }
0x410: {  	_ =	sfence.sel $0x180000  }
0x411: {  	[bflag:$0x0] =	sbarrier.arrive $0xFFFF  }
0x412: {  	_ =	strace $0x90000047  }
0x413: {  	s0 =	stileid.u32;
	[bflag:$0x2] =	sbarrier.arrive $0xFFFF  }
0x414: {  	p0 =	sne.s32 s0, $0x0;
	s0 =	rddreg [dreg:$0x6]  }
0x415: {  	s0 =	sadd.s32 @!p0 $0x100000, s0  }
0x416: {  	[sflag:s0] =	ssyncadd.tile.s32 @!p0 $0x1;
	_ =	shalt  }
.Lfunc_end2:
_tile_overlayer_lowered:
.L_overlay_start_2:
0x417: {  	(tag) =	ssettag $0x2  }
0x418: {  	s0 =	rddreg [dreg:$0x0];
	s2 =	stileid.u32  }
0x419: {  	s1 =	rddreg [dreg:$0x1];
	p0 =	sne.s32 s2, $0x0  }
0x41a: {  	s3 =	rddreg [dreg:$0x2];
	[bflag:$0x3] =	sbarrier.arrive $0xFFFF;
	s2 =	simm.s32 @!p0 $0x1C05  }
0x41b: {  	[timem:s3], [sflag:s2] =	dma.local @!p0 [hbm:s0], s1  }
0x41c: {  	s0 =	simm.s32 @!p0 $0x5  }
0x41d: {  	_ =	swait.ge @!p0 [sflag:s0], s1  }
0x41e: {  	s1 =	ssub.s32 @!p0 $0x0, s1;
	[sflag:s0] =	ssyncset.done @!p0 $0x0  }
0x41f: {  	[sflag:s0] =	ssyncadd.s32 @!p0 s1  }
0x420: {  	[bflag:$0x3] =	sbarrier.arrive $0xFFFF  }
0x421: {  	_ =	shalt  }

</sc_bundles>
